<compile_context>
chip_gen: v7x
topology: tpu7x:2x2x1
jax: 0.10.2.dev20260603
libtpu: 0.0.44.dev20260713+nightly
codegen_flags: <defaults>
</compile_context>

<pallas_src>
import functools

import jax
import jax.numpy as jnp
from jax import lax
from jax.experimental import pallas as pl
from jax.experimental.pallas import tpu as pltpu
from jax.experimental.pallas import tpu_sc as plsc

N_NODES = 10000
N_EDGES = 160000
TOP_N = 128
CFG = 512
B = 4
HH = 64
WW = 64
HWFLAT = HH * WW

NPAD = 10240
KCOLS = 640
NC, NS = 2, 16
NWORK = NC * NS
EPAD = 163840
ROWS_A = 40
ROWS_C = 80
RNG_ROWS = 1280
NRANGE = NPAD // RNG_ROWS // NC
RNG_ELEMS = RNG_ROWS * KCOLS
CNT_DUMP = RNG_ELEMS
STRIPE = RNG_ELEMS // NS
ZCHUNK = 12800

FCAP = 1024
ECAP = 4096


def _bf(a):
    return a.astype(jnp.bfloat16)


def _bdot(a, b):
    return jax.lax.dot_general(_bf(a), _bf(b), (((1,), (0,)), ((), ())),
                               preferred_element_type=jnp.float32)

def _edge_stats_body(dst_hbm, src_hbm, deg_out, m0_out,
                     dstv, srcv, updv, onesv, zerov, deg_s, m0_s):
    c = lax.axis_index("c")
    s = lax.axis_index("s")
    wid = c * NS + s

    pltpu.sync_copy(dst_hbm.at[wid], dstv)
    pltpu.sync_copy(src_hbm.at[wid], srcv)

    for t in range(8):
        onesv[pl.ds(16 * t, 16)] = jnp.ones((16,), jnp.float32)

    @pl.loop(0, (NPAD // NS) // 16)
    def _zinit(i):
        zerov[pl.ds(i * 16, 16)] = jnp.zeros((16,), jnp.float32)

    stripe = NPAD // NS
    pltpu.sync_copy(zerov, deg_s.at[pl.ds(s * stripe, stripe)])
    pltpu.sync_copy(zerov, m0_s.at[pl.ds(s * stripe, stripe)])
    plsc.subcore_barrier()

    @pl.loop(0, ROWS_A)
    def _scatter(j):
        for t in range(8):
            d16 = dstv[j, pl.ds(16 * t, 16)]
            upd = jnp.where(d16 == 0, 1.0, 0.0).astype(jnp.float32)
            updv[j, pl.ds(16 * t, 16)] = upd
        pltpu.sync_copy(onesv, deg_s.at[dstv.at[j]], add=True)
        pltpu.sync_copy(updv.at[j], m0_s.at[srcv.at[j]], add=True)

    plsc.subcore_barrier()
    pltpu.sync_copy(deg_s.at[pl.ds(s * stripe, stripe)],
                    deg_out.at[c, pl.ds(s * stripe, stripe)])
    pltpu.sync_copy(m0_s.at[pl.ds(s * stripe, stripe)],
                    m0_out.at[c, pl.ds(s * stripe, stripe)])


def _cnt_build_body(src_hbm, dst_hbm, rank_hbm, cnt_out,
                    srcv, dstv, offv, rankrow, onesv, zerov, rank_sp, cnt_s):
    c = lax.axis_index("c")
    s = lax.axis_index("s")

    pltpu.sync_copy(src_hbm.at[s], srcv)
    pltpu.sync_copy(dst_hbm.at[s], dstv)

    @pl.when(s == 0)
    def _stage_rank():
        pltpu.sync_copy(rank_hbm, rank_sp)

    for t in range(8):
        onesv[pl.ds(16 * t, 16)] = jnp.ones((16,), jnp.float32)

    @pl.loop(0, ZCHUNK // 16)
    def _zinit(i):
        zerov[pl.ds(i * 16, 16)] = jnp.zeros((16,), jnp.float32)

    plsc.subcore_barrier()

    @pl.loop(0, ROWS_C)
    def _gather(j):
        pltpu.sync_copy(rank_sp.at[srcv.at[j]], rankrow.at[j])

    lane = lax.iota(jnp.int32, 16)

    for r in range(NRANGE):
        base = (NRANGE * c + r) * RNG_ROWS

        for z in range(STRIPE // ZCHUNK):
            pltpu.sync_copy(
                zerov, cnt_s.at[pl.ds(s * STRIPE + z * ZCHUNK, ZCHUNK)])

        @pl.when(s == 0)
        def _zdump():
            pltpu.sync_copy(zerov.at[pl.ds(0, 128)],
                            cnt_s.at[pl.ds(CNT_DUMP, 128)])

        plsc.subcore_barrier()

        @pl.loop(0, ROWS_C)
        def _scatter(j):
            for t in range(8):
                d16 = dstv[j, pl.ds(16 * t, 16)]
                r16 = rankrow[j, pl.ds(16 * t, 16)]
                rel = d16 - base
                ok = (rel >= 0) & (rel < RNG_ROWS)
                off = jnp.where(ok, rel * KCOLS + r16,
                                CNT_DUMP + 16 * t + lane)
                offv[j, pl.ds(16 * t, 16)] = off
            pltpu.sync_copy(onesv, cnt_s.at[offv.at[j]], add=True)

        plsc.subcore_barrier()
        pltpu.sync_copy(
            cnt_s.at[pl.ds(s * STRIPE, STRIPE)],
            cnt_out.at[pl.ds(base * KCOLS + s * STRIPE, STRIPE)])
        plsc.subcore_barrier()


@functools.lru_cache(maxsize=None)
def _sc_kernels():
    mesh = plsc.VectorSubcoreMesh(core_axis_name="c", subcore_axis_name="s",
                                  num_cores=NC, num_subcores=NS)
    edge_stats = functools.partial(
        pl.kernel,
        out_type=(
            jax.ShapeDtypeStruct((NC, NPAD), jnp.float32),
            jax.ShapeDtypeStruct((NC, NPAD), jnp.float32),
        ),
        mesh=mesh,
        scratch_types=[
            pltpu.VMEM((ROWS_A, 128), jnp.int32),
            pltpu.VMEM((ROWS_A, 128), jnp.int32),
            pltpu.VMEM((ROWS_A, 128), jnp.float32),
            pltpu.VMEM((128,), jnp.float32),
            pltpu.VMEM((NPAD // NS,), jnp.float32),
            pltpu.VMEM_SHARED((NPAD,), jnp.float32),
            pltpu.VMEM_SHARED((NPAD,), jnp.float32),
        ],
    )(_edge_stats_body)
    cnt_build = functools.partial(
        pl.kernel,
        out_type=jax.ShapeDtypeStruct((NPAD * KCOLS,), jnp.float32),
        mesh=mesh,
        scratch_types=[
            pltpu.VMEM((ROWS_C, 128), jnp.int32),
            pltpu.VMEM((ROWS_C, 128), jnp.int32),
            pltpu.VMEM((ROWS_C, 128), jnp.int32),
            pltpu.VMEM((ROWS_C, 128), jnp.int32),
            pltpu.VMEM((128,), jnp.float32),
            pltpu.VMEM((ZCHUNK,), jnp.float32),
            pltpu.VMEM_SHARED((NPAD,), jnp.int32),
            pltpu.VMEM_SHARED((RNG_ELEMS + 128,), jnp.float32),
        ],
    )(_cnt_build_body)
    return edge_stats, cnt_build


def _embed_body(x_ref, wemb_ref, bemb_ref, wconv_ref, bconv_ref, dv_ref, s_ref):
    xf = x_ref[...]
    col = lax.broadcasted_iota(jnp.int32, (B, HWFLAT), 1)
    selcol = lax.broadcasted_iota(jnp.int32, (B, TOP_N), 1)

    def pick(j, carry):
        xc, vals, rows, cols = carry
        m = jnp.max(xc, axis=1, keepdims=True)
        hit = xc == m
        idx = jnp.min(jnp.where(hit, col, HWFLAT), axis=1, keepdims=True)
        xc = jnp.where(col == idx, -jnp.inf, xc)
        sel = selcol == j
        vals = jnp.where(sel, m, vals)
        rows = jnp.where(sel, (idx // WW).astype(jnp.float32) / 3.0, rows)
        cols = jnp.where(sel, (idx % WW).astype(jnp.float32) / 3.0, cols)
        return xc, vals, rows, cols

    zz = jnp.zeros((B, TOP_N), jnp.float32)
    _, vals, rows, cols = lax.fori_loop(0, TOP_N, pick, (xf, zz, zz, zz))
    feat = jnp.concatenate([vals, rows, cols], axis=1)
    e = jnp.maximum(_bdot(feat, wemb_ref[...]) + bemb_ref[...], 0.0)
    u = _bdot(e, wconv_ref[...])
    dv = dv_ref[...]
    for i in range(B):
        ri = jnp.maximum(dv * u[i:i + 1, :] + bconv_ref[...], 0.0)
        s_ref[i] = _bdot(ri, wconv_ref[...])


def _embed(xf, w_emb, b_emb, w_conv, b_conv, dvals, interpret=False):
    return pl.pallas_call(
        _embed_body,
        out_shape=jax.ShapeDtypeStruct((B, KCOLS, CFG), jnp.float32),
        interpret=interpret,
    )(xf, w_emb, b_emb, w_conv, b_conv, dvals)


def _gcn_body(cnt_ref, m0_ref, s_ref, s2_ref, eslot_sm, erank_sm, ecnt_sm,
              m0f_ref, bconv_ref, wconv_ref, wc1_ref, bc1_ref, wc2t_ref,
              out_ref, vacc, accf):
    i = pl.program_id(0)

    @pl.when(i == 0)
    def _init():
        vacc[...] = jnp.zeros((B, CFG), jnp.float32)
        accf[...] = jnp.zeros((FCAP + 8, B * CFG), jnp.float32)

    cnt = cnt_ref[...]
    m0 = m0_ref[0]
    for b in range(B):
        q = jnp.dot(cnt, s_ref[b], precision="highest")
        h2 = jnp.maximum(q + bconv_ref[...], 0.0)
        h2 = _bf(h2).astype(jnp.float32)
        vacc[pl.ds(b, 1), :] += jnp.dot(m0, h2, precision="highest")

    @pl.when(i == pl.num_programs(0) - 1)
    def _fin():
        def ebody(e, carry):
            s = eslot_sm[e]
            r = erank_sm[e]
            accf[pl.ds(s, 1), :] += s2_ref[pl.ds(r, 1), :]
            return carry

        lax.fori_loop(0, ecnt_sm[0], ebody, 0)
        vps = []
        for b in range(B):
            ax = accf[pl.ds(0, FCAP), pl.ds(b * CFG, CFG)]
            h2x = jnp.maximum(ax + bconv_ref[...], 0.0)
            h2x = _bf(h2x).astype(jnp.float32)
            vps.append(jnp.dot(m0f_ref[...], h2x, precision="highest"))
        v = vacc[...] + jnp.concatenate(vps, axis=0)
        wb = _bf(wconv_ref[...])
        agg = jnp.zeros((B, CFG), jnp.float32)
        rem = v
        for _ in range(3):
            hi = _bf(rem)
            agg = agg + jax.lax.dot_general(
                hi, wb, (((1,), (0,)), ((), ())),
                preferred_element_type=jnp.float32)
            rem = rem - hi.astype(jnp.float32)
        h3 = jnp.maximum(agg + bconv_ref[...], 0.0)
        h4 = jnp.maximum(_bdot(h3, wc1_ref[...]) + bc1_ref[...], 0.0)
        h4b = _bf(h4).astype(jnp.float32)
        w2b = _bf(wc2t_ref[...]).astype(jnp.float32)
        o = jnp.sum(h4b * w2b, axis=1, keepdims=True)
        out_ref[...] = jnp.broadcast_to(o, (B, 128))


def _gcn_head(cnt, m0r, s_all, s2, eslot, erank, ecnt, m0f, b_conv, w_conv,
              w_c1, b_c1, w_c2t, interpret=False):
    nblk = NPAD // 1024
    return pl.pallas_call(
        _gcn_body,
        grid=(nblk,),
        in_specs=[
            pl.BlockSpec((1024, KCOLS), lambda i: (i, 0)),
            pl.BlockSpec((1, 1, 1024), lambda i: (i, 0, 0)),
            pl.BlockSpec((B, KCOLS, CFG), lambda i: (0, 0, 0)),
            pl.BlockSpec((KCOLS, B * CFG), lambda i: (0, 0)),
            pl.BlockSpec(memory_space=pltpu.SMEM),
            pl.BlockSpec(memory_space=pltpu.SMEM),
            pl.BlockSpec(memory_space=pltpu.SMEM),
            pl.BlockSpec((1, FCAP), lambda i: (0, 0)),
            pl.BlockSpec((1, CFG), lambda i: (0, 0)),
            pl.BlockSpec((CFG, CFG), lambda i: (0, 0)),
            pl.BlockSpec((CFG, CFG), lambda i: (0, 0)),
            pl.BlockSpec((1, CFG), lambda i: (0, 0)),
            pl.BlockSpec((1, CFG), lambda i: (0, 0)),
        ],
        out_specs=pl.BlockSpec((B, 128), lambda i: (0, 0)),
        out_shape=jax.ShapeDtypeStruct((B, 128), jnp.float32),
        scratch_shapes=[pltpu.VMEM((B, CFG), jnp.float32),
                        pltpu.VMEM((FCAP + 8, B * CFG), jnp.float32)],
        interpret=interpret,
    )(cnt, m0r, s_all, s2, eslot, erank, ecnt, m0f, b_conv, w_conv, w_c1,
      b_c1, w_c2t)


def kernel(x, edge_index, W_emb, b_emb, W_conv, b_conv, W_c1, b_c1, W_c2, b_c2):
    src = edge_index[0].astype(jnp.int32)
    dst = edge_index[1].astype(jnp.int32)
    pad = N_NODES + (jnp.arange(EPAD - N_EDGES, dtype=jnp.int32) % (NPAD - N_NODES))
    src_p = jnp.concatenate([src, pad])
    dst_p = jnp.concatenate([dst, pad])
    src_a = src_p.reshape(NWORK, ROWS_A, 128)
    dst_a = dst_p.reshape(NWORK, ROWS_A, 128)
    src_c = src_p.reshape(NS, ROWS_C, 128)
    dst_c = dst_p.reshape(NS, ROWS_C, 128)

    _edge_stats, _cnt_build = _sc_kernels()
    deg_p, m0_p = _edge_stats(dst_a, src_a)
    deg = (deg_p[0] + deg_p[1])[:N_NODES]
    m0 = m0_p[0] + m0_p[1]

    dvals = jnp.unique(deg, size=KCOLS - 1, fill_value=jnp.float32(2e9))
    rank = jnp.searchsorted(dvals, deg).astype(jnp.int32)
    rank_full = jnp.concatenate(
        [rank, jnp.full((NPAD - N_NODES,), KCOLS - 1, jnp.int32)])
    dv_full = jnp.concatenate(
        [dvals, jnp.float32(2e9)[None]]).reshape(KCOLS, 1)

    cnt = _cnt_build(src_c, dst_c, rank_full).reshape(NPAD, KCOLS)
    s_all = _embed(x.reshape(B, HWFLAT), W_emb, b_emb.reshape(1, CFG),
                   W_conv, b_conv.reshape(1, CFG), dv_full)

    fmask = m0 > 0.0
    fnodes = jnp.nonzero(fmask, size=FCAP, fill_value=NPAD - 1)[0]
    slot = jnp.full((NPAD,), FCAP, jnp.int32).at[fnodes].set(
        jnp.arange(FCAP, dtype=jnp.int32))
    rel = fmask[dst]
    ecount = jnp.sum(rel.astype(jnp.int32))
    ridx = jnp.nonzero(rel, size=ECAP, fill_value=0)[0]
    eslot = slot[dst[ridx]]
    erank = rank[src[ridx]]
    valid = jnp.arange(ECAP, dtype=jnp.int32) < ecount
    eslot = jnp.where(valid, eslot, FCAP).astype(jnp.int32)
    ok_exact = (ecount <= ECAP).astype(jnp.float32)
    m0f = m0[fnodes] * ok_exact
    use_fb = jnp.logical_or(ecount > ECAP, slot == FCAP)
    m0_fb = jnp.where(use_fb, m0, 0.0)

    ecnt = jnp.minimum(ecount, ECAP).astype(jnp.int32).reshape(1)
    s2 = jnp.transpose(s_all, (1, 0, 2)).reshape(KCOLS, B * CFG)
    outp = _gcn_head(cnt, m0_fb.reshape(NPAD // 1024, 1, 1024), s_all, s2,
                     eslot, erank.astype(jnp.int32), ecnt,
                     m0f.reshape(1, FCAP), b_conv.reshape(1, CFG), W_conv,
                     W_c1, b_c1.reshape(1, CFG), W_c2.reshape(1, CFG))
    return outp[:, :1] + b_c2[None, :]

# --- scband reference (transcript-rebuilt; emitter-appended) ---
"""Pipeline reference for scband-gcn-54984171323829 (READ-ONLY COPY).

The authoritative reference and input builder live on the scoring server;
editing this copy changes nothing except your own understanding.
"""

import jax, jax.numpy as jnp
import numpy as np

N_NODES = 10000
N_EDGES = 160000
TOP_N = 128
CFG = 512
N_CONV = 3
B = 4
H = 64
W = 64
IN_DIM = 3  # xi channel + 2 index channels


def setup_inputs(seed: int = 0) -> dict:
    key = jax.random.key(seed)
    ks = jax.random.split(key, 12)
    x = jax.random.normal(ks[0], (B, H, W), dtype=jnp.float32)
    edge_index = jax.random.randint(ks[1], (2, N_EDGES), 0, N_NODES, dtype=jnp.int64)
    d_in = IN_DIM * TOP_N
    W_emb = jax.random.normal(ks[2], (d_in, CFG), dtype=jnp.float32) * (2.0 / d_in) ** 0.5
    b_emb = jnp.zeros((CFG,), dtype=jnp.float32)
    W_conv = jax.random.normal(ks[3], (CFG, CFG), dtype=jnp.float32) * (2.0 / CFG) ** 0.5
    b_conv = jnp.zeros((CFG,), dtype=jnp.float32)
    W_c1 = jax.random.normal(ks[4], (CFG, CFG), dtype=jnp.float32) * (2.0 / CFG) ** 0.5
    b_c1 = jnp.zeros((CFG,), dtype=jnp.float32)
    W_c2 = jax.random.normal(ks[5], (CFG, 1), dtype=jnp.float32) * (2.0 / CFG) ** 0.5
    b_c2 = jnp.zeros((1,), dtype=jnp.float32)
    return {"x": x, "edge_index": edge_index, "W_emb": W_emb, "b_emb": b_emb,
            "W_conv": W_conv, "b_conv": b_conv, "W_c1": W_c1, "b_c1": b_c1,
            "W_c2": W_c2, "b_c2": b_c2}


def reference(x, edge_index, W_emb, b_emb, W_conv, b_conv, W_c1, b_c1, W_c2, b_c2):
    # per-sample feature construction: concat spatial index grid, flatten, top-k select, tile over nodes
    idg = jnp.indices((H, W)).astype(x.dtype) / float(2 + 1)  # id.shape[0] + 1 == 3
    xb_list = []
    ei_list = []
    for i in range(B):
        xi = x[i]
        xi = jnp.concatenate([xi[None, ...], idg], axis=0)  # [3, H, W]
        xi = xi.reshape(IN_DIM, -1)                          # [3, H*W]
        _, ind = jax.lax.top_k(xi[0, :], TOP_N)
        xi = xi[:, ind].reshape(-1)                          # [3*top_n]
        xb_list.append(jnp.tile(xi[None, :], (N_NODES, 1)))
        ei_list.append(edge_index + N_NODES * i)
    x_batch = jnp.concatenate(xb_list, axis=0)               # [B*N, 3*top_n]
    ei = jnp.concatenate(ei_list, axis=1)                    # [2, B*E]
    # embedding MLP
    h = jax.nn.relu(x_batch @ W_emb + b_emb)
    # GCNConv (add_self_loops=False, normalize=False): x' = scatter_add_{src->dst}(x @ W) + b, shared weights
    src = ei[0]
    dst = ei[1]
    for _ in range(N_CONV):
        m = h @ W_conv
        agg = jax.ops.segment_sum(m[src], dst, num_segments=B * N_NODES)
        h = jax.nn.relu(agg + b_conv)
    # root node (index 0) of each graph copy
    out_ix = jnp.arange(B) * N_NODES
    out = h[out_ix]                                          # [B, cfg]
    out = jax.nn.relu(out @ W_c1 + b_c1)
    out = out @ W_c2 + b_c2                                  # [B, 1]
    # split into B chunks of 1 row, concat along dim 1 -> [1, B], mean over axis 0, reshape(-1, 1)
    out = out.reshape(B, 1).T.mean(axis=0).reshape(-1, 1)    # [B, 1]
    return out

if __name__ == "__main__":
    import jax
    _d = setup_inputs()
    print(jax.jit(kernel)(*tuple(_d.values())))

</pallas_src>

<mosaic_0001>
#map = affine_map<(d0, d1) -> (0, 0, 0)>
#map1 = affine_map<(d0, d1) -> (0, 0)>
module attributes {stable_mosaic.version = 14 : i64} {
  func.func @_edge_stats_body(%arg0: i32, %arg1: i32, %arg2: memref<32x40x128xi32, #tpu.memory_space<hbm>>, %arg3: memref<32x40x128xi32, #tpu.memory_space<hbm>>, %arg4: memref<2x10240xf32, #tpu.memory_space<hbm>>, %arg5: memref<2x10240xf32, #tpu.memory_space<hbm>>, %arg6: memref<40x128xi32, #tpu.memory_space<vmem>>, %arg7: memref<40x128xi32, #tpu.memory_space<vmem>>, %arg8: memref<40x128xf32, #tpu.memory_space<vmem>>, %arg9: memref<128xf32, #tpu.memory_space<vmem>>, %arg10: memref<640xf32, #tpu.memory_space<vmem>>, %arg11: memref<10240xf32, #tpu.memory_space<vmem_shared>>, %arg12: memref<10240xf32, #tpu.memory_space<vmem_shared>>) attributes {dimension_semantics = [#tpu.dimension_semantics<core_parallel>, #tpu.dimension_semantics<subcore_parallel>], iteration_bounds = array<i64: 2, 16>, scalar_prefetch = 0 : i64, scratch_operands = 7 : i64, tpu.core_type = #tpu.core_type<sc_vector_subcore>, window_params = [{transform_indices = #map}, {transform_indices = #map}, {transform_indices = #map1}, {transform_indices = #map1}]} {
    %mul3A = arith.constant 16 : i32
    %mul3A_0 = arith.muli %arg0, %mul3A : i32
    %add3A = arith.addi %mul3A_0, %arg1 : i32
    "tpu.region"() ({
      %run_scoped3A = tpu.sem_alloc : memref<!tpu.dma_semaphore, #tpu.memory_space<semaphore_mem>>
      %dma_start3A = arith.constant 0 : i32
      %dma_start3A_69 = arith.constant 0 : i32
      %dma_start3A_70 = tpu.memref_slice %arg2[%add3A, %dma_start3A, %dma_start3A_69] : memref<32x40x128xi32, #tpu.memory_space<hbm>> -> memref<1x40x128xi32, #tpu.memory_space<hbm>>
      %dma_start3A_71 = tpu.memref_squeeze %dma_start3A_70 : memref<1x40x128xi32, #tpu.memory_space<hbm>> -> memref<40x128xi32, #tpu.memory_space<hbm>>
      %dma_start3A_72 = arith.constant 0 : i32
      %dma_start3A_73 = arith.constant 0 : i32
      %dma_start3A_74 = tpu.memref_slice %arg2[%add3A, %dma_start3A_72, %dma_start3A_73] : memref<32x40x128xi32, #tpu.memory_space<hbm>> -> memref<1x40x128xi32, #tpu.memory_space<hbm>>
      %dma_start3A_75 = tpu.memref_squeeze %dma_start3A_74 : memref<1x40x128xi32, #tpu.memory_space<hbm>> -> memref<40x128xi32, #tpu.memory_space<hbm>>
      tpu.enqueue_dma source(%dma_start3A_75 : memref<40x128xi32, #tpu.memory_space<hbm>>) target(%arg6 : memref<40x128xi32, #tpu.memory_space<vmem>>) target_semaphore(%run_scoped3A : memref<!tpu.dma_semaphore, #tpu.memory_space<semaphore_mem>>)
      %dma_wait3A = arith.constant 0 : i32
      %dma_wait3A_76 = arith.constant 0 : i32
      %dma_wait3A_77 = tpu.memref_slice %arg2[%add3A, %dma_wait3A, %dma_wait3A_76] : memref<32x40x128xi32, #tpu.memory_space<hbm>> -> memref<1x40x128xi32, #tpu.memory_space<hbm>>
      %dma_wait3A_78 = tpu.memref_squeeze %dma_wait3A_77 : memref<1x40x128xi32, #tpu.memory_space<hbm>> -> memref<40x128xi32, #tpu.memory_space<hbm>>
      %dma_wait3A_79 = arith.constant 0 : i32
      %dma_wait3A_80 = arith.constant 0 : i32
      %dma_wait3A_81 = tpu.memref_slice %arg2[%add3A, %dma_wait3A_79, %dma_wait3A_80] : memref<32x40x128xi32, #tpu.memory_space<hbm>> -> memref<1x40x128xi32, #tpu.memory_space<hbm>>
      %dma_wait3A_82 = tpu.memref_squeeze %dma_wait3A_81 : memref<1x40x128xi32, #tpu.memory_space<hbm>> -> memref<40x128xi32, #tpu.memory_space<hbm>>
      tpu.wait_dma2 semaphore(%run_scoped3A : memref<!tpu.dma_semaphore, #tpu.memory_space<semaphore_mem>>) src(%dma_wait3A_82 : memref<40x128xi32, #tpu.memory_space<hbm>>) dst(%arg6 : memref<40x128xi32, #tpu.memory_space<vmem>>)
      tpu.yield
    }) : () -> ()
    "tpu.region"() ({
      %run_scoped3A = tpu.sem_alloc : memref<!tpu.dma_semaphore, #tpu.memory_space<semaphore_mem>>
      %dma_start3A = arith.constant 0 : i32
      %dma_start3A_69 = arith.constant 0 : i32
      %dma_start3A_70 = tpu.memref_slice %arg3[%add3A, %dma_start3A, %dma_start3A_69] : memref<32x40x128xi32, #tpu.memory_space<hbm>> -> memref<1x40x128xi32, #tpu.memory_space<hbm>>
      %dma_start3A_71 = tpu.memref_squeeze %dma_start3A_70 : memref<1x40x128xi32, #tpu.memory_space<hbm>> -> memref<40x128xi32, #tpu.memory_space<hbm>>
      %dma_start3A_72 = arith.constant 0 : i32
      %dma_start3A_73 = arith.constant 0 : i32
      %dma_start3A_74 = tpu.memref_slice %arg3[%add3A, %dma_start3A_72, %dma_start3A_73] : memref<32x40x128xi32, #tpu.memory_space<hbm>> -> memref<1x40x128xi32, #tpu.memory_space<hbm>>
      %dma_start3A_75 = tpu.memref_squeeze %dma_start3A_74 : memref<1x40x128xi32, #tpu.memory_space<hbm>> -> memref<40x128xi32, #tpu.memory_space<hbm>>
      tpu.enqueue_dma source(%dma_start3A_75 : memref<40x128xi32, #tpu.memory_space<hbm>>) target(%arg7 : memref<40x128xi32, #tpu.memory_space<vmem>>) target_semaphore(%run_scoped3A : memref<!tpu.dma_semaphore, #tpu.memory_space<semaphore_mem>>)
      %dma_wait3A = arith.constant 0 : i32
      %dma_wait3A_76 = arith.constant 0 : i32
      %dma_wait3A_77 = tpu.memref_slice %arg3[%add3A, %dma_wait3A, %dma_wait3A_76] : memref<32x40x128xi32, #tpu.memory_space<hbm>> -> memref<1x40x128xi32, #tpu.memory_space<hbm>>
      %dma_wait3A_78 = tpu.memref_squeeze %dma_wait3A_77 : memref<1x40x128xi32, #tpu.memory_space<hbm>> -> memref<40x128xi32, #tpu.memory_space<hbm>>
      %dma_wait3A_79 = arith.constant 0 : i32
      %dma_wait3A_80 = arith.constant 0 : i32
      %dma_wait3A_81 = tpu.memref_slice %arg3[%add3A, %dma_wait3A_79, %dma_wait3A_80] : memref<32x40x128xi32, #tpu.memory_space<hbm>> -> memref<1x40x128xi32, #tpu.memory_space<hbm>>
      %dma_wait3A_82 = tpu.memref_squeeze %dma_wait3A_81 : memref<1x40x128xi32, #tpu.memory_space<hbm>> -> memref<40x128xi32, #tpu.memory_space<hbm>>
      tpu.wait_dma2 semaphore(%run_scoped3A : memref<!tpu.dma_semaphore, #tpu.memory_space<semaphore_mem>>) src(%dma_wait3A_82 : memref<40x128xi32, #tpu.memory_space<hbm>>) dst(%arg7 : memref<40x128xi32, #tpu.memory_space<vmem>>)
      tpu.yield
    }) : () -> ()
    %broadcast_in_dim3A = arith.constant 1.000000e+00 : f32
    %broadcast_in_dim3A_1 = vector.broadcast %broadcast_in_dim3A : f32 to vector<16xf32>
    %swap3A = arith.constant 0 : index
    %swap3A_2 = tpu.vector_load %arg9[%swap3A] {strides = array<i32>} : memref<128xf32, #tpu.memory_space<vmem>>, vector<16xf32>,
    %swap3A_3 = vector.shape_cast %swap3A_2 : vector<16xf32> to vector<16xf32>
    %swap3A_4 = vector.shape_cast %broadcast_in_dim3A_1 : vector<16xf32> to vector<16xf32>
    tpu.vector_store %arg9[%swap3A], %swap3A_4 {strides = array<i32>} : memref<128xf32, #tpu.memory_space<vmem>>, vector<16xf32>,
    %broadcast_in_dim3A_5 = arith.constant 1.000000e+00 : f32
    %broadcast_in_dim3A_6 = vector.broadcast %broadcast_in_dim3A_5 : f32 to vector<16xf32>
    %swap3A_7 = arith.constant 16 : index
    %swap3A_8 = tpu.vector_load %arg9[%swap3A_7] {strides = array<i32>} : memref<128xf32, #tpu.memory_space<vmem>>, vector<16xf32>,
    %swap3A_9 = vector.shape_cast %swap3A_8 : vector<16xf32> to vector<16xf32>
    %swap3A_10 = vector.shape_cast %broadcast_in_dim3A_6 : vector<16xf32> to vector<16xf32>
    tpu.vector_store %arg9[%swap3A_7], %swap3A_10 {strides = array<i32>} : memref<128xf32, #tpu.memory_space<vmem>>, vector<16xf32>,
    %broadcast_in_dim3A_11 = arith.constant 1.000000e+00 : f32
    %broadcast_in_dim3A_12 = vector.broadcast %broadcast_in_dim3A_11 : f32 to vector<16xf32>
    %swap3A_13 = arith.constant 32 : index
    %swap3A_14 = tpu.vector_load %arg9[%swap3A_13] {strides = array<i32>} : memref<128xf32, #tpu.memory_space<vmem>>, vector<16xf32>,
    %swap3A_15 = vector.shape_cast %swap3A_14 : vector<16xf32> to vector<16xf32>
    %swap3A_16 = vector.shape_cast %broadcast_in_dim3A_12 : vector<16xf32> to vector<16xf32>
    tpu.vector_store %arg9[%swap3A_13], %swap3A_16 {strides = array<i32>} : memref<128xf32, #tpu.memory_space<vmem>>, vector<16xf32>,
    %broadcast_in_dim3A_17 = arith.constant 1.000000e+00 : f32
    %broadcast_in_dim3A_18 = vector.broadcast %broadcast_in_dim3A_17 : f32 to vector<16xf32>
    %swap3A_19 = arith.constant 48 : index
    %swap3A_20 = tpu.vector_load %arg9[%swap3A_19] {strides = array<i32>} : memref<128xf32, #tpu.memory_space<vmem>>, vector<16xf32>,
    %swap3A_21 = vector.shape_cast %swap3A_20 : vector<16xf32> to vector<16xf32>
    %swap3A_22 = vector.shape_cast %broadcast_in_dim3A_18 : vector<16xf32> to vector<16xf32>
    tpu.vector_store %arg9[%swap3A_19], %swap3A_22 {strides = array<i32>} : memref<128xf32, #tpu.memory_space<vmem>>, vector<16xf32>,
    %broadcast_in_dim3A_23 = arith.constant 1.000000e+00 : f32
    %broadcast_in_dim3A_24 = vector.broadcast %broadcast_in_dim3A_23 : f32 to vector<16xf32>
    %swap3A_25 = arith.constant 64 : index
    %swap3A_26 = tpu.vector_load %arg9[%swap3A_25] {strides = array<i32>} : memref<128xf32, #tpu.memory_space<vmem>>, vector<16xf32>,
    %swap3A_27 = vector.shape_cast %swap3A_26 : vector<16xf32> to vector<16xf32>
    %swap3A_28 = vector.shape_cast %broadcast_in_dim3A_24 : vector<16xf32> to vector<16xf32>
    tpu.vector_store %arg9[%swap3A_25], %swap3A_28 {strides = array<i32>} : memref<128xf32, #tpu.memory_space<vmem>>, vector<16xf32>,
    %broadcast_in_dim3A_29 = arith.constant 1.000000e+00 : f32
    %broadcast_in_dim3A_30 = vector.broadcast %broadcast_in_dim3A_29 : f32 to vector<16xf32>
    %swap3A_31 = arith.constant 80 : index
    %swap3A_32 = tpu.vector_load %arg9[%swap3A_31] {strides = array<i32>} : memref<128xf32, #tpu.memory_space<vmem>>, vector<16xf32>,
    %swap3A_33 = vector.shape_cast %swap3A_32 : vector<16xf32> to vector<16xf32>
    %swap3A_34 = vector.shape_cast %broadcast_in_dim3A_30 : vector<16xf32> to vector<16xf32>
    tpu.vector_store %arg9[%swap3A_31], %swap3A_34 {strides = array<i32>} : memref<128xf32, #tpu.memory_space<vmem>>, vector<16xf32>,
    %broadcast_in_dim3A_35 = arith.constant 1.000000e+00 : f32
    %broadcast_in_dim3A_36 = vector.broadcast %broadcast_in_dim3A_35 : f32 to vector<16xf32>
    %swap3A_37 = arith.constant 96 : index
    %swap3A_38 = tpu.vector_load %arg9[%swap3A_37] {strides = array<i32>} : memref<128xf32, #tpu.memory_space<vmem>>, vector<16xf32>,
    %swap3A_39 = vector.shape_cast %swap3A_38 : vector<16xf32> to vector<16xf32>
    %swap3A_40 = vector.shape_cast %broadcast_in_dim3A_36 : vector<16xf32> to vector<16xf32>
    tpu.vector_store %arg9[%swap3A_37], %swap3A_40 {strides = array<i32>} : memref<128xf32, #tpu.memory_space<vmem>>, vector<16xf32>,
    %broadcast_in_dim3A_41 = arith.constant 1.000000e+00 : f32
    %broadcast_in_dim3A_42 = vector.broadcast %broadcast_in_dim3A_41 : f32 to vector<16xf32>
    %swap3A_43 = arith.constant 112 : index
    %swap3A_44 = tpu.vector_load %arg9[%swap3A_43] {strides = array<i32>} : memref<128xf32, #tpu.memory_space<vmem>>, vector<16xf32>,
    %swap3A_45 = vector.shape_cast %swap3A_44 : vector<16xf32> to vector<16xf32>
    %swap3A_46 = vector.shape_cast %broadcast_in_dim3A_42 : vector<16xf32> to vector<16xf32>
    tpu.vector_store %arg9[%swap3A_43], %swap3A_46 {strides = array<i32>} : memref<128xf32, #tpu.memory_space<vmem>>, vector<16xf32>,
    %scan3A = arith.constant 0 : i32
    %scan3A_47 = arith.constant 40 : i32
    %scan3A_48 = arith.addi %scan3A, %scan3A_47 : i32
    %scan3A_49 = arith.constant 1 : i32
    scf.for %scan3A_69 = %scan3A to %scan3A_48 step %scan3A_49  : i32 {
      %mul3A_70 = arith.constant 1 : i32
      %mul3A_71 = arith.muli %scan3A_69, %mul3A_70 : i32
      %add3A_72 = arith.constant 0 : i32
      %add3A_73 = arith.addi %add3A_72, %mul3A_71 : i32
      %broadcast_in_dim3A_74 = arith.constant 0.000000e+00 : f32
      %broadcast_in_dim3A_75 = vector.broadcast %broadcast_in_dim3A_74 : f32 to vector<16xf32>
      %mul3A_76 = arith.constant 16 : i32
      %mul3A_77 = arith.muli %add3A_73, %mul3A_76 : i32
      %swap3A_78 = arith.index_cast %mul3A_77 : i32 to index
      %swap3A_79 = tpu.vector_load %arg10[%swap3A_78] {strides = array<i32>} : memref<640xf32, #tpu.memory_space<vmem>>, vector<16xf32>,
      %swap3A_80 = vector.shape_cast %swap3A_79 : vector<16xf32> to vector<16xf32>
      %swap3A_81 = vector.shape_cast %broadcast_in_dim3A_75 : vector<16xf32> to vector<16xf32>
      tpu.vector_store %arg10[%swap3A_78], %swap3A_81 {strides = array<i32>} : memref<640xf32, #tpu.memory_space<vmem>>, vector<16xf32>,
    }
    %scan3A_50 = arith.constant 40 : i32
    %mul3A_51 = arith.constant 640 : i32
    %mul3A_52 = arith.muli %arg1, %mul3A_51 : i32
    "tpu.region"() ({
      %run_scoped3A = tpu.sem_alloc : memref<!tpu.dma_semaphore, #tpu.memory_space<semaphore_mem>>
      %dma_start3A = tpu.memref_slice %arg11[%mul3A_52] : memref<10240xf32, #tpu.memory_space<vmem_shared>> -> memref<640xf32, #tpu.memory_space<vmem_shared>>
      %dma_start3A_69 = tpu.memref_slice %arg11[%mul3A_52] : memref<10240xf32, #tpu.memory_space<vmem_shared>> -> memref<640xf32, #tpu.memory_space<vmem_shared>>
      tpu.enqueue_dma source(%arg10 : memref<640xf32, #tpu.memory_space<vmem>>) target(%dma_start3A_69 : memref<640xf32, #tpu.memory_space<vmem_shared>>) target_semaphore(%run_scoped3A : memref<!tpu.dma_semaphore, #tpu.memory_space<semaphore_mem>>)
      %dma_wait3A = tpu.memref_slice %arg11[%mul3A_52] : memref<10240xf32, #tpu.memory_space<vmem_shared>> -> memref<640xf32, #tpu.memory_space<vmem_shared>>
      %dma_wait3A_70 = tpu.memref_slice %arg11[%mul3A_52] : memref<10240xf32, #tpu.memory_space<vmem_shared>> -> memref<640xf32, #tpu.memory_space<vmem_shared>>
      tpu.wait_dma2 semaphore(%run_scoped3A : memref<!tpu.dma_semaphore, #tpu.memory_space<semaphore_mem>>) src(%arg10 : memref<640xf32, #tpu.memory_space<vmem>>) dst(%dma_wait3A_70 : memref<640xf32, #tpu.memory_space<vmem_shared>>)
      tpu.yield
    }) : () -> ()
    %mul3A_53 = arith.constant 640 : i32
    %mul3A_54 = arith.muli %arg1, %mul3A_53 : i32
    "tpu.region"() ({
      %run_scoped3A = tpu.sem_alloc : memref<!tpu.dma_semaphore, #tpu.memory_space<semaphore_mem>>
      %dma_start3A = tpu.memref_slice %arg12[%mul3A_54] : memref<10240xf32, #tpu.memory_space<vmem_shared>> -> memref<640xf32, #tpu.memory_space<vmem_shared>>
      %dma_start3A_69 = tpu.memref_slice %arg12[%mul3A_54] : memref<10240xf32, #tpu.memory_space<vmem_shared>> -> memref<640xf32, #tpu.memory_space<vmem_shared>>
      tpu.enqueue_dma source(%arg10 : memref<640xf32, #tpu.memory_space<vmem>>) target(%dma_start3A_69 : memref<640xf32, #tpu.memory_space<vmem_shared>>) target_semaphore(%run_scoped3A : memref<!tpu.dma_semaphore, #tpu.memory_space<semaphore_mem>>)
      %dma_wait3A = tpu.memref_slice %arg12[%mul3A_54] : memref<10240xf32, #tpu.memory_space<vmem_shared>> -> memref<640xf32, #tpu.memory_space<vmem_shared>>
      %dma_wait3A_70 = tpu.memref_slice %arg12[%mul3A_54] : memref<10240xf32, #tpu.memory_space<vmem_shared>> -> memref<640xf32, #tpu.memory_space<vmem_shared>>
      tpu.wait_dma2 semaphore(%run_scoped3A : memref<!tpu.dma_semaphore, #tpu.memory_space<semaphore_mem>>) src(%arg10 : memref<640xf32, #tpu.memory_space<vmem>>) dst(%dma_wait3A_70 : memref<640xf32, #tpu.memory_space<vmem_shared>>)
      tpu.yield
    }) : () -> ()
    %barrier3A = arith.constant 0 : index
    tpu.barrier barrier_id(%barrier3A)
    %scan3A_55 = arith.constant 0 : i32
    %scan3A_56 = arith.constant 40 : i32
    %scan3A_57 = arith.addi %scan3A_55, %scan3A_56 : i32
    %scan3A_58 = arith.constant 1 : i32
    scf.for %scan3A_69 = %scan3A_55 to %scan3A_57 step %scan3A_58  : i32 {
      %mul3A_70 = arith.constant 1 : i32
      %mul3A_71 = arith.muli %scan3A_69, %mul3A_70 : i32
      %add3A_72 = arith.constant 0 : i32
      %add3A_73 = arith.addi %add3A_72, %mul3A_71 : i32
      %get3A = arith.index_cast %add3A_73 : i32 to index
      %get3A_74 = arith.constant 0 : index
      %get3A_75 = tpu.vector_load %arg6[%get3A, %get3A_74] {strides = array<i32>} : memref<40x128xi32, #tpu.memory_space<vmem>>, vector<1x16xi32>,
      %get3A_76 = vector.shape_cast %get3A_75 : vector<1x16xi32> to vector<16xi32>
      %eq3A = arith.constant 0 : i32
      %eq3A_77 = vector.broadcast %eq3A : i32 to vector<16xi32>
      %eq3A_78 = arith.cmpi eq, %get3A_76, %eq3A_77 : vector<16xi32>
      %jit3A = arith.constant 1.000000e+00 : f32
      %jit3A_79 = arith.constant 0.000000e+00 : f32
      %broadcast_in_dim3A_80 = vector.broadcast %jit3A : f32 to vector<16xf32>
      %broadcast_in_dim3A_81 = vector.broadcast %jit3A_79 : f32 to vector<16xf32>
      %select_n3A = arith.select %eq3A_78, %broadcast_in_dim3A_80, %broadcast_in_dim3A_81 : vector<16xi1>, vector<16xf32>
      %swap3A_82 = arith.index_cast %add3A_73 : i32 to index
      %swap3A_83 = arith.constant 0 : index
      %swap3A_84 = tpu.vector_load %arg8[%swap3A_82, %swap3A_83] {strides = array<i32>} : memref<40x128xf32, #tpu.memory_space<vmem>>, vector<1x16xf32>,
      %swap3A_85 = vector.shape_cast %swap3A_84 : vector<1x16xf32> to vector<16xf32>
      %swap3A_86 = vector.shape_cast %select_n3A : vector<16xf32> to vector<1x16xf32>
      tpu.vector_store %arg8[%swap3A_82, %swap3A_83], %swap3A_86 {strides = array<i32>} : memref<40x128xf32, #tpu.memory_space<vmem>>, vector<1x16xf32>,
      %get3A_87 = arith.index_cast %add3A_73 : i32 to index
      %get3A_88 = arith.constant 16 : index
      %get3A_89 = tpu.vector_load %arg6[%get3A_87, %get3A_88] {strides = array<i32>} : memref<40x128xi32, #tpu.memory_space<vmem>>, vector<1x16xi32>,
      %get3A_90 = vector.shape_cast %get3A_89 : vector<1x16xi32> to vector<16xi32>
      %eq3A_91 = arith.constant 0 : i32
      %eq3A_92 = vector.broadcast %eq3A_91 : i32 to vector<16xi32>
      %eq3A_93 = arith.cmpi eq, %get3A_90, %eq3A_92 : vector<16xi32>
      %jit3A_94 = arith.constant 1.000000e+00 : f32
      %jit3A_95 = arith.constant 0.000000e+00 : f32
      %broadcast_in_dim3A_96 = vector.broadcast %jit3A_94 : f32 to vector<16xf32>
      %broadcast_in_dim3A_97 = vector.broadcast %jit3A_95 : f32 to vector<16xf32>
      %select_n3A_98 = arith.select %eq3A_93, %broadcast_in_dim3A_96, %broadcast_in_dim3A_97 : vector<16xi1>, vector<16xf32>
      %swap3A_99 = arith.index_cast %add3A_73 : i32 to index
      %swap3A_100 = arith.constant 16 : index
      %swap3A_101 = tpu.vector_load %arg8[%swap3A_99, %swap3A_100] {strides = array<i32>} : memref<40x128xf32, #tpu.memory_space<vmem>>, vector<1x16xf32>,
      %swap3A_102 = vector.shape_cast %swap3A_101 : vector<1x16xf32> to vector<16xf32>
      %swap3A_103 = vector.shape_cast %select_n3A_98 : vector<16xf32> to vector<1x16xf32>
      tpu.vector_store %arg8[%swap3A_99, %swap3A_100], %swap3A_103 {strides = array<i32>} : memref<40x128xf32, #tpu.memory_space<vmem>>, vector<1x16xf32>,
      %get3A_104 = arith.index_cast %add3A_73 : i32 to index
      %get3A_105 = arith.constant 32 : index
      %get3A_106 = tpu.vector_load %arg6[%get3A_104, %get3A_105] {strides = array<i32>} : memref<40x128xi32, #tpu.memory_space<vmem>>, vector<1x16xi32>,
      %get3A_107 = vector.shape_cast %get3A_106 : vector<1x16xi32> to vector<16xi32>
      %eq3A_108 = arith.constant 0 : i32
      %eq3A_109 = vector.broadcast %eq3A_108 : i32 to vector<16xi32>
      %eq3A_110 = arith.cmpi eq, %get3A_107, %eq3A_109 : vector<16xi32>
      %jit3A_111 = arith.constant 1.000000e+00 : f32
      %jit3A_112 = arith.constant 0.000000e+00 : f32
      %broadcast_in_dim3A_113 = vector.broadcast %jit3A_111 : f32 to vector<16xf32>
      %broadcast_in_dim3A_114 = vector.broadcast %jit3A_112 : f32 to vector<16xf32>
      %select_n3A_115 = arith.select %eq3A_110, %broadcast_in_dim3A_113, %broadcast_in_dim3A_114 : vector<16xi1>, vector<16xf32>
      %swap3A_116 = arith.index_cast %add3A_73 : i32 to index
      %swap3A_117 = arith.constant 32 : index
      %swap3A_118 = tpu.vector_load %arg8[%swap3A_116, %swap3A_117] {strides = array<i32>} : memref<40x128xf32, #tpu.memory_space<vmem>>, vector<1x16xf32>,
      %swap3A_119 = vector.shape_cast %swap3A_118 : vector<1x16xf32> to vector<16xf32>
      %swap3A_120 = vector.shape_cast %select_n3A_115 : vector<16xf32> to vector<1x16xf32>
      tpu.vector_store %arg8[%swap3A_116, %swap3A_117], %swap3A_120 {strides = array<i32>} : memref<40x128xf32, #tpu.memory_space<vmem>>, vector<1x16xf32>,
      %get3A_121 = arith.index_cast %add3A_73 : i32 to index
      %get3A_122 = arith.constant 48 : index
      %get3A_123 = tpu.vector_load %arg6[%get3A_121, %get3A_122] {strides = array<i32>} : memref<40x128xi32, #tpu.memory_space<vmem>>, vector<1x16xi32>,
      %get3A_124 = vector.shape_cast %get3A_123 : vector<1x16xi32> to vector<16xi32>
      %eq3A_125 = arith.constant 0 : i32
      %eq3A_126 = vector.broadcast %eq3A_125 : i32 to vector<16xi32>
      %eq3A_127 = arith.cmpi eq, %get3A_124, %eq3A_126 : vector<16xi32>
      %jit3A_128 = arith.constant 1.000000e+00 : f32
      %jit3A_129 = arith.constant 0.000000e+00 : f32
      %broadcast_in_dim3A_130 = vector.broadcast %jit3A_128 : f32 to vector<16xf32>
      %broadcast_in_dim3A_131 = vector.broadcast %jit3A_129 : f32 to vector<16xf32>
      %select_n3A_132 = arith.select %eq3A_127, %broadcast_in_dim3A_130, %broadcast_in_dim3A_131 : vector<16xi1>, vector<16xf32>
      %swap3A_133 = arith.index_cast %add3A_73 : i32 to index
      %swap3A_134 = arith.constant 48 : index
      %swap3A_135 = tpu.vector_load %arg8[%swap3A_133, %swap3A_134] {strides = array<i32>} : memref<40x128xf32, #tpu.memory_space<vmem>>, vector<1x16xf32>,
      %swap3A_136 = vector.shape_cast %swap3A_135 : vector<1x16xf32> to vector<16xf32>
      %swap3A_137 = vector.shape_cast %select_n3A_132 : vector<16xf32> to vector<1x16xf32>
      tpu.vector_store %arg8[%swap3A_133, %swap3A_134], %swap3A_137 {strides = array<i32>} : memref<40x128xf32, #tpu.memory_space<vmem>>, vector<1x16xf32>,
      %get3A_138 = arith.index_cast %add3A_73 : i32 to index
      %get3A_139 = arith.constant 64 : index
      %get3A_140 = tpu.vector_load %arg6[%get3A_138, %get3A_139] {strides = array<i32>} : memref<40x128xi32, #tpu.memory_space<vmem>>, vector<1x16xi32>,
      %get3A_141 = vector.shape_cast %get3A_140 : vector<1x16xi32> to vector<16xi32>
      %eq3A_142 = arith.constant 0 : i32
      %eq3A_143 = vector.broadcast %eq3A_142 : i32 to vector<16xi32>
      %eq3A_144 = arith.cmpi eq, %get3A_141, %eq3A_143 : vector<16xi32>
      %jit3A_145 = arith.constant 1.000000e+00 : f32
      %jit3A_146 = arith.constant 0.000000e+00 : f32
      %broadcast_in_dim3A_147 = vector.broadcast %jit3A_145 : f32 to vector<16xf32>
      %broadcast_in_dim3A_148 = vector.broadcast %jit3A_146 : f32 to vector<16xf32>
      %select_n3A_149 = arith.select %eq3A_144, %broadcast_in_dim3A_147, %broadcast_in_dim3A_148 : vector<16xi1>, vector<16xf32>
      %swap3A_150 = arith.index_cast %add3A_73 : i32 to index
      %swap3A_151 = arith.constant 64 : index
      %swap3A_152 = tpu.vector_load %arg8[%swap3A_150, %swap3A_151] {strides = array<i32>} : memref<40x128xf32, #tpu.memory_space<vmem>>, vector<1x16xf32>,
      %swap3A_153 = vector.shape_cast %swap3A_152 : vector<1x16xf32> to vector<16xf32>
      %swap3A_154 = vector.shape_cast %select_n3A_149 : vector<16xf32> to vector<1x16xf32>
      tpu.vector_store %arg8[%swap3A_150, %swap3A_151], %swap3A_154 {strides = array<i32>} : memref<40x128xf32, #tpu.memory_space<vmem>>, vector<1x16xf32>,
      %get3A_155 = arith.index_cast %add3A_73 : i32 to index
      %get3A_156 = arith.constant 80 : index
      %get3A_157 = tpu.vector_load %arg6[%get3A_155, %get3A_156] {strides = array<i32>} : memref<40x128xi32, #tpu.memory_space<vmem>>, vector<1x16xi32>,
      %get3A_158 = vector.shape_cast %get3A_157 : vector<1x16xi32> to vector<16xi32>
      %eq3A_159 = arith.constant 0 : i32
      %eq3A_160 = vector.broadcast %eq3A_159 : i32 to vector<16xi32>
      %eq3A_161 = arith.cmpi eq, %get3A_158, %eq3A_160 : vector<16xi32>
      %jit3A_162 = arith.constant 1.000000e+00 : f32
      %jit3A_163 = arith.constant 0.000000e+00 : f32
      %broadcast_in_dim3A_164 = vector.broadcast %jit3A_162 : f32 to vector<16xf32>
      %broadcast_in_dim3A_165 = vector.broadcast %jit3A_163 : f32 to vector<16xf32>
      %select_n3A_166 = arith.select %eq3A_161, %broadcast_in_dim3A_164, %broadcast_in_dim3A_165 : vector<16xi1>, vector<16xf32>
      %swap3A_167 = arith.index_cast %add3A_73 : i32 to index
      %swap3A_168 = arith.constant 80 : index
      %swap3A_169 = tpu.vector_load %arg8[%swap3A_167, %swap3A_168] {strides = array<i32>} : memref<40x128xf32, #tpu.memory_space<vmem>>, vector<1x16xf32>,
      %swap3A_170 = vector.shape_cast %swap3A_169 : vector<1x16xf32> to vector<16xf32>
      %swap3A_171 = vector.shape_cast %select_n3A_166 : vector<16xf32> to vector<1x16xf32>
      tpu.vector_store %arg8[%swap3A_167, %swap3A_168], %swap3A_171 {strides = array<i32>} : memref<40x128xf32, #tpu.memory_space<vmem>>, vector<1x16xf32>,
      %get3A_172 = arith.index_cast %add3A_73 : i32 to index
      %get3A_173 = arith.constant 96 : index
      %get3A_174 = tpu.vector_load %arg6[%get3A_172, %get3A_173] {strides = array<i32>} : memref<40x128xi32, #tpu.memory_space<vmem>>, vector<1x16xi32>,
      %get3A_175 = vector.shape_cast %get3A_174 : vector<1x16xi32> to vector<16xi32>
      %eq3A_176 = arith.constant 0 : i32
      %eq3A_177 = vector.broadcast %eq3A_176 : i32 to vector<16xi32>
      %eq3A_178 = arith.cmpi eq, %get3A_175, %eq3A_177 : vector<16xi32>
      %jit3A_179 = arith.constant 1.000000e+00 : f32
      %jit3A_180 = arith.constant 0.000000e+00 : f32
      %broadcast_in_dim3A_181 = vector.broadcast %jit3A_179 : f32 to vector<16xf32>
      %broadcast_in_dim3A_182 = vector.broadcast %jit3A_180 : f32 to vector<16xf32>
      %select_n3A_183 = arith.select %eq3A_178, %broadcast_in_dim3A_181, %broadcast_in_dim3A_182 : vector<16xi1>, vector<16xf32>
      %swap3A_184 = arith.index_cast %add3A_73 : i32 to index
      %swap3A_185 = arith.constant 96 : index
      %swap3A_186 = tpu.vector_load %arg8[%swap3A_184, %swap3A_185] {strides = array<i32>} : memref<40x128xf32, #tpu.memory_space<vmem>>, vector<1x16xf32>,
      %swap3A_187 = vector.shape_cast %swap3A_186 : vector<1x16xf32> to vector<16xf32>
      %swap3A_188 = vector.shape_cast %select_n3A_183 : vector<16xf32> to vector<1x16xf32>
      tpu.vector_store %arg8[%swap3A_184, %swap3A_185], %swap3A_188 {strides = array<i32>} : memref<40x128xf32, #tpu.memory_space<vmem>>, vector<1x16xf32>,
      %get3A_189 = arith.index_cast %add3A_73 : i32 to index
      %get3A_190 = arith.constant 112 : index
      %get3A_191 = tpu.vector_load %arg6[%get3A_189, %get3A_190] {strides = array<i32>} : memref<40x128xi32, #tpu.memory_space<vmem>>, vector<1x16xi32>,
      %get3A_192 = vector.shape_cast %get3A_191 : vector<1x16xi32> to vector<16xi32>
      %eq3A_193 = arith.constant 0 : i32
      %eq3A_194 = vector.broadcast %eq3A_193 : i32 to vector<16xi32>
      %eq3A_195 = arith.cmpi eq, %get3A_192, %eq3A_194 : vector<16xi32>
      %jit3A_196 = arith.constant 1.000000e+00 : f32
      %jit3A_197 = arith.constant 0.000000e+00 : f32
      %broadcast_in_dim3A_198 = vector.broadcast %jit3A_196 : f32 to vector<16xf32>
      %broadcast_in_dim3A_199 = vector.broadcast %jit3A_197 : f32 to vector<16xf32>
      %select_n3A_200 = arith.select %eq3A_195, %broadcast_in_dim3A_198, %broadcast_in_dim3A_199 : vector<16xi1>, vector<16xf32>
      %swap3A_201 = arith.index_cast %add3A_73 : i32 to index
      %swap3A_202 = arith.constant 112 : index
      %swap3A_203 = tpu.vector_load %arg8[%swap3A_201, %swap3A_202] {strides = array<i32>} : memref<40x128xf32, #tpu.memory_space<vmem>>, vector<1x16xf32>,
      %swap3A_204 = vector.shape_cast %swap3A_203 : vector<1x16xf32> to vector<16xf32>
      %swap3A_205 = vector.shape_cast %select_n3A_200 : vector<16xf32> to vector<1x16xf32>
      tpu.vector_store %arg8[%swap3A_201, %swap3A_202], %swap3A_205 {strides = array<i32>} : memref<40x128xf32, #tpu.memory_space<vmem>>, vector<1x16xf32>,
      "tpu.region"() ({
        %run_scoped3A = tpu.sem_alloc : memref<!tpu.dma_semaphore, #tpu.memory_space<semaphore_mem>>
        %dma_start3A = arith.constant 0 : i32
        %dma_start3A_206 = tpu.memref_slice %arg6[%add3A_73, %dma_start3A] : memref<40x128xi32, #tpu.memory_space<vmem>> -> memref<1x128xi32, #tpu.memory_space<vmem>>
        %dma_start3A_207 = tpu.memref_squeeze %dma_start3A_206 : memref<1x128xi32, #tpu.memory_space<vmem>> -> memref<128xi32, #tpu.memory_space<vmem>>
        %dma_start3A_208 = arith.constant 0 : i32
        %dma_start3A_209 = tpu.memref_slice %arg11[%dma_start3A_208] : memref<10240xf32, #tpu.memory_space<vmem_shared>> -> memref<10240xf32, #tpu.memory_space<vmem_shared>>
        tpu.enqueue_indirect_dma source(%arg9 : memref<128xf32, #tpu.memory_space<vmem>>) target(%dma_start3A_209 : memref<10240xf32, #tpu.memory_space<vmem_shared>>) offsets(%dma_start3A_207 : memref<128xi32, #tpu.memory_space<vmem>>) semaphore(%run_scoped3A : memref<!tpu.dma_semaphore, #tpu.memory_space<semaphore_mem>>) {add = true}
        %dma_wait3A = arith.constant 0 : i32
        %dma_wait3A_210 = tpu.memref_slice %arg6[%add3A_73, %dma_wait3A] : memref<40x128xi32, #tpu.memory_space<vmem>> -> memref<1x128xi32, #tpu.memory_space<vmem>>
        %dma_wait3A_211 = tpu.memref_squeeze %dma_wait3A_210 : memref<1x128xi32, #tpu.memory_space<vmem>> -> memref<128xi32, #tpu.memory_space<vmem>>
        %dma_wait3A_212 = arith.constant 0 : i32
        %dma_wait3A_213 = tpu.memref_slice %arg11[%dma_wait3A_212] : memref<10240xf32, #tpu.memory_space<vmem_shared>> -> memref<10240xf32, #tpu.memory_space<vmem_shared>>
        tpu.wait_indirect_dma semaphore(%run_scoped3A : memref<!tpu.dma_semaphore, #tpu.memory_space<semaphore_mem>>) src(%arg9 : memref<128xf32, #tpu.memory_space<vmem>>) dst(%dma_wait3A_213 : memref<10240xf32, #tpu.memory_space<vmem_shared>>)
        tpu.yield
      }) : () -> ()
      "tpu.region"() ({
        %run_scoped3A = tpu.sem_alloc : memref<!tpu.dma_semaphore, #tpu.memory_space<semaphore_mem>>
        %dma_start3A = arith.constant 0 : i32
        %dma_start3A_206 = tpu.memref_slice %arg8[%add3A_73, %dma_start3A] : memref<40x128xf32, #tpu.memory_space<vmem>> -> memref<1x128xf32, #tpu.memory_space<vmem>>
        %dma_start3A_207 = tpu.memref_squeeze %dma_start3A_206 : memref<1x128xf32, #tpu.memory_space<vmem>> -> memref<128xf32, #tpu.memory_space<vmem>>
        %dma_start3A_208 = arith.constant 0 : i32
        %dma_start3A_209 = tpu.memref_slice %arg7[%add3A_73, %dma_start3A_208] : memref<40x128xi32, #tpu.memory_space<vmem>> -> memref<1x128xi32, #tpu.memory_space<vmem>>
        %dma_start3A_210 = tpu.memref_squeeze %dma_start3A_209 : memref<1x128xi32, #tpu.memory_space<vmem>> -> memref<128xi32, #tpu.memory_space<vmem>>
        %dma_start3A_211 = arith.constant 0 : i32
        %dma_start3A_212 = tpu.memref_slice %arg12[%dma_start3A_211] : memref<10240xf32, #tpu.memory_space<vmem_shared>> -> memref<10240xf32, #tpu.memory_space<vmem_shared>>
        tpu.enqueue_indirect_dma source(%dma_start3A_207 : memref<128xf32, #tpu.memory_space<vmem>>) target(%dma_start3A_212 : memref<10240xf32, #tpu.memory_space<vmem_shared>>) offsets(%dma_start3A_210 : memref<128xi32, #tpu.memory_space<vmem>>) semaphore(%run_scoped3A : memref<!tpu.dma_semaphore, #tpu.memory_space<semaphore_mem>>) {add = true}
        %dma_wait3A = arith.constant 0 : i32
        %dma_wait3A_213 = tpu.memref_slice %arg8[%add3A_73, %dma_wait3A] : memref<40x128xf32, #tpu.memory_space<vmem>> -> memref<1x128xf32, #tpu.memory_space<vmem>>
        %dma_wait3A_214 = tpu.memref_squeeze %dma_wait3A_213 : memref<1x128xf32, #tpu.memory_space<vmem>> -> memref<128xf32, #tpu.memory_space<vmem>>
        %dma_wait3A_215 = arith.constant 0 : i32
        %dma_wait3A_216 = tpu.memref_slice %arg7[%add3A_73, %dma_wait3A_215] : memref<40x128xi32, #tpu.memory_space<vmem>> -> memref<1x128xi32, #tpu.memory_space<vmem>>
        %dma_wait3A_217 = tpu.memref_squeeze %dma_wait3A_216 : memref<1x128xi32, #tpu.memory_space<vmem>> -> memref<128xi32, #tpu.memory_space<vmem>>
        %dma_wait3A_218 = arith.constant 0 : i32
        %dma_wait3A_219 = tpu.memref_slice %arg12[%dma_wait3A_218] : memref<10240xf32, #tpu.memory_space<vmem_shared>> -> memref<10240xf32, #tpu.memory_space<vmem_shared>>
        tpu.wait_indirect_dma semaphore(%run_scoped3A : memref<!tpu.dma_semaphore, #tpu.memory_space<semaphore_mem>>) src(%dma_wait3A_214 : memref<128xf32, #tpu.memory_space<vmem>>) dst(%dma_wait3A_219 : memref<10240xf32, #tpu.memory_space<vmem_shared>>)
        tpu.yield
      }) : () -> ()
    }
    %scan3A_59 = arith.constant 40 : i32
    %barrier3A_60 = arith.constant 0 : index
    tpu.barrier barrier_id(%barrier3A_60)
    %mul3A_61 = arith.constant 640 : i32
    %mul3A_62 = arith.muli %arg1, %mul3A_61 : i32
    %mul3A_63 = arith.constant 640 : i32
    %mul3A_64 = arith.muli %arg1, %mul3A_63 : i32
    "tpu.region"() ({
      %run_scoped3A = tpu.sem_alloc : memref<!tpu.dma_semaphore, #tpu.memory_space<semaphore_mem>>
      %dma_start3A = tpu.memref_slice %arg4[%arg0, %mul3A_64] : memref<2x10240xf32, #tpu.memory_space<hbm>> -> memref<1x640xf32, #tpu.memory_space<hbm>>
      %dma_start3A_69 = tpu.memref_squeeze %dma_start3A : memref<1x640xf32, #tpu.memory_space<hbm>> -> memref<640xf32, #tpu.memory_space<hbm>>
      %dma_start3A_70 = tpu.memref_slice %arg11[%mul3A_62] : memref<10240xf32, #tpu.memory_space<vmem_shared>> -> memref<640xf32, #tpu.memory_space<vmem_shared>>
      tpu.enqueue_dma source(%dma_start3A_70 : memref<640xf32, #tpu.memory_space<vmem_shared>>) target(%dma_start3A_69 : memref<640xf32, #tpu.memory_space<hbm>>) target_semaphore(%run_scoped3A : memref<!tpu.dma_semaphore, #tpu.memory_space<semaphore_mem>>)
      %dma_wait3A = tpu.memref_slice %arg4[%arg0, %mul3A_64] : memref<2x10240xf32, #tpu.memory_space<hbm>> -> memref<1x640xf32, #tpu.memory_space<hbm>>
      %dma_wait3A_71 = tpu.memref_squeeze %dma_wait3A : memref<1x640xf32, #tpu.memory_space<hbm>> -> memref<640xf32, #tpu.memory_space<hbm>>
      %dma_wait3A_72 = tpu.memref_slice %arg11[%mul3A_62] : memref<10240xf32, #tpu.memory_space<vmem_shared>> -> memref<640xf32, #tpu.memory_space<vmem_shared>>
      tpu.wait_dma2 semaphore(%run_scoped3A : memref<!tpu.dma_semaphore, #tpu.memory_space<semaphore_mem>>) src(%dma_wait3A_72 : memref<640xf32, #tpu.memory_space<vmem_shared>>) dst(%dma_wait3A_71 : memref<640xf32, #tpu.memory_space<hbm>>)
      tpu.yield
    }) : () -> ()
    %mul3A_65 = arith.constant 640 : i32
    %mul3A_66 = arith.muli %arg1, %mul3A_65 : i32
    %mul3A_67 = arith.constant 640 : i32
    %mul3A_68 = arith.muli %arg1, %mul3A_67 : i32
    "tpu.region"() ({
      %run_scoped3A = tpu.sem_alloc : memref<!tpu.dma_semaphore, #tpu.memory_space<semaphore_mem>>
      %dma_start3A = tpu.memref_slice %arg5[%arg0, %mul3A_68] : memref<2x10240xf32, #tpu.memory_space<hbm>> -> memref<1x640xf32, #tpu.memory_space<hbm>>
      %dma_start3A_69 = tpu.memref_squeeze %dma_start3A : memref<1x640xf32, #tpu.memory_space<hbm>> -> memref<640xf32, #tpu.memory_space<hbm>>
      %dma_start3A_70 = tpu.memref_slice %arg12[%mul3A_66] : memref<10240xf32, #tpu.memory_space<vmem_shared>> -> memref<640xf32, #tpu.memory_space<vmem_shared>>
      tpu.enqueue_dma source(%dma_start3A_70 : memref<640xf32, #tpu.memory_space<vmem_shared>>) target(%dma_start3A_69 : memref<640xf32, #tpu.memory_space<hbm>>) target_semaphore(%run_scoped3A : memref<!tpu.dma_semaphore, #tpu.memory_space<semaphore_mem>>)
      %dma_wait3A = tpu.memref_slice %arg5[%arg0, %mul3A_68] : memref<2x10240xf32, #tpu.memory_space<hbm>> -> memref<1x640xf32, #tpu.memory_space<hbm>>
      %dma_wait3A_71 = tpu.memref_squeeze %dma_wait3A : memref<1x640xf32, #tpu.memory_space<hbm>> -> memref<640xf32, #tpu.memory_space<hbm>>
      %dma_wait3A_72 = tpu.memref_slice %arg12[%mul3A_66] : memref<10240xf32, #tpu.memory_space<vmem_shared>> -> memref<640xf32, #tpu.memory_space<vmem_shared>>
      tpu.wait_dma2 semaphore(%run_scoped3A : memref<!tpu.dma_semaphore, #tpu.memory_space<semaphore_mem>>) src(%dma_wait3A_72 : memref<640xf32, #tpu.memory_space<vmem_shared>>) dst(%dma_wait3A_71 : memref<640xf32, #tpu.memory_space<hbm>>)
      tpu.yield
    }) : () -> ()
    return
  }
}

#map = affine_map<(d0, d1) -> (0, 0, 0)>
#map1 = affine_map<(d0, d1) -> (0)>
module attributes {stable_mosaic.version = 14 : i64} {
  func.func @_cnt_build_body(%arg0: i32, %arg1: i32, %arg2: memref<16x80x128xi32, #tpu.memory_space<hbm>>, %arg3: memref<16x80x128xi32, #tpu.memory_space<hbm>>, %arg4: memref<10240xi32, #tpu.memory_space<hbm>>, %arg5: memref<6553600xf32, #tpu.memory_space<hbm>>, %arg6: memref<80x128xi32, #tpu.memory_space<vmem>>, %arg7: memref<80x128xi32, #tpu.memory_space<vmem>>, %arg8: memref<80x128xi32, #tpu.memory_space<vmem>>, %arg9: memref<80x128xi32, #tpu.memory_space<vmem>>, %arg10: memref<128xf32, #tpu.memory_space<vmem>>, %arg11: memref<12800xf32, #tpu.memory_space<vmem>>, %arg12: memref<10240xi32, #tpu.memory_space<vmem_shared>>, %arg13: memref<819328xf32, #tpu.memory_space<vmem_shared>>) attributes {dimension_semantics = [#tpu.dimension_semantics<core_parallel>, #tpu.dimension_semantics<subcore_parallel>], iteration_bounds = array<i64: 2, 16>, scalar_prefetch = 0 : i64, scratch_operands = 8 : i64, tpu.core_type = #tpu.core_type<sc_vector_subcore>, window_params = [{transform_indices = #map}, {transform_indices = #map}, {transform_indices = #map1}, {transform_indices = #map1}]} {
    "tpu.region"() ({
      %run_scoped3A = tpu.sem_alloc : memref<!tpu.dma_semaphore, #tpu.memory_space<semaphore_mem>>
      %dma_start3A = arith.constant 0 : i32
      %dma_start3A_223 = arith.constant 0 : i32
      %dma_start3A_224 = tpu.memref_slice %arg2[%arg1, %dma_start3A, %dma_start3A_223] : memref<16x80x128xi32, #tpu.memory_space<hbm>> -> memref<1x80x128xi32, #tpu.memory_space<hbm>>
      %dma_start3A_225 = tpu.memref_squeeze %dma_start3A_224 : memref<1x80x128xi32, #tpu.memory_space<hbm>> -> memref<80x128xi32, #tpu.memory_space<hbm>>
      %dma_start3A_226 = arith.constant 0 : i32
      %dma_start3A_227 = arith.constant 0 : i32
      %dma_start3A_228 = tpu.memref_slice %arg2[%arg1, %dma_start3A_226, %dma_start3A_227] : memref<16x80x128xi32, #tpu.memory_space<hbm>> -> memref<1x80x128xi32, #tpu.memory_space<hbm>>
      %dma_start3A_229 = tpu.memref_squeeze %dma_start3A_228 : memref<1x80x128xi32, #tpu.memory_space<hbm>> -> memref<80x128xi32, #tpu.memory_space<hbm>>
      tpu.enqueue_dma source(%dma_start3A_229 : memref<80x128xi32, #tpu.memory_space<hbm>>) target(%arg6 : memref<80x128xi32, #tpu.memory_space<vmem>>) target_semaphore(%run_scoped3A : memref<!tpu.dma_semaphore, #tpu.memory_space<semaphore_mem>>)
      %dma_wait3A = arith.constant 0 : i32
      %dma_wait3A_230 = arith.constant 0 : i32
      %dma_wait3A_231 = tpu.memref_slice %arg2[%arg1, %dma_wait3A, %dma_wait3A_230] : memref<16x80x128xi32, #tpu.memory_space<hbm>> -> memref<1x80x128xi32, #tpu.memory_space<hbm>>
      %dma_wait3A_232 = tpu.memref_squeeze %dma_wait3A_231 : memref<1x80x128xi32, #tpu.memory_space<hbm>> -> memref<80x128xi32, #tpu.memory_space<hbm>>
      %dma_wait3A_233 = arith.constant 0 : i32
      %dma_wait3A_234 = arith.constant 0 : i32
      %dma_wait3A_235 = tpu.memref_slice %arg2[%arg1, %dma_wait3A_233, %dma_wait3A_234] : memref<16x80x128xi32, #tpu.memory_space<hbm>> -> memref<1x80x128xi32, #tpu.memory_space<hbm>>
      %dma_wait3A_236 = tpu.memref_squeeze %dma_wait3A_235 : memref<1x80x128xi32, #tpu.memory_space<hbm>> -> memref<80x128xi32, #tpu.memory_space<hbm>>
      tpu.wait_dma2 semaphore(%run_scoped3A : memref<!tpu.dma_semaphore, #tpu.memory_space<semaphore_mem>>) src(%dma_wait3A_236 : memref<80x128xi32, #tpu.memory_space<hbm>>) dst(%arg6 : memref<80x128xi32, #tpu.memory_space<vmem>>)
      tpu.yield
    }) : () -> ()
    "tpu.region"() ({
      %run_scoped3A = tpu.sem_alloc : memref<!tpu.dma_semaphore, #tpu.memory_space<semaphore_mem>>
      %dma_start3A = arith.constant 0 : i32
      %dma_start3A_223 = arith.constant 0 : i32
      %dma_start3A_224 = tpu.memref_slice %arg3[%arg1, %dma_start3A, %dma_start3A_223] : memref<16x80x128xi32, #tpu.memory_space<hbm>> -> memref<1x80x128xi32, #tpu.memory_space<hbm>>
      %dma_start3A_225 = tpu.memref_squeeze %dma_start3A_224 : memref<1x80x128xi32, #tpu.memory_space<hbm>> -> memref<80x128xi32, #tpu.memory_space<hbm>>
      %dma_start3A_226 = arith.constant 0 : i32
      %dma_start3A_227 = arith.constant 0 : i32
      %dma_start3A_228 = tpu.memref_slice %arg3[%arg1, %dma_start3A_226, %dma_start3A_227] : memref<16x80x128xi32, #tpu.memory_space<hbm>> -> memref<1x80x128xi32, #tpu.memory_space<hbm>>
      %dma_start3A_229 = tpu.memref_squeeze %dma_start3A_228 : memref<1x80x128xi32, #tpu.memory_space<hbm>> -> memref<80x128xi32, #tpu.memory_space<hbm>>
      tpu.enqueue_dma source(%dma_start3A_229 : memref<80x128xi32, #tpu.memory_space<hbm>>) target(%arg7 : memref<80x128xi32, #tpu.memory_space<vmem>>) target_semaphore(%run_scoped3A : memref<!tpu.dma_semaphore, #tpu.memory_space<semaphore_mem>>)
      %dma_wait3A = arith.constant 0 : i32
      %dma_wait3A_230 = arith.constant 0 : i32
      %dma_wait3A_231 = tpu.memref_slice %arg3[%arg1, %dma_wait3A, %dma_wait3A_230] : memref<16x80x128xi32, #tpu.memory_space<hbm>> -> memref<1x80x128xi32, #tpu.memory_space<hbm>>
      %dma_wait3A_232 = tpu.memref_squeeze %dma_wait3A_231 : memref<1x80x128xi32, #tpu.memory_space<hbm>> -> memref<80x128xi32, #tpu.memory_space<hbm>>
      %dma_wait3A_233 = arith.constant 0 : i32
      %dma_wait3A_234 = arith.constant 0 : i32
      %dma_wait3A_235 = tpu.memref_slice %arg3[%arg1, %dma_wait3A_233, %dma_wait3A_234] : memref<16x80x128xi32, #tpu.memory_space<hbm>> -> memref<1x80x128xi32, #tpu.memory_space<hbm>>
      %dma_wait3A_236 = tpu.memref_squeeze %dma_wait3A_235 : memref<1x80x128xi32, #tpu.memory_space<hbm>> -> memref<80x128xi32, #tpu.memory_space<hbm>>
      tpu.wait_dma2 semaphore(%run_scoped3A : memref<!tpu.dma_semaphore, #tpu.memory_space<semaphore_mem>>) src(%dma_wait3A_236 : memref<80x128xi32, #tpu.memory_space<hbm>>) dst(%arg7 : memref<80x128xi32, #tpu.memory_space<vmem>>)
      tpu.yield
    }) : () -> ()
    %eq3A = arith.constant 0 : i32
    %eq3A_0 = arith.cmpi eq, %arg1, %eq3A : i32
    %convert_element_type3A = arith.extui %eq3A_0 : i1 to i32
    %cond3A = arith.constant 0 : i32
    %cond3A_1 = arith.cmpi ne, %convert_element_type3A, %cond3A : i32
    scf.if %cond3A_1 {
      "tpu.region"() ({
        %run_scoped3A = tpu.sem_alloc : memref<!tpu.dma_semaphore, #tpu.memory_space<semaphore_mem>>
        tpu.enqueue_dma source(%arg4 : memref<10240xi32, #tpu.memory_space<hbm>>) target(%arg12 : memref<10240xi32, #tpu.memory_space<vmem_shared>>) target_semaphore(%run_scoped3A : memref<!tpu.dma_semaphore, #tpu.memory_space<semaphore_mem>>)
        tpu.wait_dma2 semaphore(%run_scoped3A : memref<!tpu.dma_semaphore, #tpu.memory_space<semaphore_mem>>) src(%arg4 : memref<10240xi32, #tpu.memory_space<hbm>>) dst(%arg12 : memref<10240xi32, #tpu.memory_space<vmem_shared>>)
        tpu.yield
      }) : () -> ()
    } else {
    }
    %broadcast_in_dim3A = arith.constant 1.000000e+00 : f32
    %broadcast_in_dim3A_2 = vector.broadcast %broadcast_in_dim3A : f32 to vector<16xf32>
    %swap3A = arith.constant 0 : index
    %swap3A_3 = tpu.vector_load %arg10[%swap3A] {strides = array<i32>} : memref<128xf32, #tpu.memory_space<vmem>>, vector<16xf32>,
    %swap3A_4 = vector.shape_cast %swap3A_3 : vector<16xf32> to vector<16xf32>
    %swap3A_5 = vector.shape_cast %broadcast_in_dim3A_2 : vector<16xf32> to vector<16xf32>
    tpu.vector_store %arg10[%swap3A], %swap3A_5 {strides = array<i32>} : memref<128xf32, #tpu.memory_space<vmem>>, vector<16xf32>,
    %broadcast_in_dim3A_6 = arith.constant 1.000000e+00 : f32
    %broadcast_in_dim3A_7 = vector.broadcast %broadcast_in_dim3A_6 : f32 to vector<16xf32>
    %swap3A_8 = arith.constant 16 : index
    %swap3A_9 = tpu.vector_load %arg10[%swap3A_8] {strides = array<i32>} : memref<128xf32, #tpu.memory_space<vmem>>, vector<16xf32>,
    %swap3A_10 = vector.shape_cast %swap3A_9 : vector<16xf32> to vector<16xf32>
    %swap3A_11 = vector.shape_cast %broadcast_in_dim3A_7 : vector<16xf32> to vector<16xf32>
    tpu.vector_store %arg10[%swap3A_8], %swap3A_11 {strides = array<i32>} : memref<128xf32, #tpu.memory_space<vmem>>, vector<16xf32>,
    %broadcast_in_dim3A_12 = arith.constant 1.000000e+00 : f32
    %broadcast_in_dim3A_13 = vector.broadcast %broadcast_in_dim3A_12 : f32 to vector<16xf32>
    %swap3A_14 = arith.constant 32 : index
    %swap3A_15 = tpu.vector_load %arg10[%swap3A_14] {strides = array<i32>} : memref<128xf32, #tpu.memory_space<vmem>>, vector<16xf32>,
    %swap3A_16 = vector.shape_cast %swap3A_15 : vector<16xf32> to vector<16xf32>
    %swap3A_17 = vector.shape_cast %broadcast_in_dim3A_13 : vector<16xf32> to vector<16xf32>
    tpu.vector_store %arg10[%swap3A_14], %swap3A_17 {strides = array<i32>} : memref<128xf32, #tpu.memory_space<vmem>>, vector<16xf32>,
    %broadcast_in_dim3A_18 = arith.constant 1.000000e+00 : f32
    %broadcast_in_dim3A_19 = vector.broadcast %broadcast_in_dim3A_18 : f32 to vector<16xf32>
    %swap3A_20 = arith.constant 48 : index
    %swap3A_21 = tpu.vector_load %arg10[%swap3A_20] {strides = array<i32>} : memref<128xf32, #tpu.memory_space<vmem>>, vector<16xf32>,
    %swap3A_22 = vector.shape_cast %swap3A_21 : vector<16xf32> to vector<16xf32>
    %swap3A_23 = vector.shape_cast %broadcast_in_dim3A_19 : vector<16xf32> to vector<16xf32>
    tpu.vector_store %arg10[%swap3A_20], %swap3A_23 {strides = array<i32>} : memref<128xf32, #tpu.memory_space<vmem>>, vector<16xf32>,
    %broadcast_in_dim3A_24 = arith.constant 1.000000e+00 : f32
    %broadcast_in_dim3A_25 = vector.broadcast %broadcast_in_dim3A_24 : f32 to vector<16xf32>
    %swap3A_26 = arith.constant 64 : index
    %swap3A_27 = tpu.vector_load %arg10[%swap3A_26] {strides = array<i32>} : memref<128xf32, #tpu.memory_space<vmem>>, vector<16xf32>,
    %swap3A_28 = vector.shape_cast %swap3A_27 : vector<16xf32> to vector<16xf32>
    %swap3A_29 = vector.shape_cast %broadcast_in_dim3A_25 : vector<16xf32> to vector<16xf32>
    tpu.vector_store %arg10[%swap3A_26], %swap3A_29 {strides = array<i32>} : memref<128xf32, #tpu.memory_space<vmem>>, vector<16xf32>,
    %broadcast_in_dim3A_30 = arith.constant 1.000000e+00 : f32
    %broadcast_in_dim3A_31 = vector.broadcast %broadcast_in_dim3A_30 : f32 to vector<16xf32>
    %swap3A_32 = arith.constant 80 : index
    %swap3A_33 = tpu.vector_load %arg10[%swap3A_32] {strides = array<i32>} : memref<128xf32, #tpu.memory_space<vmem>>, vector<16xf32>,
    %swap3A_34 = vector.shape_cast %swap3A_33 : vector<16xf32> to vector<16xf32>
    %swap3A_35 = vector.shape_cast %broadcast_in_dim3A_31 : vector<16xf32> to vector<16xf32>
    tpu.vector_store %arg10[%swap3A_32], %swap3A_35 {strides = array<i32>} : memref<128xf32, #tpu.memory_space<vmem>>, vector<16xf32>,
    %broadcast_in_dim3A_36 = arith.constant 1.000000e+00 : f32
    %broadcast_in_dim3A_37 = vector.broadcast %broadcast_in_dim3A_36 : f32 to vector<16xf32>
    %swap3A_38 = arith.constant 96 : index
    %swap3A_39 = tpu.vector_load %arg10[%swap3A_38] {strides = array<i32>} : memref<128xf32, #tpu.memory_space<vmem>>, vector<16xf32>,
    %swap3A_40 = vector.shape_cast %swap3A_39 : vector<16xf32> to vector<16xf32>
    %swap3A_41 = vector.shape_cast %broadcast_in_dim3A_37 : vector<16xf32> to vector<16xf32>
    tpu.vector_store %arg10[%swap3A_38], %swap3A_41 {strides = array<i32>} : memref<128xf32, #tpu.memory_space<vmem>>, vector<16xf32>,
    %broadcast_in_dim3A_42 = arith.constant 1.000000e+00 : f32
    %broadcast_in_dim3A_43 = vector.broadcast %broadcast_in_dim3A_42 : f32 to vector<16xf32>
    %swap3A_44 = arith.constant 112 : index
    %swap3A_45 = tpu.vector_load %arg10[%swap3A_44] {strides = array<i32>} : memref<128xf32, #tpu.memory_space<vmem>>, vector<16xf32>,
    %swap3A_46 = vector.shape_cast %swap3A_45 : vector<16xf32> to vector<16xf32>
    %swap3A_47 = vector.shape_cast %broadcast_in_dim3A_43 : vector<16xf32> to vector<16xf32>
    tpu.vector_store %arg10[%swap3A_44], %swap3A_47 {strides = array<i32>} : memref<128xf32, #tpu.memory_space<vmem>>, vector<16xf32>,
    %scan3A = arith.constant 0 : i32
    %scan3A_48 = arith.constant 800 : i32
    %scan3A_49 = arith.addi %scan3A, %scan3A_48 : i32
    %scan3A_50 = arith.constant 1 : i32
    scf.for %scan3A_223 = %scan3A to %scan3A_49 step %scan3A_50  : i32 {
      %mul3A_224 = arith.constant 1 : i32
      %mul3A_225 = arith.muli %scan3A_223, %mul3A_224 : i32
      %add3A_226 = arith.constant 0 : i32
      %add3A_227 = arith.addi %add3A_226, %mul3A_225 : i32
      %broadcast_in_dim3A_228 = arith.constant 0.000000e+00 : f32
      %broadcast_in_dim3A_229 = vector.broadcast %broadcast_in_dim3A_228 : f32 to vector<16xf32>
      %mul3A_230 = arith.constant 16 : i32
      %mul3A_231 = arith.muli %add3A_227, %mul3A_230 : i32
      %swap3A_232 = arith.index_cast %mul3A_231 : i32 to index
      %swap3A_233 = tpu.vector_load %arg11[%swap3A_232] {strides = array<i32>} : memref<12800xf32, #tpu.memory_space<vmem>>, vector<16xf32>,
      %swap3A_234 = vector.shape_cast %swap3A_233 : vector<16xf32> to vector<16xf32>
      %swap3A_235 = vector.shape_cast %broadcast_in_dim3A_229 : vector<16xf32> to vector<16xf32>
      tpu.vector_store %arg11[%swap3A_232], %swap3A_235 {strides = array<i32>} : memref<12800xf32, #tpu.memory_space<vmem>>, vector<16xf32>,
    }
    %scan3A_51 = arith.constant 800 : i32
    %barrier3A = arith.constant 0 : index
    tpu.barrier barrier_id(%barrier3A)
    %scan3A_52 = arith.constant 0 : i32
    %scan3A_53 = arith.constant 80 : i32
    %scan3A_54 = arith.addi %scan3A_52, %scan3A_53 : i32
    %scan3A_55 = arith.constant 1 : i32
    scf.for %scan3A_223 = %scan3A_52 to %scan3A_54 step %scan3A_55  : i32 {
      %mul3A_224 = arith.constant 1 : i32
      %mul3A_225 = arith.muli %scan3A_223, %mul3A_224 : i32
      %add3A_226 = arith.constant 0 : i32
      %add3A_227 = arith.addi %add3A_226, %mul3A_225 : i32
      "tpu.region"() ({
        %run_scoped3A = tpu.sem_alloc : memref<!tpu.dma_semaphore, #tpu.memory_space<semaphore_mem>>
        %dma_start3A = arith.constant 0 : i32
        %dma_start3A_228 = tpu.memref_slice %arg9[%add3A_227, %dma_start3A] : memref<80x128xi32, #tpu.memory_space<vmem>> -> memref<1x128xi32, #tpu.memory_space<vmem>>
        %dma_start3A_229 = tpu.memref_squeeze %dma_start3A_228 : memref<1x128xi32, #tpu.memory_space<vmem>> -> memref<128xi32, #tpu.memory_space<vmem>>
        %dma_start3A_230 = arith.constant 0 : i32
        %dma_start3A_231 = tpu.memref_slice %arg6[%add3A_227, %dma_start3A_230] : memref<80x128xi32, #tpu.memory_space<vmem>> -> memref<1x128xi32, #tpu.memory_space<vmem>>
        %dma_start3A_232 = tpu.memref_squeeze %dma_start3A_231 : memref<1x128xi32, #tpu.memory_space<vmem>> -> memref<128xi32, #tpu.memory_space<vmem>>
        %dma_start3A_233 = arith.constant 0 : i32
        %dma_start3A_234 = tpu.memref_slice %arg12[%dma_start3A_233] : memref<10240xi32, #tpu.memory_space<vmem_shared>> -> memref<10240xi32, #tpu.memory_space<vmem_shared>>
        tpu.enqueue_indirect_dma source(%dma_start3A_234 : memref<10240xi32, #tpu.memory_space<vmem_shared>>) target(%dma_start3A_229 : memref<128xi32, #tpu.memory_space<vmem>>) offsets(%dma_start3A_232 : memref<128xi32, #tpu.memory_space<vmem>>) semaphore(%run_scoped3A : memref<!tpu.dma_semaphore, #tpu.memory_space<semaphore_mem>>)
        %dma_wait3A = arith.constant 0 : i32
        %dma_wait3A_235 = tpu.memref_slice %arg9[%add3A_227, %dma_wait3A] : memref<80x128xi32, #tpu.memory_space<vmem>> -> memref<1x128xi32, #tpu.memory_space<vmem>>
        %dma_wait3A_236 = tpu.memref_squeeze %dma_wait3A_235 : memref<1x128xi32, #tpu.memory_space<vmem>> -> memref<128xi32, #tpu.memory_space<vmem>>
        %dma_wait3A_237 = arith.constant 0 : i32
        %dma_wait3A_238 = tpu.memref_slice %arg6[%add3A_227, %dma_wait3A_237] : memref<80x128xi32, #tpu.memory_space<vmem>> -> memref<1x128xi32, #tpu.memory_space<vmem>>
        %dma_wait3A_239 = tpu.memref_squeeze %dma_wait3A_238 : memref<1x128xi32, #tpu.memory_space<vmem>> -> memref<128xi32, #tpu.memory_space<vmem>>
        %dma_wait3A_240 = arith.constant 0 : i32
        %dma_wait3A_241 = tpu.memref_slice %arg12[%dma_wait3A_240] : memref<10240xi32, #tpu.memory_space<vmem_shared>> -> memref<10240xi32, #tpu.memory_space<vmem_shared>>
        tpu.wait_indirect_dma semaphore(%run_scoped3A : memref<!tpu.dma_semaphore, #tpu.memory_space<semaphore_mem>>) src(%dma_wait3A_241 : memref<10240xi32, #tpu.memory_space<vmem_shared>>) dst(%dma_wait3A_236 : memref<128xi32, #tpu.memory_space<vmem>>)
        tpu.yield
      }) : () -> ()
    }
    %scan3A_56 = arith.constant 80 : i32
    %iota3A = tpu.iota {dimensions = array<i32: 0>} : vector<16xi32>
    %mul3A = arith.constant 4 : i32
    %mul3A_57 = arith.muli %mul3A, %arg0 : i32
    %add3A = arith.constant 0 : i32
    %add3A_58 = arith.addi %mul3A_57, %add3A : i32
    %mul3A_59 = arith.constant 1280 : i32
    %mul3A_60 = arith.muli %add3A_58, %mul3A_59 : i32
    %mul3A_61 = arith.constant 51200 : i32
    %mul3A_62 = arith.muli %arg1, %mul3A_61 : i32
    %add3A_63 = arith.constant 0 : i32
    %add3A_64 = arith.addi %mul3A_62, %add3A_63 : i32
    "tpu.region"() ({
      %run_scoped3A = tpu.sem_alloc : memref<!tpu.dma_semaphore, #tpu.memory_space<semaphore_mem>>
      %dma_start3A = tpu.memref_slice %arg13[%add3A_64] : memref<819328xf32, #tpu.memory_space<vmem_shared>> -> memref<12800xf32, #tpu.memory_space<vmem_shared>>
      %dma_start3A_223 = tpu.memref_slice %arg13[%add3A_64] : memref<819328xf32, #tpu.memory_space<vmem_shared>> -> memref<12800xf32, #tpu.memory_space<vmem_shared>>
      tpu.enqueue_dma source(%arg11 : memref<12800xf32, #tpu.memory_space<vmem>>) target(%dma_start3A_223 : memref<12800xf32, #tpu.memory_space<vmem_shared>>) target_semaphore(%run_scoped3A : memref<!tpu.dma_semaphore, #tpu.memory_space<semaphore_mem>>)
      %dma_wait3A = tpu.memref_slice %arg13[%add3A_64] : memref<819328xf32, #tpu.memory_space<vmem_shared>> -> memref<12800xf32, #tpu.memory_space<vmem_shared>>
      %dma_wait3A_224 = tpu.memref_slice %arg13[%add3A_64] : memref<819328xf32, #tpu.memory_space<vmem_shared>> -> memref<12800xf32, #tpu.memory_space<vmem_shared>>
      tpu.wait_dma2 semaphore(%run_scoped3A : memref<!tpu.dma_semaphore, #tpu.memory_space<semaphore_mem>>) src(%arg11 : memref<12800xf32, #tpu.memory_space<vmem>>) dst(%dma_wait3A_224 : memref<12800xf32, #tpu.memory_space<vmem_shared>>)
      tpu.yield
    }) : () -> ()
    %mul3A_65 = arith.constant 51200 : i32
    %mul3A_66 = arith.muli %arg1, %mul3A_65 : i32
    %add3A_67 = arith.constant 12800 : i32
    %add3A_68 = arith.addi %mul3A_66, %add3A_67 : i32
    "tpu.region"() ({
      %run_scoped3A = tpu.sem_alloc : memref<!tpu.dma_semaphore, #tpu.memory_space<semaphore_mem>>
      %dma_start3A = tpu.memref_slice %arg13[%add3A_68] : memref<819328xf32, #tpu.memory_space<vmem_shared>> -> memref<12800xf32, #tpu.memory_space<vmem_shared>>
      %dma_start3A_223 = tpu.memref_slice %arg13[%add3A_68] : memref<819328xf32, #tpu.memory_space<vmem_shared>> -> memref<12800xf32, #tpu.memory_space<vmem_shared>>
      tpu.enqueue_dma source(%arg11 : memref<12800xf32, #tpu.memory_space<vmem>>) target(%dma_start3A_223 : memref<12800xf32, #tpu.memory_space<vmem_shared>>) target_semaphore(%run_scoped3A : memref<!tpu.dma_semaphore, #tpu.memory_space<semaphore_mem>>)
      %dma_wait3A = tpu.memref_slice %arg13[%add3A_68] : memref<819328xf32, #tpu.memory_space<vmem_shared>> -> memref<12800xf32, #tpu.memory_space<vmem_shared>>
      %dma_wait3A_224 = tpu.memref_slice %arg13[%add3A_68] : memref<819328xf32, #tpu.memory_space<vmem_shared>> -> memref<12800xf32, #tpu.memory_space<vmem_shared>>
      tpu.wait_dma2 semaphore(%run_scoped3A : memref<!tpu.dma_semaphore, #tpu.memory_space<semaphore_mem>>) src(%arg11 : memref<12800xf32, #tpu.memory_space<vmem>>) dst(%dma_wait3A_224 : memref<12800xf32, #tpu.memory_space<vmem_shared>>)
      tpu.yield
    }) : () -> ()
    %mul3A_69 = arith.constant 51200 : i32
    %mul3A_70 = arith.muli %arg1, %mul3A_69 : i32
    %add3A_71 = arith.constant 25600 : i32
    %add3A_72 = arith.addi %mul3A_70, %add3A_71 : i32
    "tpu.region"() ({
      %run_scoped3A = tpu.sem_alloc : memref<!tpu.dma_semaphore, #tpu.memory_space<semaphore_mem>>
      %dma_start3A = tpu.memref_slice %arg13[%add3A_72] : memref<819328xf32, #tpu.memory_space<vmem_shared>> -> memref<12800xf32, #tpu.memory_space<vmem_shared>>
      %dma_start3A_223 = tpu.memref_slice %arg13[%add3A_72] : memref<819328xf32, #tpu.memory_space<vmem_shared>> -> memref<12800xf32, #tpu.memory_space<vmem_shared>>
      tpu.enqueue_dma source(%arg11 : memref<12800xf32, #tpu.memory_space<vmem>>) target(%dma_start3A_223 : memref<12800xf32, #tpu.memory_space<vmem_shared>>) target_semaphore(%run_scoped3A : memref<!tpu.dma_semaphore, #tpu.memory_space<semaphore_mem>>)
      %dma_wait3A = tpu.memref_slice %arg13[%add3A_72] : memref<819328xf32, #tpu.memory_space<vmem_shared>> -> memref<12800xf32, #tpu.memory_space<vmem_shared>>
      %dma_wait3A_224 = tpu.memref_slice %arg13[%add3A_72] : memref<819328xf32, #tpu.memory_space<vmem_shared>> -> memref<12800xf32, #tpu.memory_space<vmem_shared>>
      tpu.wait_dma2 semaphore(%run_scoped3A : memref<!tpu.dma_semaphore, #tpu.memory_space<semaphore_mem>>) src(%arg11 : memref<12800xf32, #tpu.memory_space<vmem>>) dst(%dma_wait3A_224 : memref<12800xf32, #tpu.memory_space<vmem_shared>>)
      tpu.yield
    }) : () -> ()
    %mul3A_73 = arith.constant 51200 : i32
    %mul3A_74 = arith.muli %arg1, %mul3A_73 : i32
    %add3A_75 = arith.constant 38400 : i32
    %add3A_76 = arith.addi %mul3A_74, %add3A_75 : i32
    "tpu.region"() ({
      %run_scoped3A = tpu.sem_alloc : memref<!tpu.dma_semaphore, #tpu.memory_space<semaphore_mem>>
      %dma_start3A = tpu.memref_slice %arg13[%add3A_76] : memref<819328xf32, #tpu.memory_space<vmem_shared>> -> memref<12800xf32, #tpu.memory_space<vmem_shared>>
      %dma_start3A_223 = tpu.memref_slice %arg13[%add3A_76] : memref<819328xf32, #tpu.memory_space<vmem_shared>> -> memref<12800xf32, #tpu.memory_space<vmem_shared>>
      tpu.enqueue_dma source(%arg11 : memref<12800xf32, #tpu.memory_space<vmem>>) target(%dma_start3A_223 : memref<12800xf32, #tpu.memory_space<vmem_shared>>) target_semaphore(%run_scoped3A : memref<!tpu.dma_semaphore, #tpu.memory_space<semaphore_mem>>)
      %dma_wait3A = tpu.memref_slice %arg13[%add3A_76] : memref<819328xf32, #tpu.memory_space<vmem_shared>> -> memref<12800xf32, #tpu.memory_space<vmem_shared>>
      %dma_wait3A_224 = tpu.memref_slice %arg13[%add3A_76] : memref<819328xf32, #tpu.memory_space<vmem_shared>> -> memref<12800xf32, #tpu.memory_space<vmem_shared>>
      tpu.wait_dma2 semaphore(%run_scoped3A : memref<!tpu.dma_semaphore, #tpu.memory_space<semaphore_mem>>) src(%arg11 : memref<12800xf32, #tpu.memory_space<vmem>>) dst(%dma_wait3A_224 : memref<12800xf32, #tpu.memory_space<vmem_shared>>)
      tpu.yield
    }) : () -> ()
    %eq3A_77 = arith.constant 0 : i32
    %eq3A_78 = arith.cmpi eq, %arg1, %eq3A_77 : i32
    %convert_element_type3A_79 = arith.extui %eq3A_78 : i1 to i32
    %cond3A_80 = arith.constant 0 : i32
    %cond3A_81 = arith.cmpi ne, %convert_element_type3A_79, %cond3A_80 : i32
    scf.if %cond3A_81 {
      "tpu.region"() ({
        %run_scoped3A = tpu.sem_alloc : memref<!tpu.dma_semaphore, #tpu.memory_space<semaphore_mem>>
        %dma_start3A = arith.constant 0 : i32
        %dma_start3A_223 = tpu.memref_slice %arg11[%dma_start3A] : memref<12800xf32, #tpu.memory_space<vmem>> -> memref<128xf32, #tpu.memory_space<vmem>>
        %dma_start3A_224 = arith.constant 819200 : i32
        %dma_start3A_225 = tpu.memref_slice %arg13[%dma_start3A_224] : memref<819328xf32, #tpu.memory_space<vmem_shared>> -> memref<128xf32, #tpu.memory_space<vmem_shared>>
        %dma_start3A_226 = arith.constant 819200 : i32
        %dma_start3A_227 = tpu.memref_slice %arg13[%dma_start3A_226] : memref<819328xf32, #tpu.memory_space<vmem_shared>> -> memref<128xf32, #tpu.memory_space<vmem_shared>>
        %dma_start3A_228 = arith.constant 0 : i32
        %dma_start3A_229 = tpu.memref_slice %arg11[%dma_start3A_228] : memref<12800xf32, #tpu.memory_space<vmem>> -> memref<128xf32, #tpu.memory_space<vmem>>
        tpu.enqueue_dma source(%dma_start3A_229 : memref<128xf32, #tpu.memory_space<vmem>>) target(%dma_start3A_227 : memref<128xf32, #tpu.memory_space<vmem_shared>>) target_semaphore(%run_scoped3A : memref<!tpu.dma_semaphore, #tpu.memory_space<semaphore_mem>>)
        %dma_wait3A = arith.constant 0 : i32
        %dma_wait3A_230 = tpu.memref_slice %arg11[%dma_wait3A] : memref<12800xf32, #tpu.memory_space<vmem>> -> memref<128xf32, #tpu.memory_space<vmem>>
        %dma_wait3A_231 = arith.constant 819200 : i32
        %dma_wait3A_232 = tpu.memref_slice %arg13[%dma_wait3A_231] : memref<819328xf32, #tpu.memory_space<vmem_shared>> -> memref<128xf32, #tpu.memory_space<vmem_shared>>
        %dma_wait3A_233 = arith.constant 819200 : i32
        %dma_wait3A_234 = tpu.memref_slice %arg13[%dma_wait3A_233] : memref<819328xf32, #tpu.memory_space<vmem_shared>> -> memref<128xf32, #tpu.memory_space<vmem_shared>>
        %dma_wait3A_235 = arith.constant 0 : i32
        %dma_wait3A_236 = tpu.memref_slice %arg11[%dma_wait3A_235] : memref<12800xf32, #tpu.memory_space<vmem>> -> memref<128xf32, #tpu.memory_space<vmem>>
        tpu.wait_dma2 semaphore(%run_scoped3A : memref<!tpu.dma_semaphore, #tpu.memory_space<semaphore_mem>>) src(%dma_wait3A_236 : memref<128xf32, #tpu.memory_space<vmem>>) dst(%dma_wait3A_234 : memref<128xf32, #tpu.memory_space<vmem_shared>>)
        tpu.yield
      }) : () -> ()
    } else {
    }
    %barrier3A_82 = arith.constant 0 : index
    tpu.barrier barrier_id(%barrier3A_82)
    %scan3A_83 = arith.constant 0 : i32
    %scan3A_84 = arith.constant 80 : i32
    %scan3A_85 = arith.addi %scan3A_83, %scan3A_84 : i32
    %scan3A_86 = arith.constant 1 : i32
    scf.for %scan3A_223 = %scan3A_83 to %scan3A_85 step %scan3A_86  : i32 {
      %mul3A_224 = arith.constant 1 : i32
      %mul3A_225 = arith.muli %scan3A_223, %mul3A_224 : i32
      %add3A_226 = arith.constant 0 : i32
      %add3A_227 = arith.addi %add3A_226, %mul3A_225 : i32
      %get3A = arith.index_cast %add3A_227 : i32 to index
      %get3A_228 = arith.constant 0 : index
      %get3A_229 = tpu.vector_load %arg7[%get3A, %get3A_228] {strides = array<i32>} : memref<80x128xi32, #tpu.memory_space<vmem>>, vector<1x16xi32>,
      %get3A_230 = vector.shape_cast %get3A_229 : vector<1x16xi32> to vector<16xi32>
      %get3A_231 = arith.index_cast %add3A_227 : i32 to index
      %get3A_232 = arith.constant 0 : index
      %get3A_233 = tpu.vector_load %arg9[%get3A_231, %get3A_232] {strides = array<i32>} : memref<80x128xi32, #tpu.memory_space<vmem>>, vector<1x16xi32>,
      %get3A_234 = vector.shape_cast %get3A_233 : vector<1x16xi32> to vector<16xi32>
      %sub3A = vector.broadcast %mul3A_60 : i32 to vector<16xi32>
      %sub3A_235 = arith.subi %get3A_230, %sub3A : vector<16xi32>
      %ge3A = arith.constant 0 : i32
      %ge3A_236 = vector.broadcast %ge3A : i32 to vector<16xi32>
      %ge3A_237 = arith.cmpi sge, %sub3A_235, %ge3A_236 : vector<16xi32>
      %lt3A = arith.constant 1280 : i32
      %lt3A_238 = vector.broadcast %lt3A : i32 to vector<16xi32>
      %lt3A_239 = arith.cmpi slt, %sub3A_235, %lt3A_238 : vector<16xi32>
      %and3A = arith.andi %ge3A_237, %lt3A_239 : vector<16xi1>
      %mul3A_240 = arith.constant 640 : i32
      %mul3A_241 = vector.broadcast %mul3A_240 : i32 to vector<16xi32>
      %mul3A_242 = arith.muli %sub3A_235, %mul3A_241 : vector<16xi32>
      %add3A_243 = arith.addi %mul3A_242, %get3A_234 : vector<16xi32>
      %add3A_244 = arith.constant 819200 : i32
      %add3A_245 = vector.broadcast %add3A_244 : i32 to vector<16xi32>
      %add3A_246 = arith.addi %add3A_245, %iota3A : vector<16xi32>
      %select_n3A = arith.select %and3A, %add3A_243, %add3A_246 : vector<16xi1>, vector<16xi32>
      %swap3A_247 = arith.index_cast %add3A_227 : i32 to index
      %swap3A_248 = arith.constant 0 : index
      %swap3A_249 = tpu.vector_load %arg8[%swap3A_247, %swap3A_248] {strides = array<i32>} : memref<80x128xi32, #tpu.memory_space<vmem>>, vector<1x16xi32>,
      %swap3A_250 = vector.shape_cast %swap3A_249 : vector<1x16xi32> to vector<16xi32>
      %swap3A_251 = vector.shape_cast %select_n3A : vector<16xi32> to vector<1x16xi32>
      tpu.vector_store %arg8[%swap3A_247, %swap3A_248], %swap3A_251 {strides = array<i32>} : memref<80x128xi32, #tpu.memory_space<vmem>>, vector<1x16xi32>,
      %get3A_252 = arith.index_cast %add3A_227 : i32 to index
      %get3A_253 = arith.constant 16 : index
      %get3A_254 = tpu.vector_load %arg7[%get3A_252, %get3A_253] {strides = array<i32>} : memref<80x128xi32, #tpu.memory_space<vmem>>, vector<1x16xi32>,
      %get3A_255 = vector.shape_cast %get3A_254 : vector<1x16xi32> to vector<16xi32>
      %get3A_256 = arith.index_cast %add3A_227 : i32 to index
      %get3A_257 = arith.constant 16 : index
      %get3A_258 = tpu.vector_load %arg9[%get3A_256, %get3A_257] {strides = array<i32>} : memref<80x128xi32, #tpu.memory_space<vmem>>, vector<1x16xi32>,
      %get3A_259 = vector.shape_cast %get3A_258 : vector<1x16xi32> to vector<16xi32>
      %sub3A_260 = vector.broadcast %mul3A_60 : i32 to vector<16xi32>
      %sub3A_261 = arith.subi %get3A_255, %sub3A_260 : vector<16xi32>
      %ge3A_262 = arith.constant 0 : i32
      %ge3A_263 = vector.broadcast %ge3A_262 : i32 to vector<16xi32>
      %ge3A_264 = arith.cmpi sge, %sub3A_261, %ge3A_263 : vector<16xi32>
      %lt3A_265 = arith.constant 1280 : i32
      %lt3A_266 = vector.broadcast %lt3A_265 : i32 to vector<16xi32>
      %lt3A_267 = arith.cmpi slt, %sub3A_261, %lt3A_266 : vector<16xi32>
      %and3A_268 = arith.andi %ge3A_264, %lt3A_267 : vector<16xi1>
      %mul3A_269 = arith.constant 640 : i32
      %mul3A_270 = vector.broadcast %mul3A_269 : i32 to vector<16xi32>
      %mul3A_271 = arith.muli %sub3A_261, %mul3A_270 : vector<16xi32>
      %add3A_272 = arith.addi %mul3A_271, %get3A_259 : vector<16xi32>
      %add3A_273 = arith.constant 819216 : i32
      %add3A_274 = vector.broadcast %add3A_273 : i32 to vector<16xi32>
      %add3A_275 = arith.addi %add3A_274, %iota3A : vector<16xi32>
      %select_n3A_276 = arith.select %and3A_268, %add3A_272, %add3A_275 : vector<16xi1>, vector<16xi32>
      %swap3A_277 = arith.index_cast %add3A_227 : i32 to index
      %swap3A_278 = arith.constant 16 : index
      %swap3A_279 = tpu.vector_load %arg8[%swap3A_277, %swap3A_278] {strides = array<i32>} : memref<80x128xi32, #tpu.memory_space<vmem>>, vector<1x16xi32>,
      %swap3A_280 = vector.shape_cast %swap3A_279 : vector<1x16xi32> to vector<16xi32>
      %swap3A_281 = vector.shape_cast %select_n3A_276 : vector<16xi32> to vector<1x16xi32>
      tpu.vector_store %arg8[%swap3A_277, %swap3A_278], %swap3A_281 {strides = array<i32>} : memref<80x128xi32, #tpu.memory_space<vmem>>, vector<1x16xi32>,
      %get3A_282 = arith.index_cast %add3A_227 : i32 to index
      %get3A_283 = arith.constant 32 : index
      %get3A_284 = tpu.vector_load %arg7[%get3A_282, %get3A_283] {strides = array<i32>} : memref<80x128xi32, #tpu.memory_space<vmem>>, vector<1x16xi32>,
      %get3A_285 = vector.shape_cast %get3A_284 : vector<1x16xi32> to vector<16xi32>
      %get3A_286 = arith.index_cast %add3A_227 : i32 to index
      %get3A_287 = arith.constant 32 : index
      %get3A_288 = tpu.vector_load %arg9[%get3A_286, %get3A_287] {strides = array<i32>} : memref<80x128xi32, #tpu.memory_space<vmem>>, vector<1x16xi32>,
      %get3A_289 = vector.shape_cast %get3A_288 : vector<1x16xi32> to vector<16xi32>
      %sub3A_290 = vector.broadcast %mul3A_60 : i32 to vector<16xi32>
      %sub3A_291 = arith.subi %get3A_285, %sub3A_290 : vector<16xi32>
      %ge3A_292 = arith.constant 0 : i32
      %ge3A_293 = vector.broadcast %ge3A_292 : i32 to vector<16xi32>
      %ge3A_294 = arith.cmpi sge, %sub3A_291, %ge3A_293 : vector<16xi32>
      %lt3A_295 = arith.constant 1280 : i32
      %lt3A_296 = vector.broadcast %lt3A_295 : i32 to vector<16xi32>
      %lt3A_297 = arith.cmpi slt, %sub3A_291, %lt3A_296 : vector<16xi32>
      %and3A_298 = arith.andi %ge3A_294, %lt3A_297 : vector<16xi1>
      %mul3A_299 = arith.constant 640 : i32
      %mul3A_300 = vector.broadcast %mul3A_299 : i32 to vector<16xi32>
      %mul3A_301 = arith.muli %sub3A_291, %mul3A_300 : vector<16xi32>
      %add3A_302 = arith.addi %mul3A_301, %get3A_289 : vector<16xi32>
      %add3A_303 = arith.constant 819232 : i32
      %add3A_304 = vector.broadcast %add3A_303 : i32 to vector<16xi32>
      %add3A_305 = arith.addi %add3A_304, %iota3A : vector<16xi32>
      %select_n3A_306 = arith.select %and3A_298, %add3A_302, %add3A_305 : vector<16xi1>, vector<16xi32>
      %swap3A_307 = arith.index_cast %add3A_227 : i32 to index
      %swap3A_308 = arith.constant 32 : index
      %swap3A_309 = tpu.vector_load %arg8[%swap3A_307, %swap3A_308] {strides = array<i32>} : memref<80x128xi32, #tpu.memory_space<vmem>>, vector<1x16xi32>,
      %swap3A_310 = vector.shape_cast %swap3A_309 : vector<1x16xi32> to vector<16xi32>
      %swap3A_311 = vector.shape_cast %select_n3A_306 : vector<16xi32> to vector<1x16xi32>
      tpu.vector_store %arg8[%swap3A_307, %swap3A_308], %swap3A_311 {strides = array<i32>} : memref<80x128xi32, #tpu.memory_space<vmem>>, vector<1x16xi32>,
      %get3A_312 = arith.index_cast %add3A_227 : i32 to index
      %get3A_313 = arith.constant 48 : index
      %get3A_314 = tpu.vector_load %arg7[%get3A_312, %get3A_313] {strides = array<i32>} : memref<80x128xi32, #tpu.memory_space<vmem>>, vector<1x16xi32>,
      %get3A_315 = vector.shape_cast %get3A_314 : vector<1x16xi32> to vector<16xi32>
      %get3A_316 = arith.index_cast %add3A_227 : i32 to index
      %get3A_317 = arith.constant 48 : index
      %get3A_318 = tpu.vector_load %arg9[%get3A_316, %get3A_317] {strides = array<i32>} : memref<80x128xi32, #tpu.memory_space<vmem>>, vector<1x16xi32>,
      %get3A_319 = vector.shape_cast %get3A_318 : vector<1x16xi32> to vector<16xi32>
      %sub3A_320 = vector.broadcast %mul3A_60 : i32 to vector<16xi32>
      %sub3A_321 = arith.subi %get3A_315, %sub3A_320 : vector<16xi32>
      %ge3A_322 = arith.constant 0 : i32
      %ge3A_323 = vector.broadcast %ge3A_322 : i32 to vector<16xi32>
      %ge3A_324 = arith.cmpi sge, %sub3A_321, %ge3A_323 : vector<16xi32>
      %lt3A_325 = arith.constant 1280 : i32
      %lt3A_326 = vector.broadcast %lt3A_325 : i32 to vector<16xi32>
      %lt3A_327 = arith.cmpi slt, %sub3A_321, %lt3A_326 : vector<16xi32>
      %and3A_328 = arith.andi %ge3A_324, %lt3A_327 : vector<16xi1>
      %mul3A_329 = arith.constant 640 : i32
      %mul3A_330 = vector.broadcast %mul3A_329 : i32 to vector<16xi32>
      %mul3A_331 = arith.muli %sub3A_321, %mul3A_330 : vector<16xi32>
      %add3A_332 = arith.addi %mul3A_331, %get3A_319 : vector<16xi32>
      %add3A_333 = arith.constant 819248 : i32
      %add3A_334 = vector.broadcast %add3A_333 : i32 to vector<16xi32>
      %add3A_335 = arith.addi %add3A_334, %iota3A : vector<16xi32>
      %select_n3A_336 = arith.select %and3A_328, %add3A_332, %add3A_335 : vector<16xi1>, vector<16xi32>
      %swap3A_337 = arith.index_cast %add3A_227 : i32 to index
      %swap3A_338 = arith.constant 48 : index
      %swap3A_339 = tpu.vector_load %arg8[%swap3A_337, %swap3A_338] {strides = array<i32>} : memref<80x128xi32, #tpu.memory_space<vmem>>, vector<1x16xi32>,
      %swap3A_340 = vector.shape_cast %swap3A_339 : vector<1x16xi32> to vector<16xi32>
      %swap3A_341 = vector.shape_cast %select_n3A_336 : vector<16xi32> to vector<1x16xi32>
      tpu.vector_store %arg8[%swap3A_337, %swap3A_338], %swap3A_341 {strides = array<i32>} : memref<80x128xi32, #tpu.memory_space<vmem>>, vector<1x16xi32>,
      %get3A_342 = arith.index_cast %add3A_227 : i32 to index
      %get3A_343 = arith.constant 64 : index
      %get3A_344 = tpu.vector_load %arg7[%get3A_342, %get3A_343] {strides = array<i32>} : memref<80x128xi32, #tpu.memory_space<vmem>>, vector<1x16xi32>,
      %get3A_345 = vector.shape_cast %get3A_344 : vector<1x16xi32> to vector<16xi32>
      %get3A_346 = arith.index_cast %add3A_227 : i32 to index
      %get3A_347 = arith.constant 64 : index
      %get3A_348 = tpu.vector_load %arg9[%get3A_346, %get3A_347] {strides = array<i32>} : memref<80x128xi32, #tpu.memory_space<vmem>>, vector<1x16xi32>,
      %get3A_349 = vector.shape_cast %get3A_348 : vector<1x16xi32> to vector<16xi32>
      %sub3A_350 = vector.broadcast %mul3A_60 : i32 to vector<16xi32>
      %sub3A_351 = arith.subi %get3A_345, %sub3A_350 : vector<16xi32>
      %ge3A_352 = arith.constant 0 : i32
      %ge3A_353 = vector.broadcast %ge3A_352 : i32 to vector<16xi32>
      %ge3A_354 = arith.cmpi sge, %sub3A_351, %ge3A_353 : vector<16xi32>
      %lt3A_355 = arith.constant 1280 : i32
      %lt3A_356 = vector.broadcast %lt3A_355 : i32 to vector<16xi32>
      %lt3A_357 = arith.cmpi slt, %sub3A_351, %lt3A_356 : vector<16xi32>
      %and3A_358 = arith.andi %ge3A_354, %lt3A_357 : vector<16xi1>
      %mul3A_359 = arith.constant 640 : i32
      %mul3A_360 = vector.broadcast %mul3A_359 : i32 to vector<16xi32>
      %mul3A_361 = arith.muli %sub3A_351, %mul3A_360 : vector<16xi32>
      %add3A_362 = arith.addi %mul3A_361, %get3A_349 : vector<16xi32>
      %add3A_363 = arith.constant 819264 : i32
      %add3A_364 = vector.broadcast %add3A_363 : i32 to vector<16xi32>
      %add3A_365 = arith.addi %add3A_364, %iota3A : vector<16xi32>
      %select_n3A_366 = arith.select %and3A_358, %add3A_362, %add3A_365 : vector<16xi1>, vector<16xi32>
      %swap3A_367 = arith.index_cast %add3A_227 : i32 to index
      %swap3A_368 = arith.constant 64 : index
      %swap3A_369 = tpu.vector_load %arg8[%swap3A_367, %swap3A_368] {strides = array<i32>} : memref<80x128xi32, #tpu.memory_space<vmem>>, vector<1x16xi32>,
      %swap3A_370 = vector.shape_cast %swap3A_369 : vector<1x16xi32> to vector<16xi32>
      %swap3A_371 = vector.shape_cast %select_n3A_366 : vector<16xi32> to vector<1x16xi32>
      tpu.vector_store %arg8[%swap3A_367, %swap3A_368], %swap3A_371 {strides = array<i32>} : memref<80x128xi32, #tpu.memory_space<vmem>>, vector<1x16xi32>,
      %get3A_372 = arith.index_cast %add3A_227 : i32 to index
      %get3A_373 = arith.constant 80 : index
      %get3A_374 = tpu.vector_load %arg7[%get3A_372, %get3A_373] {strides = array<i32>} : memref<80x128xi32, #tpu.memory_space<vmem>>, vector<1x16xi32>,
      %get3A_375 = vector.shape_cast %get3A_374 : vector<1x16xi32> to vector<16xi32>
      %get3A_376 = arith.index_cast %add3A_227 : i32 to index
      %get3A_377 = arith.constant 80 : index
      %get3A_378 = tpu.vector_load %arg9[%get3A_376, %get3A_377] {strides = array<i32>} : memref<80x128xi32, #tpu.memory_space<vmem>>, vector<1x16xi32>,
      %get3A_379 = vector.shape_cast %get3A_378 : vector<1x16xi32> to vector<16xi32>
      %sub3A_380 = vector.broadcast %mul3A_60 : i32 to vector<16xi32>
      %sub3A_381 = arith.subi %get3A_375, %sub3A_380 : vector<16xi32>
      %ge3A_382 = arith.constant 0 : i32
      %ge3A_383 = vector.broadcast %ge3A_382 : i32 to vector<16xi32>
      %ge3A_384 = arith.cmpi sge, %sub3A_381, %ge3A_383 : vector<16xi32>
      %lt3A_385 = arith.constant 1280 : i32
      %lt3A_386 = vector.broadcast %lt3A_385 : i32 to vector<16xi32>
      %lt3A_387 = arith.cmpi slt, %sub3A_381, %lt3A_386 : vector<16xi32>
      %and3A_388 = arith.andi %ge3A_384, %lt3A_387 : vector<16xi1>
      %mul3A_389 = arith.constant 640 : i32
      %mul3A_390 = vector.broadcast %mul3A_389 : i32 to vector<16xi32>
      %mul3A_391 = arith.muli %sub3A_381, %mul3A_390 : vector<16xi32>
      %add3A_392 = arith.addi %mul3A_391, %get3A_379 : vector<16xi32>
      %add3A_393 = arith.constant 819280 : i32
      %add3A_394 = vector.broadcast %add3A_393 : i32 to vector<16xi32>
      %add3A_395 = arith.addi %add3A_394, %iota3A : vector<16xi32>
      %select_n3A_396 = arith.select %and3A_388, %add3A_392, %add3A_395 : vector<16xi1>, vector<16xi32>
      %swap3A_397 = arith.index_cast %add3A_227 : i32 to index
      %swap3A_398 = arith.constant 80 : index
      %swap3A_399 = tpu.vector_load %arg8[%swap3A_397, %swap3A_398] {strides = array<i32>} : memref<80x128xi32, #tpu.memory_space<vmem>>, vector<1x16xi32>,
      %swap3A_400 = vector.shape_cast %swap3A_399 : vector<1x16xi32> to vector<16xi32>
      %swap3A_401 = vector.shape_cast %select_n3A_396 : vector<16xi32> to vector<1x16xi32>
      tpu.vector_store %arg8[%swap3A_397, %swap3A_398], %swap3A_401 {strides = array<i32>} : memref<80x128xi32, #tpu.memory_space<vmem>>, vector<1x16xi32>,
      %get3A_402 = arith.index_cast %add3A_227 : i32 to index
      %get3A_403 = arith.constant 96 : index
      %get3A_404 = tpu.vector_load %arg7[%get3A_402, %get3A_403] {strides = array<i32>} : memref<80x128xi32, #tpu.memory_space<vmem>>, vector<1x16xi32>,
      %get3A_405 = vector.shape_cast %get3A_404 : vector<1x16xi32> to vector<16xi32>
      %get3A_406 = arith.index_cast %add3A_227 : i32 to index
      %get3A_407 = arith.constant 96 : index
      %get3A_408 = tpu.vector_load %arg9[%get3A_406, %get3A_407] {strides = array<i32>} : memref<80x128xi32, #tpu.memory_space<vmem>>, vector<1x16xi32>,
      %get3A_409 = vector.shape_cast %get3A_408 : vector<1x16xi32> to vector<16xi32>
      %sub3A_410 = vector.broadcast %mul3A_60 : i32 to vector<16xi32>
      %sub3A_411 = arith.subi %get3A_405, %sub3A_410 : vector<16xi32>
      %ge3A_412 = arith.constant 0 : i32
      %ge3A_413 = vector.broadcast %ge3A_412 : i32 to vector<16xi32>
      %ge3A_414 = arith.cmpi sge, %sub3A_411, %ge3A_413 : vector<16xi32>
      %lt3A_415 = arith.constant 1280 : i32
      %lt3A_416 = vector.broadcast %lt3A_415 : i32 to vector<16xi32>
      %lt3A_417 = arith.cmpi slt, %sub3A_411, %lt3A_416 : vector<16xi32>
      %and3A_418 = arith.andi %ge3A_414, %lt3A_417 : vector<16xi1>
      %mul3A_419 = arith.constant 640 : i32
      %mul3A_420 = vector.broadcast %mul3A_419 : i32 to vector<16xi32>
      %mul3A_421 = arith.muli %sub3A_411, %mul3A_420 : vector<16xi32>
      %add3A_422 = arith.addi %mul3A_421, %get3A_409 : vector<16xi32>
      %add3A_423 = arith.constant 819296 : i32
      %add3A_424 = vector.broadcast %add3A_423 : i32 to vector<16xi32>
      %add3A_425 = arith.addi %add3A_424, %iota3A : vector<16xi32>
      %select_n3A_426 = arith.select %and3A_418, %add3A_422, %add3A_425 : vector<16xi1>, vector<16xi32>
      %swap3A_427 = arith.index_cast %add3A_227 : i32 to index
      %swap3A_428 = arith.constant 96 : index
      %swap3A_429 = tpu.vector_load %arg8[%swap3A_427, %swap3A_428] {strides = array<i32>} : memref<80x128xi32, #tpu.memory_space<vmem>>, vector<1x16xi32>,
      %swap3A_430 = vector.shape_cast %swap3A_429 : vector<1x16xi32> to vector<16xi32>
      %swap3A_431 = vector.shape_cast %select_n3A_426 : vector<16xi32> to vector<1x16xi32>
      tpu.vector_store %arg8[%swap3A_427, %swap3A_428], %swap3A_431 {strides = array<i32>} : memref<80x128xi32, #tpu.memory_space<vmem>>, vector<1x16xi32>,
      %get3A_432 = arith.index_cast %add3A_227 : i32 to index
      %get3A_433 = arith.constant 112 : index
      %get3A_434 = tpu.vector_load %arg7[%get3A_432, %get3A_433] {strides = array<i32>} : memref<80x128xi32, #tpu.memory_space<vmem>>, vector<1x16xi32>,
      %get3A_435 = vector.shape_cast %get3A_434 : vector<1x16xi32> to vector<16xi32>
      %get3A_436 = arith.index_cast %add3A_227 : i32 to index
      %get3A_437 = arith.constant 112 : index
      %get3A_438 = tpu.vector_load %arg9[%get3A_436, %get3A_437] {strides = array<i32>} : memref<80x128xi32, #tpu.memory_space<vmem>>, vector<1x16xi32>,
      %get3A_439 = vector.shape_cast %get3A_438 : vector<1x16xi32> to vector<16xi32>
      %sub3A_440 = vector.broadcast %mul3A_60 : i32 to vector<16xi32>
      %sub3A_441 = arith.subi %get3A_435, %sub3A_440 : vector<16xi32>
      %ge3A_442 = arith.constant 0 : i32
      %ge3A_443 = vector.broadcast %ge3A_442 : i32 to vector<16xi32>
      %ge3A_444 = arith.cmpi sge, %sub3A_441, %ge3A_443 : vector<16xi32>
      %lt3A_445 = arith.constant 1280 : i32
      %lt3A_446 = vector.broadcast %lt3A_445 : i32 to vector<16xi32>
      %lt3A_447 = arith.cmpi slt, %sub3A_441, %lt3A_446 : vector<16xi32>
      %and3A_448 = arith.andi %ge3A_444, %lt3A_447 : vector<16xi1>
      %mul3A_449 = arith.constant 640 : i32
      %mul3A_450 = vector.broadcast %mul3A_449 : i32 to vector<16xi32>
      %mul3A_451 = arith.muli %sub3A_441, %mul3A_450 : vector<16xi32>
      %add3A_452 = arith.addi %mul3A_451, %get3A_439 : vector<16xi32>
      %add3A_453 = arith.constant 819312 : i32
      %add3A_454 = vector.broadcast %add3A_453 : i32 to vector<16xi32>
      %add3A_455 = arith.addi %add3A_454, %iota3A : vector<16xi32>
      %select_n3A_456 = arith.select %and3A_448, %add3A_452, %add3A_455 : vector<16xi1>, vector<16xi32>
      %swap3A_457 = arith.index_cast %add3A_227 : i32 to index
      %swap3A_458 = arith.constant 112 : index
      %swap3A_459 = tpu.vector_load %arg8[%swap3A_457, %swap3A_458] {strides = array<i32>} : memref<80x128xi32, #tpu.memory_space<vmem>>, vector<1x16xi32>,
      %swap3A_460 = vector.shape_cast %swap3A_459 : vector<1x16xi32> to vector<16xi32>
      %swap3A_461 = vector.shape_cast %select_n3A_456 : vector<16xi32> to vector<1x16xi32>
      tpu.vector_store %arg8[%swap3A_457, %swap3A_458], %swap3A_461 {strides = array<i32>} : memref<80x128xi32, #tpu.memory_space<vmem>>, vector<1x16xi32>,
      "tpu.region"() ({
        %run_scoped3A = tpu.sem_alloc : memref<!tpu.dma_semaphore, #tpu.memory_space<semaphore_mem>>
        %dma_start3A = arith.constant 0 : i32
        %dma_start3A_462 = tpu.memref_slice %arg8[%add3A_227, %dma_start3A] : memref<80x128xi32, #tpu.memory_space<vmem>> -> memref<1x128xi32, #tpu.memory_space<vmem>>
        %dma_start3A_463 = tpu.memref_squeeze %dma_start3A_462 : memref<1x128xi32, #tpu.memory_space<vmem>> -> memref<128xi32, #tpu.memory_space<vmem>>
        %dma_start3A_464 = arith.constant 0 : i32
        %dma_start3A_465 = tpu.memref_slice %arg13[%dma_start3A_464] : memref<819328xf32, #tpu.memory_space<vmem_shared>> -> memref<819328xf32, #tpu.memory_space<vmem_shared>>
        tpu.enqueue_indirect_dma source(%arg10 : memref<128xf32, #tpu.memory_space<vmem>>) target(%dma_start3A_465 : memref<819328xf32, #tpu.memory_space<vmem_shared>>) offsets(%dma_start3A_463 : memref<128xi32, #tpu.memory_space<vmem>>) semaphore(%run_scoped3A : memref<!tpu.dma_semaphore, #tpu.memory_space<semaphore_mem>>) {add = true}
        %dma_wait3A = arith.constant 0 : i32
        %dma_wait3A_466 = tpu.memref_slice %arg8[%add3A_227, %dma_wait3A] : memref<80x128xi32, #tpu.memory_space<vmem>> -> memref<1x128xi32, #tpu.memory_space<vmem>>
        %dma_wait3A_467 = tpu.memref_squeeze %dma_wait3A_466 : memref<1x128xi32, #tpu.memory_space<vmem>> -> memref<128xi32, #tpu.memory_space<vmem>>
        %dma_wait3A_468 = arith.constant 0 : i32
        %dma_wait3A_469 = tpu.memref_slice %arg13[%dma_wait3A_468] : memref<819328xf32, #tpu.memory_space<vmem_shared>> -> memref<819328xf32, #tpu.memory_space<vmem_shared>>
        tpu.wait_indirect_dma semaphore(%run_scoped3A : memref<!tpu.dma_semaphore, #tpu.memory_space<semaphore_mem>>) src(%arg10 : memref<128xf32, #tpu.memory_space<vmem>>) dst(%dma_wait3A_469 : memref<819328xf32, #tpu.memory_space<vmem_shared>>)
        tpu.yield
      }) : () -> ()
    }
    %scan3A_87 = arith.constant 80 : i32
    %barrier3A_88 = arith.constant 0 : index
    tpu.barrier barrier_id(%barrier3A_88)
    %mul3A_89 = arith.constant 51200 : i32
    %mul3A_90 = arith.muli %arg1, %mul3A_89 : i32
    %mul3A_91 = arith.constant 640 : i32
    %mul3A_92 = arith.muli %mul3A_60, %mul3A_91 : i32
    %mul3A_93 = arith.constant 51200 : i32
    %mul3A_94 = arith.muli %arg1, %mul3A_93 : i32
    %add3A_95 = arith.addi %mul3A_92, %mul3A_94 : i32
    "tpu.region"() ({
      %run_scoped3A = tpu.sem_alloc : memref<!tpu.dma_semaphore, #tpu.memory_space<semaphore_mem>>
      %dma_start3A = tpu.memref_slice %arg5[%add3A_95] : memref<6553600xf32, #tpu.memory_space<hbm>> -> memref<51200xf32, #tpu.memory_space<hbm>>
      %dma_start3A_223 = tpu.memref_slice %arg13[%mul3A_90] : memref<819328xf32, #tpu.memory_space<vmem_shared>> -> memref<51200xf32, #tpu.memory_space<vmem_shared>>
      tpu.enqueue_dma source(%dma_start3A_223 : memref<51200xf32, #tpu.memory_space<vmem_shared>>) target(%dma_start3A : memref<51200xf32, #tpu.memory_space<hbm>>) target_semaphore(%run_scoped3A : memref<!tpu.dma_semaphore, #tpu.memory_space<semaphore_mem>>)
      %dma_wait3A = tpu.memref_slice %arg5[%add3A_95] : memref<6553600xf32, #tpu.memory_space<hbm>> -> memref<51200xf32, #tpu.memory_space<hbm>>
      %dma_wait3A_224 = tpu.memref_slice %arg13[%mul3A_90] : memref<819328xf32, #tpu.memory_space<vmem_shared>> -> memref<51200xf32, #tpu.memory_space<vmem_shared>>
      tpu.wait_dma2 semaphore(%run_scoped3A : memref<!tpu.dma_semaphore, #tpu.memory_space<semaphore_mem>>) src(%dma_wait3A_224 : memref<51200xf32, #tpu.memory_space<vmem_shared>>) dst(%dma_wait3A : memref<51200xf32, #tpu.memory_space<hbm>>)
      tpu.yield
    }) : () -> ()
    %barrier3A_96 = arith.constant 0 : index
    tpu.barrier barrier_id(%barrier3A_96)
    %mul3A_97 = arith.constant 4 : i32
    %mul3A_98 = arith.muli %mul3A_97, %arg0 : i32
    %add3A_99 = arith.constant 1 : i32
    %add3A_100 = arith.addi %mul3A_98, %add3A_99 : i32
    %mul3A_101 = arith.constant 1280 : i32
    %mul3A_102 = arith.muli %add3A_100, %mul3A_101 : i32
    %mul3A_103 = arith.constant 51200 : i32
    %mul3A_104 = arith.muli %arg1, %mul3A_103 : i32
    %add3A_105 = arith.constant 0 : i32
    %add3A_106 = arith.addi %mul3A_104, %add3A_105 : i32
    "tpu.region"() ({
      %run_scoped3A = tpu.sem_alloc : memref<!tpu.dma_semaphore, #tpu.memory_space<semaphore_mem>>
      %dma_start3A = tpu.memref_slice %arg13[%add3A_106] : memref<819328xf32, #tpu.memory_space<vmem_shared>> -> memref<12800xf32, #tpu.memory_space<vmem_shared>>
      %dma_start3A_223 = tpu.memref_slice %arg13[%add3A_106] : memref<819328xf32, #tpu.memory_space<vmem_shared>> -> memref<12800xf32, #tpu.memory_space<vmem_shared>>
      tpu.enqueue_dma source(%arg11 : memref<12800xf32, #tpu.memory_space<vmem>>) target(%dma_start3A_223 : memref<12800xf32, #tpu.memory_space<vmem_shared>>) target_semaphore(%run_scoped3A : memref<!tpu.dma_semaphore, #tpu.memory_space<semaphore_mem>>)
      %dma_wait3A = tpu.memref_slice %arg13[%add3A_106] : memref<819328xf32, #tpu.memory_space<vmem_shared>> -> memref<12800xf32, #tpu.memory_space<vmem_shared>>
      %dma_wait3A_224 = tpu.memref_slice %arg13[%add3A_106] : memref<819328xf32, #tpu.memory_space<vmem_shared>> -> memref<12800xf32, #tpu.memory_space<vmem_shared>>
      tpu.wait_dma2 semaphore(%run_scoped3A : memref<!tpu.dma_semaphore, #tpu.memory_space<semaphore_mem>>) src(%arg11 : memref<12800xf32, #tpu.memory_space<vmem>>) dst(%dma_wait3A_224 : memref<12800xf32, #tpu.memory_space<vmem_shared>>)
      tpu.yield
    }) : () -> ()
    %mul3A_107 = arith.constant 51200 : i32
    %mul3A_108 = arith.muli %arg1, %mul3A_107 : i32
    %add3A_109 = arith.constant 12800 : i32
    %add3A_110 = arith.addi %mul3A_108, %add3A_109 : i32
    "tpu.region"() ({
      %run_scoped3A = tpu.sem_alloc : memref<!tpu.dma_semaphore, #tpu.memory_space<semaphore_mem>>
      %dma_start3A = tpu.memref_slice %arg13[%add3A_110] : memref<819328xf32, #tpu.memory_space<vmem_shared>> -> memref<12800xf32, #tpu.memory_space<vmem_shared>>
      %dma_start3A_223 = tpu.memref_slice %arg13[%add3A_110] : memref<819328xf32, #tpu.memory_space<vmem_shared>> -> memref<12800xf32, #tpu.memory_space<vmem_shared>>
      tpu.enqueue_dma source(%arg11 : memref<12800xf32, #tpu.memory_space<vmem>>) target(%dma_start3A_223 : memref<12800xf32, #tpu.memory_space<vmem_shared>>) target_semaphore(%run_scoped3A : memref<!tpu.dma_semaphore, #tpu.memory_space<semaphore_mem>>)
      %dma_wait3A = tpu.memref_slice %arg13[%add3A_110] : memref<819328xf32, #tpu.memory_space<vmem_shared>> -> memref<12800xf32, #tpu.memory_space<vmem_shared>>
      %dma_wait3A_224 = tpu.memref_slice %arg13[%add3A_110] : memref<819328xf32, #tpu.memory_space<vmem_shared>> -> memref<12800xf32, #tpu.memory_space<vmem_shared>>
      tpu.wait_dma2 semaphore(%run_scoped3A : memref<!tpu.dma_semaphore, #tpu.memory_space<semaphore_mem>>) src(%arg11 : memref<12800xf32, #tpu.memory_space<vmem>>) dst(%dma_wait3A_224 : memref<12800xf32, #tpu.memory_space<vmem_shared>>)
      tpu.yield
    }) : () -> ()
    %mul3A_111 = arith.constant 51200 : i32
    %mul3A_112 = arith.muli %arg1, %mul3A_111 : i32
    %add3A_113 = arith.constant 25600 : i32
    %add3A_114 = arith.addi %mul3A_112, %add3A_113 : i32
    "tpu.region"() ({
      %run_scoped3A = tpu.sem_alloc : memref<!tpu.dma_semaphore, #tpu.memory_space<semaphore_mem>>
      %dma_start3A = tpu.memref_slice %arg13[%add3A_114] : memref<819328xf32, #tpu.memory_space<vmem_shared>> -> memref<12800xf32, #tpu.memory_space<vmem_shared>>
      %dma_start3A_223 = tpu.memref_slice %arg13[%add3A_114] : memref<819328xf32, #tpu.memory_space<vmem_shared>> -> memref<12800xf32, #tpu.memory_space<vmem_shared>>
      tpu.enqueue_dma source(%arg11 : memref<12800xf32, #tpu.memory_space<vmem>>) target(%dma_start3A_223 : memref<12800xf32, #tpu.memory_space<vmem_shared>>) target_semaphore(%run_scoped3A : memref<!tpu.dma_semaphore, #tpu.memory_space<semaphore_mem>>)
      %dma_wait3A = tpu.memref_slice %arg13[%add3A_114] : memref<819328xf32, #tpu.memory_space<vmem_shared>> -> memref<12800xf32, #tpu.memory_space<vmem_shared>>
      %dma_wait3A_224 = tpu.memref_slice %arg13[%add3A_114] : memref<819328xf32, #tpu.memory_space<vmem_shared>> -> memref<12800xf32, #tpu.memory_space<vmem_shared>>
      tpu.wait_dma2 semaphore(%run_scoped3A : memref<!tpu.dma_semaphore, #tpu.memory_space<semaphore_mem>>) src(%arg11 : memref<12800xf32, #tpu.memory_space<vmem>>) dst(%dma_wait3A_224 : memref<12800xf32, #tpu.memory_space<vmem_shared>>)
      tpu.yield
    }) : () -> ()
    %mul3A_115 = arith.constant 51200 : i32
    %mul3A_116 = arith.muli %arg1, %mul3A_115 : i32
    %add3A_117 = arith.constant 38400 : i32
    %add3A_118 = arith.addi %mul3A_116, %add3A_117 : i32
    "tpu.region"() ({
      %run_scoped3A = tpu.sem_alloc : memref<!tpu.dma_semaphore, #tpu.memory_space<semaphore_mem>>
      %dma_start3A = tpu.memref_slice %arg13[%add3A_118] : memref<819328xf32, #tpu.memory_space<vmem_shared>> -> memref<12800xf32, #tpu.memory_space<vmem_shared>>
      %dma_start3A_223 = tpu.memref_slice %arg13[%add3A_118] : memref<819328xf32, #tpu.memory_space<vmem_shared>> -> memref<12800xf32, #tpu.memory_space<vmem_shared>>
      tpu.enqueue_dma source(%arg11 : memref<12800xf32, #tpu.memory_space<vmem>>) target(%dma_start3A_223 : memref<12800xf32, #tpu.memory_space<vmem_shared>>) target_semaphore(%run_scoped3A : memref<!tpu.dma_semaphore, #tpu.memory_space<semaphore_mem>>)
      %dma_wait3A = tpu.memref_slice %arg13[%add3A_118] : memref<819328xf32, #tpu.memory_space<vmem_shared>> -> memref<12800xf32, #tpu.memory_space<vmem_shared>>
      %dma_wait3A_224 = tpu.memref_slice %arg13[%add3A_118] : memref<819328xf32, #tpu.memory_space<vmem_shared>> -> memref<12800xf32, #tpu.memory_space<vmem_shared>>
      tpu.wait_dma2 semaphore(%run_scoped3A : memref<!tpu.dma_semaphore, #tpu.memory_space<semaphore_mem>>) src(%arg11 : memref<12800xf32, #tpu.memory_space<vmem>>) dst(%dma_wait3A_224 : memref<12800xf32, #tpu.memory_space<vmem_shared>>)
      tpu.yield
    }) : () -> ()
    %eq3A_119 = arith.constant 0 : i32
    %eq3A_120 = arith.cmpi eq, %arg1, %eq3A_119 : i32
    %convert_element_type3A_121 = arith.extui %eq3A_120 : i1 to i32
    %cond3A_122 = arith.constant 0 : i32
    %cond3A_123 = arith.cmpi ne, %convert_element_type3A_121, %cond3A_122 : i32
    scf.if %cond3A_123 {
      "tpu.region"() ({
        %run_scoped3A = tpu.sem_alloc : memref<!tpu.dma_semaphore, #tpu.memory_space<semaphore_mem>>
        %dma_start3A = arith.constant 0 : i32
        %dma_start3A_223 = tpu.memref_slice %arg11[%dma_start3A] : memref<12800xf32, #tpu.memory_space<vmem>> -> memref<128xf32, #tpu.memory_space<vmem>>
        %dma_start3A_224 = arith.constant 819200 : i32
        %dma_start3A_225 = tpu.memref_slice %arg13[%dma_start3A_224] : memref<819328xf32, #tpu.memory_space<vmem_shared>> -> memref<128xf32, #tpu.memory_space<vmem_shared>>
        %dma_start3A_226 = arith.constant 819200 : i32
        %dma_start3A_227 = tpu.memref_slice %arg13[%dma_start3A_226] : memref<819328xf32, #tpu.memory_space<vmem_shared>> -> memref<128xf32, #tpu.memory_space<vmem_shared>>
        %dma_start3A_228 = arith.constant 0 : i32
        %dma_start3A_229 = tpu.memref_slice %arg11[%dma_start3A_228] : memref<12800xf32, #tpu.memory_space<vmem>> -> memref<128xf32, #tpu.memory_space<vmem>>
        tpu.enqueue_dma source(%dma_start3A_229 : memref<128xf32, #tpu.memory_space<vmem>>) target(%dma_start3A_227 : memref<128xf32, #tpu.memory_space<vmem_shared>>) target_semaphore(%run_scoped3A : memref<!tpu.dma_semaphore, #tpu.memory_space<semaphore_mem>>)
        %dma_wait3A = arith.constant 0 : i32
        %dma_wait3A_230 = tpu.memref_slice %arg11[%dma_wait3A] : memref<12800xf32, #tpu.memory_space<vmem>> -> memref<128xf32, #tpu.memory_space<vmem>>
        %dma_wait3A_231 = arith.constant 819200 : i32
        %dma_wait3A_232 = tpu.memref_slice %arg13[%dma_wait3A_231] : memref<819328xf32, #tpu.memory_space<vmem_shared>> -> memref<128xf32, #tpu.memory_space<vmem_shared>>
        %dma_wait3A_233 = arith.constant 819200 : i32
        %dma_wait3A_234 = tpu.memref_slice %arg13[%dma_wait3A_233] : memref<819328xf32, #tpu.memory_space<vmem_shared>> -> memref<128xf32, #tpu.memory_space<vmem_shared>>
        %dma_wait3A_235 = arith.constant 0 : i32
        %dma_wait3A_236 = tpu.memref_slice %arg11[%dma_wait3A_235] : memref<12800xf32, #tpu.memory_space<vmem>> -> memref<128xf32, #tpu.memory_space<vmem>>
        tpu.wait_dma2 semaphore(%run_scoped3A : memref<!tpu.dma_semaphore, #tpu.memory_space<semaphore_mem>>) src(%dma_wait3A_236 : memref<128xf32, #tpu.memory_space<vmem>>) dst(%dma_wait3A_234 : memref<128xf32, #tpu.memory_space<vmem_shared>>)
        tpu.yield
      }) : () -> ()
    } else {
    }
    %barrier3A_124 = arith.constant 0 : index
    tpu.barrier barrier_id(%barrier3A_124)
    %scan3A_125 = arith.constant 0 : i32
    %scan3A_126 = arith.constant 80 : i32
    %scan3A_127 = arith.addi %scan3A_125, %scan3A_126 : i32
    %scan3A_128 = arith.constant 1 : i32
    scf.for %scan3A_223 = %scan3A_125 to %scan3A_127 step %scan3A_128  : i32 {
      %mul3A_224 = arith.constant 1 : i32
      %mul3A_225 = arith.muli %scan3A_223, %mul3A_224 : i32
      %add3A_226 = arith.constant 0 : i32
      %add3A_227 = arith.addi %add3A_226, %mul3A_225 : i32
      %get3A = arith.index_cast %add3A_227 : i32 to index
      %get3A_228 = arith.constant 0 : index
      %get3A_229 = tpu.vector_load %arg7[%get3A, %get3A_228] {strides = array<i32>} : memref<80x128xi32, #tpu.memory_space<vmem>>, vector<1x16xi32>,
      %get3A_230 = vector.shape_cast %get3A_229 : vector<1x16xi32> to vector<16xi32>
      %get3A_231 = arith.index_cast %add3A_227 : i32 to index
      %get3A_232 = arith.constant 0 : index
      %get3A_233 = tpu.vector_load %arg9[%get3A_231, %get3A_232] {strides = array<i32>} : memref<80x128xi32, #tpu.memory_space<vmem>>, vector<1x16xi32>,
      %get3A_234 = vector.shape_cast %get3A_233 : vector<1x16xi32> to vector<16xi32>
      %sub3A = vector.broadcast %mul3A_102 : i32 to vector<16xi32>
      %sub3A_235 = arith.subi %get3A_230, %sub3A : vector<16xi32>
      %ge3A = arith.constant 0 : i32
      %ge3A_236 = vector.broadcast %ge3A : i32 to vector<16xi32>
      %ge3A_237 = arith.cmpi sge, %sub3A_235, %ge3A_236 : vector<16xi32>
      %lt3A = arith.constant 1280 : i32
      %lt3A_238 = vector.broadcast %lt3A : i32 to vector<16xi32>
      %lt3A_239 = arith.cmpi slt, %sub3A_235, %lt3A_238 : vector<16xi32>
      %and3A = arith.andi %ge3A_237, %lt3A_239 : vector<16xi1>
      %mul3A_240 = arith.constant 640 : i32
      %mul3A_241 = vector.broadcast %mul3A_240 : i32 to vector<16xi32>
      %mul3A_242 = arith.muli %sub3A_235, %mul3A_241 : vector<16xi32>
      %add3A_243 = arith.addi %mul3A_242, %get3A_234 : vector<16xi32>
      %add3A_244 = arith.constant 819200 : i32
      %add3A_245 = vector.broadcast %add3A_244 : i32 to vector<16xi32>
      %add3A_246 = arith.addi %add3A_245, %iota3A : vector<16xi32>
      %select_n3A = arith.select %and3A, %add3A_243, %add3A_246 : vector<16xi1>, vector<16xi32>
      %swap3A_247 = arith.index_cast %add3A_227 : i32 to index
      %swap3A_248 = arith.constant 0 : index
      %swap3A_249 = tpu.vector_load %arg8[%swap3A_247, %swap3A_248] {strides = array<i32>} : memref<80x128xi32, #tpu.memory_space<vmem>>, vector<1x16xi32>,
      %swap3A_250 = vector.shape_cast %swap3A_249 : vector<1x16xi32> to vector<16xi32>
      %swap3A_251 = vector.shape_cast %select_n3A : vector<16xi32> to vector<1x16xi32>
      tpu.vector_store %arg8[%swap3A_247, %swap3A_248], %swap3A_251 {strides = array<i32>} : memref<80x128xi32, #tpu.memory_space<vmem>>, vector<1x16xi32>,
      %get3A_252 = arith.index_cast %add3A_227 : i32 to index
      %get3A_253 = arith.constant 16 : index
      %get3A_254 = tpu.vector_load %arg7[%get3A_252, %get3A_253] {strides = array<i32>} : memref<80x128xi32, #tpu.memory_space<vmem>>, vector<1x16xi32>,
      %get3A_255 = vector.shape_cast %get3A_254 : vector<1x16xi32> to vector<16xi32>
      %get3A_256 = arith.index_cast %add3A_227 : i32 to index
      %get3A_257 = arith.constant 16 : index
      %get3A_258 = tpu.vector_load %arg9[%get3A_256, %get3A_257] {strides = array<i32>} : memref<80x128xi32, #tpu.memory_space<vmem>>, vector<1x16xi32>,
      %get3A_259 = vector.shape_cast %get3A_258 : vector<1x16xi32> to vector<16xi32>
      %sub3A_260 = vector.broadcast %mul3A_102 : i32 to vector<16xi32>
      %sub3A_261 = arith.subi %get3A_255, %sub3A_260 : vector<16xi32>
      %ge3A_262 = arith.constant 0 : i32
      %ge3A_263 = vector.broadcast %ge3A_262 : i32 to vector<16xi32>
      %ge3A_264 = arith.cmpi sge, %sub3A_261, %ge3A_263 : vector<16xi32>
      %lt3A_265 = arith.constant 1280 : i32
      %lt3A_266 = vector.broadcast %lt3A_265 : i32 to vector<16xi32>
      %lt3A_267 = arith.cmpi slt, %sub3A_261, %lt3A_266 : vector<16xi32>
      %and3A_268 = arith.andi %ge3A_264, %lt3A_267 : vector<16xi1>
      %mul3A_269 = arith.constant 640 : i32
      %mul3A_270 = vector.broadcast %mul3A_269 : i32 to vector<16xi32>
      %mul3A_271 = arith.muli %sub3A_261, %mul3A_270 : vector<16xi32>
      %add3A_272 = arith.addi %mul3A_271, %get3A_259 : vector<16xi32>
      %add3A_273 = arith.constant 819216 : i32
      %add3A_274 = vector.broadcast %add3A_273 : i32 to vector<16xi32>
      %add3A_275 = arith.addi %add3A_274, %iota3A : vector<16xi32>
      %select_n3A_276 = arith.select %and3A_268, %add3A_272, %add3A_275 : vector<16xi1>, vector<16xi32>
      %swap3A_277 = arith.index_cast %add3A_227 : i32 to index
      %swap3A_278 = arith.constant 16 : index
      %swap3A_279 = tpu.vector_load %arg8[%swap3A_277, %swap3A_278] {strides = array<i32>} : memref<80x128xi32, #tpu.memory_space<vmem>>, vector<1x16xi32>,
      %swap3A_280 = vector.shape_cast %swap3A_279 : vector<1x16xi32> to vector<16xi32>
      %swap3A_281 = vector.shape_cast %select_n3A_276 : vector<16xi32> to vector<1x16xi32>
      tpu.vector_store %arg8[%swap3A_277, %swap3A_278], %swap3A_281 {strides = array<i32>} : memref<80x128xi32, #tpu.memory_space<vmem>>, vector<1x16xi32>,
      %get3A_282 = arith.index_cast %add3A_227 : i32 to index
      %get3A_283 = arith.constant 32 : index
      %get3A_284 = tpu.vector_load %arg7[%get3A_282, %get3A_283] {strides = array<i32>} : memref<80x128xi32, #tpu.memory_space<vmem>>, vector<1x16xi32>,
      %get3A_285 = vector.shape_cast %get3A_284 : vector<1x16xi32> to vector<16xi32>
      %get3A_286 = arith.index_cast %add3A_227 : i32 to index
      %get3A_287 = arith.constant 32 : index
      %get3A_288 = tpu.vector_load %arg9[%get3A_286, %get3A_287] {strides = array<i32>} : memref<80x128xi32, #tpu.memory_space<vmem>>, vector<1x16xi32>,
      %get3A_289 = vector.shape_cast %get3A_288 : vector<1x16xi32> to vector<16xi32>
      %sub3A_290 = vector.broadcast %mul3A_102 : i32 to vector<16xi32>
      %sub3A_291 = arith.subi %get3A_285, %sub3A_290 : vector<16xi32>
      %ge3A_292 = arith.constant 0 : i32
      %ge3A_293 = vector.broadcast %ge3A_292 : i32 to vector<16xi32>
      %ge3A_294 = arith.cmpi sge, %sub3A_291, %ge3A_293 : vector<16xi32>
      %lt3A_295 = arith.constant 1280 : i32
      %lt3A_296 = vector.broadcast %lt3A_295 : i32 to vector<16xi32>
      %lt3A_297 = arith.cmpi slt, %sub3A_291, %lt3A_296 : vector<16xi32>
      %and3A_298 = arith.andi %ge3A_294, %lt3A_297 : vector<16xi1>
      %mul3A_299 = arith.constant 640 : i32
      %mul3A_300 = vector.broadcast %mul3A_299 : i32 to vector<16xi32>
      %mul3A_301 = arith.muli %sub3A_291, %mul3A_300 : vector<16xi32>
      %add3A_302 = arith.addi %mul3A_301, %get3A_289 : vector<16xi32>
      %add3A_303 = arith.constant 819232 : i32
      %add3A_304 = vector.broadcast %add3A_303 : i32 to vector<16xi32>
      %add3A_305 = arith.addi %add3A_304, %iota3A : vector<16xi32>
      %select_n3A_306 = arith.select %and3A_298, %add3A_302, %add3A_305 : vector<16xi1>, vector<16xi32>
      %swap3A_307 = arith.index_cast %add3A_227 : i32 to index
      %swap3A_308 = arith.constant 32 : index
      %swap3A_309 = tpu.vector_load %arg8[%swap3A_307, %swap3A_308] {strides = array<i32>} : memref<80x128xi32, #tpu.memory_space<vmem>>, vector<1x16xi32>,
      %swap3A_310 = vector.shape_cast %swap3A_309 : vector<1x16xi32> to vector<16xi32>
      %swap3A_311 = vector.shape_cast %select_n3A_306 : vector<16xi32> to vector<1x16xi32>
      tpu.vector_store %arg8[%swap3A_307, %swap3A_308], %swap3A_311 {strides = array<i32>} : memref<80x128xi32, #tpu.memory_space<vmem>>, vector<1x16xi32>,
      %get3A_312 = arith.index_cast %add3A_227 : i32 to index
      %get3A_313 = arith.constant 48 : index
      %get3A_314 = tpu.vector_load %arg7[%get3A_312, %get3A_313] {strides = array<i32>} : memref<80x128xi32, #tpu.memory_space<vmem>>, vector<1x16xi32>,
      %get3A_315 = vector.shape_cast %get3A_314 : vector<1x16xi32> to vector<16xi32>
      %get3A_316 = arith.index_cast %add3A_227 : i32 to index
      %get3A_317 = arith.constant 48 : index
      %get3A_318 = tpu.vector_load %arg9[%get3A_316, %get3A_317] {strides = array<i32>} : memref<80x128xi32, #tpu.memory_space<vmem>>, vector<1x16xi32>,
      %get3A_319 = vector.shape_cast %get3A_318 : vector<1x16xi32> to vector<16xi32>
      %sub3A_320 = vector.broadcast %mul3A_102 : i32 to vector<16xi32>
      %sub3A_321 = arith.subi %get3A_315, %sub3A_320 : vector<16xi32>
      %ge3A_322 = arith.constant 0 : i32
      %ge3A_323 = vector.broadcast %ge3A_322 : i32 to vector<16xi32>
      %ge3A_324 = arith.cmpi sge, %sub3A_321, %ge3A_323 : vector<16xi32>
      %lt3A_325 = arith.constant 1280 : i32
      %lt3A_326 = vector.broadcast %lt3A_325 : i32 to vector<16xi32>
      %lt3A_327 = arith.cmpi slt, %sub3A_321, %lt3A_326 : vector<16xi32>
      %and3A_328 = arith.andi %ge3A_324, %lt3A_327 : vector<16xi1>
      %mul3A_329 = arith.constant 640 : i32
      %mul3A_330 = vector.broadcast %mul3A_329 : i32 to vector<16xi32>
      %mul3A_331 = arith.muli %sub3A_321, %mul3A_330 : vector<16xi32>
      %add3A_332 = arith.addi %mul3A_331, %get3A_319 : vector<16xi32>
      %add3A_333 = arith.constant 819248 : i32
      %add3A_334 = vector.broadcast %add3A_333 : i32 to vector<16xi32>
      %add3A_335 = arith.addi %add3A_334, %iota3A : vector<16xi32>
      %select_n3A_336 = arith.select %and3A_328, %add3A_332, %add3A_335 : vector<16xi1>, vector<16xi32>
      %swap3A_337 = arith.index_cast %add3A_227 : i32 to index
      %swap3A_338 = arith.constant 48 : index
      %swap3A_339 = tpu.vector_load %arg8[%swap3A_337, %swap3A_338] {strides = array<i32>} : memref<80x128xi32, #tpu.memory_space<vmem>>, vector<1x16xi32>,
      %swap3A_340 = vector.shape_cast %swap3A_339 : vector<1x16xi32> to vector<16xi32>
      %swap3A_341 = vector.shape_cast %select_n3A_336 : vector<16xi32> to vector<1x16xi32>
      tpu.vector_store %arg8[%swap3A_337, %swap3A_338], %swap3A_341 {strides = array<i32>} : memref<80x128xi32, #tpu.memory_space<vmem>>, vector<1x16xi32>,
      %get3A_342 = arith.index_cast %add3A_227 : i32 to index
      %get3A_343 = arith.constant 64 : index
      %get3A_344 = tpu.vector_load %arg7[%get3A_342, %get3A_343] {strides = array<i32>} : memref<80x128xi32, #tpu.memory_space<vmem>>, vector<1x16xi32>,
      %get3A_345 = vector.shape_cast %get3A_344 : vector<1x16xi32> to vector<16xi32>
      %get3A_346 = arith.index_cast %add3A_227 : i32 to index
      %get3A_347 = arith.constant 64 : index
      %get3A_348 = tpu.vector_load %arg9[%get3A_346, %get3A_347] {strides = array<i32>} : memref<80x128xi32, #tpu.memory_space<vmem>>, vector<1x16xi32>,
      %get3A_349 = vector.shape_cast %get3A_348 : vector<1x16xi32> to vector<16xi32>
      %sub3A_350 = vector.broadcast %mul3A_102 : i32 to vector<16xi32>
      %sub3A_351 = arith.subi %get3A_345, %sub3A_350 : vector<16xi32>
      %ge3A_352 = arith.constant 0 : i32
      %ge3A_353 = vector.broadcast %ge3A_352 : i32 to vector<16xi32>
      %ge3A_354 = arith.cmpi sge, %sub3A_351, %ge3A_353 : vector<16xi32>
      %lt3A_355 = arith.constant 1280 : i32
      %lt3A_356 = vector.broadcast %lt3A_355 : i32 to vector<16xi32>
      %lt3A_357 = arith.cmpi slt, %sub3A_351, %lt3A_356 : vector<16xi32>
      %and3A_358 = arith.andi %ge3A_354, %lt3A_357 : vector<16xi1>
      %mul3A_359 = arith.constant 640 : i32
      %mul3A_360 = vector.broadcast %mul3A_359 : i32 to vector<16xi32>
      %mul3A_361 = arith.muli %sub3A_351, %mul3A_360 : vector<16xi32>
      %add3A_362 = arith.addi %mul3A_361, %get3A_349 : vector<16xi32>
      %add3A_363 = arith.constant 819264 : i32
      %add3A_364 = vector.broadcast %add3A_363 : i32 to vector<16xi32>
      %add3A_365 = arith.addi %add3A_364, %iota3A : vector<16xi32>
      %select_n3A_366 = arith.select %and3A_358, %add3A_362, %add3A_365 : vector<16xi1>, vector<16xi32>
      %swap3A_367 = arith.index_cast %add3A_227 : i32 to index
      %swap3A_368 = arith.constant 64 : index
      %swap3A_369 = tpu.vector_load %arg8[%swap3A_367, %swap3A_368] {strides = array<i32>} : memref<80x128xi32, #tpu.memory_space<vmem>>, vector<1x16xi32>,
      %swap3A_370 = vector.shape_cast %swap3A_369 : vector<1x16xi32> to vector<16xi32>
      %swap3A_371 = vector.shape_cast %select_n3A_366 : vector<16xi32> to vector<1x16xi32>
      tpu.vector_store %arg8[%swap3A_367, %swap3A_368], %swap3A_371 {strides = array<i32>} : memref<80x128xi32, #tpu.memory_space<vmem>>, vector<1x16xi32>,
      %get3A_372 = arith.index_cast %add3A_227 : i32 to index
      %get3A_373 = arith.constant 80 : index
      %get3A_374 = tpu.vector_load %arg7[%get3A_372, %get3A_373] {strides = array<i32>} : memref<80x128xi32, #tpu.memory_space<vmem>>, vector<1x16xi32>,
      %get3A_375 = vector.shape_cast %get3A_374 : vector<1x16xi32> to vector<16xi32>
      %get3A_376 = arith.index_cast %add3A_227 : i32 to index
      %get3A_377 = arith.constant 80 : index
      %get3A_378 = tpu.vector_load %arg9[%get3A_376, %get3A_377] {strides = array<i32>} : memref<80x128xi32, #tpu.memory_space<vmem>>, vector<1x16xi32>,
      %get3A_379 = vector.shape_cast %get3A_378 : vector<1x16xi32> to vector<16xi32>
      %sub3A_380 = vector.broadcast %mul3A_102 : i32 to vector<16xi32>
      %sub3A_381 = arith.subi %get3A_375, %sub3A_380 : vector<16xi32>
      %ge3A_382 = arith.constant 0 : i32
      %ge3A_383 = vector.broadcast %ge3A_382 : i32 to vector<16xi32>
      %ge3A_384 = arith.cmpi sge, %sub3A_381, %ge3A_383 : vector<16xi32>
      %lt3A_385 = arith.constant 1280 : i32
      %lt3A_386 = vector.broadcast %lt3A_385 : i32 to vector<16xi32>
      %lt3A_387 = arith.cmpi slt, %sub3A_381, %lt3A_386 : vector<16xi32>
      %and3A_388 = arith.andi %ge3A_384, %lt3A_387 : vector<16xi1>
      %mul3A_389 = arith.constant 640 : i32
      %mul3A_390 = vector.broadcast %mul3A_389 : i32 to vector<16xi32>
      %mul3A_391 = arith.muli %sub3A_381, %mul3A_390 : vector<16xi32>
      %add3A_392 = arith.addi %mul3A_391, %get3A_379 : vector<16xi32>
      %add3A_393 = arith.constant 819280 : i32
      %add3A_394 = vector.broadcast %add3A_393 : i32 to vector<16xi32>
      %add3A_395 = arith.addi %add3A_394, %iota3A : vector<16xi32>
      %select_n3A_396 = arith.select %and3A_388, %add3A_392, %add3A_395 : vector<16xi1>, vector<16xi32>
      %swap3A_397 = arith.index_cast %add3A_227 : i32 to index
      %swap3A_398 = arith.constant 80 : index
      %swap3A_399 = tpu.vector_load %arg8[%swap3A_397, %swap3A_398] {strides = array<i32>} : memref<80x128xi32, #tpu.memory_space<vmem>>, vector<1x16xi32>,
      %swap3A_400 = vector.shape_cast %swap3A_399 : vector<1x16xi32> to vector<16xi32>
      %swap3A_401 = vector.shape_cast %select_n3A_396 : vector<16xi32> to vector<1x16xi32>
      tpu.vector_store %arg8[%swap3A_397, %swap3A_398], %swap3A_401 {strides = array<i32>} : memref<80x128xi32, #tpu.memory_space<vmem>>, vector<1x16xi32>,
      %get3A_402 = arith.index_cast %add3A_227 : i32 to index
      %get3A_403 = arith.constant 96 : index
      %get3A_404 = tpu.vector_load %arg7[%get3A_402, %get3A_403] {strides = array<i32>} : memref<80x128xi32, #tpu.memory_space<vmem>>, vector<1x16xi32>,
      %get3A_405 = vector.shape_cast %get3A_404 : vector<1x16xi32> to vector<16xi32>
      %get3A_406 = arith.index_cast %add3A_227 : i32 to index
      %get3A_407 = arith.constant 96 : index
      %get3A_408 = tpu.vector_load %arg9[%get3A_406, %get3A_407] {strides = array<i32>} : memref<80x128xi32, #tpu.memory_space<vmem>>, vector<1x16xi32>,
      %get3A_409 = vector.shape_cast %get3A_408 : vector<1x16xi32> to vector<16xi32>
      %sub3A_410 = vector.broadcast %mul3A_102 : i32 to vector<16xi32>
      %sub3A_411 = arith.subi %get3A_405, %sub3A_410 : vector<16xi32>
      %ge3A_412 = arith.constant 0 : i32
      %ge3A_413 = vector.broadcast %ge3A_412 : i32 to vector<16xi32>
      %ge3A_414 = arith.cmpi sge, %sub3A_411, %ge3A_413 : vector<16xi32>
      %lt3A_415 = arith.constant 1280 : i32
      %lt3A_416 = vector.broadcast %lt3A_415 : i32 to vector<16xi32>
      %lt3A_417 = arith.cmpi slt, %sub3A_411, %lt3A_416 : vector<16xi32>
      %and3A_418 = arith.andi %ge3A_414, %lt3A_417 : vector<16xi1>
      %mul3A_419 = arith.constant 640 : i32
      %mul3A_420 = vector.broadcast %mul3A_419 : i32 to vector<16xi32>
      %mul3A_421 = arith.muli %sub3A_411, %mul3A_420 : vector<16xi32>
      %add3A_422 = arith.addi %mul3A_421, %get3A_409 : vector<16xi32>
      %add3A_423 = arith.constant 819296 : i32
      %add3A_424 = vector.broadcast %add3A_423 : i32 to vector<16xi32>
      %add3A_425 = arith.addi %add3A_424, %iota3A : vector<16xi32>
      %select_n3A_426 = arith.select %and3A_418, %add3A_422, %add3A_425 : vector<16xi1>, vector<16xi32>
      %swap3A_427 = arith.index_cast %add3A_227 : i32 to index
      %swap3A_428 = arith.constant 96 : index
      %swap3A_429 = tpu.vector_load %arg8[%swap3A_427, %swap3A_428] {strides = array<i32>} : memref<80x128xi32, #tpu.memory_space<vmem>>, vector<1x16xi32>,
      %swap3A_430 = vector.shape_cast %swap3A_429 : vector<1x16xi32> to vector<16xi32>
      %swap3A_431 = vector.shape_cast %select_n3A_426 : vector<16xi32> to vector<1x16xi32>
      tpu.vector_store %arg8[%swap3A_427, %swap3A_428], %swap3A_431 {strides = array<i32>} : memref<80x128xi32, #tpu.memory_space<vmem>>, vector<1x16xi32>,
      %get3A_432 = arith.index_cast %add3A_227 : i32 to index
      %get3A_433 = arith.constant 112 : index
      %get3A_434 = tpu.vector_load %arg7[%get3A_432, %get3A_433] {strides = array<i32>} : memref<80x128xi32, #tpu.memory_space<vmem>>, vector<1x16xi32>,
      %get3A_435 = vector.shape_cast %get3A_434 : vector<1x16xi32> to vector<16xi32>
      %get3A_436 = arith.index_cast %add3A_227 : i32 to index
      %get3A_437 = arith.constant 112 : index
      %get3A_438 = tpu.vector_load %arg9[%get3A_436, %get3A_437] {strides = array<i32>} : memref<80x128xi32, #tpu.memory_space<vmem>>, vector<1x16xi32>,
      %get3A_439 = vector.shape_cast %get3A_438 : vector<1x16xi32> to vector<16xi32>
      %sub3A_440 = vector.broadcast %mul3A_102 : i32 to vector<16xi32>
      %sub3A_441 = arith.subi %get3A_435, %sub3A_440 : vector<16xi32>
      %ge3A_442 = arith.constant 0 : i32
      %ge3A_443 = vector.broadcast %ge3A_442 : i32 to vector<16xi32>
      %ge3A_444 = arith.cmpi sge, %sub3A_441, %ge3A_443 : vector<16xi32>
      %lt3A_445 = arith.constant 1280 : i32
      %lt3A_446 = vector.broadcast %lt3A_445 : i32 to vector<16xi32>
      %lt3A_447 = arith.cmpi slt, %sub3A_441, %lt3A_446 : vector<16xi32>
      %and3A_448 = arith.andi %ge3A_444, %lt3A_447 : vector<16xi1>
      %mul3A_449 = arith.constant 640 : i32
      %mul3A_450 = vector.broadcast %mul3A_449 : i32 to vector<16xi32>
      %mul3A_451 = arith.muli %sub3A_441, %mul3A_450 : vector<16xi32>
      %add3A_452 = arith.addi %mul3A_451, %get3A_439 : vector<16xi32>
      %add3A_453 = arith.constant 819312 : i32
      %add3A_454 = vector.broadcast %add3A_453 : i32 to vector<16xi32>
      %add3A_455 = arith.addi %add3A_454, %iota3A : vector<16xi32>
      %select_n3A_456 = arith.select %and3A_448, %add3A_452, %add3A_455 : vector<16xi1>, vector<16xi32>
      %swap3A_457 = arith.index_cast %add3A_227 : i32 to index
      %swap3A_458 = arith.constant 112 : index
      %swap3A_459 = tpu.vector_load %arg8[%swap3A_457, %swap3A_458] {strides = array<i32>} : memref<80x128xi32, #tpu.memory_space<vmem>>, vector<1x16xi32>,
      %swap3A_460 = vector.shape_cast %swap3A_459 : vector<1x16xi32> to vector<16xi32>
      %swap3A_461 = vector.shape_cast %select_n3A_456 : vector<16xi32> to vector<1x16xi32>
      tpu.vector_store %arg8[%swap3A_457, %swap3A_458], %swap3A_461 {strides = array<i32>} : memref<80x128xi32, #tpu.memory_space<vmem>>, vector<1x16xi32>,
      "tpu.region"() ({
        %run_scoped3A = tpu.sem_alloc : memref<!tpu.dma_semaphore, #tpu.memory_space<semaphore_mem>>
        %dma_start3A = arith.constant 0 : i32
        %dma_start3A_462 = tpu.memref_slice %arg8[%add3A_227, %dma_start3A] : memref<80x128xi32, #tpu.memory_space<vmem>> -> memref<1x128xi32, #tpu.memory_space<vmem>>
        %dma_start3A_463 = tpu.memref_squeeze %dma_start3A_462 : memref<1x128xi32, #tpu.memory_space<vmem>> -> memref<128xi32, #tpu.memory_space<vmem>>
        %dma_start3A_464 = arith.constant 0 : i32
        %dma_start3A_465 = tpu.memref_slice %arg13[%dma_start3A_464] : memref<819328xf32, #tpu.memory_space<vmem_shared>> -> memref<819328xf32, #tpu.memory_space<vmem_shared>>
        tpu.enqueue_indirect_dma source(%arg10 : memref<128xf32, #tpu.memory_space<vmem>>) target(%dma_start3A_465 : memref<819328xf32, #tpu.memory_space<vmem_shared>>) offsets(%dma_start3A_463 : memref<128xi32, #tpu.memory_space<vmem>>) semaphore(%run_scoped3A : memref<!tpu.dma_semaphore, #tpu.memory_space<semaphore_mem>>) {add = true}
        %dma_wait3A = arith.constant 0 : i32
        %dma_wait3A_466 = tpu.memref_slice %arg8[%add3A_227, %dma_wait3A] : memref<80x128xi32, #tpu.memory_space<vmem>> -> memref<1x128xi32, #tpu.memory_space<vmem>>
        %dma_wait3A_467 = tpu.memref_squeeze %dma_wait3A_466 : memref<1x128xi32, #tpu.memory_space<vmem>> -> memref<128xi32, #tpu.memory_space<vmem>>
        %dma_wait3A_468 = arith.constant 0 : i32
        %dma_wait3A_469 = tpu.memref_slice %arg13[%dma_wait3A_468] : memref<819328xf32, #tpu.memory_space<vmem_shared>> -> memref<819328xf32, #tpu.memory_space<vmem_shared>>
        tpu.wait_indirect_dma semaphore(%run_scoped3A : memref<!tpu.dma_semaphore, #tpu.memory_space<semaphore_mem>>) src(%arg10 : memref<128xf32, #tpu.memory_space<vmem>>) dst(%dma_wait3A_469 : memref<819328xf32, #tpu.memory_space<vmem_shared>>)
        tpu.yield
      }) : () -> ()
    }
    %scan3A_129 = arith.constant 80 : i32
    %barrier3A_130 = arith.constant 0 : index
    tpu.barrier barrier_id(%barrier3A_130)
    %mul3A_131 = arith.constant 51200 : i32
    %mul3A_132 = arith.muli %arg1, %mul3A_131 : i32
    %mul3A_133 = arith.constant 640 : i32
    %mul3A_134 = arith.muli %mul3A_102, %mul3A_133 : i32
    %mul3A_135 = arith.constant 51200 : i32
    %mul3A_136 = arith.muli %arg1, %mul3A_135 : i32
    %add3A_137 = arith.addi %mul3A_134, %mul3A_136 : i32
    "tpu.region"() ({
      %run_scoped3A = tpu.sem_alloc : memref<!tpu.dma_semaphore, #tpu.memory_space<semaphore_mem>>
      %dma_start3A = tpu.memref_slice %arg5[%add3A_137] : memref<6553600xf32, #tpu.memory_space<hbm>> -> memref<51200xf32, #tpu.memory_space<hbm>>
      %dma_start3A_223 = tpu.memref_slice %arg13[%mul3A_132] : memref<819328xf32, #tpu.memory_space<vmem_shared>> -> memref<51200xf32, #tpu.memory_space<vmem_shared>>
      tpu.enqueue_dma source(%dma_start3A_223 : memref<51200xf32, #tpu.memory_space<vmem_shared>>) target(%dma_start3A : memref<51200xf32, #tpu.memory_space<hbm>>) target_semaphore(%run_scoped3A : memref<!tpu.dma_semaphore, #tpu.memory_space<semaphore_mem>>)
      %dma_wait3A = tpu.memref_slice %arg5[%add3A_137] : memref<6553600xf32, #tpu.memory_space<hbm>> -> memref<51200xf32, #tpu.memory_space<hbm>>
      %dma_wait3A_224 = tpu.memref_slice %arg13[%mul3A_132] : memref<819328xf32, #tpu.memory_space<vmem_shared>> -> memref<51200xf32, #tpu.memory_space<vmem_shared>>
      tpu.wait_dma2 semaphore(%run_scoped3A : memref<!tpu.dma_semaphore, #tpu.memory_space<semaphore_mem>>) src(%dma_wait3A_224 : memref<51200xf32, #tpu.memory_space<vmem_shared>>) dst(%dma_wait3A : memref<51200xf32, #tpu.memory_space<hbm>>)
      tpu.yield
    }) : () -> ()
    %barrier3A_138 = arith.constant 0 : index
    tpu.barrier barrier_id(%barrier3A_138)
    %mul3A_139 = arith.constant 4 : i32
    %mul3A_140 = arith.muli %mul3A_139, %arg0 : i32
    %add3A_141 = arith.constant 2 : i32
    %add3A_142 = arith.addi %mul3A_140, %add3A_141 : i32
    %mul3A_143 = arith.constant 1280 : i32
    %mul3A_144 = arith.muli %add3A_142, %mul3A_143 : i32
    %mul3A_145 = arith.constant 51200 : i32
    %mul3A_146 = arith.muli %arg1, %mul3A_145 : i32
    %add3A_147 = arith.constant 0 : i32
    %add3A_148 = arith.addi %mul3A_146, %add3A_147 : i32
    "tpu.region"() ({
      %run_scoped3A = tpu.sem_alloc : memref<!tpu.dma_semaphore, #tpu.memory_space<semaphore_mem>>
      %dma_start3A = tpu.memref_slice %arg13[%add3A_148] : memref<819328xf32, #tpu.memory_space<vmem_shared>> -> memref<12800xf32, #tpu.memory_space<vmem_shared>>
      %dma_start3A_223 = tpu.memref_slice %arg13[%add3A_148] : memref<819328xf32, #tpu.memory_space<vmem_shared>> -> memref<12800xf32, #tpu.memory_space<vmem_shared>>
      tpu.enqueue_dma source(%arg11 : memref<12800xf32, #tpu.memory_space<vmem>>) target(%dma_start3A_223 : memref<12800xf32, #tpu.memory_space<vmem_shared>>) target_semaphore(%run_scoped3A : memref<!tpu.dma_semaphore, #tpu.memory_space<semaphore_mem>>)
      %dma_wait3A = tpu.memref_slice %arg13[%add3A_148] : memref<819328xf32, #tpu.memory_space<vmem_shared>> -> memref<12800xf32, #tpu.memory_space<vmem_shared>>
      %dma_wait3A_224 = tpu.memref_slice %arg13[%add3A_148] : memref<819328xf32, #tpu.memory_space<vmem_shared>> -> memref<12800xf32, #tpu.memory_space<vmem_shared>>
      tpu.wait_dma2 semaphore(%run_scoped3A : memref<!tpu.dma_semaphore, #tpu.memory_space<semaphore_mem>>) src(%arg11 : memref<12800xf32, #tpu.memory_space<vmem>>) dst(%dma_wait3A_224 : memref<12800xf32, #tpu.memory_space<vmem_shared>>)
      tpu.yield
    }) : () -> ()
    %mul3A_149 = arith.constant 51200 : i32
    %mul3A_150 = arith.muli %arg1, %mul3A_149 : i32
    %add3A_151 = arith.constant 12800 : i32
    %add3A_152 = arith.addi %mul3A_150, %add3A_151 : i32
    "tpu.region"() ({
      %run_scoped3A = tpu.sem_alloc : memref<!tpu.dma_semaphore, #tpu.memory_space<semaphore_mem>>
      %dma_start3A = tpu.memref_slice %arg13[%add3A_152] : memref<819328xf32, #tpu.memory_space<vmem_shared>> -> memref<12800xf32, #tpu.memory_space<vmem_shared>>
      %dma_start3A_223 = tpu.memref_slice %arg13[%add3A_152] : memref<819328xf32, #tpu.memory_space<vmem_shared>> -> memref<12800xf32, #tpu.memory_space<vmem_shared>>
      tpu.enqueue_dma source(%arg11 : memref<12800xf32, #tpu.memory_space<vmem>>) target(%dma_start3A_223 : memref<12800xf32, #tpu.memory_space<vmem_shared>>) target_semaphore(%run_scoped3A : memref<!tpu.dma_semaphore, #tpu.memory_space<semaphore_mem>>)
      %dma_wait3A = tpu.memref_slice %arg13[%add3A_152] : memref<819328xf32, #tpu.memory_space<vmem_shared>> -> memref<12800xf32, #tpu.memory_space<vmem_shared>>
      %dma_wait3A_224 = tpu.memref_slice %arg13[%add3A_152] : memref<819328xf32, #tpu.memory_space<vmem_shared>> -> memref<12800xf32, #tpu.memory_space<vmem_shared>>
      tpu.wait_dma2 semaphore(%run_scoped3A : memref<!tpu.dma_semaphore, #tpu.memory_space<semaphore_mem>>) src(%arg11 : memref<12800xf32, #tpu.memory_space<vmem>>) dst(%dma_wait3A_224 : memref<12800xf32, #tpu.memory_space<vmem_shared>>)
      tpu.yield
    }) : () -> ()
    %mul3A_153 = arith.constant 51200 : i32
    %mul3A_154 = arith.muli %arg1, %mul3A_153 : i32
    %add3A_155 = arith.constant 25600 : i32
    %add3A_156 = arith.addi %mul3A_154, %add3A_155 : i32
    "tpu.region"() ({
      %run_scoped3A = tpu.sem_alloc : memref<!tpu.dma_semaphore, #tpu.memory_space<semaphore_mem>>
      %dma_start3A = tpu.memref_slice %arg13[%add3A_156] : memref<819328xf32, #tpu.memory_space<vmem_shared>> -> memref<12800xf32, #tpu.memory_space<vmem_shared>>
      %dma_start3A_223 = tpu.memref_slice %arg13[%add3A_156] : memref<819328xf32, #tpu.memory_space<vmem_shared>> -> memref<12800xf32, #tpu.memory_space<vmem_shared>>
      tpu.enqueue_dma source(%arg11 : memref<12800xf32, #tpu.memory_space<vmem>>) target(%dma_start3A_223 : memref<12800xf32, #tpu.memory_space<vmem_shared>>) target_semaphore(%run_scoped3A : memref<!tpu.dma_semaphore, #tpu.memory_space<semaphore_mem>>)
      %dma_wait3A = tpu.memref_slice %arg13[%add3A_156] : memref<819328xf32, #tpu.memory_space<vmem_shared>> -> memref<12800xf32, #tpu.memory_space<vmem_shared>>
      %dma_wait3A_224 = tpu.memref_slice %arg13[%add3A_156] : memref<819328xf32, #tpu.memory_space<vmem_shared>> -> memref<12800xf32, #tpu.memory_space<vmem_shared>>
      tpu.wait_dma2 semaphore(%run_scoped3A : memref<!tpu.dma_semaphore, #tpu.memory_space<semaphore_mem>>) src(%arg11 : memref<12800xf32, #tpu.memory_space<vmem>>) dst(%dma_wait3A_224 : memref<12800xf32, #tpu.memory_space<vmem_shared>>)
      tpu.yield
    }) : () -> ()
    %mul3A_157 = arith.constant 51200 : i32
    %mul3A_158 = arith.muli %arg1, %mul3A_157 : i32
    %add3A_159 = arith.constant 38400 : i32
    %add3A_160 = arith.addi %mul3A_158, %add3A_159 : i32
    "tpu.region"() ({
      %run_scoped3A = tpu.sem_alloc : memref<!tpu.dma_semaphore, #tpu.memory_space<semaphore_mem>>
      %dma_start3A = tpu.memref_slice %arg13[%add3A_160] : memref<819328xf32, #tpu.memory_space<vmem_shared>> -> memref<12800xf32, #tpu.memory_space<vmem_shared>>
      %dma_start3A_223 = tpu.memref_slice %arg13[%add3A_160] : memref<819328xf32, #tpu.memory_space<vmem_shared>> -> memref<12800xf32, #tpu.memory_space<vmem_shared>>
      tpu.enqueue_dma source(%arg11 : memref<12800xf32, #tpu.memory_space<vmem>>) target(%dma_start3A_223 : memref<12800xf32, #tpu.memory_space<vmem_shared>>) target_semaphore(%run_scoped3A : memref<!tpu.dma_semaphore, #tpu.memory_space<semaphore_mem>>)
      %dma_wait3A = tpu.memref_slice %arg13[%add3A_160] : memref<819328xf32, #tpu.memory_space<vmem_shared>> -> memref<12800xf32, #tpu.memory_space<vmem_shared>>
      %dma_wait3A_224 = tpu.memref_slice %arg13[%add3A_160] : memref<819328xf32, #tpu.memory_space<vmem_shared>> -> memref<12800xf32, #tpu.memory_space<vmem_shared>>
      tpu.wait_dma2 semaphore(%run_scoped3A : memref<!tpu.dma_semaphore, #tpu.memory_space<semaphore_mem>>) src(%arg11 : memref<12800xf32, #tpu.memory_space<vmem>>) dst(%dma_wait3A_224 : memref<12800xf32, #tpu.memory_space<vmem_shared>>)
      tpu.yield
    }) : () -> ()
    %eq3A_161 = arith.constant 0 : i32
    %eq3A_162 = arith.cmpi eq, %arg1, %eq3A_161 : i32
    %convert_element_type3A_163 = arith.extui %eq3A_162 : i1 to i32
    %cond3A_164 = arith.constant 0 : i32
    %cond3A_165 = arith.cmpi ne, %convert_element_type3A_163, %cond3A_164 : i32
    scf.if %cond3A_165 {
      "tpu.region"() ({
        %run_scoped3A = tpu.sem_alloc : memref<!tpu.dma_semaphore, #tpu.memory_space<semaphore_mem>>
        %dma_start3A = arith.constant 0 : i32
        %dma_start3A_223 = tpu.memref_slice %arg11[%dma_start3A] : memref<12800xf32, #tpu.memory_space<vmem>> -> memref<128xf32, #tpu.memory_space<vmem>>
        %dma_start3A_224 = arith.constant 819200 : i32
        %dma_start3A_225 = tpu.memref_slice %arg13[%dma_start3A_224] : memref<819328xf32, #tpu.memory_space<vmem_shared>> -> memref<128xf32, #tpu.memory_space<vmem_shared>>
        %dma_start3A_226 = arith.constant 819200 : i32
        %dma_start3A_227 = tpu.memref_slice %arg13[%dma_start3A_226] : memref<819328xf32, #tpu.memory_space<vmem_shared>> -> memref<128xf32, #tpu.memory_space<vmem_shared>>
        %dma_start3A_228 = arith.constant 0 : i32
        %dma_start3A_229 = tpu.memref_slice %arg11[%dma_start3A_228] : memref<12800xf32, #tpu.memory_space<vmem>> -> memref<128xf32, #tpu.memory_space<vmem>>
        tpu.enqueue_dma source(%dma_start3A_229 : memref<128xf32, #tpu.memory_space<vmem>>) target(%dma_start3A_227 : memref<128xf32, #tpu.memory_space<vmem_shared>>) target_semaphore(%run_scoped3A : memref<!tpu.dma_semaphore, #tpu.memory_space<semaphore_mem>>)
        %dma_wait3A = arith.constant 0 : i32
        %dma_wait3A_230 = tpu.memref_slice %arg11[%dma_wait3A] : memref<12800xf32, #tpu.memory_space<vmem>> -> memref<128xf32, #tpu.memory_space<vmem>>
        %dma_wait3A_231 = arith.constant 819200 : i32
        %dma_wait3A_232 = tpu.memref_slice %arg13[%dma_wait3A_231] : memref<819328xf32, #tpu.memory_space<vmem_shared>> -> memref<128xf32, #tpu.memory_space<vmem_shared>>
        %dma_wait3A_233 = arith.constant 819200 : i32
        %dma_wait3A_234 = tpu.memref_slice %arg13[%dma_wait3A_233] : memref<819328xf32, #tpu.memory_space<vmem_shared>> -> memref<128xf32, #tpu.memory_space<vmem_shared>>
        %dma_wait3A_235 = arith.constant 0 : i32
        %dma_wait3A_236 = tpu.memref_slice %arg11[%dma_wait3A_235] : memref<12800xf32, #tpu.memory_space<vmem>> -> memref<128xf32, #tpu.memory_space<vmem>>
        tpu.wait_dma2 semaphore(%run_scoped3A : memref<!tpu.dma_semaphore, #tpu.memory_space<semaphore_mem>>) src(%dma_wait3A_236 : memref<128xf32, #tpu.memory_space<vmem>>) dst(%dma_wait3A_234 : memref<128xf32, #tpu.memory_space<vmem_shared>>)
        tpu.yield
      }) : () -> ()
    } else {
    }
    %barrier3A_166 = arith.constant 0 : index
    tpu.barrier barrier_id(%barrier3A_166)
    %scan3A_167 = arith.constant 0 : i32
    %scan3A_168 = arith.constant 80 : i32
    %scan3A_169 = arith.addi %scan3A_167, %scan3A_168 : i32
    %scan3A_170 = arith.constant 1 : i32
    scf.for %scan3A_223 = %scan3A_167 to %scan3A_169 step %scan3A_170  : i32 {
      %mul3A_224 = arith.constant 1 : i32
      %mul3A_225 = arith.muli %scan3A_223, %mul3A_224 : i32
      %add3A_226 = arith.constant 0 : i32
      %add3A_227 = arith.addi %add3A_226, %mul3A_225 : i32
      %get3A = arith.index_cast %add3A_227 : i32 to index
      %get3A_228 = arith.constant 0 : index
      %get3A_229 = tpu.vector_load %arg7[%get3A, %get3A_228] {strides = array<i32>} : memref<80x128xi32, #tpu.memory_space<vmem>>, vector<1x16xi32>,
      %get3A_230 = vector.shape_cast %get3A_229 : vector<1x16xi32> to vector<16xi32>
      %get3A_231 = arith.index_cast %add3A_227 : i32 to index
      %get3A_232 = arith.constant 0 : index
      %get3A_233 = tpu.vector_load %arg9[%get3A_231, %get3A_232] {strides = array<i32>} : memref<80x128xi32, #tpu.memory_space<vmem>>, vector<1x16xi32>,
      %get3A_234 = vector.shape_cast %get3A_233 : vector<1x16xi32> to vector<16xi32>
      %sub3A = vector.broadcast %mul3A_144 : i32 to vector<16xi32>
      %sub3A_235 = arith.subi %get3A_230, %sub3A : vector<16xi32>
      %ge3A = arith.constant 0 : i32
      %ge3A_236 = vector.broadcast %ge3A : i32 to vector<16xi32>
      %ge3A_237 = arith.cmpi sge, %sub3A_235, %ge3A_236 : vector<16xi32>
      %lt3A = arith.constant 1280 : i32
      %lt3A_238 = vector.broadcast %lt3A : i32 to vector<16xi32>
      %lt3A_239 = arith.cmpi slt, %sub3A_235, %lt3A_238 : vector<16xi32>
      %and3A = arith.andi %ge3A_237, %lt3A_239 : vector<16xi1>
      %mul3A_240 = arith.constant 640 : i32
      %mul3A_241 = vector.broadcast %mul3A_240 : i32 to vector<16xi32>
      %mul3A_242 = arith.muli %sub3A_235, %mul3A_241 : vector<16xi32>
      %add3A_243 = arith.addi %mul3A_242, %get3A_234 : vector<16xi32>
      %add3A_244 = arith.constant 819200 : i32
      %add3A_245 = vector.broadcast %add3A_244 : i32 to vector<16xi32>
      %add3A_246 = arith.addi %add3A_245, %iota3A : vector<16xi32>
      %select_n3A = arith.select %and3A, %add3A_243, %add3A_246 : vector<16xi1>, vector<16xi32>
      %swap3A_247 = arith.index_cast %add3A_227 : i32 to index
      %swap3A_248 = arith.constant 0 : index
      %swap3A_249 = tpu.vector_load %arg8[%swap3A_247, %swap3A_248] {strides = array<i32>} : memref<80x128xi32, #tpu.memory_space<vmem>>, vector<1x16xi32>,
      %swap3A_250 = vector.shape_cast %swap3A_249 : vector<1x16xi32> to vector<16xi32>
      %swap3A_251 = vector.shape_cast %select_n3A : vector<16xi32> to vector<1x16xi32>
      tpu.vector_store %arg8[%swap3A_247, %swap3A_248], %swap3A_251 {strides = array<i32>} : memref<80x128xi32, #tpu.memory_space<vmem>>, vector<1x16xi32>,
      %get3A_252 = arith.index_cast %add3A_227 : i32 to index
      %get3A_253 = arith.constant 16 : index
      %get3A_254 = tpu.vector_load %arg7[%get3A_252, %get3A_253] {strides = array<i32>} : memref<80x128xi32, #tpu.memory_space<vmem>>, vector<1x16xi32>,
      %get3A_255 = vector.shape_cast %get3A_254 : vector<1x16xi32> to vector<16xi32>
      %get3A_256 = arith.index_cast %add3A_227 : i32 to index
      %get3A_257 = arith.constant 16 : index
      %get3A_258 = tpu.vector_load %arg9[%get3A_256, %get3A_257] {strides = array<i32>} : memref<80x128xi32, #tpu.memory_space<vmem>>, vector<1x16xi32>,
      %get3A_259 = vector.shape_cast %get3A_258 : vector<1x16xi32> to vector<16xi32>
      %sub3A_260 = vector.broadcast %mul3A_144 : i32 to vector<16xi32>
      %sub3A_261 = arith.subi %get3A_255, %sub3A_260 : vector<16xi32>
      %ge3A_262 = arith.constant 0 : i32
      %ge3A_263 = vector.broadcast %ge3A_262 : i32 to vector<16xi32>
      %ge3A_264 = arith.cmpi sge, %sub3A_261, %ge3A_263 : vector<16xi32>
      %lt3A_265 = arith.constant 1280 : i32
      %lt3A_266 = vector.broadcast %lt3A_265 : i32 to vector<16xi32>
      %lt3A_267 = arith.cmpi slt, %sub3A_261, %lt3A_266 : vector<16xi32>
      %and3A_268 = arith.andi %ge3A_264, %lt3A_267 : vector<16xi1>
      %mul3A_269 = arith.constant 640 : i32
      %mul3A_270 = vector.broadcast %mul3A_269 : i32 to vector<16xi32>
      %mul3A_271 = arith.muli %sub3A_261, %mul3A_270 : vector<16xi32>
      %add3A_272 = arith.addi %mul3A_271, %get3A_259 : vector<16xi32>
      %add3A_273 = arith.constant 819216 : i32
      %add3A_274 = vector.broadcast %add3A_273 : i32 to vector<16xi32>
      %add3A_275 = arith.addi %add3A_274, %iota3A : vector<16xi32>
      %select_n3A_276 = arith.select %and3A_268, %add3A_272, %add3A_275 : vector<16xi1>, vector<16xi32>
      %swap3A_277 = arith.index_cast %add3A_227 : i32 to index
      %swap3A_278 = arith.constant 16 : index
      %swap3A_279 = tpu.vector_load %arg8[%swap3A_277, %swap3A_278] {strides = array<i32>} : memref<80x128xi32, #tpu.memory_space<vmem>>, vector<1x16xi32>,
      %swap3A_280 = vector.shape_cast %swap3A_279 : vector<1x16xi32> to vector<16xi32>
      %swap3A_281 = vector.shape_cast %select_n3A_276 : vector<16xi32> to vector<1x16xi32>
      tpu.vector_store %arg8[%swap3A_277, %swap3A_278], %swap3A_281 {strides = array<i32>} : memref<80x128xi32, #tpu.memory_space<vmem>>, vector<1x16xi32>,
      %get3A_282 = arith.index_cast %add3A_227 : i32 to index
      %get3A_283 = arith.constant 32 : index
      %get3A_284 = tpu.vector_load %arg7[%get3A_282, %get3A_283] {strides = array<i32>} : memref<80x128xi32, #tpu.memory_space<vmem>>, vector<1x16xi32>,
      %get3A_285 = vector.shape_cast %get3A_284 : vector<1x16xi32> to vector<16xi32>
      %get3A_286 = arith.index_cast %add3A_227 : i32 to index
      %get3A_287 = arith.constant 32 : index
      %get3A_288 = tpu.vector_load %arg9[%get3A_286, %get3A_287] {strides = array<i32>} : memref<80x128xi32, #tpu.memory_space<vmem>>, vector<1x16xi32>,
      %get3A_289 = vector.shape_cast %get3A_288 : vector<1x16xi32> to vector<16xi32>
      %sub3A_290 = vector.broadcast %mul3A_144 : i32 to vector<16xi32>
      %sub3A_291 = arith.subi %get3A_285, %sub3A_290 : vector<16xi32>
      %ge3A_292 = arith.constant 0 : i32
      %ge3A_293 = vector.broadcast %ge3A_292 : i32 to vector<16xi32>
      %ge3A_294 = arith.cmpi sge, %sub3A_291, %ge3A_293 : vector<16xi32>
      %lt3A_295 = arith.constant 1280 : i32
      %lt3A_296 = vector.broadcast %lt3A_295 : i32 to vector<16xi32>
      %lt3A_297 = arith.cmpi slt, %sub3A_291, %lt3A_296 : vector<16xi32>
      %and3A_298 = arith.andi %ge3A_294, %lt3A_297 : vector<16xi1>
      %mul3A_299 = arith.constant 640 : i32
      %mul3A_300 = vector.broadcast %mul3A_299 : i32 to vector<16xi32>
      %mul3A_301 = arith.muli %sub3A_291, %mul3A_300 : vector<16xi32>
      %add3A_302 = arith.addi %mul3A_301, %get3A_289 : vector<16xi32>
      %add3A_303 = arith.constant 819232 : i32
      %add3A_304 = vector.broadcast %add3A_303 : i32 to vector<16xi32>
      %add3A_305 = arith.addi %add3A_304, %iota3A : vector<16xi32>
      %select_n3A_306 = arith.select %and3A_298, %add3A_302, %add3A_305 : vector<16xi1>, vector<16xi32>
      %swap3A_307 = arith.index_cast %add3A_227 : i32 to index
      %swap3A_308 = arith.constant 32 : index
      %swap3A_309 = tpu.vector_load %arg8[%swap3A_307, %swap3A_308] {strides = array<i32>} : memref<80x128xi32, #tpu.memory_space<vmem>>, vector<1x16xi32>,
      %swap3A_310 = vector.shape_cast %swap3A_309 : vector<1x16xi32> to vector<16xi32>
      %swap3A_311 = vector.shape_cast %select_n3A_306 : vector<16xi32> to vector<1x16xi32>
      tpu.vector_store %arg8[%swap3A_307, %swap3A_308], %swap3A_311 {strides = array<i32>} : memref<80x128xi32, #tpu.memory_space<vmem>>, vector<1x16xi32>,
      %get3A_312 = arith.index_cast %add3A_227 : i32 to index
      %get3A_313 = arith.constant 48 : index
      %get3A_314 = tpu.vector_load %arg7[%get3A_312, %get3A_313] {strides = array<i32>} : memref<80x128xi32, #tpu.memory_space<vmem>>, vector<1x16xi32>,
      %get3A_315 = vector.shape_cast %get3A_314 : vector<1x16xi32> to vector<16xi32>
      %get3A_316 = arith.index_cast %add3A_227 : i32 to index
      %get3A_317 = arith.constant 48 : index
      %get3A_318 = tpu.vector_load %arg9[%get3A_316, %get3A_317] {strides = array<i32>} : memref<80x128xi32, #tpu.memory_space<vmem>>, vector<1x16xi32>,
      %get3A_319 = vector.shape_cast %get3A_318 : vector<1x16xi32> to vector<16xi32>
      %sub3A_320 = vector.broadcast %mul3A_144 : i32 to vector<16xi32>
      %sub3A_321 = arith.subi %get3A_315, %sub3A_320 : vector<16xi32>
      %ge3A_322 = arith.constant 0 : i32
      %ge3A_323 = vector.broadcast %ge3A_322 : i32 to vector<16xi32>
      %ge3A_324 = arith.cmpi sge, %sub3A_321, %ge3A_323 : vector<16xi32>
      %lt3A_325 = arith.constant 1280 : i32
      %lt3A_326 = vector.broadcast %lt3A_325 : i32 to vector<16xi32>
      %lt3A_327 = arith.cmpi slt, %sub3A_321, %lt3A_326 : vector<16xi32>
      %and3A_328 = arith.andi %ge3A_324, %lt3A_327 : vector<16xi1>
      %mul3A_329 = arith.constant 640 : i32
      %mul3A_330 = vector.broadcast %mul3A_329 : i32 to vector<16xi32>
      %mul3A_331 = arith.muli %sub3A_321, %mul3A_330 : vector<16xi32>
      %add3A_332 = arith.addi %mul3A_331, %get3A_319 : vector<16xi32>
      %add3A_333 = arith.constant 819248 : i32
      %add3A_334 = vector.broadcast %add3A_333 : i32 to vector<16xi32>
      %add3A_335 = arith.addi %add3A_334, %iota3A : vector<16xi32>
      %select_n3A_336 = arith.select %and3A_328, %add3A_332, %add3A_335 : vector<16xi1>, vector<16xi32>
      %swap3A_337 = arith.index_cast %add3A_227 : i32 to index
      %swap3A_338 = arith.constant 48 : index
      %swap3A_339 = tpu.vector_load %arg8[%swap3A_337, %swap3A_338] {strides = array<i32>} : memref<80x128xi32, #tpu.memory_space<vmem>>, vector<1x16xi32>,
      %swap3A_340 = vector.shape_cast %swap3A_339 : vector<1x16xi32> to vector<16xi32>
      %swap3A_341 = vector.shape_cast %select_n3A_336 : vector<16xi32> to vector<1x16xi32>
      tpu.vector_store %arg8[%swap3A_337, %swap3A_338], %swap3A_341 {strides = array<i32>} : memref<80x128xi32, #tpu.memory_space<vmem>>, vector<1x16xi32>,
      %get3A_342 = arith.index_cast %add3A_227 : i32 to index
      %get3A_343 = arith.constant 64 : index
      %get3A_344 = tpu.vector_load %arg7[%get3A_342, %get3A_343] {strides = array<i32>} : memref<80x128xi32, #tpu.memory_space<vmem>>, vector<1x16xi32>,
      %get3A_345 = vector.shape_cast %get3A_344 : vector<1x16xi32> to vector<16xi32>
      %get3A_346 = arith.index_cast %add3A_227 : i32 to index
      %get3A_347 = arith.constant 64 : index
      %get3A_348 = tpu.vector_load %arg9[%get3A_346, %get3A_347] {strides = array<i32>} : memref<80x128xi32, #tpu.memory_space<vmem>>, vector<1x16xi32>,
      %get3A_349 = vector.shape_cast %get3A_348 : vector<1x16xi32> to vector<16xi32>
      %sub3A_350 = vector.broadcast %mul3A_144 : i32 to vector<16xi32>
      %sub3A_351 = arith.subi %get3A_345, %sub3A_350 : vector<16xi32>
      %ge3A_352 = arith.constant 0 : i32
      %ge3A_353 = vector.broadcast %ge3A_352 : i32 to vector<16xi32>
      %ge3A_354 = arith.cmpi sge, %sub3A_351, %ge3A_353 : vector<16xi32>
      %lt3A_355 = arith.constant 1280 : i32
      %lt3A_356 = vector.broadcast %lt3A_355 : i32 to vector<16xi32>
      %lt3A_357 = arith.cmpi slt, %sub3A_351, %lt3A_356 : vector<16xi32>
      %and3A_358 = arith.andi %ge3A_354, %lt3A_357 : vector<16xi1>
      %mul3A_359 = arith.constant 640 : i32
      %mul3A_360 = vector.broadcast %mul3A_359 : i32 to vector<16xi32>
      %mul3A_361 = arith.muli %sub3A_351, %mul3A_360 : vector<16xi32>
      %add3A_362 = arith.addi %mul3A_361, %get3A_349 : vector<16xi32>
      %add3A_363 = arith.constant 819264 : i32
      %add3A_364 = vector.broadcast %add3A_363 : i32 to vector<16xi32>
      %add3A_365 = arith.addi %add3A_364, %iota3A : vector<16xi32>
      %select_n3A_366 = arith.select %and3A_358, %add3A_362, %add3A_365 : vector<16xi1>, vector<16xi32>
      %swap3A_367 = arith.index_cast %add3A_227 : i32 to index
      %swap3A_368 = arith.constant 64 : index
      %swap3A_369 = tpu.vector_load %arg8[%swap3A_367, %swap3A_368] {strides = array<i32>} : memref<80x128xi32, #tpu.memory_space<vmem>>, vector<1x16xi32>,
      %swap3A_370 = vector.shape_cast %swap3A_369 : vector<1x16xi32> to vector<16xi32>
      %swap3A_371 = vector.shape_cast %select_n3A_366 : vector<16xi32> to vector<1x16xi32>
      tpu.vector_store %arg8[%swap3A_367, %swap3A_368], %swap3A_371 {strides = array<i32>} : memref<80x128xi32, #tpu.memory_space<vmem>>, vector<1x16xi32>,
      %get3A_372 = arith.index_cast %add3A_227 : i32 to index
      %get3A_373 = arith.constant 80 : index
      %get3A_374 = tpu.vector_load %arg7[%get3A_372, %get3A_373] {strides = array<i32>} : memref<80x128xi32, #tpu.memory_space<vmem>>, vector<1x16xi32>,
      %get3A_375 = vector.shape_cast %get3A_374 : vector<1x16xi32> to vector<16xi32>
      %get3A_376 = arith.index_cast %add3A_227 : i32 to index
      %get3A_377 = arith.constant 80 : index
      %get3A_378 = tpu.vector_load %arg9[%get3A_376, %get3A_377] {strides = array<i32>} : memref<80x128xi32, #tpu.memory_space<vmem>>, vector<1x16xi32>,
      %get3A_379 = vector.shape_cast %get3A_378 : vector<1x16xi32> to vector<16xi32>
      %sub3A_380 = vector.broadcast %mul3A_144 : i32 to vector<16xi32>
      %sub3A_381 = arith.subi %get3A_375, %sub3A_380 : vector<16xi32>
      %ge3A_382 = arith.constant 0 : i32
      %ge3A_383 = vector.broadcast %ge3A_382 : i32 to vector<16xi32>
      %ge3A_384 = arith.cmpi sge, %sub3A_381, %ge3A_383 : vector<16xi32>
      %lt3A_385 = arith.constant 1280 : i32
      %lt3A_386 = vector.broadcast %lt3A_385 : i32 to vector<16xi32>
      %lt3A_387 = arith.cmpi slt, %sub3A_381, %lt3A_386 : vector<16xi32>
      %and3A_388 = arith.andi %ge3A_384, %lt3A_387 : vector<16xi1>
      %mul3A_389 = arith.constant 640 : i32
      %mul3A_390 = vector.broadcast %mul3A_389 : i32 to vector<16xi32>
      %mul3A_391 = arith.muli %sub3A_381, %mul3A_390 : vector<16xi32>
      %add3A_392 = arith.addi %mul3A_391, %get3A_379 : vector<16xi32>
      %add3A_393 = arith.constant 819280 : i32
      %add3A_394 = vector.broadcast %add3A_393 : i32 to vector<16xi32>
      %add3A_395 = arith.addi %add3A_394, %iota3A : vector<16xi32>
      %select_n3A_396 = arith.select %and3A_388, %add3A_392, %add3A_395 : vector<16xi1>, vector<16xi32>
      %swap3A_397 = arith.index_cast %add3A_227 : i32 to index
      %swap3A_398 = arith.constant 80 : index
      %swap3A_399 = tpu.vector_load %arg8[%swap3A_397, %swap3A_398] {strides = array<i32>} : memref<80x128xi32, #tpu.memory_space<vmem>>, vector<1x16xi32>,
      %swap3A_400 = vector.shape_cast %swap3A_399 : vector<1x16xi32> to vector<16xi32>
      %swap3A_401 = vector.shape_cast %select_n3A_396 : vector<16xi32> to vector<1x16xi32>
      tpu.vector_store %arg8[%swap3A_397, %swap3A_398], %swap3A_401 {strides = array<i32>} : memref<80x128xi32, #tpu.memory_space<vmem>>, vector<1x16xi32>,
      %get3A_402 = arith.index_cast %add3A_227 : i32 to index
      %get3A_403 = arith.constant 96 : index
      %get3A_404 = tpu.vector_load %arg7[%get3A_402, %get3A_403] {strides = array<i32>} : memref<80x128xi32, #tpu.memory_space<vmem>>, vector<1x16xi32>,
      %get3A_405 = vector.shape_cast %get3A_404 : vector<1x16xi32> to vector<16xi32>
      %get3A_406 = arith.index_cast %add3A_227 : i32 to index
      %get3A_407 = arith.constant 96 : index
      %get3A_408 = tpu.vector_load %arg9[%get3A_406, %get3A_407] {strides = array<i32>} : memref<80x128xi32, #tpu.memory_space<vmem>>, vector<1x16xi32>,
      %get3A_409 = vector.shape_cast %get3A_408 : vector<1x16xi32> to vector<16xi32>
      %sub3A_410 = vector.broadcast %mul3A_144 : i32 to vector<16xi32>
      %sub3A_411 = arith.subi %get3A_405, %sub3A_410 : vector<16xi32>
      %ge3A_412 = arith.constant 0 : i32
      %ge3A_413 = vector.broadcast %ge3A_412 : i32 to vector<16xi32>
      %ge3A_414 = arith.cmpi sge, %sub3A_411, %ge3A_413 : vector<16xi32>
      %lt3A_415 = arith.constant 1280 : i32
      %lt3A_416 = vector.broadcast %lt3A_415 : i32 to vector<16xi32>
      %lt3A_417 = arith.cmpi slt, %sub3A_411, %lt3A_416 : vector<16xi32>
      %and3A_418 = arith.andi %ge3A_414, %lt3A_417 : vector<16xi1>
      %mul3A_419 = arith.constant 640 : i32
      %mul3A_420 = vector.broadcast %mul3A_419 : i32 to vector<16xi32>
      %mul3A_421 = arith.muli %sub3A_411, %mul3A_420 : vector<16xi32>
      %add3A_422 = arith.addi %mul3A_421, %get3A_409 : vector<16xi32>
      %add3A_423 = arith.constant 819296 : i32
      %add3A_424 = vector.broadcast %add3A_423 : i32 to vector<16xi32>
      %add3A_425 = arith.addi %add3A_424, %iota3A : vector<16xi32>
      %select_n3A_426 = arith.select %and3A_418, %add3A_422, %add3A_425 : vector<16xi1>, vector<16xi32>
      %swap3A_427 = arith.index_cast %add3A_227 : i32 to index
      %swap3A_428 = arith.constant 96 : index
      %swap3A_429 = tpu.vector_load %arg8[%swap3A_427, %swap3A_428] {strides = array<i32>} : memref<80x128xi32, #tpu.memory_space<vmem>>, vector<1x16xi32>,
      %swap3A_430 = vector.shape_cast %swap3A_429 : vector<1x16xi32> to vector<16xi32>
      %swap3A_431 = vector.shape_cast %select_n3A_426 : vector<16xi32> to vector<1x16xi32>
      tpu.vector_store %arg8[%swap3A_427, %swap3A_428], %swap3A_431 {strides = array<i32>} : memref<80x128xi32, #tpu.memory_space<vmem>>, vector<1x16xi32>,
      %get3A_432 = arith.index_cast %add3A_227 : i32 to index
      %get3A_433 = arith.constant 112 : index
      %get3A_434 = tpu.vector_load %arg7[%get3A_432, %get3A_433] {strides = array<i32>} : memref<80x128xi32, #tpu.memory_space<vmem>>, vector<1x16xi32>,
      %get3A_435 = vector.shape_cast %get3A_434 : vector<1x16xi32> to vector<16xi32>
      %get3A_436 = arith.index_cast %add3A_227 : i32 to index
      %get3A_437 = arith.constant 112 : index
      %get3A_438 = tpu.vector_load %arg9[%get3A_436, %get3A_437] {strides = array<i32>} : memref<80x128xi32, #tpu.memory_space<vmem>>, vector<1x16xi32>,
      %get3A_439 = vector.shape_cast %get3A_438 : vector<1x16xi32> to vector<16xi32>
      %sub3A_440 = vector.broadcast %mul3A_144 : i32 to vector<16xi32>
      %sub3A_441 = arith.subi %get3A_435, %sub3A_440 : vector<16xi32>
      %ge3A_442 = arith.constant 0 : i32
      %ge3A_443 = vector.broadcast %ge3A_442 : i32 to vector<16xi32>
      %ge3A_444 = arith.cmpi sge, %sub3A_441, %ge3A_443 : vector<16xi32>
      %lt3A_445 = arith.constant 1280 : i32
      %lt3A_446 = vector.broadcast %lt3A_445 : i32 to vector<16xi32>
      %lt3A_447 = arith.cmpi slt, %sub3A_441, %lt3A_446 : vector<16xi32>
      %and3A_448 = arith.andi %ge3A_444, %lt3A_447 : vector<16xi1>
      %mul3A_449 = arith.constant 640 : i32
      %mul3A_450 = vector.broadcast %mul3A_449 : i32 to vector<16xi32>
      %mul3A_451 = arith.muli %sub3A_441, %mul3A_450 : vector<16xi32>
      %add3A_452 = arith.addi %mul3A_451, %get3A_439 : vector<16xi32>
      %add3A_453 = arith.constant 819312 : i32
      %add3A_454 = vector.broadcast %add3A_453 : i32 to vector<16xi32>
      %add3A_455 = arith.addi %add3A_454, %iota3A : vector<16xi32>
      %select_n3A_456 = arith.select %and3A_448, %add3A_452, %add3A_455 : vector<16xi1>, vector<16xi32>
      %swap3A_457 = arith.index_cast %add3A_227 : i32 to index
      %swap3A_458 = arith.constant 112 : index
      %swap3A_459 = tpu.vector_load %arg8[%swap3A_457, %swap3A_458] {strides = array<i32>} : memref<80x128xi32, #tpu.memory_space<vmem>>, vector<1x16xi32>,
      %swap3A_460 = vector.shape_cast %swap3A_459 : vector<1x16xi32> to vector<16xi32>
      %swap3A_461 = vector.shape_cast %select_n3A_456 : vector<16xi32> to vector<1x16xi32>
      tpu.vector_store %arg8[%swap3A_457, %swap3A_458], %swap3A_461 {strides = array<i32>} : memref<80x128xi32, #tpu.memory_space<vmem>>, vector<1x16xi32>,
      "tpu.region"() ({
        %run_scoped3A = tpu.sem_alloc : memref<!tpu.dma_semaphore, #tpu.memory_space<semaphore_mem>>
        %dma_start3A = arith.constant 0 : i32
        %dma_start3A_462 = tpu.memref_slice %arg8[%add3A_227, %dma_start3A] : memref<80x128xi32, #tpu.memory_space<vmem>> -> memref<1x128xi32, #tpu.memory_space<vmem>>
        %dma_start3A_463 = tpu.memref_squeeze %dma_start3A_462 : memref<1x128xi32, #tpu.memory_space<vmem>> -> memref<128xi32, #tpu.memory_space<vmem>>
        %dma_start3A_464 = arith.constant 0 : i32
        %dma_start3A_465 = tpu.memref_slice %arg13[%dma_start3A_464] : memref<819328xf32, #tpu.memory_space<vmem_shared>> -> memref<819328xf32, #tpu.memory_space<vmem_shared>>
        tpu.enqueue_indirect_dma source(%arg10 : memref<128xf32, #tpu.memory_space<vmem>>) target(%dma_start3A_465 : memref<819328xf32, #tpu.memory_space<vmem_shared>>) offsets(%dma_start3A_463 : memref<128xi32, #tpu.memory_space<vmem>>) semaphore(%run_scoped3A : memref<!tpu.dma_semaphore, #tpu.memory_space<semaphore_mem>>) {add = true}
        %dma_wait3A = arith.constant 0 : i32
        %dma_wait3A_466 = tpu.memref_slice %arg8[%add3A_227, %dma_wait3A] : memref<80x128xi32, #tpu.memory_space<vmem>> -> memref<1x128xi32, #tpu.memory_space<vmem>>
        %dma_wait3A_467 = tpu.memref_squeeze %dma_wait3A_466 : memref<1x128xi32, #tpu.memory_space<vmem>> -> memref<128xi32, #tpu.memory_space<vmem>>
        %dma_wait3A_468 = arith.constant 0 : i32
        %dma_wait3A_469 = tpu.memref_slice %arg13[%dma_wait3A_468] : memref<819328xf32, #tpu.memory_space<vmem_shared>> -> memref<819328xf32, #tpu.memory_space<vmem_shared>>
        tpu.wait_indirect_dma semaphore(%run_scoped3A : memref<!tpu.dma_semaphore, #tpu.memory_space<semaphore_mem>>) src(%arg10 : memref<128xf32, #tpu.memory_space<vmem>>) dst(%dma_wait3A_469 : memref<819328xf32, #tpu.memory_space<vmem_shared>>)
        tpu.yield
      }) : () -> ()
    }
    %scan3A_171 = arith.constant 80 : i32
    %barrier3A_172 = arith.constant 0 : index
    tpu.barrier barrier_id(%barrier3A_172)
    %mul3A_173 = arith.constant 51200 : i32
    %mul3A_174 = arith.muli %arg1, %mul3A_173 : i32
    %mul3A_175 = arith.constant 640 : i32
    %mul3A_176 = arith.muli %mul3A_144, %mul3A_175 : i32
    %mul3A_177 = arith.constant 51200 : i32
    %mul3A_178 = arith.muli %arg1, %mul3A_177 : i32
    %add3A_179 = arith.addi %mul3A_176, %mul3A_178 : i32
    "tpu.region"() ({
      %run_scoped3A = tpu.sem_alloc : memref<!tpu.dma_semaphore, #tpu.memory_space<semaphore_mem>>
      %dma_start3A = tpu.memref_slice %arg5[%add3A_179] : memref<6553600xf32, #tpu.memory_space<hbm>> -> memref<51200xf32, #tpu.memory_space<hbm>>
      %dma_start3A_223 = tpu.memref_slice %arg13[%mul3A_174] : memref<819328xf32, #tpu.memory_space<vmem_shared>> -> memref<51200xf32, #tpu.memory_space<vmem_shared>>
      tpu.enqueue_dma source(%dma_start3A_223 : memref<51200xf32, #tpu.memory_space<vmem_shared>>) target(%dma_start3A : memref<51200xf32, #tpu.memory_space<hbm>>) target_semaphore(%run_scoped3A : memref<!tpu.dma_semaphore, #tpu.memory_space<semaphore_mem>>)
      %dma_wait3A = tpu.memref_slice %arg5[%add3A_179] : memref<6553600xf32, #tpu.memory_space<hbm>> -> memref<51200xf32, #tpu.memory_space<hbm>>
      %dma_wait3A_224 = tpu.memref_slice %arg13[%mul3A_174] : memref<819328xf32, #tpu.memory_space<vmem_shared>> -> memref<51200xf32, #tpu.memory_space<vmem_shared>>
      tpu.wait_dma2 semaphore(%run_scoped3A : memref<!tpu.dma_semaphore, #tpu.memory_space<semaphore_mem>>) src(%dma_wait3A_224 : memref<51200xf32, #tpu.memory_space<vmem_shared>>) dst(%dma_wait3A : memref<51200xf32, #tpu.memory_space<hbm>>)
      tpu.yield
    }) : () -> ()
    %barrier3A_180 = arith.constant 0 : index
    tpu.barrier barrier_id(%barrier3A_180)
    %mul3A_181 = arith.constant 4 : i32
    %mul3A_182 = arith.muli %mul3A_181, %arg0 : i32
    %add3A_183 = arith.constant 3 : i32
    %add3A_184 = arith.addi %mul3A_182, %add3A_183 : i32
    %mul3A_185 = arith.constant 1280 : i32
    %mul3A_186 = arith.muli %add3A_184, %mul3A_185 : i32
    %mul3A_187 = arith.constant 51200 : i32
    %mul3A_188 = arith.muli %arg1, %mul3A_187 : i32
    %add3A_189 = arith.constant 0 : i32
    %add3A_190 = arith.addi %mul3A_188, %add3A_189 : i32
    "tpu.region"() ({
      %run_scoped3A = tpu.sem_alloc : memref<!tpu.dma_semaphore, #tpu.memory_space<semaphore_mem>>
      %dma_start3A = tpu.memref_slice %arg13[%add3A_190] : memref<819328xf32, #tpu.memory_space<vmem_shared>> -> memref<12800xf32, #tpu.memory_space<vmem_shared>>
      %dma_start3A_223 = tpu.memref_slice %arg13[%add3A_190] : memref<819328xf32, #tpu.memory_space<vmem_shared>> -> memref<12800xf32, #tpu.memory_space<vmem_shared>>
      tpu.enqueue_dma source(%arg11 : memref<12800xf32, #tpu.memory_space<vmem>>) target(%dma_start3A_223 : memref<12800xf32, #tpu.memory_space<vmem_shared>>) target_semaphore(%run_scoped3A : memref<!tpu.dma_semaphore, #tpu.memory_space<semaphore_mem>>)
      %dma_wait3A = tpu.memref_slice %arg13[%add3A_190] : memref<819328xf32, #tpu.memory_space<vmem_shared>> -> memref<12800xf32, #tpu.memory_space<vmem_shared>>
      %dma_wait3A_224 = tpu.memref_slice %arg13[%add3A_190] : memref<819328xf32, #tpu.memory_space<vmem_shared>> -> memref<12800xf32, #tpu.memory_space<vmem_shared>>
      tpu.wait_dma2 semaphore(%run_scoped3A : memref<!tpu.dma_semaphore, #tpu.memory_space<semaphore_mem>>) src(%arg11 : memref<12800xf32, #tpu.memory_space<vmem>>) dst(%dma_wait3A_224 : memref<12800xf32, #tpu.memory_space<vmem_shared>>)
      tpu.yield
    }) : () -> ()
    %mul3A_191 = arith.constant 51200 : i32
    %mul3A_192 = arith.muli %arg1, %mul3A_191 : i32
    %add3A_193 = arith.constant 12800 : i32
    %add3A_194 = arith.addi %mul3A_192, %add3A_193 : i32
    "tpu.region"() ({
      %run_scoped3A = tpu.sem_alloc : memref<!tpu.dma_semaphore, #tpu.memory_space<semaphore_mem>>
      %dma_start3A = tpu.memref_slice %arg13[%add3A_194] : memref<819328xf32, #tpu.memory_space<vmem_shared>> -> memref<12800xf32, #tpu.memory_space<vmem_shared>>
      %dma_start3A_223 = tpu.memref_slice %arg13[%add3A_194] : memref<819328xf32, #tpu.memory_space<vmem_shared>> -> memref<12800xf32, #tpu.memory_space<vmem_shared>>
      tpu.enqueue_dma source(%arg11 : memref<12800xf32, #tpu.memory_space<vmem>>) target(%dma_start3A_223 : memref<12800xf32, #tpu.memory_space<vmem_shared>>) target_semaphore(%run_scoped3A : memref<!tpu.dma_semaphore, #tpu.memory_space<semaphore_mem>>)
      %dma_wait3A = tpu.memref_slice %arg13[%add3A_194] : memref<819328xf32, #tpu.memory_space<vmem_shared>> -> memref<12800xf32, #tpu.memory_space<vmem_shared>>
      %dma_wait3A_224 = tpu.memref_slice %arg13[%add3A_194] : memref<819328xf32, #tpu.memory_space<vmem_shared>> -> memref<12800xf32, #tpu.memory_space<vmem_shared>>
      tpu.wait_dma2 semaphore(%run_scoped3A : memref<!tpu.dma_semaphore, #tpu.memory_space<semaphore_mem>>) src(%arg11 : memref<12800xf32, #tpu.memory_space<vmem>>) dst(%dma_wait3A_224 : memref<12800xf32, #tpu.memory_space<vmem_shared>>)
      tpu.yield
    }) : () -> ()
    %mul3A_195 = arith.constant 51200 : i32
    %mul3A_196 = arith.muli %arg1, %mul3A_195 : i32
    %add3A_197 = arith.constant 25600 : i32
    %add3A_198 = arith.addi %mul3A_196, %add3A_197 : i32
    "tpu.region"() ({
      %run_scoped3A = tpu.sem_alloc : memref<!tpu.dma_semaphore, #tpu.memory_space<semaphore_mem>>
      %dma_start3A = tpu.memref_slice %arg13[%add3A_198] : memref<819328xf32, #tpu.memory_space<vmem_shared>> -> memref<12800xf32, #tpu.memory_space<vmem_shared>>
      %dma_start3A_223 = tpu.memref_slice %arg13[%add3A_198] : memref<819328xf32, #tpu.memory_space<vmem_shared>> -> memref<12800xf32, #tpu.memory_space<vmem_shared>>
      tpu.enqueue_dma source(%arg11 : memref<12800xf32, #tpu.memory_space<vmem>>) target(%dma_start3A_223 : memref<12800xf32, #tpu.memory_space<vmem_shared>>) target_semaphore(%run_scoped3A : memref<!tpu.dma_semaphore, #tpu.memory_space<semaphore_mem>>)
      %dma_wait3A = tpu.memref_slice %arg13[%add3A_198] : memref<819328xf32, #tpu.memory_space<vmem_shared>> -> memref<12800xf32, #tpu.memory_space<vmem_shared>>
      %dma_wait3A_224 = tpu.memref_slice %arg13[%add3A_198] : memref<819328xf32, #tpu.memory_space<vmem_shared>> -> memref<12800xf32, #tpu.memory_space<vmem_shared>>
      tpu.wait_dma2 semaphore(%run_scoped3A : memref<!tpu.dma_semaphore, #tpu.memory_space<semaphore_mem>>) src(%arg11 : memref<12800xf32, #tpu.memory_space<vmem>>) dst(%dma_wait3A_224 : memref<12800xf32, #tpu.memory_space<vmem_shared>>)
      tpu.yield
    }) : () -> ()
    %mul3A_199 = arith.constant 51200 : i32
    %mul3A_200 = arith.muli %arg1, %mul3A_199 : i32
    %add3A_201 = arith.constant 38400 : i32
    %add3A_202 = arith.addi %mul3A_200, %add3A_201 : i32
    "tpu.region"() ({
      %run_scoped3A = tpu.sem_alloc : memref<!tpu.dma_semaphore, #tpu.memory_space<semaphore_mem>>
      %dma_start3A = tpu.memref_slice %arg13[%add3A_202] : memref<819328xf32, #tpu.memory_space<vmem_shared>> -> memref<12800xf32, #tpu.memory_space<vmem_shared>>
      %dma_start3A_223 = tpu.memref_slice %arg13[%add3A_202] : memref<819328xf32, #tpu.memory_space<vmem_shared>> -> memref<12800xf32, #tpu.memory_space<vmem_shared>>
      tpu.enqueue_dma source(%arg11 : memref<12800xf32, #tpu.memory_space<vmem>>) target(%dma_start3A_223 : memref<12800xf32, #tpu.memory_space<vmem_shared>>) target_semaphore(%run_scoped3A : memref<!tpu.dma_semaphore, #tpu.memory_space<semaphore_mem>>)
      %dma_wait3A = tpu.memref_slice %arg13[%add3A_202] : memref<819328xf32, #tpu.memory_space<vmem_shared>> -> memref<12800xf32, #tpu.memory_space<vmem_shared>>
      %dma_wait3A_224 = tpu.memref_slice %arg13[%add3A_202] : memref<819328xf32, #tpu.memory_space<vmem_shared>> -> memref<12800xf32, #tpu.memory_space<vmem_shared>>
      tpu.wait_dma2 semaphore(%run_scoped3A : memref<!tpu.dma_semaphore, #tpu.memory_space<semaphore_mem>>) src(%arg11 : memref<12800xf32, #tpu.memory_space<vmem>>) dst(%dma_wait3A_224 : memref<12800xf32, #tpu.memory_space<vmem_shared>>)
      tpu.yield
    }) : () -> ()
    %eq3A_203 = arith.constant 0 : i32
    %eq3A_204 = arith.cmpi eq, %arg1, %eq3A_203 : i32
    %convert_element_type3A_205 = arith.extui %eq3A_204 : i1 to i32
    %cond3A_206 = arith.constant 0 : i32
    %cond3A_207 = arith.cmpi ne, %convert_element_type3A_205, %cond3A_206 : i32
    scf.if %cond3A_207 {
      "tpu.region"() ({
        %run_scoped3A = tpu.sem_alloc : memref<!tpu.dma_semaphore, #tpu.memory_space<semaphore_mem>>
        %dma_start3A = arith.constant 0 : i32
        %dma_start3A_223 = tpu.memref_slice %arg11[%dma_start3A] : memref<12800xf32, #tpu.memory_space<vmem>> -> memref<128xf32, #tpu.memory_space<vmem>>
        %dma_start3A_224 = arith.constant 819200 : i32
        %dma_start3A_225 = tpu.memref_slice %arg13[%dma_start3A_224] : memref<819328xf32, #tpu.memory_space<vmem_shared>> -> memref<128xf32, #tpu.memory_space<vmem_shared>>
        %dma_start3A_226 = arith.constant 819200 : i32
        %dma_start3A_227 = tpu.memref_slice %arg13[%dma_start3A_226] : memref<819328xf32, #tpu.memory_space<vmem_shared>> -> memref<128xf32, #tpu.memory_space<vmem_shared>>
        %dma_start3A_228 = arith.constant 0 : i32
        %dma_start3A_229 = tpu.memref_slice %arg11[%dma_start3A_228] : memref<12800xf32, #tpu.memory_space<vmem>> -> memref<128xf32, #tpu.memory_space<vmem>>
        tpu.enqueue_dma source(%dma_start3A_229 : memref<128xf32, #tpu.memory_space<vmem>>) target(%dma_start3A_227 : memref<128xf32, #tpu.memory_space<vmem_shared>>) target_semaphore(%run_scoped3A : memref<!tpu.dma_semaphore, #tpu.memory_space<semaphore_mem>>)
        %dma_wait3A = arith.constant 0 : i32
        %dma_wait3A_230 = tpu.memref_slice %arg11[%dma_wait3A] : memref<12800xf32, #tpu.memory_space<vmem>> -> memref<128xf32, #tpu.memory_space<vmem>>
        %dma_wait3A_231 = arith.constant 819200 : i32
        %dma_wait3A_232 = tpu.memref_slice %arg13[%dma_wait3A_231] : memref<819328xf32, #tpu.memory_space<vmem_shared>> -> memref<128xf32, #tpu.memory_space<vmem_shared>>
        %dma_wait3A_233 = arith.constant 819200 : i32
        %dma_wait3A_234 = tpu.memref_slice %arg13[%dma_wait3A_233] : memref<819328xf32, #tpu.memory_space<vmem_shared>> -> memref<128xf32, #tpu.memory_space<vmem_shared>>
        %dma_wait3A_235 = arith.constant 0 : i32
        %dma_wait3A_236 = tpu.memref_slice %arg11[%dma_wait3A_235] : memref<12800xf32, #tpu.memory_space<vmem>> -> memref<128xf32, #tpu.memory_space<vmem>>
        tpu.wait_dma2 semaphore(%run_scoped3A : memref<!tpu.dma_semaphore, #tpu.memory_space<semaphore_mem>>) src(%dma_wait3A_236 : memref<128xf32, #tpu.memory_space<vmem>>) dst(%dma_wait3A_234 : memref<128xf32, #tpu.memory_space<vmem_shared>>)
        tpu.yield
      }) : () -> ()
    } else {
    }
    %barrier3A_208 = arith.constant 0 : index
    tpu.barrier barrier_id(%barrier3A_208)
    %scan3A_209 = arith.constant 0 : i32
    %scan3A_210 = arith.constant 80 : i32
    %scan3A_211 = arith.addi %scan3A_209, %scan3A_210 : i32
    %scan3A_212 = arith.constant 1 : i32
    scf.for %scan3A_223 = %scan3A_209 to %scan3A_211 step %scan3A_212  : i32 {
      %mul3A_224 = arith.constant 1 : i32
      %mul3A_225 = arith.muli %scan3A_223, %mul3A_224 : i32
      %add3A_226 = arith.constant 0 : i32
      %add3A_227 = arith.addi %add3A_226, %mul3A_225 : i32
      %get3A = arith.index_cast %add3A_227 : i32 to index
      %get3A_228 = arith.constant 0 : index
      %get3A_229 = tpu.vector_load %arg7[%get3A, %get3A_228] {strides = array<i32>} : memref<80x128xi32, #tpu.memory_space<vmem>>, vector<1x16xi32>,
      %get3A_230 = vector.shape_cast %get3A_229 : vector<1x16xi32> to vector<16xi32>
      %get3A_231 = arith.index_cast %add3A_227 : i32 to index
      %get3A_232 = arith.constant 0 : index
      %get3A_233 = tpu.vector_load %arg9[%get3A_231, %get3A_232] {strides = array<i32>} : memref<80x128xi32, #tpu.memory_space<vmem>>, vector<1x16xi32>,
      %get3A_234 = vector.shape_cast %get3A_233 : vector<1x16xi32> to vector<16xi32>
      %sub3A = vector.broadcast %mul3A_186 : i32 to vector<16xi32>
      %sub3A_235 = arith.subi %get3A_230, %sub3A : vector<16xi32>
      %ge3A = arith.constant 0 : i32
      %ge3A_236 = vector.broadcast %ge3A : i32 to vector<16xi32>
      %ge3A_237 = arith.cmpi sge, %sub3A_235, %ge3A_236 : vector<16xi32>
      %lt3A = arith.constant 1280 : i32
      %lt3A_238 = vector.broadcast %lt3A : i32 to vector<16xi32>
      %lt3A_239 = arith.cmpi slt, %sub3A_235, %lt3A_238 : vector<16xi32>
      %and3A = arith.andi %ge3A_237, %lt3A_239 : vector<16xi1>
      %mul3A_240 = arith.constant 640 : i32
      %mul3A_241 = vector.broadcast %mul3A_240 : i32 to vector<16xi32>
      %mul3A_242 = arith.muli %sub3A_235, %mul3A_241 : vector<16xi32>
      %add3A_243 = arith.addi %mul3A_242, %get3A_234 : vector<16xi32>
      %add3A_244 = arith.constant 819200 : i32
      %add3A_245 = vector.broadcast %add3A_244 : i32 to vector<16xi32>
      %add3A_246 = arith.addi %add3A_245, %iota3A : vector<16xi32>
      %select_n3A = arith.select %and3A, %add3A_243, %add3A_246 : vector<16xi1>, vector<16xi32>
      %swap3A_247 = arith.index_cast %add3A_227 : i32 to index
      %swap3A_248 = arith.constant 0 : index
      %swap3A_249 = tpu.vector_load %arg8[%swap3A_247, %swap3A_248] {strides = array<i32>} : memref<80x128xi32, #tpu.memory_space<vmem>>, vector<1x16xi32>,
      %swap3A_250 = vector.shape_cast %swap3A_249 : vector<1x16xi32> to vector<16xi32>
      %swap3A_251 = vector.shape_cast %select_n3A : vector<16xi32> to vector<1x16xi32>
      tpu.vector_store %arg8[%swap3A_247, %swap3A_248], %swap3A_251 {strides = array<i32>} : memref<80x128xi32, #tpu.memory_space<vmem>>, vector<1x16xi32>,
      %get3A_252 = arith.index_cast %add3A_227 : i32 to index
      %get3A_253 = arith.constant 16 : index
      %get3A_254 = tpu.vector_load %arg7[%get3A_252, %get3A_253] {strides = array<i32>} : memref<80x128xi32, #tpu.memory_space<vmem>>, vector<1x16xi32>,
      %get3A_255 = vector.shape_cast %get3A_254 : vector<1x16xi32> to vector<16xi32>
      %get3A_256 = arith.index_cast %add3A_227 : i32 to index
      %get3A_257 = arith.constant 16 : index
      %get3A_258 = tpu.vector_load %arg9[%get3A_256, %get3A_257] {strides = array<i32>} : memref<80x128xi32, #tpu.memory_space<vmem>>, vector<1x16xi32>,
      %get3A_259 = vector.shape_cast %get3A_258 : vector<1x16xi32> to vector<16xi32>
      %sub3A_260 = vector.broadcast %mul3A_186 : i32 to vector<16xi32>
      %sub3A_261 = arith.subi %get3A_255, %sub3A_260 : vector<16xi32>
      %ge3A_262 = arith.constant 0 : i32
      %ge3A_263 = vector.broadcast %ge3A_262 : i32 to vector<16xi32>
      %ge3A_264 = arith.cmpi sge, %sub3A_261, %ge3A_263 : vector<16xi32>
      %lt3A_265 = arith.constant 1280 : i32
      %lt3A_266 = vector.broadcast %lt3A_265 : i32 to vector<16xi32>
      %lt3A_267 = arith.cmpi slt, %sub3A_261, %lt3A_266 : vector<16xi32>
      %and3A_268 = arith.andi %ge3A_264, %lt3A_267 : vector<16xi1>
      %mul3A_269 = arith.constant 640 : i32
      %mul3A_270 = vector.broadcast %mul3A_269 : i32 to vector<16xi32>
      %mul3A_271 = arith.muli %sub3A_261, %mul3A_270 : vector<16xi32>
      %add3A_272 = arith.addi %mul3A_271, %get3A_259 : vector<16xi32>
      %add3A_273 = arith.constant 819216 : i32
      %add3A_274 = vector.broadcast %add3A_273 : i32 to vector<16xi32>
      %add3A_275 = arith.addi %add3A_274, %iota3A : vector<16xi32>
      %select_n3A_276 = arith.select %and3A_268, %add3A_272, %add3A_275 : vector<16xi1>, vector<16xi32>
      %swap3A_277 = arith.index_cast %add3A_227 : i32 to index
      %swap3A_278 = arith.constant 16 : index
      %swap3A_279 = tpu.vector_load %arg8[%swap3A_277, %swap3A_278] {strides = array<i32>} : memref<80x128xi32, #tpu.memory_space<vmem>>, vector<1x16xi32>,
      %swap3A_280 = vector.shape_cast %swap3A_279 : vector<1x16xi32> to vector<16xi32>
      %swap3A_281 = vector.shape_cast %select_n3A_276 : vector<16xi32> to vector<1x16xi32>
      tpu.vector_store %arg8[%swap3A_277, %swap3A_278], %swap3A_281 {strides = array<i32>} : memref<80x128xi32, #tpu.memory_space<vmem>>, vector<1x16xi32>,
      %get3A_282 = arith.index_cast %add3A_227 : i32 to index
      %get3A_283 = arith.constant 32 : index
      %get3A_284 = tpu.vector_load %arg7[%get3A_282, %get3A_283] {strides = array<i32>} : memref<80x128xi32, #tpu.memory_space<vmem>>, vector<1x16xi32>,
      %get3A_285 = vector.shape_cast %get3A_284 : vector<1x16xi32> to vector<16xi32>
      %get3A_286 = arith.index_cast %add3A_227 : i32 to index
      %get3A_287 = arith.constant 32 : index
      %get3A_288 = tpu.vector_load %arg9[%get3A_286, %get3A_287] {strides = array<i32>} : memref<80x128xi32, #tpu.memory_space<vmem>>, vector<1x16xi32>,
      %get3A_289 = vector.shape_cast %get3A_288 : vector<1x16xi32> to vector<16xi32>
      %sub3A_290 = vector.broadcast %mul3A_186 : i32 to vector<16xi32>
      %sub3A_291 = arith.subi %get3A_285, %sub3A_290 : vector<16xi32>
      %ge3A_292 = arith.constant 0 : i32
      %ge3A_293 = vector.broadcast %ge3A_292 : i32 to vector<16xi32>
      %ge3A_294 = arith.cmpi sge, %sub3A_291, %ge3A_293 : vector<16xi32>
      %lt3A_295 = arith.constant 1280 : i32
      %lt3A_296 = vector.broadcast %lt3A_295 : i32 to vector<16xi32>
      %lt3A_297 = arith.cmpi slt, %sub3A_291, %lt3A_296 : vector<16xi32>
      %and3A_298 = arith.andi %ge3A_294, %lt3A_297 : vector<16xi1>
      %mul3A_299 = arith.constant 640 : i32
      %mul3A_300 = vector.broadcast %mul3A_299 : i32 to vector<16xi32>
      %mul3A_301 = arith.muli %sub3A_291, %mul3A_300 : vector<16xi32>
      %add3A_302 = arith.addi %mul3A_301, %get3A_289 : vector<16xi32>
      %add3A_303 = arith.constant 819232 : i32
      %add3A_304 = vector.broadcast %add3A_303 : i32 to vector<16xi32>
      %add3A_305 = arith.addi %add3A_304, %iota3A : vector<16xi32>
      %select_n3A_306 = arith.select %and3A_298, %add3A_302, %add3A_305 : vector<16xi1>, vector<16xi32>
      %swap3A_307 = arith.index_cast %add3A_227 : i32 to index
      %swap3A_308 = arith.constant 32 : index
      %swap3A_309 = tpu.vector_load %arg8[%swap3A_307, %swap3A_308] {strides = array<i32>} : memref<80x128xi32, #tpu.memory_space<vmem>>, vector<1x16xi32>,
      %swap3A_310 = vector.shape_cast %swap3A_309 : vector<1x16xi32> to vector<16xi32>
      %swap3A_311 = vector.shape_cast %select_n3A_306 : vector<16xi32> to vector<1x16xi32>
      tpu.vector_store %arg8[%swap3A_307, %swap3A_308], %swap3A_311 {strides = array<i32>} : memref<80x128xi32, #tpu.memory_space<vmem>>, vector<1x16xi32>,
      %get3A_312 = arith.index_cast %add3A_227 : i32 to index
      %get3A_313 = arith.constant 48 : index
      %get3A_314 = tpu.vector_load %arg7[%get3A_312, %get3A_313] {strides = array<i32>} : memref<80x128xi32, #tpu.memory_space<vmem>>, vector<1x16xi32>,
      %get3A_315 = vector.shape_cast %get3A_314 : vector<1x16xi32> to vector<16xi32>
      %get3A_316 = arith.index_cast %add3A_227 : i32 to index
      %get3A_317 = arith.constant 48 : index
      %get3A_318 = tpu.vector_load %arg9[%get3A_316, %get3A_317] {strides = array<i32>} : memref<80x128xi32, #tpu.memory_space<vmem>>, vector<1x16xi32>,
      %get3A_319 = vector.shape_cast %get3A_318 : vector<1x16xi32> to vector<16xi32>
      %sub3A_320 = vector.broadcast %mul3A_186 : i32 to vector<16xi32>
      %sub3A_321 = arith.subi %get3A_315, %sub3A_320 : vector<16xi32>
      %ge3A_322 = arith.constant 0 : i32
      %ge3A_323 = vector.broadcast %ge3A_322 : i32 to vector<16xi32>
      %ge3A_324 = arith.cmpi sge, %sub3A_321, %ge3A_323 : vector<16xi32>
      %lt3A_325 = arith.constant 1280 : i32
      %lt3A_326 = vector.broadcast %lt3A_325 : i32 to vector<16xi32>
      %lt3A_327 = arith.cmpi slt, %sub3A_321, %lt3A_326 : vector<16xi32>
      %and3A_328 = arith.andi %ge3A_324, %lt3A_327 : vector<16xi1>
      %mul3A_329 = arith.constant 640 : i32
      %mul3A_330 = vector.broadcast %mul3A_329 : i32 to vector<16xi32>
      %mul3A_331 = arith.muli %sub3A_321, %mul3A_330 : vector<16xi32>
      %add3A_332 = arith.addi %mul3A_331, %get3A_319 : vector<16xi32>
      %add3A_333 = arith.constant 819248 : i32
      %add3A_334 = vector.broadcast %add3A_333 : i32 to vector<16xi32>
      %add3A_335 = arith.addi %add3A_334, %iota3A : vector<16xi32>
      %select_n3A_336 = arith.select %and3A_328, %add3A_332, %add3A_335 : vector<16xi1>, vector<16xi32>
      %swap3A_337 = arith.index_cast %add3A_227 : i32 to index
      %swap3A_338 = arith.constant 48 : index
      %swap3A_339 = tpu.vector_load %arg8[%swap3A_337, %swap3A_338] {strides = array<i32>} : memref<80x128xi32, #tpu.memory_space<vmem>>, vector<1x16xi32>,
      %swap3A_340 = vector.shape_cast %swap3A_339 : vector<1x16xi32> to vector<16xi32>
      %swap3A_341 = vector.shape_cast %select_n3A_336 : vector<16xi32> to vector<1x16xi32>
      tpu.vector_store %arg8[%swap3A_337, %swap3A_338], %swap3A_341 {strides = array<i32>} : memref<80x128xi32, #tpu.memory_space<vmem>>, vector<1x16xi32>,
      %get3A_342 = arith.index_cast %add3A_227 : i32 to index
      %get3A_343 = arith.constant 64 : index
      %get3A_344 = tpu.vector_load %arg7[%get3A_342, %get3A_343] {strides = array<i32>} : memref<80x128xi32, #tpu.memory_space<vmem>>, vector<1x16xi32>,
      %get3A_345 = vector.shape_cast %get3A_344 : vector<1x16xi32> to vector<16xi32>
      %get3A_346 = arith.index_cast %add3A_227 : i32 to index
      %get3A_347 = arith.constant 64 : index
      %get3A_348 = tpu.vector_load %arg9[%get3A_346, %get3A_347] {strides = array<i32>} : memref<80x128xi32, #tpu.memory_space<vmem>>, vector<1x16xi32>,
      %get3A_349 = vector.shape_cast %get3A_348 : vector<1x16xi32> to vector<16xi32>
      %sub3A_350 = vector.broadcast %mul3A_186 : i32 to vector<16xi32>
      %sub3A_351 = arith.subi %get3A_345, %sub3A_350 : vector<16xi32>
      %ge3A_352 = arith.constant 0 : i32
      %ge3A_353 = vector.broadcast %ge3A_352 : i32 to vector<16xi32>
      %ge3A_354 = arith.cmpi sge, %sub3A_351, %ge3A_353 : vector<16xi32>
      %lt3A_355 = arith.constant 1280 : i32
      %lt3A_356 = vector.broadcast %lt3A_355 : i32 to vector<16xi32>
      %lt3A_357 = arith.cmpi slt, %sub3A_351, %lt3A_356 : vector<16xi32>
      %and3A_358 = arith.andi %ge3A_354, %lt3A_357 : vector<16xi1>
      %mul3A_359 = arith.constant 640 : i32
      %mul3A_360 = vector.broadcast %mul3A_359 : i32 to vector<16xi32>
      %mul3A_361 = arith.muli %sub3A_351, %mul3A_360 : vector<16xi32>
      %add3A_362 = arith.addi %mul3A_361, %get3A_349 : vector<16xi32>
      %add3A_363 = arith.constant 819264 : i32
      %add3A_364 = vector.broadcast %add3A_363 : i32 to vector<16xi32>
      %add3A_365 = arith.addi %add3A_364, %iota3A : vector<16xi32>
      %select_n3A_366 = arith.select %and3A_358, %add3A_362, %add3A_365 : vector<16xi1>, vector<16xi32>
      %swap3A_367 = arith.index_cast %add3A_227 : i32 to index
      %swap3A_368 = arith.constant 64 : index
      %swap3A_369 = tpu.vector_load %arg8[%swap3A_367, %swap3A_368] {strides = array<i32>} : memref<80x128xi32, #tpu.memory_space<vmem>>, vector<1x16xi32>,
      %swap3A_370 = vector.shape_cast %swap3A_369 : vector<1x16xi32> to vector<16xi32>
      %swap3A_371 = vector.shape_cast %select_n3A_366 : vector<16xi32> to vector<1x16xi32>
      tpu.vector_store %arg8[%swap3A_367, %swap3A_368], %swap3A_371 {strides = array<i32>} : memref<80x128xi32, #tpu.memory_space<vmem>>, vector<1x16xi32>,
      %get3A_372 = arith.index_cast %add3A_227 : i32 to index
      %get3A_373 = arith.constant 80 : index
      %get3A_374 = tpu.vector_load %arg7[%get3A_372, %get3A_373] {strides = array<i32>} : memref<80x128xi32, #tpu.memory_space<vmem>>, vector<1x16xi32>,
      %get3A_375 = vector.shape_cast %get3A_374 : vector<1x16xi32> to vector<16xi32>
      %get3A_376 = arith.index_cast %add3A_227 : i32 to index
      %get3A_377 = arith.constant 80 : index
      %get3A_378 = tpu.vector_load %arg9[%get3A_376, %get3A_377] {strides = array<i32>} : memref<80x128xi32, #tpu.memory_space<vmem>>, vector<1x16xi32>,
      %get3A_379 = vector.shape_cast %get3A_378 : vector<1x16xi32> to vector<16xi32>
      %sub3A_380 = vector.broadcast %mul3A_186 : i32 to vector<16xi32>
      %sub3A_381 = arith.subi %get3A_375, %sub3A_380 : vector<16xi32>
      %ge3A_382 = arith.constant 0 : i32
      %ge3A_383 = vector.broadcast %ge3A_382 : i32 to vector<16xi32>
      %ge3A_384 = arith.cmpi sge, %sub3A_381, %ge3A_383 : vector<16xi32>
      %lt3A_385 = arith.constant 1280 : i32
      %lt3A_386 = vector.broadcast %lt3A_385 : i32 to vector<16xi32>
      %lt3A_387 = arith.cmpi slt, %sub3A_381, %lt3A_386 : vector<16xi32>
      %and3A_388 = arith.andi %ge3A_384, %lt3A_387 : vector<16xi1>
      %mul3A_389 = arith.constant 640 : i32
      %mul3A_390 = vector.broadcast %mul3A_389 : i32 to vector<16xi32>
      %mul3A_391 = arith.muli %sub3A_381, %mul3A_390 : vector<16xi32>
      %add3A_392 = arith.addi %mul3A_391, %get3A_379 : vector<16xi32>
      %add3A_393 = arith.constant 819280 : i32
      %add3A_394 = vector.broadcast %add3A_393 : i32 to vector<16xi32>
      %add3A_395 = arith.addi %add3A_394, %iota3A : vector<16xi32>
      %select_n3A_396 = arith.select %and3A_388, %add3A_392, %add3A_395 : vector<16xi1>, vector<16xi32>
      %swap3A_397 = arith.index_cast %add3A_227 : i32 to index
      %swap3A_398 = arith.constant 80 : index
      %swap3A_399 = tpu.vector_load %arg8[%swap3A_397, %swap3A_398] {strides = array<i32>} : memref<80x128xi32, #tpu.memory_space<vmem>>, vector<1x16xi32>,
      %swap3A_400 = vector.shape_cast %swap3A_399 : vector<1x16xi32> to vector<16xi32>
      %swap3A_401 = vector.shape_cast %select_n3A_396 : vector<16xi32> to vector<1x16xi32>
      tpu.vector_store %arg8[%swap3A_397, %swap3A_398], %swap3A_401 {strides = array<i32>} : memref<80x128xi32, #tpu.memory_space<vmem>>, vector<1x16xi32>,
      %get3A_402 = arith.index_cast %add3A_227 : i32 to index
      %get3A_403 = arith.constant 96 : index
      %get3A_404 = tpu.vector_load %arg7[%get3A_402, %get3A_403] {strides = array<i32>} : memref<80x128xi32, #tpu.memory_space<vmem>>, vector<1x16xi32>,
      %get3A_405 = vector.shape_cast %get3A_404 : vector<1x16xi32> to vector<16xi32>
      %get3A_406 = arith.index_cast %add3A_227 : i32 to index
      %get3A_407 = arith.constant 96 : index
      %get3A_408 = tpu.vector_load %arg9[%get3A_406, %get3A_407] {strides = array<i32>} : memref<80x128xi32, #tpu.memory_space<vmem>>, vector<1x16xi32>,
      %get3A_409 = vector.shape_cast %get3A_408 : vector<1x16xi32> to vector<16xi32>
      %sub3A_410 = vector.broadcast %mul3A_186 : i32 to vector<16xi32>
      %sub3A_411 = arith.subi %get3A_405, %sub3A_410 : vector<16xi32>
      %ge3A_412 = arith.constant 0 : i32
      %ge3A_413 = vector.broadcast %ge3A_412 : i32 to vector<16xi32>
      %ge3A_414 = arith.cmpi sge, %sub3A_411, %ge3A_413 : vector<16xi32>
      %lt3A_415 = arith.constant 1280 : i32
      %lt3A_416 = vector.broadcast %lt3A_415 : i32 to vector<16xi32>
      %lt3A_417 = arith.cmpi slt, %sub3A_411, %lt3A_416 : vector<16xi32>
      %and3A_418 = arith.andi %ge3A_414, %lt3A_417 : vector<16xi1>
      %mul3A_419 = arith.constant 640 : i32
      %mul3A_420 = vector.broadcast %mul3A_419 : i32 to vector<16xi32>
      %mul3A_421 = arith.muli %sub3A_411, %mul3A_420 : vector<16xi32>
      %add3A_422 = arith.addi %mul3A_421, %get3A_409 : vector<16xi32>
      %add3A_423 = arith.constant 819296 : i32
      %add3A_424 = vector.broadcast %add3A_423 : i32 to vector<16xi32>
      %add3A_425 = arith.addi %add3A_424, %iota3A : vector<16xi32>
      %select_n3A_426 = arith.select %and3A_418, %add3A_422, %add3A_425 : vector<16xi1>, vector<16xi32>
      %swap3A_427 = arith.index_cast %add3A_227 : i32 to index
      %swap3A_428 = arith.constant 96 : index
      %swap3A_429 = tpu.vector_load %arg8[%swap3A_427, %swap3A_428] {strides = array<i32>} : memref<80x128xi32, #tpu.memory_space<vmem>>, vector<1x16xi32>,
      %swap3A_430 = vector.shape_cast %swap3A_429 : vector<1x16xi32> to vector<16xi32>
      %swap3A_431 = vector.shape_cast %select_n3A_426 : vector<16xi32> to vector<1x16xi32>
      tpu.vector_store %arg8[%swap3A_427, %swap3A_428], %swap3A_431 {strides = array<i32>} : memref<80x128xi32, #tpu.memory_space<vmem>>, vector<1x16xi32>,
      %get3A_432 = arith.index_cast %add3A_227 : i32 to index
      %get3A_433 = arith.constant 112 : index
      %get3A_434 = tpu.vector_load %arg7[%get3A_432, %get3A_433] {strides = array<i32>} : memref<80x128xi32, #tpu.memory_space<vmem>>, vector<1x16xi32>,
      %get3A_435 = vector.shape_cast %get3A_434 : vector<1x16xi32> to vector<16xi32>
      %get3A_436 = arith.index_cast %add3A_227 : i32 to index
      %get3A_437 = arith.constant 112 : index
      %get3A_438 = tpu.vector_load %arg9[%get3A_436, %get3A_437] {strides = array<i32>} : memref<80x128xi32, #tpu.memory_space<vmem>>, vector<1x16xi32>,
      %get3A_439 = vector.shape_cast %get3A_438 : vector<1x16xi32> to vector<16xi32>
      %sub3A_440 = vector.broadcast %mul3A_186 : i32 to vector<16xi32>
      %sub3A_441 = arith.subi %get3A_435, %sub3A_440 : vector<16xi32>
      %ge3A_442 = arith.constant 0 : i32
      %ge3A_443 = vector.broadcast %ge3A_442 : i32 to vector<16xi32>
      %ge3A_444 = arith.cmpi sge, %sub3A_441, %ge3A_443 : vector<16xi32>
      %lt3A_445 = arith.constant 1280 : i32
      %lt3A_446 = vector.broadcast %lt3A_445 : i32 to vector<16xi32>
      %lt3A_447 = arith.cmpi slt, %sub3A_441, %lt3A_446 : vector<16xi32>
      %and3A_448 = arith.andi %ge3A_444, %lt3A_447 : vector<16xi1>
      %mul3A_449 = arith.constant 640 : i32
      %mul3A_450 = vector.broadcast %mul3A_449 : i32 to vector<16xi32>
      %mul3A_451 = arith.muli %sub3A_441, %mul3A_450 : vector<16xi32>
      %add3A_452 = arith.addi %mul3A_451, %get3A_439 : vector<16xi32>
      %add3A_453 = arith.constant 819312 : i32
      %add3A_454 = vector.broadcast %add3A_453 : i32 to vector<16xi32>
      %add3A_455 = arith.addi %add3A_454, %iota3A : vector<16xi32>
      %select_n3A_456 = arith.select %and3A_448, %add3A_452, %add3A_455 : vector<16xi1>, vector<16xi32>
      %swap3A_457 = arith.index_cast %add3A_227 : i32 to index
      %swap3A_458 = arith.constant 112 : index
      %swap3A_459 = tpu.vector_load %arg8[%swap3A_457, %swap3A_458] {strides = array<i32>} : memref<80x128xi32, #tpu.memory_space<vmem>>, vector<1x16xi32>,
      %swap3A_460 = vector.shape_cast %swap3A_459 : vector<1x16xi32> to vector<16xi32>
      %swap3A_461 = vector.shape_cast %select_n3A_456 : vector<16xi32> to vector<1x16xi32>
      tpu.vector_store %arg8[%swap3A_457, %swap3A_458], %swap3A_461 {strides = array<i32>} : memref<80x128xi32, #tpu.memory_space<vmem>>, vector<1x16xi32>,
      "tpu.region"() ({
        %run_scoped3A = tpu.sem_alloc : memref<!tpu.dma_semaphore, #tpu.memory_space<semaphore_mem>>
        %dma_start3A = arith.constant 0 : i32
        %dma_start3A_462 = tpu.memref_slice %arg8[%add3A_227, %dma_start3A] : memref<80x128xi32, #tpu.memory_space<vmem>> -> memref<1x128xi32, #tpu.memory_space<vmem>>
        %dma_start3A_463 = tpu.memref_squeeze %dma_start3A_462 : memref<1x128xi32, #tpu.memory_space<vmem>> -> memref<128xi32, #tpu.memory_space<vmem>>
        %dma_start3A_464 = arith.constant 0 : i32
        %dma_start3A_465 = tpu.memref_slice %arg13[%dma_start3A_464] : memref<819328xf32, #tpu.memory_space<vmem_shared>> -> memref<819328xf32, #tpu.memory_space<vmem_shared>>
        tpu.enqueue_indirect_dma source(%arg10 : memref<128xf32, #tpu.memory_space<vmem>>) target(%dma_start3A_465 : memref<819328xf32, #tpu.memory_space<vmem_shared>>) offsets(%dma_start3A_463 : memref<128xi32, #tpu.memory_space<vmem>>) semaphore(%run_scoped3A : memref<!tpu.dma_semaphore, #tpu.memory_space<semaphore_mem>>) {add = true}
        %dma_wait3A = arith.constant 0 : i32
        %dma_wait3A_466 = tpu.memref_slice %arg8[%add3A_227, %dma_wait3A] : memref<80x128xi32, #tpu.memory_space<vmem>> -> memref<1x128xi32, #tpu.memory_space<vmem>>
        %dma_wait3A_467 = tpu.memref_squeeze %dma_wait3A_466 : memref<1x128xi32, #tpu.memory_space<vmem>> -> memref<128xi32, #tpu.memory_space<vmem>>
        %dma_wait3A_468 = arith.constant 0 : i32
        %dma_wait3A_469 = tpu.memref_slice %arg13[%dma_wait3A_468] : memref<819328xf32, #tpu.memory_space<vmem_shared>> -> memref<819328xf32, #tpu.memory_space<vmem_shared>>
        tpu.wait_indirect_dma semaphore(%run_scoped3A : memref<!tpu.dma_semaphore, #tpu.memory_space<semaphore_mem>>) src(%arg10 : memref<128xf32, #tpu.memory_space<vmem>>) dst(%dma_wait3A_469 : memref<819328xf32, #tpu.memory_space<vmem_shared>>)
        tpu.yield
      }) : () -> ()
    }
    %scan3A_213 = arith.constant 80 : i32
    %barrier3A_214 = arith.constant 0 : index
    tpu.barrier barrier_id(%barrier3A_214)
    %mul3A_215 = arith.constant 51200 : i32
    %mul3A_216 = arith.muli %arg1, %mul3A_215 : i32
    %mul3A_217 = arith.constant 640 : i32
    %mul3A_218 = arith.muli %mul3A_186, %mul3A_217 : i32
    %mul3A_219 = arith.constant 51200 : i32
    %mul3A_220 = arith.muli %arg1, %mul3A_219 : i32
    %add3A_221 = arith.addi %mul3A_218, %mul3A_220 : i32
    "tpu.region"() ({
      %run_scoped3A = tpu.sem_alloc : memref<!tpu.dma_semaphore, #tpu.memory_space<semaphore_mem>>
      %dma_start3A = tpu.memref_slice %arg5[%add3A_221] : memref<6553600xf32, #tpu.memory_space<hbm>> -> memref<51200xf32, #tpu.memory_space<hbm>>
      %dma_start3A_223 = tpu.memref_slice %arg13[%mul3A_216] : memref<819328xf32, #tpu.memory_space<vmem_shared>> -> memref<51200xf32, #tpu.memory_space<vmem_shared>>
      tpu.enqueue_dma source(%dma_start3A_223 : memref<51200xf32, #tpu.memory_space<vmem_shared>>) target(%dma_start3A : memref<51200xf32, #tpu.memory_space<hbm>>) target_semaphore(%run_scoped3A : memref<!tpu.dma_semaphore, #tpu.memory_space<semaphore_mem>>)
      %dma_wait3A = tpu.memref_slice %arg5[%add3A_221] : memref<6553600xf32, #tpu.memory_space<hbm>> -> memref<51200xf32, #tpu.memory_space<hbm>>
      %dma_wait3A_224 = tpu.memref_slice %arg13[%mul3A_216] : memref<819328xf32, #tpu.memory_space<vmem_shared>> -> memref<51200xf32, #tpu.memory_space<vmem_shared>>
      tpu.wait_dma2 semaphore(%run_scoped3A : memref<!tpu.dma_semaphore, #tpu.memory_space<semaphore_mem>>) src(%dma_wait3A_224 : memref<51200xf32, #tpu.memory_space<vmem_shared>>) dst(%dma_wait3A : memref<51200xf32, #tpu.memory_space<hbm>>)
      tpu.yield
    }) : () -> ()
    %barrier3A_222 = arith.constant 0 : index
    tpu.barrier barrier_id(%barrier3A_222)
    return
  }
}

module attributes {stable_mosaic.version = 14 : i64} {
  func.func @_embed_body(%arg0: memref<4x4096xf32, #tpu.memory_space<vmem>>, %arg1: memref<384x512xf32, #tpu.memory_space<vmem>>, %arg2: memref<1x512xf32, #tpu.memory_space<vmem>>, %arg3: memref<512x512xf32, #tpu.memory_space<vmem>>, %arg4: memref<1x512xf32, #tpu.memory_space<vmem>>, %arg5: memref<640x1xf32, #tpu.memory_space<vmem>>, %arg6: memref<4x640x512xf32, #tpu.memory_space<vmem>>) attributes {dimension_semantics = [], scalar_prefetch = 0 : i64, scratch_operands = 0 : i64, tpu.core_type = #tpu.core_type<tc>} {
    %get3A = arith.constant 0 : index
    %get3A_0 = arith.constant 0 : index
    %get3A_1 = vector.load %arg0[%get3A, %get3A_0] : memref<4x4096xf32, #tpu.memory_space<vmem>>, vector<4x4096xf32>
    %iota3A = tpu.iota {dimensions = array<i32: 1>} : vector<4x4096xi32>
    %iota3A_2 = tpu.iota {dimensions = array<i32: 1>} : vector<4x128xi32>
    %broadcast_in_dim3A = arith.constant 0.000000e+00 : f32
    %broadcast_in_dim3A_3 = vector.broadcast %broadcast_in_dim3A : f32 to vector<4x128xf32>
    %scan3A = arith.constant 0 : i32
    %scan3A_4 = arith.constant 128 : i32
    %scan3A_5 = arith.addi %scan3A, %scan3A_4 : i32
    %scan3A_6 = arith.constant 1 : i32
    %scan3A_7:4 = scf.for %scan3A_127 = %scan3A to %scan3A_5 step %scan3A_6 iter_args(%scan3A_128 = %get3A_1, %scan3A_129 = %broadcast_in_dim3A_3, %scan3A_130 = %broadcast_in_dim3A_3, %scan3A_131 = %broadcast_in_dim3A_3) -> (vector<4x4096xf32>, vector<4x128xf32>, vector<4x128xf32>, vector<4x128xf32>)  : i32 {
      %reduce_max3A = arith.constant dense<0xFF800000> : vector<4xf32>
      %reduce_max3A_132 = vector.multi_reduction <maximumf>, %scan3A_128, %reduce_max3A [1] : vector<4x4096xf32> to vector<4xf32>
      %broadcast_in_dim3A_133 = vector.shape_cast %reduce_max3A_132 : vector<4xf32> to vector<4x1xf32>
      %eq3A = vector.broadcast %broadcast_in_dim3A_133 : vector<4x1xf32> to vector<4x4096xf32>
      %eq3A_134 = arith.cmpf oeq, %scan3A_128, %eq3A : vector<4x4096xf32>
      %jit3A = arith.constant 4096 : i32
      %broadcast_in_dim3A_135 = vector.broadcast %jit3A : i32 to vector<4x4096xi32>
      %select_n3A = arith.select %eq3A_134, %iota3A, %broadcast_in_dim3A_135 : vector<4x4096xi1>, vector<4x4096xi32>
      %reduce_min3A = arith.constant dense<2147483647> : vector<4xi32>
      %reduce_min3A_136 = vector.multi_reduction <minsi>, %select_n3A, %reduce_min3A [1] : vector<4x4096xi32> to vector<4xi32>
      %broadcast_in_dim3A_137 = vector.shape_cast %reduce_min3A_136 : vector<4xi32> to vector<4x1xi32>
      %eq3A_138 = vector.broadcast %broadcast_in_dim3A_137 : vector<4x1xi32> to vector<4x4096xi32>
      %eq3A_139 = arith.cmpi eq, %iota3A, %eq3A_138 : vector<4x4096xi32>
      %jit3A_140 = arith.constant 0xFF800000 : f32
      %broadcast_in_dim3A_141 = vector.broadcast %jit3A_140 : f32 to vector<4x4096xf32>
      %select_n3A_142 = arith.select %eq3A_139, %broadcast_in_dim3A_141, %scan3A_128 : vector<4x4096xi1>, vector<4x4096xf32>
      %eq3A_143 = vector.broadcast %scan3A_127 : i32 to vector<4x128xi32>
      %eq3A_144 = arith.cmpi eq, %iota3A_2, %eq3A_143 : vector<4x128xi32>
      %broadcast_in_dim3A_145 = vector.shape_cast %broadcast_in_dim3A_133 : vector<4x1xf32> to vector<4x1xf32>
      %broadcast_in_dim3A_146 = vector.broadcast %broadcast_in_dim3A_145 : vector<4x1xf32> to vector<4x128xf32>
      %select_n3A_147 = arith.select %eq3A_144, %broadcast_in_dim3A_146, %scan3A_129 : vector<4x128xi1>, vector<4x128xf32>
      %jit3A_148 = arith.constant 64 : i32
      %div3A = vector.broadcast %jit3A_148 : i32 to vector<4x1xi32>
      %div3A_149 = arith.divsi %broadcast_in_dim3A_137, %div3A : vector<4x1xi32>
      %sign3A = arith.constant 0 : i32
      %sign3A_150 = vector.broadcast %sign3A : i32 to vector<4x1xi32>
      %sign3A_151 = arith.cmpi sgt, %broadcast_in_dim3A_137, %sign3A_150 : vector<4x1xi32>
      %sign3A_152 = arith.extui %sign3A_151 : vector<4x1xi1> to vector<4x1xi32>
      %sign3A_153 = arith.constant 0 : i32
      %sign3A_154 = vector.broadcast %sign3A_153 : i32 to vector<4x1xi32>
      %sign3A_155 = arith.cmpi slt, %broadcast_in_dim3A_137, %sign3A_154 : vector<4x1xi32>
      %sign3A_156 = arith.extui %sign3A_155 : vector<4x1xi1> to vector<4x1xi32>
      %sign3A_157 = arith.subi %sign3A_152, %sign3A_156 : vector<4x1xi32>
      %sign3A_158 = arith.constant 0 : i32
      %sign3A_159 = arith.cmpi sgt, %jit3A_148, %sign3A_158 : i32
      %sign3A_160 = arith.extui %sign3A_159 : i1 to i32
      %sign3A_161 = arith.constant 0 : i32
      %sign3A_162 = arith.cmpi slt, %jit3A_148, %sign3A_161 : i32
      %sign3A_163 = arith.extui %sign3A_162 : i1 to i32
      %sign3A_164 = arith.subi %sign3A_160, %sign3A_163 : i32
      %ne3A = vector.broadcast %sign3A_164 : i32 to vector<4x1xi32>
      %ne3A_165 = arith.cmpi ne, %sign3A_157, %ne3A : vector<4x1xi32>
      %rem3A = vector.broadcast %jit3A_148 : i32 to vector<4x1xi32>
      %rem3A_166 = arith.remsi %broadcast_in_dim3A_137, %rem3A : vector<4x1xi32>
      %ne3A_167 = arith.constant 0 : i32
      %ne3A_168 = vector.broadcast %ne3A_167 : i32 to vector<4x1xi32>
      %ne3A_169 = arith.cmpi ne, %rem3A_166, %ne3A_168 : vector<4x1xi32>
      %and3A = arith.andi %ne3A_165, %ne3A_169 : vector<4x1xi1>
      %sub3A = arith.constant 1 : i32
      %sub3A_170 = vector.broadcast %sub3A : i32 to vector<4x1xi32>
      %sub3A_171 = arith.subi %div3A_149, %sub3A_170 : vector<4x1xi32>
      %select_n3A_172 = arith.select %and3A, %sub3A_171, %div3A_149 : vector<4x1xi1>, vector<4x1xi32>
      %convert_element_type3A_173 = arith.sitofp %select_n3A_172 : vector<4x1xi32> to vector<4x1xf32>
      %div3A_174 = arith.constant 3.000000e+00 : f32
      %div3A_175 = vector.broadcast %div3A_174 : f32 to vector<4x1xf32>
      %div3A_176 = arith.divf %convert_element_type3A_173, %div3A_175 : vector<4x1xf32>
      %broadcast_in_dim3A_177 = vector.shape_cast %div3A_176 : vector<4x1xf32> to vector<4x1xf32>
      %broadcast_in_dim3A_178 = vector.broadcast %broadcast_in_dim3A_177 : vector<4x1xf32> to vector<4x128xf32>
      %select_n3A_179 = arith.select %eq3A_144, %broadcast_in_dim3A_178, %scan3A_130 : vector<4x128xi1>, vector<4x128xf32>
      %jit3A_180 = arith.constant 64 : i32
      %eq3A_181 = arith.constant 0 : i32
      %eq3A_182 = arith.cmpi eq, %jit3A_180, %eq3A_181 : i32
      %jit3A_183 = arith.constant 1 : i32
      %select_n3A_184 = arith.select %eq3A_182, %jit3A_183, %jit3A_180 : i32
      %rem3A_185 = vector.broadcast %select_n3A_184 : i32 to vector<4x1xi32>
      %rem3A_186 = arith.remsi %broadcast_in_dim3A_137, %rem3A_185 : vector<4x1xi32>
      %ne3A_187 = arith.constant 0 : i32
      %ne3A_188 = vector.broadcast %ne3A_187 : i32 to vector<4x1xi32>
      %ne3A_189 = arith.cmpi ne, %rem3A_186, %ne3A_188 : vector<4x1xi32>
      %lt3A = arith.constant 0 : i32
      %lt3A_190 = vector.broadcast %lt3A : i32 to vector<4x1xi32>
      %lt3A_191 = arith.cmpi slt, %rem3A_186, %lt3A_190 : vector<4x1xi32>
      %lt3A_192 = arith.constant 0 : i32
      %lt3A_193 = arith.cmpi slt, %select_n3A_184, %lt3A_192 : i32
      %ne3A_194 = vector.broadcast %lt3A_193 : i1 to vector<4x1xi1>
      %ne3A_195 = vector.broadcast %ne3A_194 : vector<4x1xi1> to vector<4x1xi1>
      %ne3A_196 = arith.xori %lt3A_191, %ne3A_195 : vector<4x1xi1>
      %and3A_197 = arith.andi %ne3A_196, %ne3A_189 : vector<4x1xi1>
      %add3A_198 = vector.broadcast %select_n3A_184 : i32 to vector<4x1xi32>
      %add3A_199 = arith.addi %rem3A_186, %add3A_198 : vector<4x1xi32>
      %select_n3A_200 = arith.select %and3A_197, %add3A_199, %rem3A_186 : vector<4x1xi1>, vector<4x1xi32>
      %convert_element_type3A_201 = arith.sitofp %select_n3A_200 : vector<4x1xi32> to vector<4x1xf32>
      %div3A_202 = arith.constant 3.000000e+00 : f32
      %div3A_203 = vector.broadcast %div3A_202 : f32 to vector<4x1xf32>
      %div3A_204 = arith.divf %convert_element_type3A_201, %div3A_203 : vector<4x1xf32>
      %broadcast_in_dim3A_205 = vector.shape_cast %div3A_204 : vector<4x1xf32> to vector<4x1xf32>
      %broadcast_in_dim3A_206 = vector.broadcast %broadcast_in_dim3A_205 : vector<4x1xf32> to vector<4x128xf32>
      %select_n3A_207 = arith.select %eq3A_144, %broadcast_in_dim3A_206, %scan3A_131 : vector<4x128xi1>, vector<4x128xf32>
      scf.yield %select_n3A_142, %select_n3A_147, %select_n3A_179, %select_n3A_207 : vector<4x4096xf32>, vector<4x128xf32>, vector<4x128xf32>, vector<4x128xf32>
    }
    %scan3A_8 = arith.constant 128 : i32
    %concatenate3A = tpu.concatenate %scan3A_7#1, %scan3A_7#2, %scan3A_7#3 in 1 : vector<4x128xf32>, vector<4x128xf32>, vector<4x128xf32> -> vector<4x384xf32>
    %get3A_9 = arith.constant 0 : index
    %get3A_10 = arith.constant 0 : index
    %get3A_11 = vector.load %arg1[%get3A_9, %get3A_10] : memref<384x512xf32, #tpu.memory_space<vmem>>, vector<384x512xf32>
    %convert_element_type3A = arith.truncf %concatenate3A : vector<4x384xf32> to vector<4x384xbf16>
    %convert_element_type3A_12 = arith.truncf %get3A_11 : vector<384x512xf32> to vector<384x512xbf16>
    %dot_general3A = arith.constant dense<0.000000e+00> : vector<4x512xf32>
    %dot_general3A_13 = tpu.matmul %convert_element_type3A, %convert_element_type3A_12, %dot_general3A {dimension_numbers = #tpu.dot_dimension_numbers<[1], [0], [0], [1], [0, 0, 1, 1], [], []>, transpose_lhs_hint = false} : vector<4x384xbf16>, vector<384x512xbf16>, vector<4x512xf32> -> vector<4x512xf32>
    %get3A_14 = arith.constant 0 : index
    %get3A_15 = arith.constant 0 : index
    %get3A_16 = vector.load %arg2[%get3A_14, %get3A_15] : memref<1x512xf32, #tpu.memory_space<vmem>>, vector<1x512xf32>
    %add3A = vector.broadcast %get3A_16 : vector<1x512xf32> to vector<4x512xf32>
    %add3A_17 = arith.addf %dot_general3A_13, %add3A : vector<4x512xf32>
    %max3A = arith.constant 0.000000e+00 : f32
    %max3A_18 = vector.broadcast %max3A : f32 to vector<4x512xf32>
    %max3A_19 = arith.maximumf %add3A_17, %max3A_18 : vector<4x512xf32>
    %get3A_20 = arith.constant 0 : index
    %get3A_21 = arith.constant 0 : index
    %get3A_22 = vector.load %arg3[%get3A_20, %get3A_21] : memref<512x512xf32, #tpu.memory_space<vmem>>, vector<512x512xf32>
    %convert_element_type3A_23 = arith.truncf %max3A_19 : vector<4x512xf32> to vector<4x512xbf16>
    %convert_element_type3A_24 = arith.truncf %get3A_22 : vector<512x512xf32> to vector<512x512xbf16>
    %dot_general3A_25 = arith.constant dense<0.000000e+00> : vector<4x512xf32>
    %dot_general3A_26 = tpu.matmul %convert_element_type3A_23, %convert_element_type3A_24, %dot_general3A_25 {dimension_numbers = #tpu.dot_dimension_numbers<[1], [0], [0], [1], [0, 0, 1, 1], [], []>, transpose_lhs_hint = false} : vector<4x512xbf16>, vector<512x512xbf16>, vector<4x512xf32> -> vector<4x512xf32>
    %get3A_27 = arith.constant 0 : index
    %get3A_28 = arith.constant 0 : index
    %get3A_29 = vector.load %arg5[%get3A_27, %get3A_28] : memref<640x1xf32, #tpu.memory_space<vmem>>, vector<640x1xf32>
    %slice3A = vector.extract_strided_slice %dot_general3A_26 {offsets = [0, 0], sizes = [1, 512], strides = [1, 1]} : vector<4x512xf32> to vector<1x512xf32>
    %mul3A = vector.broadcast %get3A_29 : vector<640x1xf32> to vector<640x512xf32>
    %mul3A_30 = vector.broadcast %slice3A : vector<1x512xf32> to vector<640x512xf32>
    %mul3A_31 = arith.mulf %mul3A, %mul3A_30 : vector<640x512xf32>
    %get3A_32 = arith.constant 0 : index
    %get3A_33 = arith.constant 0 : index
    %get3A_34 = vector.load %arg4[%get3A_32, %get3A_33] : memref<1x512xf32, #tpu.memory_space<vmem>>, vector<1x512xf32>
    %add3A_35 = vector.broadcast %get3A_34 : vector<1x512xf32> to vector<640x512xf32>
    %add3A_36 = arith.addf %mul3A_31, %add3A_35 : vector<640x512xf32>
    %max3A_37 = arith.constant 0.000000e+00 : f32
    %max3A_38 = vector.broadcast %max3A_37 : f32 to vector<640x512xf32>
    %max3A_39 = arith.maximumf %add3A_36, %max3A_38 : vector<640x512xf32>
    %get3A_40 = arith.constant 0 : index
    %get3A_41 = arith.constant 0 : index
    %get3A_42 = vector.load %arg3[%get3A_40, %get3A_41] : memref<512x512xf32, #tpu.memory_space<vmem>>, vector<512x512xf32>
    %convert_element_type3A_43 = arith.truncf %max3A_39 : vector<640x512xf32> to vector<640x512xbf16>
    %convert_element_type3A_44 = arith.truncf %get3A_42 : vector<512x512xf32> to vector<512x512xbf16>
    %dot_general3A_45 = arith.constant dense<0.000000e+00> : vector<640x512xf32>
    %dot_general3A_46 = tpu.matmul %convert_element_type3A_43, %convert_element_type3A_44, %dot_general3A_45 {dimension_numbers = #tpu.dot_dimension_numbers<[1], [0], [0], [1], [0, 0, 1, 1], [], []>, transpose_lhs_hint = false} : vector<640x512xbf16>, vector<512x512xbf16>, vector<640x512xf32> -> vector<640x512xf32>
    %swap3A = arith.constant 0 : index
    %swap3A_47 = arith.constant 0 : index
    %swap3A_48 = arith.constant 0 : index
    %swap3A_49 = vector.load %arg6[%swap3A, %swap3A_47, %swap3A_48] : memref<4x640x512xf32, #tpu.memory_space<vmem>>, vector<1x640x512xf32>
    %swap3A_50 = vector.shape_cast %swap3A_49 : vector<1x640x512xf32> to vector<640x512xf32>
    %swap3A_51 = vector.shape_cast %dot_general3A_46 : vector<640x512xf32> to vector<1x640x512xf32>
    tpu.vector_store %arg6[%swap3A, %swap3A_47, %swap3A_48], %swap3A_51 {strides = array<i32>} : memref<4x640x512xf32, #tpu.memory_space<vmem>>, vector<1x640x512xf32>,
    %slice3A_52 = vector.extract_strided_slice %dot_general3A_26 {offsets = [1, 0], sizes = [1, 512], strides = [1, 1]} : vector<4x512xf32> to vector<1x512xf32>
    %mul3A_53 = vector.broadcast %get3A_29 : vector<640x1xf32> to vector<640x512xf32>
    %mul3A_54 = vector.broadcast %slice3A_52 : vector<1x512xf32> to vector<640x512xf32>
    %mul3A_55 = arith.mulf %mul3A_53, %mul3A_54 : vector<640x512xf32>
    %get3A_56 = arith.constant 0 : index
    %get3A_57 = arith.constant 0 : index
    %get3A_58 = vector.load %arg4[%get3A_56, %get3A_57] : memref<1x512xf32, #tpu.memory_space<vmem>>, vector<1x512xf32>
    %add3A_59 = vector.broadcast %get3A_58 : vector<1x512xf32> to vector<640x512xf32>
    %add3A_60 = arith.addf %mul3A_55, %add3A_59 : vector<640x512xf32>
    %max3A_61 = arith.constant 0.000000e+00 : f32
    %max3A_62 = vector.broadcast %max3A_61 : f32 to vector<640x512xf32>
    %max3A_63 = arith.maximumf %add3A_60, %max3A_62 : vector<640x512xf32>
    %get3A_64 = arith.constant 0 : index
    %get3A_65 = arith.constant 0 : index
    %get3A_66 = vector.load %arg3[%get3A_64, %get3A_65] : memref<512x512xf32, #tpu.memory_space<vmem>>, vector<512x512xf32>
    %convert_element_type3A_67 = arith.truncf %max3A_63 : vector<640x512xf32> to vector<640x512xbf16>
    %convert_element_type3A_68 = arith.truncf %get3A_66 : vector<512x512xf32> to vector<512x512xbf16>
    %dot_general3A_69 = arith.constant dense<0.000000e+00> : vector<640x512xf32>
    %dot_general3A_70 = tpu.matmul %convert_element_type3A_67, %convert_element_type3A_68, %dot_general3A_69 {dimension_numbers = #tpu.dot_dimension_numbers<[1], [0], [0], [1], [0, 0, 1, 1], [], []>, transpose_lhs_hint = false} : vector<640x512xbf16>, vector<512x512xbf16>, vector<640x512xf32> -> vector<640x512xf32>
    %swap3A_71 = arith.constant 1 : index
    %swap3A_72 = arith.constant 0 : index
    %swap3A_73 = arith.constant 0 : index
    %swap3A_74 = vector.load %arg6[%swap3A_71, %swap3A_72, %swap3A_73] : memref<4x640x512xf32, #tpu.memory_space<vmem>>, vector<1x640x512xf32>
    %swap3A_75 = vector.shape_cast %swap3A_74 : vector<1x640x512xf32> to vector<640x512xf32>
    %swap3A_76 = vector.shape_cast %dot_general3A_70 : vector<640x512xf32> to vector<1x640x512xf32>
    tpu.vector_store %arg6[%swap3A_71, %swap3A_72, %swap3A_73], %swap3A_76 {strides = array<i32>} : memref<4x640x512xf32, #tpu.memory_space<vmem>>, vector<1x640x512xf32>,
    %slice3A_77 = vector.extract_strided_slice %dot_general3A_26 {offsets = [2, 0], sizes = [1, 512], strides = [1, 1]} : vector<4x512xf32> to vector<1x512xf32>
    %mul3A_78 = vector.broadcast %get3A_29 : vector<640x1xf32> to vector<640x512xf32>
    %mul3A_79 = vector.broadcast %slice3A_77 : vector<1x512xf32> to vector<640x512xf32>
    %mul3A_80 = arith.mulf %mul3A_78, %mul3A_79 : vector<640x512xf32>
    %get3A_81 = arith.constant 0 : index
    %get3A_82 = arith.constant 0 : index
    %get3A_83 = vector.load %arg4[%get3A_81, %get3A_82] : memref<1x512xf32, #tpu.memory_space<vmem>>, vector<1x512xf32>
    %add3A_84 = vector.broadcast %get3A_83 : vector<1x512xf32> to vector<640x512xf32>
    %add3A_85 = arith.addf %mul3A_80, %add3A_84 : vector<640x512xf32>
    %max3A_86 = arith.constant 0.000000e+00 : f32
    %max3A_87 = vector.broadcast %max3A_86 : f32 to vector<640x512xf32>
    %max3A_88 = arith.maximumf %add3A_85, %max3A_87 : vector<640x512xf32>
    %get3A_89 = arith.constant 0 : index
    %get3A_90 = arith.constant 0 : index
    %get3A_91 = vector.load %arg3[%get3A_89, %get3A_90] : memref<512x512xf32, #tpu.memory_space<vmem>>, vector<512x512xf32>
    %convert_element_type3A_92 = arith.truncf %max3A_88 : vector<640x512xf32> to vector<640x512xbf16>
    %convert_element_type3A_93 = arith.truncf %get3A_91 : vector<512x512xf32> to vector<512x512xbf16>
    %dot_general3A_94 = arith.constant dense<0.000000e+00> : vector<640x512xf32>
    %dot_general3A_95 = tpu.matmul %convert_element_type3A_92, %convert_element_type3A_93, %dot_general3A_94 {dimension_numbers = #tpu.dot_dimension_numbers<[1], [0], [0], [1], [0, 0, 1, 1], [], []>, transpose_lhs_hint = false} : vector<640x512xbf16>, vector<512x512xbf16>, vector<640x512xf32> -> vector<640x512xf32>
    %swap3A_96 = arith.constant 2 : index
    %swap3A_97 = arith.constant 0 : index
    %swap3A_98 = arith.constant 0 : index
    %swap3A_99 = vector.load %arg6[%swap3A_96, %swap3A_97, %swap3A_98] : memref<4x640x512xf32, #tpu.memory_space<vmem>>, vector<1x640x512xf32>
    %swap3A_100 = vector.shape_cast %swap3A_99 : vector<1x640x512xf32> to vector<640x512xf32>
    %swap3A_101 = vector.shape_cast %dot_general3A_95 : vector<640x512xf32> to vector<1x640x512xf32>
    tpu.vector_store %arg6[%swap3A_96, %swap3A_97, %swap3A_98], %swap3A_101 {strides = array<i32>} : memref<4x640x512xf32, #tpu.memory_space<vmem>>, vector<1x640x512xf32>,
    %slice3A_102 = vector.extract_strided_slice %dot_general3A_26 {offsets = [3, 0], sizes = [1, 512], strides = [1, 1]} : vector<4x512xf32> to vector<1x512xf32>
    %mul3A_103 = vector.broadcast %get3A_29 : vector<640x1xf32> to vector<640x512xf32>
    %mul3A_104 = vector.broadcast %slice3A_102 : vector<1x512xf32> to vector<640x512xf32>
    %mul3A_105 = arith.mulf %mul3A_103, %mul3A_104 : vector<640x512xf32>
    %get3A_106 = arith.constant 0 : index
    %get3A_107 = arith.constant 0 : index
    %get3A_108 = vector.load %arg4[%get3A_106, %get3A_107] : memref<1x512xf32, #tpu.memory_space<vmem>>, vector<1x512xf32>
    %add3A_109 = vector.broadcast %get3A_108 : vector<1x512xf32> to vector<640x512xf32>
    %add3A_110 = arith.addf %mul3A_105, %add3A_109 : vector<640x512xf32>
    %max3A_111 = arith.constant 0.000000e+00 : f32
    %max3A_112 = vector.broadcast %max3A_111 : f32 to vector<640x512xf32>
    %max3A_113 = arith.maximumf %add3A_110, %max3A_112 : vector<640x512xf32>
    %get3A_114 = arith.constant 0 : index
    %get3A_115 = arith.constant 0 : index
    %get3A_116 = vector.load %arg3[%get3A_114, %get3A_115] : memref<512x512xf32, #tpu.memory_space<vmem>>, vector<512x512xf32>
    %convert_element_type3A_117 = arith.truncf %max3A_113 : vector<640x512xf32> to vector<640x512xbf16>
    %convert_element_type3A_118 = arith.truncf %get3A_116 : vector<512x512xf32> to vector<512x512xbf16>
    %dot_general3A_119 = arith.constant dense<0.000000e+00> : vector<640x512xf32>
    %dot_general3A_120 = tpu.matmul %convert_element_type3A_117, %convert_element_type3A_118, %dot_general3A_119 {dimension_numbers = #tpu.dot_dimension_numbers<[1], [0], [0], [1], [0, 0, 1, 1], [], []>, transpose_lhs_hint = false} : vector<640x512xbf16>, vector<512x512xbf16>, vector<640x512xf32> -> vector<640x512xf32>
    %swap3A_121 = arith.constant 3 : index
    %swap3A_122 = arith.constant 0 : index
    %swap3A_123 = arith.constant 0 : index
    %swap3A_124 = vector.load %arg6[%swap3A_121, %swap3A_122, %swap3A_123] : memref<4x640x512xf32, #tpu.memory_space<vmem>>, vector<1x640x512xf32>
    %swap3A_125 = vector.shape_cast %swap3A_124 : vector<1x640x512xf32> to vector<640x512xf32>
    %swap3A_126 = vector.shape_cast %dot_general3A_120 : vector<640x512xf32> to vector<1x640x512xf32>
    tpu.vector_store %arg6[%swap3A_121, %swap3A_122, %swap3A_123], %swap3A_126 {strides = array<i32>} : memref<4x640x512xf32, #tpu.memory_space<vmem>>, vector<1x640x512xf32>,
    return
  }
}

module attributes {stable_mosaic.version = 14 : i64} {
  func.func @_gcn_body(%arg0: i32, %arg1: memref<1024x640xf32, #tpu.memory_space<vmem>>, %arg2: memref<1x1x1024xf32, #tpu.memory_space<vmem>>, %arg3: memref<4x640x512xf32, #tpu.memory_space<vmem>>, %arg4: memref<640x2048xf32, #tpu.memory_space<vmem>>, %arg5: memref<4096xi32, #tpu.memory_space<smem>>, %arg6: memref<4096xi32, #tpu.memory_space<smem>>, %arg7: memref<1xi32, #tpu.memory_space<smem>>, %arg8: memref<1x1024xf32, #tpu.memory_space<vmem>>, %arg9: memref<1x512xf32, #tpu.memory_space<vmem>>, %arg10: memref<512x512xf32, #tpu.memory_space<vmem>>, %arg11: memref<512x512xf32, #tpu.memory_space<vmem>>, %arg12: memref<1x512xf32, #tpu.memory_space<vmem>>, %arg13: memref<1x512xf32, #tpu.memory_space<vmem>>, %arg14: memref<4x128xf32, #tpu.memory_space<vmem>>, %arg15: memref<4x512xf32, #tpu.memory_space<vmem>>, %arg16: memref<1032x2048xf32, #tpu.memory_space<vmem>>) attributes {dimension_semantics = [#tpu.dimension_semantics<arbitrary>], iteration_bounds = array<i64: 10>, scalar_prefetch = 0 : i64, scratch_operands = 2 : i64, tpu.core_type = #tpu.core_type<tc>, window_params = [{transform_indices = @transform_0, window_bounds = array<i64: 1024, 640>}, {transform_indices = @transform_1, window_bounds = array<i64: 1, 1, 1024>}, {pipeline_mode = #tpu.pipeline_mode<synchronous>, transform_indices = @transform_2, window_bounds = array<i64: 4, 640, 512>}, {pipeline_mode = #tpu.pipeline_mode<synchronous>, transform_indices = @transform_3, window_bounds = array<i64: 640, 2048>}, {transform_indices = @transform_4, window_bounds = array<i64: 4096>}, {transform_indices = @transform_5, window_bounds = array<i64: 4096>}, {transform_indices = @transform_6, window_bounds = array<i64: 1>}, {pipeline_mode = #tpu.pipeline_mode<synchronous>, transform_indices = @transform_7, window_bounds = array<i64: 1, 1024>}, {pipeline_mode = #tpu.pipeline_mode<synchronous>, transform_indices = @transform_8, window_bounds = array<i64: 1, 512>}, {pipeline_mode = #tpu.pipeline_mode<synchronous>, transform_indices = @transform_9, window_bounds = array<i64: 512, 512>}, {pipeline_mode = #tpu.pipeline_mode<synchronous>, transform_indices = @transform_10, window_bounds = array<i64: 512, 512>}, {pipeline_mode = #tpu.pipeline_mode<synchronous>, transform_indices = @transform_11, window_bounds = array<i64: 1, 512>}, {pipeline_mode = #tpu.pipeline_mode<synchronous>, transform_indices = @transform_12, window_bounds = array<i64: 1, 512>}, {pipeline_mode = #tpu.pipeline_mode<synchronous>, transform_indices = @transform_13, window_bounds = array<i64: 4, 128>}]} {
    %eq3A = arith.constant 0 : i32
    %eq3A_0 = arith.cmpi eq, %arg0, %eq3A : i32
    %convert_element_type3A = arith.extui %eq3A_0 : i1 to i32
    %cond3A = arith.constant 0 : i32
    %cond3A_1 = arith.cmpi ne, %convert_element_type3A, %cond3A : i32
    scf.if %cond3A_1 {
      %broadcast_in_dim3A = arith.constant 0.000000e+00 : f32
      %broadcast_in_dim3A_114 = vector.broadcast %broadcast_in_dim3A : f32 to vector<4x512xf32>
      %swap3A_115 = arith.constant 0 : index
      %swap3A_116 = arith.constant 0 : index
      %swap3A_117 = vector.load %arg15[%swap3A_115, %swap3A_116] : memref<4x512xf32, #tpu.memory_space<vmem>>, vector<4x512xf32>
      tpu.vector_store %arg15[%swap3A_115, %swap3A_116], %broadcast_in_dim3A_114 {strides = array<i32>} : memref<4x512xf32, #tpu.memory_space<vmem>>, vector<4x512xf32>,
      %broadcast_in_dim3A_118 = arith.constant 0.000000e+00 : f32
      %broadcast_in_dim3A_119 = vector.broadcast %broadcast_in_dim3A_118 : f32 to vector<1032x2048xf32>
      %swap3A_120 = arith.constant 0 : index
      %swap3A_121 = arith.constant 0 : index
      %swap3A_122 = vector.load %arg16[%swap3A_120, %swap3A_121] : memref<1032x2048xf32, #tpu.memory_space<vmem>>, vector<1032x2048xf32>
      tpu.vector_store %arg16[%swap3A_120, %swap3A_121], %broadcast_in_dim3A_119 {strides = array<i32>} : memref<1032x2048xf32, #tpu.memory_space<vmem>>, vector<1032x2048xf32>,
    } else {
    }
    %get3A = arith.constant 0 : index
    %get3A_2 = arith.constant 0 : index
    %get3A_3 = vector.load %arg1[%get3A, %get3A_2] : memref<1024x640xf32, #tpu.memory_space<vmem>>, vector<1024x640xf32>
    %get3A_4 = arith.constant 0 : index
    %get3A_5 = arith.constant 0 : index
    %get3A_6 = arith.constant 0 : index
    %get3A_7 = vector.load %arg2[%get3A_4, %get3A_5, %get3A_6] : memref<1x1x1024xf32, #tpu.memory_space<vmem>>, vector<1x1x1024xf32>
    %get3A_8 = vector.shape_cast %get3A_7 : vector<1x1x1024xf32> to vector<1x1024xf32>
    %get3A_9 = arith.constant 0 : index
    %get3A_10 = arith.constant 0 : index
    %get3A_11 = arith.constant 0 : index
    %get3A_12 = vector.load %arg3[%get3A_9, %get3A_10, %get3A_11] : memref<4x640x512xf32, #tpu.memory_space<vmem>>, vector<1x640x512xf32>
    %get3A_13 = vector.shape_cast %get3A_12 : vector<1x640x512xf32> to vector<640x512xf32>
    %dot_general3A = arith.constant dense<0.000000e+00> : vector<1024x512xf32>
    %dot_general3A_14 = tpu.matmul %get3A_3, %get3A_13, %dot_general3A {dimension_numbers = #tpu.dot_dimension_numbers<[1], [0], [0], [1], [0, 0, 1, 1], [], []>, precision = #tpu.contract_precision<fp32>, transpose_lhs_hint = false} : vector<1024x640xf32>, vector<640x512xf32>, vector<1024x512xf32> -> vector<1024x512xf32>
    %get3A_15 = arith.constant 0 : index
    %get3A_16 = arith.constant 0 : index
    %get3A_17 = vector.load %arg9[%get3A_15, %get3A_16] : memref<1x512xf32, #tpu.memory_space<vmem>>, vector<1x512xf32>
    %add3A = vector.broadcast %get3A_17 : vector<1x512xf32> to vector<1024x512xf32>
    %add3A_18 = arith.addf %dot_general3A_14, %add3A : vector<1024x512xf32>
    %max3A = arith.constant 0.000000e+00 : f32
    %max3A_19 = vector.broadcast %max3A : f32 to vector<1024x512xf32>
    %max3A_20 = arith.maximumf %add3A_18, %max3A_19 : vector<1024x512xf32>
    %convert_element_type3A_21 = arith.truncf %max3A_20 : vector<1024x512xf32> to vector<1024x512xbf16>
    %convert_element_type3A_22 = arith.extf %convert_element_type3A_21 : vector<1024x512xbf16> to vector<1024x512xf32>
    %get3A_23 = arith.constant 0 : index
    %get3A_24 = arith.constant 0 : index
    %get3A_25 = vector.load %arg15[%get3A_23, %get3A_24] : memref<4x512xf32, #tpu.memory_space<vmem>>, vector<1x512xf32>
    %dot_general3A_26 = arith.constant dense<0.000000e+00> : vector<1x512xf32>
    %dot_general3A_27 = tpu.matmul %get3A_8, %convert_element_type3A_22, %dot_general3A_26 {dimension_numbers = #tpu.dot_dimension_numbers<[1], [0], [0], [1], [0, 0, 1, 1], [], []>, precision = #tpu.contract_precision<fp32>, transpose_lhs_hint = false} : vector<1x1024xf32>, vector<1024x512xf32>, vector<1x512xf32> -> vector<1x512xf32>
    %add3A_28 = arith.addf %get3A_25, %dot_general3A_27 : vector<1x512xf32>
    %swap3A = arith.constant 0 : index
    %swap3A_29 = arith.constant 0 : index
    %swap3A_30 = vector.load %arg15[%swap3A, %swap3A_29] : memref<4x512xf32, #tpu.memory_space<vmem>>, vector<1x512xf32>
    tpu.vector_store %arg15[%swap3A, %swap3A_29], %add3A_28 {strides = array<i32>} : memref<4x512xf32, #tpu.memory_space<vmem>>, vector<1x512xf32>,
    %get3A_31 = arith.constant 1 : index
    %get3A_32 = arith.constant 0 : index
    %get3A_33 = arith.constant 0 : index
    %get3A_34 = vector.load %arg3[%get3A_31, %get3A_32, %get3A_33] : memref<4x640x512xf32, #tpu.memory_space<vmem>>, vector<1x640x512xf32>
    %get3A_35 = vector.shape_cast %get3A_34 : vector<1x640x512xf32> to vector<640x512xf32>
    %dot_general3A_36 = arith.constant dense<0.000000e+00> : vector<1024x512xf32>
    %dot_general3A_37 = tpu.matmul %get3A_3, %get3A_35, %dot_general3A_36 {dimension_numbers = #tpu.dot_dimension_numbers<[1], [0], [0], [1], [0, 0, 1, 1], [], []>, precision = #tpu.contract_precision<fp32>, transpose_lhs_hint = false} : vector<1024x640xf32>, vector<640x512xf32>, vector<1024x512xf32> -> vector<1024x512xf32>
    %get3A_38 = arith.constant 0 : index
    %get3A_39 = arith.constant 0 : index
    %get3A_40 = vector.load %arg9[%get3A_38, %get3A_39] : memref<1x512xf32, #tpu.memory_space<vmem>>, vector<1x512xf32>
    %add3A_41 = vector.broadcast %get3A_40 : vector<1x512xf32> to vector<1024x512xf32>
    %add3A_42 = arith.addf %dot_general3A_37, %add3A_41 : vector<1024x512xf32>
    %max3A_43 = arith.constant 0.000000e+00 : f32
    %max3A_44 = vector.broadcast %max3A_43 : f32 to vector<1024x512xf32>
    %max3A_45 = arith.maximumf %add3A_42, %max3A_44 : vector<1024x512xf32>
    %convert_element_type3A_46 = arith.truncf %max3A_45 : vector<1024x512xf32> to vector<1024x512xbf16>
    %convert_element_type3A_47 = arith.extf %convert_element_type3A_46 : vector<1024x512xbf16> to vector<1024x512xf32>
    %get3A_48 = arith.constant 1 : index
    %get3A_49 = arith.constant 0 : index
    %get3A_50 = vector.load %arg15[%get3A_48, %get3A_49] : memref<4x512xf32, #tpu.memory_space<vmem>>, vector<1x512xf32>
    %dot_general3A_51 = arith.constant dense<0.000000e+00> : vector<1x512xf32>
    %dot_general3A_52 = tpu.matmul %get3A_8, %convert_element_type3A_47, %dot_general3A_51 {dimension_numbers = #tpu.dot_dimension_numbers<[1], [0], [0], [1], [0, 0, 1, 1], [], []>, precision = #tpu.contract_precision<fp32>, transpose_lhs_hint = false} : vector<1x1024xf32>, vector<1024x512xf32>, vector<1x512xf32> -> vector<1x512xf32>
    %add3A_53 = arith.addf %get3A_50, %dot_general3A_52 : vector<1x512xf32>
    %swap3A_54 = arith.constant 1 : index
    %swap3A_55 = arith.constant 0 : index
    %swap3A_56 = vector.load %arg15[%swap3A_54, %swap3A_55] : memref<4x512xf32, #tpu.memory_space<vmem>>, vector<1x512xf32>
    tpu.vector_store %arg15[%swap3A_54, %swap3A_55], %add3A_53 {strides = array<i32>} : memref<4x512xf32, #tpu.memory_space<vmem>>, vector<1x512xf32>,
    %get3A_57 = arith.constant 2 : index
    %get3A_58 = arith.constant 0 : index
    %get3A_59 = arith.constant 0 : index
    %get3A_60 = vector.load %arg3[%get3A_57, %get3A_58, %get3A_59] : memref<4x640x512xf32, #tpu.memory_space<vmem>>, vector<1x640x512xf32>
    %get3A_61 = vector.shape_cast %get3A_60 : vector<1x640x512xf32> to vector<640x512xf32>
    %dot_general3A_62 = arith.constant dense<0.000000e+00> : vector<1024x512xf32>
    %dot_general3A_63 = tpu.matmul %get3A_3, %get3A_61, %dot_general3A_62 {dimension_numbers = #tpu.dot_dimension_numbers<[1], [0], [0], [1], [0, 0, 1, 1], [], []>, precision = #tpu.contract_precision<fp32>, transpose_lhs_hint = false} : vector<1024x640xf32>, vector<640x512xf32>, vector<1024x512xf32> -> vector<1024x512xf32>
    %get3A_64 = arith.constant 0 : index
    %get3A_65 = arith.constant 0 : index
    %get3A_66 = vector.load %arg9[%get3A_64, %get3A_65] : memref<1x512xf32, #tpu.memory_space<vmem>>, vector<1x512xf32>
    %add3A_67 = vector.broadcast %get3A_66 : vector<1x512xf32> to vector<1024x512xf32>
    %add3A_68 = arith.addf %dot_general3A_63, %add3A_67 : vector<1024x512xf32>
    %max3A_69 = arith.constant 0.000000e+00 : f32
    %max3A_70 = vector.broadcast %max3A_69 : f32 to vector<1024x512xf32>
    %max3A_71 = arith.maximumf %add3A_68, %max3A_70 : vector<1024x512xf32>
    %convert_element_type3A_72 = arith.truncf %max3A_71 : vector<1024x512xf32> to vector<1024x512xbf16>
    %convert_element_type3A_73 = arith.extf %convert_element_type3A_72 : vector<1024x512xbf16> to vector<1024x512xf32>
    %get3A_74 = arith.constant 2 : index
    %get3A_75 = arith.constant 0 : index
    %get3A_76 = vector.load %arg15[%get3A_74, %get3A_75] : memref<4x512xf32, #tpu.memory_space<vmem>>, vector<1x512xf32>
    %dot_general3A_77 = arith.constant dense<0.000000e+00> : vector<1x512xf32>
    %dot_general3A_78 = tpu.matmul %get3A_8, %convert_element_type3A_73, %dot_general3A_77 {dimension_numbers = #tpu.dot_dimension_numbers<[1], [0], [0], [1], [0, 0, 1, 1], [], []>, precision = #tpu.contract_precision<fp32>, transpose_lhs_hint = false} : vector<1x1024xf32>, vector<1024x512xf32>, vector<1x512xf32> -> vector<1x512xf32>
    %add3A_79 = arith.addf %get3A_76, %dot_general3A_78 : vector<1x512xf32>
    %swap3A_80 = arith.constant 2 : index
    %swap3A_81 = arith.constant 0 : index
    %swap3A_82 = vector.load %arg15[%swap3A_80, %swap3A_81] : memref<4x512xf32, #tpu.memory_space<vmem>>, vector<1x512xf32>
    tpu.vector_store %arg15[%swap3A_80, %swap3A_81], %add3A_79 {strides = array<i32>} : memref<4x512xf32, #tpu.memory_space<vmem>>, vector<1x512xf32>,
    %get3A_83 = arith.constant 3 : index
    %get3A_84 = arith.constant 0 : index
    %get3A_85 = arith.constant 0 : index
    %get3A_86 = vector.load %arg3[%get3A_83, %get3A_84, %get3A_85] : memref<4x640x512xf32, #tpu.memory_space<vmem>>, vector<1x640x512xf32>
    %get3A_87 = vector.shape_cast %get3A_86 : vector<1x640x512xf32> to vector<640x512xf32>
    %dot_general3A_88 = arith.constant dense<0.000000e+00> : vector<1024x512xf32>
    %dot_general3A_89 = tpu.matmul %get3A_3, %get3A_87, %dot_general3A_88 {dimension_numbers = #tpu.dot_dimension_numbers<[1], [0], [0], [1], [0, 0, 1, 1], [], []>, precision = #tpu.contract_precision<fp32>, transpose_lhs_hint = false} : vector<1024x640xf32>, vector<640x512xf32>, vector<1024x512xf32> -> vector<1024x512xf32>
    %get3A_90 = arith.constant 0 : index
    %get3A_91 = arith.constant 0 : index
    %get3A_92 = vector.load %arg9[%get3A_90, %get3A_91] : memref<1x512xf32, #tpu.memory_space<vmem>>, vector<1x512xf32>
    %add3A_93 = vector.broadcast %get3A_92 : vector<1x512xf32> to vector<1024x512xf32>
    %add3A_94 = arith.addf %dot_general3A_89, %add3A_93 : vector<1024x512xf32>
    %max3A_95 = arith.constant 0.000000e+00 : f32
    %max3A_96 = vector.broadcast %max3A_95 : f32 to vector<1024x512xf32>
    %max3A_97 = arith.maximumf %add3A_94, %max3A_96 : vector<1024x512xf32>
    %convert_element_type3A_98 = arith.truncf %max3A_97 : vector<1024x512xf32> to vector<1024x512xbf16>
    %convert_element_type3A_99 = arith.extf %convert_element_type3A_98 : vector<1024x512xbf16> to vector<1024x512xf32>
    %get3A_100 = arith.constant 3 : index
    %get3A_101 = arith.constant 0 : index
    %get3A_102 = vector.load %arg15[%get3A_100, %get3A_101] : memref<4x512xf32, #tpu.memory_space<vmem>>, vector<1x512xf32>
    %dot_general3A_103 = arith.constant dense<0.000000e+00> : vector<1x512xf32>
    %dot_general3A_104 = tpu.matmul %get3A_8, %convert_element_type3A_99, %dot_general3A_103 {dimension_numbers = #tpu.dot_dimension_numbers<[1], [0], [0], [1], [0, 0, 1, 1], [], []>, precision = #tpu.contract_precision<fp32>, transpose_lhs_hint = false} : vector<1x1024xf32>, vector<1024x512xf32>, vector<1x512xf32> -> vector<1x512xf32>
    %add3A_105 = arith.addf %get3A_102, %dot_general3A_104 : vector<1x512xf32>
    %swap3A_106 = arith.constant 3 : index
    %swap3A_107 = arith.constant 0 : index
    %swap3A_108 = vector.load %arg15[%swap3A_106, %swap3A_107] : memref<4x512xf32, #tpu.memory_space<vmem>>, vector<1x512xf32>
    tpu.vector_store %arg15[%swap3A_106, %swap3A_107], %add3A_105 {strides = array<i32>} : memref<4x512xf32, #tpu.memory_space<vmem>>, vector<1x512xf32>,
    %eq3A_109 = arith.constant 9 : i32
    %eq3A_110 = arith.cmpi eq, %arg0, %eq3A_109 : i32
    %convert_element_type3A_111 = arith.extui %eq3A_110 : i1 to i32
    %cond3A_112 = arith.constant 0 : i32
    %cond3A_113 = arith.cmpi ne, %convert_element_type3A_111, %cond3A_112 : i32
    scf.if %cond3A_113 {
      %get3A_114 = arith.constant 0 : index
      %get3A_115 = memref.load %arg7[%get3A_114] : memref<1xi32, #tpu.memory_space<smem>>
      %while3A = arith.constant 0 : i32
      %while3A_116 = arith.constant 0 : i32
      %while3A_117 = arith.subi %get3A_115, %while3A_116 : i32
      %while3A_118 = arith.addi %while3A_116, %while3A_117 : i32
      %while3A_119 = arith.constant 1 : i32
      %while3A_120 = arith.divsi %while3A_117, %while3A_119 : i32
      %while3A_121 = arith.muli %while3A_120, %while3A_119 : i32
      %while3A_122 = arith.addi %while3A_116, %while3A_121 : i32
      %while3A_123 = arith.constant 1 : i32
      scf.for %while3A_259 = %while3A_116 to %while3A_122 step %while3A_123  : i32 {
        %get3A_260 = arith.index_cast %while3A_259 : i32 to index
        %get3A_261 = memref.load %arg5[%get3A_260] : memref<4096xi32, #tpu.memory_space<smem>>
        %get3A_262 = arith.index_cast %while3A_259 : i32 to index
        %get3A_263 = memref.load %arg6[%get3A_262] : memref<4096xi32, #tpu.memory_space<smem>>
        %get3A_264 = arith.index_cast %get3A_261 : i32 to index
        %get3A_265 = arith.constant 0 : index
        %get3A_266 = vector.load %arg16[%get3A_264, %get3A_265] : memref<1032x2048xf32, #tpu.memory_space<vmem>>, vector<1x2048xf32>
        %get3A_267 = arith.index_cast %get3A_263 : i32 to index
        %get3A_268 = arith.constant 0 : index
        %get3A_269 = vector.load %arg4[%get3A_267, %get3A_268] : memref<640x2048xf32, #tpu.memory_space<vmem>>, vector<1x2048xf32>
        %add3A_270 = arith.addf %get3A_266, %get3A_269 : vector<1x2048xf32>
        %swap3A_271 = arith.index_cast %get3A_261 : i32 to index
        %swap3A_272 = arith.constant 0 : index
        %swap3A_273 = vector.load %arg16[%swap3A_271, %swap3A_272] : memref<1032x2048xf32, #tpu.memory_space<vmem>>, vector<1x2048xf32>
        tpu.vector_store %arg16[%swap3A_271, %swap3A_272], %add3A_270 {strides = array<i32>} : memref<1032x2048xf32, #tpu.memory_space<vmem>>, vector<1x2048xf32>,
      }
      %while3A_124 = arith.constant 1 : i32
      scf.for %while3A_259 = %while3A_122 to %while3A_118 step %while3A_124  : i32 {
        %get3A_260 = arith.index_cast %while3A_259 : i32 to index
        %get3A_261 = memref.load %arg5[%get3A_260] : memref<4096xi32, #tpu.memory_space<smem>>
        %get3A_262 = arith.index_cast %while3A_259 : i32 to index
        %get3A_263 = memref.load %arg6[%get3A_262] : memref<4096xi32, #tpu.memory_space<smem>>
        %get3A_264 = arith.index_cast %get3A_261 : i32 to index
        %get3A_265 = arith.constant 0 : index
        %get3A_266 = vector.load %arg16[%get3A_264, %get3A_265] : memref<1032x2048xf32, #tpu.memory_space<vmem>>, vector<1x2048xf32>
        %get3A_267 = arith.index_cast %get3A_263 : i32 to index
        %get3A_268 = arith.constant 0 : index
        %get3A_269 = vector.load %arg4[%get3A_267, %get3A_268] : memref<640x2048xf32, #tpu.memory_space<vmem>>, vector<1x2048xf32>
        %add3A_270 = arith.addf %get3A_266, %get3A_269 : vector<1x2048xf32>
        %swap3A_271 = arith.index_cast %get3A_261 : i32 to index
        %swap3A_272 = arith.constant 0 : index
        %swap3A_273 = vector.load %arg16[%swap3A_271, %swap3A_272] : memref<1032x2048xf32, #tpu.memory_space<vmem>>, vector<1x2048xf32>
        tpu.vector_store %arg16[%swap3A_271, %swap3A_272], %add3A_270 {strides = array<i32>} : memref<1032x2048xf32, #tpu.memory_space<vmem>>, vector<1x2048xf32>,
      }
      %get3A_125 = arith.constant 0 : index
      %get3A_126 = arith.constant 0 : index
      %get3A_127 = vector.load %arg16[%get3A_125, %get3A_126] : memref<1032x2048xf32, #tpu.memory_space<vmem>>, vector<1024x512xf32>
      %get3A_128 = arith.constant 0 : index
      %get3A_129 = arith.constant 0 : index
      %get3A_130 = vector.load %arg9[%get3A_128, %get3A_129] : memref<1x512xf32, #tpu.memory_space<vmem>>, vector<1x512xf32>
      %add3A_131 = vector.broadcast %get3A_130 : vector<1x512xf32> to vector<1024x512xf32>
      %add3A_132 = arith.addf %get3A_127, %add3A_131 : vector<1024x512xf32>
      %max3A_133 = arith.constant 0.000000e+00 : f32
      %max3A_134 = vector.broadcast %max3A_133 : f32 to vector<1024x512xf32>
      %max3A_135 = arith.maximumf %add3A_132, %max3A_134 : vector<1024x512xf32>
      %convert_element_type3A_136 = arith.truncf %max3A_135 : vector<1024x512xf32> to vector<1024x512xbf16>
      %convert_element_type3A_137 = arith.extf %convert_element_type3A_136 : vector<1024x512xbf16> to vector<1024x512xf32>
      %get3A_138 = arith.constant 0 : index
      %get3A_139 = arith.constant 0 : index
      %get3A_140 = vector.load %arg8[%get3A_138, %get3A_139] : memref<1x1024xf32, #tpu.memory_space<vmem>>, vector<1x1024xf32>
      %dot_general3A_141 = arith.constant dense<0.000000e+00> : vector<1x512xf32>
      %dot_general3A_142 = tpu.matmul %get3A_140, %convert_element_type3A_137, %dot_general3A_141 {dimension_numbers = #tpu.dot_dimension_numbers<[1], [0], [0], [1], [0, 0, 1, 1], [], []>, precision = #tpu.contract_precision<fp32>, transpose_lhs_hint = false} : vector<1x1024xf32>, vector<1024x512xf32>, vector<1x512xf32> -> vector<1x512xf32>
      %get3A_143 = arith.constant 0 : index
      %get3A_144 = arith.constant 512 : index
      %get3A_145 = vector.load %arg16[%get3A_143, %get3A_144] : memref<1032x2048xf32, #tpu.memory_space<vmem>>, vector<1024x512xf32>
      %get3A_146 = arith.constant 0 : index
      %get3A_147 = arith.constant 0 : index
      %get3A_148 = vector.load %arg9[%get3A_146, %get3A_147] : memref<1x512xf32, #tpu.memory_space<vmem>>, vector<1x512xf32>
      %add3A_149 = vector.broadcast %get3A_148 : vector<1x512xf32> to vector<1024x512xf32>
      %add3A_150 = arith.addf %get3A_145, %add3A_149 : vector<1024x512xf32>
      %max3A_151 = arith.constant 0.000000e+00 : f32
      %max3A_152 = vector.broadcast %max3A_151 : f32 to vector<1024x512xf32>
      %max3A_153 = arith.maximumf %add3A_150, %max3A_152 : vector<1024x512xf32>
      %convert_element_type3A_154 = arith.truncf %max3A_153 : vector<1024x512xf32> to vector<1024x512xbf16>
      %convert_element_type3A_155 = arith.extf %convert_element_type3A_154 : vector<1024x512xbf16> to vector<1024x512xf32>
      %get3A_156 = arith.constant 0 : index
      %get3A_157 = arith.constant 0 : index
      %get3A_158 = vector.load %arg8[%get3A_156, %get3A_157] : memref<1x1024xf32, #tpu.memory_space<vmem>>, vector<1x1024xf32>
      %dot_general3A_159 = arith.constant dense<0.000000e+00> : vector<1x512xf32>
      %dot_general3A_160 = tpu.matmul %get3A_158, %convert_element_type3A_155, %dot_general3A_159 {dimension_numbers = #tpu.dot_dimension_numbers<[1], [0], [0], [1], [0, 0, 1, 1], [], []>, precision = #tpu.contract_precision<fp32>, transpose_lhs_hint = false} : vector<1x1024xf32>, vector<1024x512xf32>, vector<1x512xf32> -> vector<1x512xf32>
      %get3A_161 = arith.constant 0 : index
      %get3A_162 = arith.constant 1024 : index
      %get3A_163 = vector.load %arg16[%get3A_161, %get3A_162] : memref<1032x2048xf32, #tpu.memory_space<vmem>>, vector<1024x512xf32>
      %get3A_164 = arith.constant 0 : index
      %get3A_165 = arith.constant 0 : index
      %get3A_166 = vector.load %arg9[%get3A_164, %get3A_165] : memref<1x512xf32, #tpu.memory_space<vmem>>, vector<1x512xf32>
      %add3A_167 = vector.broadcast %get3A_166 : vector<1x512xf32> to vector<1024x512xf32>
      %add3A_168 = arith.addf %get3A_163, %add3A_167 : vector<1024x512xf32>
      %max3A_169 = arith.constant 0.000000e+00 : f32
      %max3A_170 = vector.broadcast %max3A_169 : f32 to vector<1024x512xf32>
      %max3A_171 = arith.maximumf %add3A_168, %max3A_170 : vector<1024x512xf32>
      %convert_element_type3A_172 = arith.truncf %max3A_171 : vector<1024x512xf32> to vector<1024x512xbf16>
      %convert_element_type3A_173 = arith.extf %convert_element_type3A_172 : vector<1024x512xbf16> to vector<1024x512xf32>
      %get3A_174 = arith.constant 0 : index
      %get3A_175 = arith.constant 0 : index
      %get3A_176 = vector.load %arg8[%get3A_174, %get3A_175] : memref<1x1024xf32, #tpu.memory_space<vmem>>, vector<1x1024xf32>
      %dot_general3A_177 = arith.constant dense<0.000000e+00> : vector<1x512xf32>
      %dot_general3A_178 = tpu.matmul %get3A_176, %convert_element_type3A_173, %dot_general3A_177 {dimension_numbers = #tpu.dot_dimension_numbers<[1], [0], [0], [1], [0, 0, 1, 1], [], []>, precision = #tpu.contract_precision<fp32>, transpose_lhs_hint = false} : vector<1x1024xf32>, vector<1024x512xf32>, vector<1x512xf32> -> vector<1x512xf32>
      %get3A_179 = arith.constant 0 : index
      %get3A_180 = arith.constant 1536 : index
      %get3A_181 = vector.load %arg16[%get3A_179, %get3A_180] : memref<1032x2048xf32, #tpu.memory_space<vmem>>, vector<1024x512xf32>
      %get3A_182 = arith.constant 0 : index
      %get3A_183 = arith.constant 0 : index
      %get3A_184 = vector.load %arg9[%get3A_182, %get3A_183] : memref<1x512xf32, #tpu.memory_space<vmem>>, vector<1x512xf32>
      %add3A_185 = vector.broadcast %get3A_184 : vector<1x512xf32> to vector<1024x512xf32>
      %add3A_186 = arith.addf %get3A_181, %add3A_185 : vector<1024x512xf32>
      %max3A_187 = arith.constant 0.000000e+00 : f32
      %max3A_188 = vector.broadcast %max3A_187 : f32 to vector<1024x512xf32>
      %max3A_189 = arith.maximumf %add3A_186, %max3A_188 : vector<1024x512xf32>
      %convert_element_type3A_190 = arith.truncf %max3A_189 : vector<1024x512xf32> to vector<1024x512xbf16>
      %convert_element_type3A_191 = arith.extf %convert_element_type3A_190 : vector<1024x512xbf16> to vector<1024x512xf32>
      %get3A_192 = arith.constant 0 : index
      %get3A_193 = arith.constant 0 : index
      %get3A_194 = vector.load %arg8[%get3A_192, %get3A_193] : memref<1x1024xf32, #tpu.memory_space<vmem>>, vector<1x1024xf32>
      %dot_general3A_195 = arith.constant dense<0.000000e+00> : vector<1x512xf32>
      %dot_general3A_196 = tpu.matmul %get3A_194, %convert_element_type3A_191, %dot_general3A_195 {dimension_numbers = #tpu.dot_dimension_numbers<[1], [0], [0], [1], [0, 0, 1, 1], [], []>, precision = #tpu.contract_precision<fp32>, transpose_lhs_hint = false} : vector<1x1024xf32>, vector<1024x512xf32>, vector<1x512xf32> -> vector<1x512xf32>
      %get3A_197 = arith.constant 0 : index
      %get3A_198 = arith.constant 0 : index
      %get3A_199 = vector.load %arg15[%get3A_197, %get3A_198] : memref<4x512xf32, #tpu.memory_space<vmem>>, vector<4x512xf32>
      %concatenate3A = tpu.concatenate %dot_general3A_142, %dot_general3A_160, %dot_general3A_178, %dot_general3A_196 in 0 : vector<1x512xf32>, vector<1x512xf32>, vector<1x512xf32>, vector<1x512xf32> -> vector<4x512xf32>
      %add3A_200 = arith.addf %get3A_199, %concatenate3A : vector<4x512xf32>
      %get3A_201 = arith.constant 0 : index
      %get3A_202 = arith.constant 0 : index
      %get3A_203 = vector.load %arg10[%get3A_201, %get3A_202] : memref<512x512xf32, #tpu.memory_space<vmem>>, vector<512x512xf32>
      %convert_element_type3A_204 = arith.truncf %get3A_203 : vector<512x512xf32> to vector<512x512xbf16>
      %broadcast_in_dim3A = arith.constant 0.000000e+00 : f32
      %broadcast_in_dim3A_205 = vector.broadcast %broadcast_in_dim3A : f32 to vector<4x512xf32>
      %convert_element_type3A_206 = arith.truncf %add3A_200 : vector<4x512xf32> to vector<4x512xbf16>
      %dot_general3A_207 = arith.constant dense<0.000000e+00> : vector<4x512xf32>
      %dot_general3A_208 = tpu.matmul %convert_element_type3A_206, %convert_element_type3A_204, %dot_general3A_207 {dimension_numbers = #tpu.dot_dimension_numbers<[1], [0], [0], [1], [0, 0, 1, 1], [], []>, transpose_lhs_hint = false} : vector<4x512xbf16>, vector<512x512xbf16>, vector<4x512xf32> -> vector<4x512xf32>
      %add3A_209 = arith.addf %broadcast_in_dim3A_205, %dot_general3A_208 : vector<4x512xf32>
      %convert_element_type3A_210 = arith.extf %convert_element_type3A_206 : vector<4x512xbf16> to vector<4x512xf32>
      %sub3A = arith.subf %add3A_200, %convert_element_type3A_210 : vector<4x512xf32>
      %convert_element_type3A_211 = arith.truncf %sub3A : vector<4x512xf32> to vector<4x512xbf16>
      %dot_general3A_212 = arith.constant dense<0.000000e+00> : vector<4x512xf32>
      %dot_general3A_213 = tpu.matmul %convert_element_type3A_211, %convert_element_type3A_204, %dot_general3A_212 {dimension_numbers = #tpu.dot_dimension_numbers<[1], [0], [0], [1], [0, 0, 1, 1], [], []>, transpose_lhs_hint = false} : vector<4x512xbf16>, vector<512x512xbf16>, vector<4x512xf32> -> vector<4x512xf32>
      %add3A_214 = arith.addf %add3A_209, %dot_general3A_213 : vector<4x512xf32>
      %convert_element_type3A_215 = arith.extf %convert_element_type3A_211 : vector<4x512xbf16> to vector<4x512xf32>
      %sub3A_216 = arith.subf %sub3A, %convert_element_type3A_215 : vector<4x512xf32>
      %convert_element_type3A_217 = arith.truncf %sub3A_216 : vector<4x512xf32> to vector<4x512xbf16>
      %dot_general3A_218 = arith.constant dense<0.000000e+00> : vector<4x512xf32>
      %dot_general3A_219 = tpu.matmul %convert_element_type3A_217, %convert_element_type3A_204, %dot_general3A_218 {dimension_numbers = #tpu.dot_dimension_numbers<[1], [0], [0], [1], [0, 0, 1, 1], [], []>, transpose_lhs_hint = false} : vector<4x512xbf16>, vector<512x512xbf16>, vector<4x512xf32> -> vector<4x512xf32>
      %add3A_220 = arith.addf %add3A_214, %dot_general3A_219 : vector<4x512xf32>
      %get3A_221 = arith.constant 0 : index
      %get3A_222 = arith.constant 0 : index
      %get3A_223 = vector.load %arg9[%get3A_221, %get3A_222] : memref<1x512xf32, #tpu.memory_space<vmem>>, vector<1x512xf32>
      %add3A_224 = vector.broadcast %get3A_223 : vector<1x512xf32> to vector<4x512xf32>
      %add3A_225 = arith.addf %add3A_220, %add3A_224 : vector<4x512xf32>
      %max3A_226 = arith.constant 0.000000e+00 : f32
      %max3A_227 = vector.broadcast %max3A_226 : f32 to vector<4x512xf32>
      %max3A_228 = arith.maximumf %add3A_225, %max3A_227 : vector<4x512xf32>
      %get3A_229 = arith.constant 0 : index
      %get3A_230 = arith.constant 0 : index
      %get3A_231 = vector.load %arg11[%get3A_229, %get3A_230] : memref<512x512xf32, #tpu.memory_space<vmem>>, vector<512x512xf32>
      %convert_element_type3A_232 = arith.truncf %max3A_228 : vector<4x512xf32> to vector<4x512xbf16>
      %convert_element_type3A_233 = arith.truncf %get3A_231 : vector<512x512xf32> to vector<512x512xbf16>
      %dot_general3A_234 = arith.constant dense<0.000000e+00> : vector<4x512xf32>
      %dot_general3A_235 = tpu.matmul %convert_element_type3A_232, %convert_element_type3A_233, %dot_general3A_234 {dimension_numbers = #tpu.dot_dimension_numbers<[1], [0], [0], [1], [0, 0, 1, 1], [], []>, transpose_lhs_hint = false} : vector<4x512xbf16>, vector<512x512xbf16>, vector<4x512xf32> -> vector<4x512xf32>
      %get3A_236 = arith.constant 0 : index
      %get3A_237 = arith.constant 0 : index
      %get3A_238 = vector.load %arg12[%get3A_236, %get3A_237] : memref<1x512xf32, #tpu.memory_space<vmem>>, vector<1x512xf32>
      %add3A_239 = vector.broadcast %get3A_238 : vector<1x512xf32> to vector<4x512xf32>
      %add3A_240 = arith.addf %dot_general3A_235, %add3A_239 : vector<4x512xf32>
      %max3A_241 = arith.constant 0.000000e+00 : f32
      %max3A_242 = vector.broadcast %max3A_241 : f32 to vector<4x512xf32>
      %max3A_243 = arith.maximumf %add3A_240, %max3A_242 : vector<4x512xf32>
      %convert_element_type3A_244 = arith.truncf %max3A_243 : vector<4x512xf32> to vector<4x512xbf16>
      %convert_element_type3A_245 = arith.extf %convert_element_type3A_244 : vector<4x512xbf16> to vector<4x512xf32>
      %get3A_246 = arith.constant 0 : index
      %get3A_247 = arith.constant 0 : index
      %get3A_248 = vector.load %arg13[%get3A_246, %get3A_247] : memref<1x512xf32, #tpu.memory_space<vmem>>, vector<1x512xf32>
      %convert_element_type3A_249 = arith.truncf %get3A_248 : vector<1x512xf32> to vector<1x512xbf16>
      %convert_element_type3A_250 = arith.extf %convert_element_type3A_249 : vector<1x512xbf16> to vector<1x512xf32>
      %mul3A = vector.broadcast %convert_element_type3A_250 : vector<1x512xf32> to vector<4x512xf32>
      %mul3A_251 = arith.mulf %convert_element_type3A_245, %mul3A : vector<4x512xf32>
      %reduce_sum3A = arith.constant dense<0.000000e+00> : vector<4xf32>
      %reduce_sum3A_252 = vector.multi_reduction <add>, %mul3A_251, %reduce_sum3A [1] : vector<4x512xf32> to vector<4xf32>
      %broadcast_in_dim3A_253 = vector.shape_cast %reduce_sum3A_252 : vector<4xf32> to vector<4x1xf32>
      %broadcast_in_dim3A_254 = vector.shape_cast %broadcast_in_dim3A_253 : vector<4x1xf32> to vector<4x1xf32>
      %broadcast_in_dim3A_255 = vector.broadcast %broadcast_in_dim3A_254 : vector<4x1xf32> to vector<4x128xf32>
      %swap3A_256 = arith.constant 0 : index
      %swap3A_257 = arith.constant 0 : index
      %swap3A_258 = vector.load %arg14[%swap3A_256, %swap3A_257] : memref<4x128xf32, #tpu.memory_space<vmem>>, vector<4x128xf32>
      tpu.vector_store %arg14[%swap3A_256, %swap3A_257], %broadcast_in_dim3A_255 {strides = array<i32>} : memref<4x128xf32, #tpu.memory_space<vmem>>, vector<4x128xf32>,
    } else {
    }
    return
  }
  func.func @transform_0(%arg0: i32) -> (i32, i32) {
    %c0_i32 = arith.constant 0 : i32
    %c0_i32_0 = arith.constant 0 : i32
    return %arg0, %c0_i32 : i32, i32
  }
  func.func @transform_1(%arg0: i32) -> (i32, i32, i32) {
    %c0_i32 = arith.constant 0 : i32
    %c0_i32_0 = arith.constant 0 : i32
    %c0_i32_1 = arith.constant 0 : i32
    return %arg0, %c0_i32, %c0_i32_0 : i32, i32, i32
  }
  func.func @transform_2(%arg0: i32) -> (i32, i32, i32) {
    %c0_i32 = arith.constant 0 : i32
    %c0_i32_0 = arith.constant 0 : i32
    %c0_i32_1 = arith.constant 0 : i32
    %c0_i32_2 = arith.constant 0 : i32
    return %c0_i32, %c0_i32_0, %c0_i32_1 : i32, i32, i32
  }
  func.func @transform_3(%arg0: i32) -> (i32, i32) {
    %c0_i32 = arith.constant 0 : i32
    %c0_i32_0 = arith.constant 0 : i32
    %c0_i32_1 = arith.constant 0 : i32
    return %c0_i32, %c0_i32_0 : i32, i32
  }
  func.func @transform_4(%arg0: i32) -> i32 {
    %c0_i32 = arith.constant 0 : i32
    %c0_i32_0 = arith.constant 0 : i32
    return %c0_i32 : i32
  }
  func.func @transform_5(%arg0: i32) -> i32 {
    %c0_i32 = arith.constant 0 : i32
    %c0_i32_0 = arith.constant 0 : i32
    return %c0_i32 : i32
  }
  func.func @transform_6(%arg0: i32) -> i32 {
    %c0_i32 = arith.constant 0 : i32
    %c0_i32_0 = arith.constant 0 : i32
    return %c0_i32 : i32
  }
  func.func @transform_7(%arg0: i32) -> (i32, i32) {
    %c0_i32 = arith.constant 0 : i32
    %c0_i32_0 = arith.constant 0 : i32
    %c0_i32_1 = arith.constant 0 : i32
    return %c0_i32, %c0_i32_0 : i32, i32
  }
  func.func @transform_8(%arg0: i32) -> (i32, i32) {
    %c0_i32 = arith.constant 0 : i32
    %c0_i32_0 = arith.constant 0 : i32
    %c0_i32_1 = arith.constant 0 : i32
    return %c0_i32, %c0_i32_0 : i32, i32
  }
  func.func @transform_9(%arg0: i32) -> (i32, i32) {
    %c0_i32 = arith.constant 0 : i32
    %c0_i32_0 = arith.constant 0 : i32
    %c0_i32_1 = arith.constant 0 : i32
    return %c0_i32, %c0_i32_0 : i32, i32
  }
  func.func @transform_10(%arg0: i32) -> (i32, i32) {
    %c0_i32 = arith.constant 0 : i32
    %c0_i32_0 = arith.constant 0 : i32
    %c0_i32_1 = arith.constant 0 : i32
    return %c0_i32, %c0_i32_0 : i32, i32
  }
  func.func @transform_11(%arg0: i32) -> (i32, i32) {
    %c0_i32 = arith.constant 0 : i32
    %c0_i32_0 = arith.constant 0 : i32
    %c0_i32_1 = arith.constant 0 : i32
    return %c0_i32, %c0_i32_0 : i32, i32
  }
  func.func @transform_12(%arg0: i32) -> (i32, i32) {
    %c0_i32 = arith.constant 0 : i32
    %c0_i32_0 = arith.constant 0 : i32
    %c0_i32_1 = arith.constant 0 : i32
    return %c0_i32, %c0_i32_0 : i32, i32
  }
  func.func @transform_13(%arg0: i32) -> (i32, i32) {
    %c0_i32 = arith.constant 0 : i32
    %c0_i32_0 = arith.constant 0 : i32
    %c0_i32_1 = arith.constant 0 : i32
    return %c0_i32, %c0_i32_0 : i32, i32
  }
}

</mosaic_0001>

<sc_bundles>
// kernel: gather_offload_async_start.1
scs
__scs_entry_jumppad:
0x0: {  	(pc) =	sbr.rel $0x88, $3  }
0x1: {  	(tag) =	ssettag $0x0;
	lr =	simm.s32 $0x1  }
0x2: {  	[smem:$0x3F97] =	sst lr;
	_ =	strace $0xD0000000  }
0x3: {  	_ = 	snop  }
0x4: {  	_ = 	snop  }
0x5: {  	_ = 	snop  }
0x6: {  	_ = 	snop  }
0x7: {  	_ = 	snop  }
__scs_overlays_trampoline_lowered:
0x8: {  	[smem:$0x3FA6] =	sst s0  }
0x9: {  	[smem:$0x3FA7] =	sst s1  }
0xa: {  	[smem:$0x3FA8] =	sst s2  }
0xb: {  	[smem:$0x3FA9] =	sst s3  }
0xc: {  	[smem:$0x3FAA] =	sst s4  }
0xd: {  	[smem:$0x3FAB] =	sst s5  }
0xe: {  	[smem:$0x3FAC] =	sst s6  }
0xf: {  	[smem:$0x3FAD] =	sst s7  }
0x10: {  	[smem:$0x3FAE] =	sst s8  }
0x11: {  	[smem:$0x3FAF] =	sst s9;
	s0 =	simm.s32 @!p0 $0x0  }
0x12: {  	s1 =	sld [smem:$0x3F95];
	s0 =	simm.s32 @p0 $0x1  }
0x13: {  	[smem:$0x3FB0] =	sst s0;
	s0 =	simm.s32 @!p1 $0x0  }
0x14: {  	s2 =	sld [smem:$0x3F94];
	s0 =	simm.s32 @p1 $0x1  }
0x15: {  	[smem:$0x3FB1] =	sst s0;
	s0 =	simm.s32 @!p2 $0x0  }
0x16: {  	s3 =	sld [smem:$0x3FDB];
	s0 =	simm.s32 @p2 $0x1  }
0x17: {  	s4 =	simm.s32 $0x1BF5;
	[smem:$0x3FB3] =	sst s0  }
0x18: {  	s0 =	sld [smem:$0x3F96];
	_ =	swait.ge [sflag:s4], $0x0  }
0x19: {  	s7 =	sld [smem:$0x3F97]  }
0x1a: {  	s8 =	sadd.s32 $0xFFFFE003, lr  }
0x1b: {  	s9 =	sadd.s32 $0xFFFFFEF7, lr;
	s5 =	simm.s32 $0xFFFFFFFF;
	p2 =	slt.u32 s8, $0xFFFFF086  }
0x1c: {  	p1 =	slt.u32 s9, $0xF7A;
	s5 =	simm.s32 @!p2 $0x0  }
0x1d: {  	s5 =	simm.s32 @p1 $0x1;
	p0 =	seq.s32 s7, s2  }
0x1e: {  	s7 =	smul.u32 @!p0 $0xF7A, s2;
	p2 =	seq.s32 @!p0 s5, $0x0  }
0x1f: {  	s9 =	smul.u32 $0xF7A, s1;
	s8 =	simm.s32 @!p0 $0x1BF5;
	p2 =	por !p2, p0  }
0x20: {  	[sflag:s8] =	ssyncset.s32 @!p0 $0xFFFFF086;
	s6 =	sadd.s32 @!p0 s3, s7;
	s7 =	simm.s32 @!p0 $0x108  }
0x21: {  	s3 =	sadd.s32 s3, s9;
	s6 =	sadd.s32 @!p0 $0x88, s6;
	s7 =	simm.s32 @p2 $0x1082  }
0x22: {  	[simem:s7], [sflag:s8] =	dma.local @!p0 [hbm:s6], $0xF7A  }
0x23: {  	s9 =	sor.u32 $0xD0000000, s2;
	s6 =	simm.s32 $0x108;
	_ =	swait.ge @!p0 [sflag:s8], $0x0  }
0x24: {  	s3 =	sadd.s32 $0x88, s3;
	s6 =	simm.s32 @!p1 $0x1082;
	[sflag:s4] =	ssyncset.s32 $0xFFFFF086  }
0x25: {  	[simem:s6], [sflag:s4] =	dma.local [hbm:s3], $0xF7A  }
0x26: {  	[smem:$0x3F97] =	sst s1;
	(tag) =	ssettag s2;
	_ =	strace s9  }
0x27: {  	s1 =	sld [smem:$0x3FA7]  }
0x28: {  	s2 =	sld [smem:$0x3FA8]  }
0x29: {  	s4 =	sld [smem:$0x3FAA]  }
0x2a: {  	p0 =	seq.s32 s5, $0x0;
	s5 =	sld [smem:$0x3FAB]  }
0x2b: {  	s6 =	sld [smem:$0x3FAC]  }
0x2c: {  	s7 =	sld [smem:$0x3FAD]  }
0x2d: {  	s3 =	simm.s32 $0x108;
	s8 =	sld [smem:$0x3FAE]  }
0x2e: {  	s3 =	simm.s32 @!p0 $0x1082;
	s9 =	sld [smem:$0x3FAF]  }
0x2f: {  	lr =	sadd.s32 s0, s3;
	s0 =	sld [smem:$0x3FA6]  }
0x30: {  	s3 =	sld [smem:$0x3FA9]  }
0x31: {  	[smem:$0x3FB2] =	sst s10  }
0x32: {  	s10 =	sld [smem:$0x3FB0];
	_ =	sdelay $0x3  }
0x33: {  	p0 =	seq.s32 s10, $0x1;
	s10 =	sld [smem:$0x3FB2];
	_ =	sdelay $0x3  }
0x34: {  	[smem:$0x3FB2] =	sst s10  }
0x35: {  	s10 =	sld [smem:$0x3FB1];
	_ =	sdelay $0x3  }
0x36: {  	p1 =	seq.s32 s10, $0x1;
	s10 =	sld [smem:$0x3FB2];
	_ =	sdelay $0x3  }
0x37: {  	[smem:$0x3FB2] =	sst s10  }
0x38: {  	s10 =	sld [smem:$0x3FB3]  }
0x39: {  	_ = 	snop;
	(pc) =	sbr.ind lr, $3  }
0x3a: {  	_ = 	snop  }
0x3b: {  	_ = 	snop  }
0x3c: {  	p2 =	seq.s32 s10, $0x1;
	s10 =	sld [smem:$0x3FB2]  }
0x3d: {  	_ =	shalt  }
0x3e: {  	_ =	shalt  }
0x3f: {  	_ =	shalt  }
0x40: {  	_ =	shalt  }
0x41: {  	_ =	shalt  }
0x42: {  	_ =	shalt  }
0x43: {  	_ =	shalt  }
0x44: {  	_ =	shalt  }
0x45: {  	_ =	shalt  }
0x46: {  	_ =	shalt  }
0x47: {  	_ =	shalt  }
0x48: {  	_ =	shalt  }
0x49: {  	_ =	shalt  }
0x4a: {  	_ =	shalt  }
0x4b: {  	_ =	shalt  }
0x4c: {  	_ =	shalt  }
0x4d: {  	_ =	shalt  }
0x4e: {  	_ =	shalt  }
0x4f: {  	_ =	shalt  }
0x50: {  	_ =	shalt  }
0x51: {  	_ =	shalt  }
0x52: {  	_ =	shalt  }
0x53: {  	_ =	shalt  }
0x54: {  	_ =	shalt  }
0x55: {  	_ =	shalt  }
0x56: {  	_ =	shalt  }
0x57: {  	_ =	shalt  }
0x58: {  	_ =	shalt  }
0x59: {  	_ =	shalt  }
0x5a: {  	_ =	shalt  }
0x5b: {  	_ =	shalt  }
0x5c: {  	_ =	shalt  }
0x5d: {  	_ =	shalt  }
0x5e: {  	_ =	shalt  }
0x5f: {  	_ =	shalt  }
0x60: {  	_ =	shalt  }
0x61: {  	_ =	shalt  }
0x62: {  	_ =	shalt  }
0x63: {  	_ =	shalt  }
0x64: {  	_ =	shalt  }
0x65: {  	_ =	shalt  }
0x66: {  	_ =	shalt  }
0x67: {  	_ =	shalt  }
0x68: {  	_ =	shalt  }
0x69: {  	_ =	shalt  }
0x6a: {  	_ =	shalt  }
0x6b: {  	_ =	shalt  }
0x6c: {  	_ =	shalt  }
0x6d: {  	_ =	shalt  }
0x6e: {  	_ =	shalt  }
0x6f: {  	_ =	shalt  }
0x70: {  	_ =	shalt  }
0x71: {  	_ =	shalt  }
0x72: {  	_ =	shalt  }
0x73: {  	_ =	shalt  }
0x74: {  	_ =	shalt  }
0x75: {  	_ =	shalt  }
0x76: {  	_ =	shalt  }
0x77: {  	_ =	shalt  }
0x78: {  	_ =	shalt  }
0x79: {  	_ =	shalt  }
0x7a: {  	_ =	shalt  }
0x7b: {  	_ =	shalt  }
0x7c: {  	_ =	shalt  }
0x7d: {  	_ =	shalt  }
0x7e: {  	_ =	shalt  }
0x7f: {  	_ =	shalt  }
0x80: {  	_ =	shalt  }
0x81: {  	_ =	shalt  }
0x82: {  	_ =	shalt  }
0x83: {  	_ =	shalt  }
0x84: {  	_ =	shalt  }
0x85: {  	_ =	shalt  }
0x86: {  	_ =	shalt  }
0x87: {  	_ =	shalt  }
.Lfunc_end0:
.L_simem_size_0:
called_computation.4_lowered:
.L_overlay_start_0:
0x88: {  	s2 =	sld [smem:$0x3FD9]  }
0x89: {  	s3 =	sld [smem:$0x3FFE];
	_ =	sdelay $0x1  }
0x8a: {  	s1 =	srdreg.scid  }
0x8b: {  	s0 =	sand.u32 $0x1, s1  }
0x8c: {  	s17 =	sshll.u32 s0, $0xA;
	s2 =	sadd.s32 s3, s2  }
0x8d: {  	s2 =	sadd.s32 s2, s17  }
0x8e: {  	[smem:$0x3FBE] =	sst s2  }
0x8f: {  	_ = 	snop  }
0x90: {  	(tm) =	ssettm $0x1  }
0x91: {  	s18 =	sld [smem:$0x3FFB];
	_ =	sdelay $0x3  }
0x92: {  	_ =	strace s18  }
0x93: {  	s2 =	sld [smem:$0x3FFC];
	_ =	sdelay $0x3  }
0x94: {  	_ =	strace s2  }
0x95: {  	s2 =	sld [smem:$0x3FFD];
	_ =	sdelay $0x3  }
0x96: {  	_ =	strace s2  }
0x97: {  	_ =	strace $0x8FFFFFFF  }
0x98: {  	s19 =	sld [smem:$0x3FDB];
	_ =	sdelay $0x1  }
0x99: {  	s20 =	simm.s32 $_scs_section_size  }
0x9a: {  	s4 =	simm.s32 $_size__tile_overlayer_lowered;
	s5 =	simm.s32 $_tile_overlayer_lowered  }
0x9b: {  	s6 =	simm.s32 $0x1BFF;
	s21 =	sshll.u32 s5, $0x1;
	s3 =	sadd.s32 s20, s19  }
0x9c: {  	s22 =	simm.s32 $0x0;
	s4 =	sshll.u32 s4, $0x1;
	s5 =	sadd.s32 s21, s3  }
0x9d: {  	[timem:s22], [sflag:s6] =	dma.local [hbm:s5], s4  }
0x9e: {  	_ =	swait.ge [sflag:s6], s4  }
0x9f: {  	s4 =	ssub.s32 $0x0, s4;
	[sflag:s6] =	ssyncset.done $0x0  }
0xa0: {  	[sflag:s6] =	ssyncadd.s32 s4;
	_ =	sdelay $0x1  }
0xa1: {  	s23 =	simm.s32 $0x1B8B  }
0xa2: {  	_ =	swait.ge [sflag:s23], $0x1  }
0xa3: {  	[sflag:s23] =	ssyncset.done $0x0  }
0xa4: {  	[sflag:s23] =	ssyncadd.s32 $0xFFFFFFFF  }
0xa5: {  	s4 =	sld [smem:$0x0]  }
0xa6: {  	s5 =	sand.u32 $0xFFFFFFFE, s1  }
0xa7: {  	p0 =	sne.s32 s1, s5  }
0xa8: {  	s5 =	sshll.u32 @p0 s5, $0xE  }
0xa9: {  	s5 =	sadd.s32 @p0 $0x11B8D, s5;
	s6 =	sshll.u32 @p0 s4, $0x11  }
0xaa: {  	s5 =	sor.u32 @p0 s6, s5  }
0xab: {  	[sflag:s5] =	ssyncadd.remote.s32 @p0 $0x1;
	_ =	sdelay $0x1  }
0xac: {  	s5 =	simm.s32 @p0 $0x1B8D  }
0xad: {  	_ =	swait.eq @p0 [sflag:s5], $0x1  }
0xae: {  	[sflag:s5] =	ssyncadd.s32 @p0 $0xFFFFFFFF  }
0xaf: {  	s6 =	sshll.u32 @!p0 s1, $0xE  }
0xb0: {  	s6 =	sor.u32 @!p0 $0x4000, s6;
	s5 =	simm.s32 @!p0 $0x1B8D  }
0xb1: {  	s4 =	sshll.u32 @!p0 s4, $0x11;
	s6 =	sadd.s32 @!p0 $0x11B8D, s6;
	_ =	swait.eq @!p0 [sflag:s5], $0x1  }
0xb2: {  	s4 =	sor.u32 @!p0 s4, s6;
	[sflag:s5] =	ssyncadd.s32 @!p0 $0xFFFFFFFF  }
0xb3: {  	s25 =	simm.s32 $0x1B8E;
	s24 =	sld [smem:$0x3FFE];
	[sflag:s4] =	ssyncadd.remote.s32 @!p0 $0x1  }
0xb4: {  	s26 =	simm.s32 $execute0_lowered;
	[smem:$0x3FD2] =	sst s25  }
0xb5: {  	s5 =	sshll.u32 s26, $0x1;
	_ =	strace $0x8000005B;
	[dreg:$0x1] =	wrdreg $0xFFFFFFFF  }
0xb6: {  	s28 =	simm.s32 $_size_execute0_lowered;
	s3 =	sadd.s32 s3, s5;
	[dreg:$0x0] =	wrdreg $0x0  }
0xb7: {  	s5 =	sshll.u32 s28, $0x1;
	[dreg:$0x2] =	wrdreg s3  }
0xb8: {  	[dreg:$0x3] =	wrdreg s5  }
0xb9: {  	[dreg:$0x4] =	wrdreg $0xC0  }
0xba: {  	_ =	task [dreg:s22], $0x5FFFF  }
0xbb: {  	[dreg:$0x1] =	wrdreg $0xFFFFFFFF  }
0xbc: {  	[dreg:$0x0] =	wrdreg $0x60  }
0xbd: {  	[dreg:$0x2] =	wrdreg s24  }
0xbe: {  	[dreg:$0x3] =	wrdreg $0xA  }
0xbf: {  	_ =	task.clear_ibuf [dreg:s22], $0x4FFFF;
	_ =	strace $0x9000005B  }
0xc0: {  	s29 =	simm.s32 $0xA;
	_ =	strace $0x8000005D  }
0xc1: {  	_ =	swait.ge [sflag:s29], $0x1  }
0xc2: {  	[sflag:s29] =	ssyncadd.s32 $0xFFFFFFFF  }
0xc3: {  	_ =	strace $0x9000005D  }
0xc4: {  	_ =	sfence  }
0xc5: {  	s30 =	sld [smem:$0x0];
	_ =	sdelay $0x2  }
0xc6: {  	s31 =	sshll.u32 s1, $0xD;
	s1 =	sshrl.u32 s1, $0x2  }
0xc7: {  	s4 =	sand.u32 $0x4000, s31;
	s1 =	sadd.s32 s1, s30  }
0xc8: {  	s0 =	sor.u32 s4, s0;
	s1 =	sshll.u32 s1, $0x11  }
0xc9: {  	s0 =	sor.u32 s1, s0  }
0xca: {  	s0 =	sadd.s32 $0x8F2B, s0  }
0xcb: {  	[sflag:s0] =	ssyncadd.remote.s32 $0x1  }
0xcc: {  	_ =	sfence.sel $0xFFFF  }
0xcd: {  	[dreg:$0x0] =	wrdreg $0xFFFFFFFF;
	(pc) =	sbr.abs _section_cstart, $3  }
0xce: {  	[dreg:$0x1] =	wrdreg $0xFFFFFFFF  }
0xcf: {  	_ =	task.clear_ibuf [dreg:s22], $0x2FFFF;
	_ =	strace $0x9FFFFFFF  }
0xd0: {  	(tm) =	ssettm $0x7FFFFFFF  }
0xd1: {  	_ =	shalt  }
tec
execute0_lowered:
.L_overlay_start_1:
0x0: {  	(tag) =	ssettag $0x1  }
0x1: {  	s0 =	srdreg.scid;
	s5 =	rddreg [dreg:$0x0]  }
0x2: {  	s1 =	stileid.u32;
	s6 =	simm.s32 $0x1;
	s9 =	simm.s32 $0x1  }
0x3: {  	s10 =	simm.s32 $0x3;
	s13 =	simm.s32 $0x0;
	s2 =	sshll.u32 s0, $0x6  }
0x4: {  	s12 =	simm.s32 $0x0;
	s3 =	sshll.u32 s1, $0x7;
	s2 =	sand.u32 $0x40, s2  }
0x5: {  	s0 =	rddreg [dreg:$0x1];
	_ =	strace $0x8000005C;
	s2 =	sor.u32 s3, s2  }
0x6: {  	s4 =	sadd.s32 $0x14A00, s5;
	[sflag:s6] =	ssyncpa.u1 $0x0;
	s8 =	ssub.s32 $0x1000, s2  }
.Ltmp0:
0x7: {  	s3 =	sadd.s32 $0x17000, s5;
	s7 =	sand.u32 $0x7C0, s8;
	(pc) =	sbr.rel .LBB2_1-.Ltmp0, $4  }
0x8: {  	s5 =	sadd.s32 $0x15A00, s5;
	s11 =	smov.u32 s2;
	p0 =	sne.s32 s7, $0x0  }
0x9: {  	s8 =	sshrl.u32 s8, $0xB;
	s7 =	simm.s32 $0x2;
	s9 =	simm.s32 @!p0 $0x0  }
0xa: {  	[sflag:s7] =	ssyncpa.u1 $0x0;
	p0 =	por $0x0, $0x0;
	s8 =	sadd.s32 s9, s8  }
0xb: {  	vm0 =	vmmov $0xffff;
	[sflag:s10] =	ssyncpa.u1 $0x0;
	s10 =	simm.s32 $0x0;
	s9 =	sadd.s32 $0x1, s8  }
.LBB2_4:
0xc: {  	v2 =	vnsel vm1, $0x0, v2  }
0xd: {  	vm1 =	vgt.s32 v0, $0x0;
	v2 =	vmin.u32 v2, $0x27FF  }
0xe: {  	v0 =	vnsel vm1, $0x0, v0  }
0xf: {  	v0 =	vmin.u32 v0, $0x27FF  }
0x10: {  	[tilespmem:s15], [sflag:$0x1] =	stream.indirect_vreg.gather [hbm4b:s3+s10], $0x1, v1, vm0, $0x4038;
	[tilespmem:$0x100] =	vst v63  }
0x11: {  	(ifvalue) =	ssetifvalue $0x7FFFFFFF  }
0x12: {  	[tilespmem:s16], [sflag:$0x1] =	stream.indirect_vreg.gather [hbm4b:s3+s10], $0x1, v2, vm0, $0x4038;
	[tilespmem:$0x100] =	vst v63  }
0x13: {  	s29 =	sadd.s32 $0x10, s16;
	(ifvalue) =	ssetifvalue $0x7FFFFFFF  }
0x14: {  	[tilespmem:s29], [sflag:$0x1] =	stream.indirect_vreg.gather [hbm4b:s3+s10], $0x1, v0, vm0, $0x4038;
	[tilespmem:$0x100] =	vst v63  }
0x15: {  	_ =	swait.ge [sflag:s6], $0x40  }
0x16: {  	s30 =	sshrl.u32 s13, $0x3;
	[sflag:s6] =	ssyncset.done $0x0  }
0x17: {  	s31 =	sand.u32 $0x7, s13;
	s15 =	sadd.s32 s5, s30;
	[sflag:s6] =	ssyncadd.s32 $0xFFFFFFC0  }
0x18: {  	[hbm4b:s15+s31] =	stream.linear.scatter [tilespmem:s14], [sflag:$0x3], $0x40, $0x38;
	[tilespmem:$0x100] =	vst v63  }
.LBB2_5:
0x19: {  	s15 =	sadd.s32 $0x800, s11  }
0x1a: {  	p2 =	sgt.s32 s15, $0xFFF  }
0x1b: {  	s15 =	smov.u32 @p2 s2;
	p2 =	sne.s32 s12, s9  }
.Ltmp1:
0x1c: {  	p1 =	slt.u32 s12, $0x2;
	(pc) =	sbr.rel @!p2 .LBB2_6-.Ltmp1, $4  }
0x1d: {  	s14 =	simm.s32 @!p1 $0x3  }
0x1e: {  	s16 =	sadd.s32 $0x1, s12;
	_ =	swait.ge @!p1 [sflag:s14], $0x40  }
0x1f: {  	s13 =	smov.u32 s11;
	p0 =	por !p0, !p0;
	[sflag:s14] =	ssyncset.done @!p1 $0x0  }
0x20: {  	s12 =	smov.u32 s16;
	s11 =	smov.u32 s15;
	[sflag:s14] =	ssyncadd.s32 @!p1 $0xFFFFFFC0  }
.LBB2_1:
0x21: {  	p1 =	sge.u32 s12, s8  }
0x22: {  	s14 =	sxor.u32 @!p1 $0xFFFFFFFF, s12  }
0x23: {  	s31 =	sadd.s32 $0xFFFFFFFF, s12;
	s15 =	sshrl.u32 @!p1 s11, $0x3;
	s14 =	sshll.u32 @!p1 s14, $0x6  }
0x24: {  	s16 =	sand.u32 @!p1 $0x7, s11;
	s15 =	sadd.s32 @!p1 s4, s15;
	s14 =	sand.u32 @!p1 $0x40, s14  }
0x25: {  	[tilespmem:s14], [sflag:$0x2] =	stream.linear.gather @!p1 [hbm4b:s15+s16], $0x40, $0x38;
	[tilespmem:$0x100] =	vst v63  }
0x26: {  	p1 =	sge.u32 s31, s8  }
.Ltmp2:
0x27: {  	_ = 	snop;
	(pc) =	sbr.rel @p1 .LBB2_5-.Ltmp2, $1  }
0x28: {  	_ =	sdelay $0x3  }
0x29: {  	s14 =	simm.s32 $0x1  }
0x2a: {  	_ =	swait.ge [sflag:s7], $0x40;
	s14 =	simm.s32 @!p0 $0x0  }
0x2b: {  	[sflag:s7] =	ssyncset.done $0x0;
	s14 =	sshll.u32 s14, $0x6  }
0x2c: {  	[sflag:s7] =	ssyncadd.s32 $0xFFFFFFC0;
	(ifvalue) =	ssetifvalue $0x7FFFFFFF;
	v0 =	vld.msk [tilespmem:s14+$0x0 ss:$0x1], $0xffff;
	_ =	sdelay $0x4  }
0x2d: {  	s15 =	sadd.s32 $0x10, s14;
	vm1 =	vgt.s32 v0, $0x0  }
0x2e: {  	v2 =	vld.msk [tilespmem:s15+$0x0 ss:$0x1], $0xffff;
	v1 =	vnsel vm1, $0x0, v0  }
0x2f: {  	v1 =	vmin.u32 v1, $0x27FF;
	_ =	sdelay $0x1  }
0x30: {  	s16 =	sshll.u32 s12, $0x6;
	s18 =	simm.s32 $0x20  }
0x31: {  	s16 =	sand.u32 $0x40, s16;
	s17 =	sadd.s32 $0x10, s15;
	s15 =	sor.u32 $0x80, s14  }
0x32: {  	s14 =	sor.u32 $0x80, s16;
	s16 =	sadd.s32 $0x10, s15;
	v0 =	vld.msk [tilespmem:s17+$0x0 ss:$0x1], $0xffff;
	vm1 =	vgt.s32 v2, $0x0;
	(ifvalue) =	ssetifvalue $0x7FFFFFFF  }
.LBB2_3:
0x33: {  	[tilespmem:s15], [sflag:$0x1] =	stream.indirect_vreg.gather [hbm4b:s3+s10], $0x1, v1, vm0, $0x4038;
	[tilespmem:$0x100] =	vst v63  }
0x34: {  	s18 =	sadd.s32 $0x10, s18  }
0x35: {  	v2 =	vnsel vm1, $0x0, v2;
	p1 =	slt.u32 s18, $0x30  }
.Ltmp3:
0x36: {  	s15 =	smov.u32 s16;
	v1 =	vmin.u32 v2, $0x27FF;
	(pc) =	sbr.rel @p1 .LBB2_3-.Ltmp3, $3  }
0x37: {  	_ =	sdelay $0x1  }
0x38: {  	s17 =	sadd.s32 $0x10, s17  }
0x39: {  	vm1 =	vgt.s32 v0, $0x0;
	s16 =	sadd.s32 $0x10, s16;
	v2 =	vmov v0;
	(ifvalue) =	ssetifvalue $0x7FFFFFFF;
	v0 =	vld.msk [tilespmem:s17+$0x0 ss:$0x1], $0xffff  }
.Ltmp4:
0x3a: {  	_ = 	snop;
	(pc) =	sbr.rel .LBB2_4-.Ltmp4, $1  }
0x3b: {  	_ =	sdelay $0x3  }
.LBB2_6:
0x3c: {  	_ =	sfence.sel $0x180000  }
0x3d: {  	s2 =	simm.s32 $0x2;
	[bflag:$0x0] =	sbarrier.arrive $0xFFFF  }
0x3e: {  	s30 =	simm.s32 $0x3;
	[sflag:s2] =	ssyncpa.u1 $0x1  }
0x3f: {  	s31 =	simm.s32 $0x1;
	[sflag:s30] =	ssyncpa.u1 $0x1  }
0x40: {  	[sflag:s31] =	ssyncpa.u1 $0x1  }
0x41: {  	p0 =	sne.s32 s1, $0x0;
	_ =	strace $0x9000005C  }
0x42: {  	s0 =	sadd.s32 @!p0 $0x100000, s0;
	[bflag:$0x2] =	sbarrier.arrive $0xFFFF  }
0x43: {  	[sflag:s0] =	ssyncadd.tile.s32 @!p0 $0x1;
	_ =	shalt  }
.Lfunc_end2:
_tile_overlayer_lowered:
.L_overlay_start_2:
0x44: {  	(tag) =	ssettag $0x2  }
0x45: {  	s0 =	rddreg [dreg:$0x0];
	s2 =	stileid.u32  }
0x46: {  	s1 =	rddreg [dreg:$0x1];
	p0 =	sne.s32 s2, $0x0  }
0x47: {  	s3 =	rddreg [dreg:$0x2];
	[bflag:$0x3] =	sbarrier.arrive $0xFFFF;
	s2 =	simm.s32 @!p0 $0x1C01  }
0x48: {  	[timem:s3], [sflag:s2] =	dma.local @!p0 [hbm:s0], s1  }
0x49: {  	s0 =	simm.s32 @!p0 $0x1  }
0x4a: {  	_ =	swait.ge @!p0 [sflag:s0], s1  }
0x4b: {  	s1 =	ssub.s32 @!p0 $0x0, s1;
	[sflag:s0] =	ssyncset.done @!p0 $0x0  }
0x4c: {  	[sflag:s0] =	ssyncadd.s32 @!p0 s1  }
0x4d: {  	[bflag:$0x3] =	sbarrier.arrive $0xFFFF  }
0x4e: {  	_ =	shalt  }

// kernel: gather_offload_async_start.2
scs
__scs_entry_jumppad:
0x0: {  	(pc) =	sbr.rel $0x88, $3  }
0x1: {  	(tag) =	ssettag $0x0;
	lr =	simm.s32 $0x1  }
0x2: {  	[smem:$0x3F97] =	sst lr;
	_ =	strace $0xD0000000  }
0x3: {  	_ = 	snop  }
0x4: {  	_ = 	snop  }
0x5: {  	_ = 	snop  }
0x6: {  	_ = 	snop  }
0x7: {  	_ = 	snop  }
__scs_overlays_trampoline_lowered:
0x8: {  	[smem:$0x3FA6] =	sst s0  }
0x9: {  	[smem:$0x3FA7] =	sst s1  }
0xa: {  	[smem:$0x3FA8] =	sst s2  }
0xb: {  	[smem:$0x3FA9] =	sst s3  }
0xc: {  	[smem:$0x3FAA] =	sst s4  }
0xd: {  	[smem:$0x3FAB] =	sst s5  }
0xe: {  	[smem:$0x3FAC] =	sst s6  }
0xf: {  	[smem:$0x3FAD] =	sst s7  }
0x10: {  	[smem:$0x3FAE] =	sst s8  }
0x11: {  	[smem:$0x3FAF] =	sst s9;
	s0 =	simm.s32 @!p0 $0x0  }
0x12: {  	s1 =	sld [smem:$0x3F95];
	s0 =	simm.s32 @p0 $0x1  }
0x13: {  	[smem:$0x3FB0] =	sst s0;
	s0 =	simm.s32 @!p1 $0x0  }
0x14: {  	s2 =	sld [smem:$0x3F94];
	s0 =	simm.s32 @p1 $0x1  }
0x15: {  	[smem:$0x3FB1] =	sst s0;
	s0 =	simm.s32 @!p2 $0x0  }
0x16: {  	s3 =	sld [smem:$0x3FDB];
	s0 =	simm.s32 @p2 $0x1  }
0x17: {  	s4 =	simm.s32 $0x1BF5;
	[smem:$0x3FB3] =	sst s0  }
0x18: {  	s0 =	sld [smem:$0x3F96];
	_ =	swait.ge [sflag:s4], $0x0  }
0x19: {  	s7 =	sld [smem:$0x3F97]  }
0x1a: {  	s8 =	sadd.s32 $0xFFFFE003, lr  }
0x1b: {  	s9 =	sadd.s32 $0xFFFFFEF7, lr;
	s5 =	simm.s32 $0xFFFFFFFF;
	p2 =	slt.u32 s8, $0xFFFFF086  }
0x1c: {  	p1 =	slt.u32 s9, $0xF7A;
	s5 =	simm.s32 @!p2 $0x0  }
0x1d: {  	s5 =	simm.s32 @p1 $0x1;
	p0 =	seq.s32 s7, s2  }
0x1e: {  	s7 =	smul.u32 @!p0 $0xF7A, s2;
	p2 =	seq.s32 @!p0 s5, $0x0  }
0x1f: {  	s9 =	smul.u32 $0xF7A, s1;
	s8 =	simm.s32 @!p0 $0x1BF5;
	p2 =	por !p2, p0  }
0x20: {  	[sflag:s8] =	ssyncset.s32 @!p0 $0xFFFFF086;
	s6 =	sadd.s32 @!p0 s3, s7;
	s7 =	simm.s32 @!p0 $0x108  }
0x21: {  	s3 =	sadd.s32 s3, s9;
	s6 =	sadd.s32 @!p0 $0x88, s6;
	s7 =	simm.s32 @p2 $0x1082  }
0x22: {  	[simem:s7], [sflag:s8] =	dma.local @!p0 [hbm:s6], $0xF7A  }
0x23: {  	s9 =	sor.u32 $0xD0000000, s2;
	s6 =	simm.s32 $0x108;
	_ =	swait.ge @!p0 [sflag:s8], $0x0  }
0x24: {  	s3 =	sadd.s32 $0x88, s3;
	s6 =	simm.s32 @!p1 $0x1082;
	[sflag:s4] =	ssyncset.s32 $0xFFFFF086  }
0x25: {  	[simem:s6], [sflag:s4] =	dma.local [hbm:s3], $0xF7A  }
0x26: {  	[smem:$0x3F97] =	sst s1;
	(tag) =	ssettag s2;
	_ =	strace s9  }
0x27: {  	s1 =	sld [smem:$0x3FA7]  }
0x28: {  	s2 =	sld [smem:$0x3FA8]  }
0x29: {  	s4 =	sld [smem:$0x3FAA]  }
0x2a: {  	p0 =	seq.s32 s5, $0x0;
	s5 =	sld [smem:$0x3FAB]  }
0x2b: {  	s6 =	sld [smem:$0x3FAC]  }
0x2c: {  	s7 =	sld [smem:$0x3FAD]  }
0x2d: {  	s3 =	simm.s32 $0x108;
	s8 =	sld [smem:$0x3FAE]  }
0x2e: {  	s3 =	simm.s32 @!p0 $0x1082;
	s9 =	sld [smem:$0x3FAF]  }
0x2f: {  	lr =	sadd.s32 s0, s3;
	s0 =	sld [smem:$0x3FA6]  }
0x30: {  	s3 =	sld [smem:$0x3FA9]  }
0x31: {  	[smem:$0x3FB2] =	sst s10  }
0x32: {  	s10 =	sld [smem:$0x3FB0];
	_ =	sdelay $0x3  }
0x33: {  	p0 =	seq.s32 s10, $0x1;
	s10 =	sld [smem:$0x3FB2];
	_ =	sdelay $0x3  }
0x34: {  	[smem:$0x3FB2] =	sst s10  }
0x35: {  	s10 =	sld [smem:$0x3FB1];
	_ =	sdelay $0x3  }
0x36: {  	p1 =	seq.s32 s10, $0x1;
	s10 =	sld [smem:$0x3FB2];
	_ =	sdelay $0x3  }
0x37: {  	[smem:$0x3FB2] =	sst s10  }
0x38: {  	s10 =	sld [smem:$0x3FB3]  }
0x39: {  	_ = 	snop;
	(pc) =	sbr.ind lr, $3  }
0x3a: {  	_ = 	snop  }
0x3b: {  	_ = 	snop  }
0x3c: {  	p2 =	seq.s32 s10, $0x1;
	s10 =	sld [smem:$0x3FB2]  }
0x3d: {  	_ =	shalt  }
0x3e: {  	_ =	shalt  }
0x3f: {  	_ =	shalt  }
0x40: {  	_ =	shalt  }
0x41: {  	_ =	shalt  }
0x42: {  	_ =	shalt  }
0x43: {  	_ =	shalt  }
0x44: {  	_ =	shalt  }
0x45: {  	_ =	shalt  }
0x46: {  	_ =	shalt  }
0x47: {  	_ =	shalt  }
0x48: {  	_ =	shalt  }
0x49: {  	_ =	shalt  }
0x4a: {  	_ =	shalt  }
0x4b: {  	_ =	shalt  }
0x4c: {  	_ =	shalt  }
0x4d: {  	_ =	shalt  }
0x4e: {  	_ =	shalt  }
0x4f: {  	_ =	shalt  }
0x50: {  	_ =	shalt  }
0x51: {  	_ =	shalt  }
0x52: {  	_ =	shalt  }
0x53: {  	_ =	shalt  }
0x54: {  	_ =	shalt  }
0x55: {  	_ =	shalt  }
0x56: {  	_ =	shalt  }
0x57: {  	_ =	shalt  }
0x58: {  	_ =	shalt  }
0x59: {  	_ =	shalt  }
0x5a: {  	_ =	shalt  }
0x5b: {  	_ =	shalt  }
0x5c: {  	_ =	shalt  }
0x5d: {  	_ =	shalt  }
0x5e: {  	_ =	shalt  }
0x5f: {  	_ =	shalt  }
0x60: {  	_ =	shalt  }
0x61: {  	_ =	shalt  }
0x62: {  	_ =	shalt  }
0x63: {  	_ =	shalt  }
0x64: {  	_ =	shalt  }
0x65: {  	_ =	shalt  }
0x66: {  	_ =	shalt  }
0x67: {  	_ =	shalt  }
0x68: {  	_ =	shalt  }
0x69: {  	_ =	shalt  }
0x6a: {  	_ =	shalt  }
0x6b: {  	_ =	shalt  }
0x6c: {  	_ =	shalt  }
0x6d: {  	_ =	shalt  }
0x6e: {  	_ =	shalt  }
0x6f: {  	_ =	shalt  }
0x70: {  	_ =	shalt  }
0x71: {  	_ =	shalt  }
0x72: {  	_ =	shalt  }
0x73: {  	_ =	shalt  }
0x74: {  	_ =	shalt  }
0x75: {  	_ =	shalt  }
0x76: {  	_ =	shalt  }
0x77: {  	_ =	shalt  }
0x78: {  	_ =	shalt  }
0x79: {  	_ =	shalt  }
0x7a: {  	_ =	shalt  }
0x7b: {  	_ =	shalt  }
0x7c: {  	_ =	shalt  }
0x7d: {  	_ =	shalt  }
0x7e: {  	_ =	shalt  }
0x7f: {  	_ =	shalt  }
0x80: {  	_ =	shalt  }
0x81: {  	_ =	shalt  }
0x82: {  	_ =	shalt  }
0x83: {  	_ =	shalt  }
0x84: {  	_ =	shalt  }
0x85: {  	_ =	shalt  }
0x86: {  	_ =	shalt  }
0x87: {  	_ =	shalt  }
.Lfunc_end0:
.L_simem_size_0:
called_computation.5_lowered:
.L_overlay_start_0:
0x88: {  	s2 =	sld [smem:$0x3FD9]  }
0x89: {  	s3 =	sld [smem:$0x3FFE];
	_ =	sdelay $0x1  }
0x8a: {  	s1 =	srdreg.scid  }
0x8b: {  	s0 =	sand.u32 $0x1, s1  }
0x8c: {  	s16 =	sshll.u32 s0, $0xA;
	s2 =	sadd.s32 s3, s2  }
0x8d: {  	s2 =	sadd.s32 s2, s16  }
0x8e: {  	[smem:$0x3FBE] =	sst s2  }
0x8f: {  	_ = 	snop  }
0x90: {  	(tm) =	ssettm $0x1  }
0x91: {  	s17 =	sld [smem:$0x3FFB];
	_ =	sdelay $0x3  }
0x92: {  	_ =	strace s17  }
0x93: {  	s2 =	sld [smem:$0x3FFC];
	_ =	sdelay $0x3  }
0x94: {  	_ =	strace s2  }
0x95: {  	s2 =	sld [smem:$0x3FFD];
	_ =	sdelay $0x3  }
0x96: {  	_ =	strace s2  }
0x97: {  	_ =	strace $0x8FFFFFFF  }
0x98: {  	s18 =	sld [smem:$0x3FDB];
	_ =	sdelay $0x1  }
0x99: {  	s19 =	simm.s32 $_scs_section_size  }
0x9a: {  	s4 =	simm.s32 $_size__tile_overlayer_lowered;
	s5 =	simm.s32 $_tile_overlayer_lowered  }
0x9b: {  	s22 =	simm.s32 $0x1BFF;
	s21 =	sshll.u32 s5, $0x1;
	s2 =	sadd.s32 s19, s18  }
0x9c: {  	s6 =	simm.s32 $0x0;
	s20 =	sshll.u32 s4, $0x1;
	s4 =	sadd.s32 s21, s2  }
0x9d: {  	[timem:s6], [sflag:s22] =	dma.local [hbm:s4], s20  }
0x9e: {  	_ =	swait.ge [sflag:s22], s20  }
0x9f: {  	s3 =	ssub.s32 $0x0, s20;
	[sflag:s22] =	ssyncset.done $0x0  }
0xa0: {  	[sflag:s22] =	ssyncadd.s32 s3;
	_ =	sdelay $0x1  }
0xa1: {  	s23 =	simm.s32 $0x1B8B  }
0xa2: {  	_ =	swait.ge [sflag:s23], $0x1  }
0xa3: {  	[sflag:s23] =	ssyncset.done $0x0  }
0xa4: {  	s25 =	simm.s32 $0x1B8E;
	s24 =	sld [smem:$0x3FFE];
	[sflag:s23] =	ssyncadd.s32 $0xFFFFFFFF  }
0xa5: {  	s26 =	simm.s32 $execute0_lowered;
	[smem:$0x3FD2] =	sst s25  }
0xa6: {  	s4 =	sshll.u32 s26, $0x1;
	_ =	strace $0x80000058;
	[dreg:$0x1] =	wrdreg $0xFFFFFFFF  }
0xa7: {  	s28 =	simm.s32 $_size_execute0_lowered;
	s2 =	sadd.s32 s2, s4;
	[dreg:$0x0] =	wrdreg $0x0  }
0xa8: {  	s4 =	sshll.u32 s28, $0x1;
	[dreg:$0x2] =	wrdreg s2  }
0xa9: {  	[dreg:$0x3] =	wrdreg s4  }
0xaa: {  	[dreg:$0x4] =	wrdreg $0xC0  }
0xab: {  	_ =	task [dreg:s6], $0x5FFFF  }
0xac: {  	[dreg:$0x1] =	wrdreg $0xFFFFFFFF  }
0xad: {  	[dreg:$0x0] =	wrdreg $0x60  }
0xae: {  	[dreg:$0x2] =	wrdreg s24  }
0xaf: {  	[dreg:$0x3] =	wrdreg $0xB  }
0xb0: {  	_ =	task.clear_ibuf [dreg:s6], $0x4FFFF;
	_ =	strace $0x90000058  }
0xb1: {  	s29 =	simm.s32 $0xB;
	_ =	strace $0x8000005A  }
0xb2: {  	_ =	swait.ge [sflag:s29], $0x1  }
0xb3: {  	[sflag:s29] =	ssyncadd.s32 $0xFFFFFFFF  }
0xb4: {  	_ =	strace $0x9000005A  }
0xb5: {  	_ =	sfence  }
0xb6: {  	s30 =	sld [smem:$0x0];
	_ =	sdelay $0x2  }
0xb7: {  	s31 =	sshll.u32 s1, $0xD;
	s1 =	sshrl.u32 s1, $0x2  }
0xb8: {  	s3 =	sand.u32 $0x4000, s31;
	s1 =	sadd.s32 s1, s30  }
0xb9: {  	s0 =	sor.u32 s3, s0;
	s1 =	sshll.u32 s1, $0x11  }
0xba: {  	s0 =	sor.u32 s1, s0  }
0xbb: {  	s0 =	sadd.s32 $0x8F2B, s0  }
0xbc: {  	[sflag:s0] =	ssyncadd.remote.s32 $0x1  }
0xbd: {  	_ =	sfence.sel $0xFFFF  }
0xbe: {  	[dreg:$0x0] =	wrdreg $0xFFFFFFFF;
	(pc) =	sbr.abs _section_cstart, $3  }
0xbf: {  	[dreg:$0x1] =	wrdreg $0xFFFFFFFF  }
0xc0: {  	_ =	task.clear_ibuf [dreg:s6], $0x2FFFF;
	_ =	strace $0x9FFFFFFF  }
0xc1: {  	(tm) =	ssettm $0x7FFFFFFF  }
tec
execute0_lowered:
.L_overlay_start_1:
0x0: {  	(tag) =	ssettag $0x1  }
0x1: {  	s1 =	srdreg.scid  }
0x2: {  	s0 =	stileid.u32;
	s2 =	rddreg [dreg:$0x0];
	s6 =	simm.s32 $0x1  }
0x3: {  	s9 =	simm.s32 $0x1;
	s10 =	simm.s32 $0x3;
	s1 =	sshll.u32 s1, $0x6  }
0x4: {  	s13 =	simm.s32 $0x0;
	s3 =	sshll.u32 s0, $0x7;
	s4 =	sand.u32 $0x40, s1  }
0x5: {  	s12 =	simm.s32 $0x0;
	s5 =	sadd.s32 $0x15200, s2;
	s3 =	sor.u32 s3, s4  }
0x6: {  	s1 =	rddreg [dreg:$0x1];
	_ =	strace $0x80000059;
	s8 =	ssub.s32 $0x1000, s3  }
.Ltmp0:
0x7: {  	s4 =	sadd.s32 $0x16E00, s2;
	s7 =	sand.u32 $0x7C0, s8;
	(pc) =	sbr.rel .LBB2_1-.Ltmp0, $4  }
0x8: {  	[sflag:s6] =	ssyncpa.u1 $0x0;
	s11 =	smov.u32 s3;
	p0 =	sne.s32 s7, $0x0  }
0x9: {  	s8 =	sshrl.u32 s8, $0xB;
	s7 =	simm.s32 $0x2;
	s9 =	simm.s32 @!p0 $0x0  }
0xa: {  	[sflag:s7] =	ssyncpa.u1 $0x0;
	p0 =	por $0x0, $0x0;
	s8 =	sadd.s32 s9, s8  }
0xb: {  	vm0 =	vmmov $0xffff;
	[sflag:s10] =	ssyncpa.u1 $0x0;
	s10 =	simm.s32 $0x0;
	s9 =	sadd.s32 $0x1, s8  }
.LBB2_4:
0xc: {  	v2 =	vnsel vm1, $0x0, v2  }
0xd: {  	vm1 =	vgt.s32 v0, $0x0;
	v2 =	vmin.u32 v2, $0x270FF  }
0xe: {  	v0 =	vnsel vm1, $0x0, v0  }
0xf: {  	v0 =	vmin.u32 v0, $0x270FF  }
0x10: {  	[tilespmem:s15], [sflag:$0x1] =	stream.indirect_vreg.gather [hbm4b:s2+s10], $0x1, v1, vm0, $0x4038;
	[tilespmem:$0x100] =	vst v63  }
0x11: {  	(ifvalue) =	ssetifvalue $0x7FFFFFFF  }
0x12: {  	[tilespmem:s16], [sflag:$0x1] =	stream.indirect_vreg.gather [hbm4b:s2+s10], $0x1, v2, vm0, $0x4038;
	[tilespmem:$0x100] =	vst v63  }
0x13: {  	s29 =	sadd.s32 $0x10, s16;
	(ifvalue) =	ssetifvalue $0x7FFFFFFF  }
0x14: {  	[tilespmem:s29], [sflag:$0x1] =	stream.indirect_vreg.gather [hbm4b:s2+s10], $0x1, v0, vm0, $0x4038;
	[tilespmem:$0x100] =	vst v63  }
0x15: {  	_ =	swait.ge [sflag:s6], $0x40  }
0x16: {  	s30 =	sshrl.u32 s13, $0x3;
	[sflag:s6] =	ssyncset.done $0x0  }
0x17: {  	s31 =	sand.u32 $0x7, s13;
	s15 =	sadd.s32 s5, s30;
	[sflag:s6] =	ssyncadd.s32 $0xFFFFFFC0  }
0x18: {  	[hbm4b:s15+s31] =	stream.linear.scatter [tilespmem:s14], [sflag:$0x3], $0x40, $0x38;
	[tilespmem:$0x100] =	vst v63  }
.LBB2_5:
0x19: {  	s15 =	sadd.s32 $0x800, s11  }
0x1a: {  	p2 =	sgt.s32 s15, $0xFFF  }
0x1b: {  	s15 =	smov.u32 @p2 s3;
	p2 =	sne.s32 s12, s9  }
.Ltmp1:
0x1c: {  	p1 =	slt.u32 s12, $0x2;
	(pc) =	sbr.rel @!p2 .LBB2_6-.Ltmp1, $4  }
0x1d: {  	s14 =	simm.s32 @!p1 $0x3  }
0x1e: {  	s16 =	sadd.s32 $0x1, s12;
	_ =	swait.ge @!p1 [sflag:s14], $0x40  }
0x1f: {  	s13 =	smov.u32 s11;
	p0 =	por !p0, !p0;
	[sflag:s14] =	ssyncset.done @!p1 $0x0  }
0x20: {  	s12 =	smov.u32 s16;
	s11 =	smov.u32 s15;
	[sflag:s14] =	ssyncadd.s32 @!p1 $0xFFFFFFC0  }
.LBB2_1:
0x21: {  	p1 =	sge.u32 s12, s8  }
0x22: {  	s14 =	sxor.u32 @!p1 $0xFFFFFFFF, s12  }
0x23: {  	s31 =	sadd.s32 $0xFFFFFFFF, s12;
	s15 =	sshrl.u32 @!p1 s11, $0x3;
	s14 =	sshll.u32 @!p1 s14, $0x6  }
0x24: {  	s16 =	sand.u32 @!p1 $0x7, s11;
	s15 =	sadd.s32 @!p1 s4, s15;
	s14 =	sand.u32 @!p1 $0x40, s14  }
0x25: {  	[tilespmem:s14], [sflag:$0x2] =	stream.linear.gather @!p1 [hbm4b:s15+s16], $0x40, $0x38;
	[tilespmem:$0x100] =	vst v63  }
0x26: {  	p1 =	sge.u32 s31, s8  }
.Ltmp2:
0x27: {  	_ = 	snop;
	(pc) =	sbr.rel @p1 .LBB2_5-.Ltmp2, $1  }
0x28: {  	_ =	sdelay $0x3  }
0x29: {  	s14 =	simm.s32 $0x1  }
0x2a: {  	_ =	swait.ge [sflag:s7], $0x40;
	s14 =	simm.s32 @!p0 $0x0  }
0x2b: {  	[sflag:s7] =	ssyncset.done $0x0;
	s14 =	sshll.u32 s14, $0x6  }
0x2c: {  	[sflag:s7] =	ssyncadd.s32 $0xFFFFFFC0;
	(ifvalue) =	ssetifvalue $0x7FFFFFFF;
	v0 =	vld.msk [tilespmem:s14+$0x0 ss:$0x1], $0xffff;
	_ =	sdelay $0x4  }
0x2d: {  	s15 =	sadd.s32 $0x10, s14;
	vm1 =	vgt.s32 v0, $0x0  }
0x2e: {  	v2 =	vld.msk [tilespmem:s15+$0x0 ss:$0x1], $0xffff;
	v1 =	vnsel vm1, $0x0, v0  }
0x2f: {  	v1 =	vmin.u32 v1, $0x270FF;
	_ =	sdelay $0x1  }
0x30: {  	s16 =	sshll.u32 s12, $0x6;
	s18 =	simm.s32 $0x20  }
0x31: {  	s16 =	sand.u32 $0x40, s16;
	s17 =	sadd.s32 $0x10, s15;
	s15 =	sor.u32 $0x80, s14  }
0x32: {  	s14 =	sor.u32 $0x80, s16;
	s16 =	sadd.s32 $0x10, s15;
	v0 =	vld.msk [tilespmem:s17+$0x0 ss:$0x1], $0xffff;
	vm1 =	vgt.s32 v2, $0x0;
	(ifvalue) =	ssetifvalue $0x7FFFFFFF  }
.LBB2_3:
0x33: {  	[tilespmem:s15], [sflag:$0x1] =	stream.indirect_vreg.gather [hbm4b:s2+s10], $0x1, v1, vm0, $0x4038;
	[tilespmem:$0x100] =	vst v63  }
0x34: {  	s18 =	sadd.s32 $0x10, s18  }
0x35: {  	v2 =	vnsel vm1, $0x0, v2;
	p1 =	slt.u32 s18, $0x30  }
.Ltmp3:
0x36: {  	s15 =	smov.u32 s16;
	v1 =	vmin.u32 v2, $0x270FF;
	(pc) =	sbr.rel @p1 .LBB2_3-.Ltmp3, $3  }
0x37: {  	_ =	sdelay $0x1  }
0x38: {  	s17 =	sadd.s32 $0x10, s17  }
0x39: {  	vm1 =	vgt.s32 v0, $0x0;
	s16 =	sadd.s32 $0x10, s16;
	v2 =	vmov v0;
	(ifvalue) =	ssetifvalue $0x7FFFFFFF;
	v0 =	vld.msk [tilespmem:s17+$0x0 ss:$0x1], $0xffff  }
.Ltmp4:
0x3a: {  	_ = 	snop;
	(pc) =	sbr.rel .LBB2_4-.Ltmp4, $1  }
0x3b: {  	_ =	sdelay $0x3  }
.LBB2_6:
0x3c: {  	_ =	sfence.sel $0x180000  }
0x3d: {  	s2 =	simm.s32 $0x2;
	[bflag:$0x0] =	sbarrier.arrive $0xFFFF  }
0x3e: {  	s30 =	simm.s32 $0x3;
	[sflag:s2] =	ssyncpa.u1 $0x1  }
0x3f: {  	s31 =	simm.s32 $0x1;
	[sflag:s30] =	ssyncpa.u1 $0x1  }
0x40: {  	[sflag:s31] =	ssyncpa.u1 $0x1  }
0x41: {  	p0 =	sne.s32 s0, $0x0;
	_ =	strace $0x90000059  }
0x42: {  	s0 =	sadd.s32 @!p0 $0x100000, s1;
	[bflag:$0x2] =	sbarrier.arrive $0xFFFF  }
0x43: {  	[sflag:s0] =	ssyncadd.tile.s32 @!p0 $0x1;
	_ =	shalt  }
.Lfunc_end2:
_tile_overlayer_lowered:
.L_overlay_start_2:
0x44: {  	(tag) =	ssettag $0x2  }
0x45: {  	s0 =	rddreg [dreg:$0x0];
	s2 =	stileid.u32  }
0x46: {  	s1 =	rddreg [dreg:$0x1];
	p0 =	sne.s32 s2, $0x0  }
0x47: {  	s3 =	rddreg [dreg:$0x2];
	[bflag:$0x3] =	sbarrier.arrive $0xFFFF;
	s2 =	simm.s32 @!p0 $0x1C01  }
0x48: {  	[timem:s3], [sflag:s2] =	dma.local @!p0 [hbm:s0], s1  }
0x49: {  	s0 =	simm.s32 @!p0 $0x1  }
0x4a: {  	_ =	swait.ge @!p0 [sflag:s0], s1  }
0x4b: {  	s1 =	ssub.s32 @!p0 $0x0, s1;
	[sflag:s0] =	ssyncset.done @!p0 $0x0  }
0x4c: {  	[sflag:s0] =	ssyncadd.s32 @!p0 s1  }
0x4d: {  	[bflag:$0x3] =	sbarrier.arrive $0xFFFF  }
0x4e: {  	_ =	shalt  }

// kernel: gather_offload_async_start.3
scs
__scs_entry_jumppad:
0x0: {  	(pc) =	sbr.rel $0x88, $3  }
0x1: {  	(tag) =	ssettag $0x0;
	lr =	simm.s32 $0x1  }
0x2: {  	[smem:$0x3F97] =	sst lr;
	_ =	strace $0xD0000000  }
0x3: {  	_ = 	snop  }
0x4: {  	_ = 	snop  }
0x5: {  	_ = 	snop  }
0x6: {  	_ = 	snop  }
0x7: {  	_ = 	snop  }
__scs_overlays_trampoline_lowered:
0x8: {  	[smem:$0x3FA6] =	sst s0  }
0x9: {  	[smem:$0x3FA7] =	sst s1  }
0xa: {  	[smem:$0x3FA8] =	sst s2  }
0xb: {  	[smem:$0x3FA9] =	sst s3  }
0xc: {  	[smem:$0x3FAA] =	sst s4  }
0xd: {  	[smem:$0x3FAB] =	sst s5  }
0xe: {  	[smem:$0x3FAC] =	sst s6  }
0xf: {  	[smem:$0x3FAD] =	sst s7  }
0x10: {  	[smem:$0x3FAE] =	sst s8  }
0x11: {  	[smem:$0x3FAF] =	sst s9;
	s0 =	simm.s32 @!p0 $0x0  }
0x12: {  	s1 =	sld [smem:$0x3F95];
	s0 =	simm.s32 @p0 $0x1  }
0x13: {  	[smem:$0x3FB0] =	sst s0;
	s0 =	simm.s32 @!p1 $0x0  }
0x14: {  	s2 =	sld [smem:$0x3F94];
	s0 =	simm.s32 @p1 $0x1  }
0x15: {  	[smem:$0x3FB1] =	sst s0;
	s0 =	simm.s32 @!p2 $0x0  }
0x16: {  	s3 =	sld [smem:$0x3FDB];
	s0 =	simm.s32 @p2 $0x1  }
0x17: {  	s4 =	simm.s32 $0x1BF5;
	[smem:$0x3FB3] =	sst s0  }
0x18: {  	s0 =	sld [smem:$0x3F96];
	_ =	swait.ge [sflag:s4], $0x0  }
0x19: {  	s7 =	sld [smem:$0x3F97]  }
0x1a: {  	s8 =	sadd.s32 $0xFFFFE003, lr  }
0x1b: {  	s9 =	sadd.s32 $0xFFFFFEF7, lr;
	s5 =	simm.s32 $0xFFFFFFFF;
	p2 =	slt.u32 s8, $0xFFFFF086  }
0x1c: {  	p1 =	slt.u32 s9, $0xF7A;
	s5 =	simm.s32 @!p2 $0x0  }
0x1d: {  	s5 =	simm.s32 @p1 $0x1;
	p0 =	seq.s32 s7, s2  }
0x1e: {  	s7 =	smul.u32 @!p0 $0xF7A, s2;
	p2 =	seq.s32 @!p0 s5, $0x0  }
0x1f: {  	s9 =	smul.u32 $0xF7A, s1;
	s8 =	simm.s32 @!p0 $0x1BF5;
	p2 =	por !p2, p0  }
0x20: {  	[sflag:s8] =	ssyncset.s32 @!p0 $0xFFFFF086;
	s6 =	sadd.s32 @!p0 s3, s7;
	s7 =	simm.s32 @!p0 $0x108  }
0x21: {  	s3 =	sadd.s32 s3, s9;
	s6 =	sadd.s32 @!p0 $0x88, s6;
	s7 =	simm.s32 @p2 $0x1082  }
0x22: {  	[simem:s7], [sflag:s8] =	dma.local @!p0 [hbm:s6], $0xF7A  }
0x23: {  	s9 =	sor.u32 $0xD0000000, s2;
	s6 =	simm.s32 $0x108;
	_ =	swait.ge @!p0 [sflag:s8], $0x0  }
0x24: {  	s3 =	sadd.s32 $0x88, s3;
	s6 =	simm.s32 @!p1 $0x1082;
	[sflag:s4] =	ssyncset.s32 $0xFFFFF086  }
0x25: {  	[simem:s6], [sflag:s4] =	dma.local [hbm:s3], $0xF7A  }
0x26: {  	[smem:$0x3F97] =	sst s1;
	(tag) =	ssettag s2;
	_ =	strace s9  }
0x27: {  	s1 =	sld [smem:$0x3FA7]  }
0x28: {  	s2 =	sld [smem:$0x3FA8]  }
0x29: {  	s4 =	sld [smem:$0x3FAA]  }
0x2a: {  	p0 =	seq.s32 s5, $0x0;
	s5 =	sld [smem:$0x3FAB]  }
0x2b: {  	s6 =	sld [smem:$0x3FAC]  }
0x2c: {  	s7 =	sld [smem:$0x3FAD]  }
0x2d: {  	s3 =	simm.s32 $0x108;
	s8 =	sld [smem:$0x3FAE]  }
0x2e: {  	s3 =	simm.s32 @!p0 $0x1082;
	s9 =	sld [smem:$0x3FAF]  }
0x2f: {  	lr =	sadd.s32 s0, s3;
	s0 =	sld [smem:$0x3FA6]  }
0x30: {  	s3 =	sld [smem:$0x3FA9]  }
0x31: {  	[smem:$0x3FB2] =	sst s10  }
0x32: {  	s10 =	sld [smem:$0x3FB0];
	_ =	sdelay $0x3  }
0x33: {  	p0 =	seq.s32 s10, $0x1;
	s10 =	sld [smem:$0x3FB2];
	_ =	sdelay $0x3  }
0x34: {  	[smem:$0x3FB2] =	sst s10  }
0x35: {  	s10 =	sld [smem:$0x3FB1];
	_ =	sdelay $0x3  }
0x36: {  	p1 =	seq.s32 s10, $0x1;
	s10 =	sld [smem:$0x3FB2];
	_ =	sdelay $0x3  }
0x37: {  	[smem:$0x3FB2] =	sst s10  }
0x38: {  	s10 =	sld [smem:$0x3FB3]  }
0x39: {  	_ = 	snop;
	(pc) =	sbr.ind lr, $3  }
0x3a: {  	_ = 	snop  }
0x3b: {  	_ = 	snop  }
0x3c: {  	p2 =	seq.s32 s10, $0x1;
	s10 =	sld [smem:$0x3FB2]  }
0x3d: {  	_ =	shalt  }
0x3e: {  	_ =	shalt  }
0x3f: {  	_ =	shalt  }
0x40: {  	_ =	shalt  }
0x41: {  	_ =	shalt  }
0x42: {  	_ =	shalt  }
0x43: {  	_ =	shalt  }
0x44: {  	_ =	shalt  }
0x45: {  	_ =	shalt  }
0x46: {  	_ =	shalt  }
0x47: {  	_ =	shalt  }
0x48: {  	_ =	shalt  }
0x49: {  	_ =	shalt  }
0x4a: {  	_ =	shalt  }
0x4b: {  	_ =	shalt  }
0x4c: {  	_ =	shalt  }
0x4d: {  	_ =	shalt  }
0x4e: {  	_ =	shalt  }
0x4f: {  	_ =	shalt  }
0x50: {  	_ =	shalt  }
0x51: {  	_ =	shalt  }
0x52: {  	_ =	shalt  }
0x53: {  	_ =	shalt  }
0x54: {  	_ =	shalt  }
0x55: {  	_ =	shalt  }
0x56: {  	_ =	shalt  }
0x57: {  	_ =	shalt  }
0x58: {  	_ =	shalt  }
0x59: {  	_ =	shalt  }
0x5a: {  	_ =	shalt  }
0x5b: {  	_ =	shalt  }
0x5c: {  	_ =	shalt  }
0x5d: {  	_ =	shalt  }
0x5e: {  	_ =	shalt  }
0x5f: {  	_ =	shalt  }
0x60: {  	_ =	shalt  }
0x61: {  	_ =	shalt  }
0x62: {  	_ =	shalt  }
0x63: {  	_ =	shalt  }
0x64: {  	_ =	shalt  }
0x65: {  	_ =	shalt  }
0x66: {  	_ =	shalt  }
0x67: {  	_ =	shalt  }
0x68: {  	_ =	shalt  }
0x69: {  	_ =	shalt  }
0x6a: {  	_ =	shalt  }
0x6b: {  	_ =	shalt  }
0x6c: {  	_ =	shalt  }
0x6d: {  	_ =	shalt  }
0x6e: {  	_ =	shalt  }
0x6f: {  	_ =	shalt  }
0x70: {  	_ =	shalt  }
0x71: {  	_ =	shalt  }
0x72: {  	_ =	shalt  }
0x73: {  	_ =	shalt  }
0x74: {  	_ =	shalt  }
0x75: {  	_ =	shalt  }
0x76: {  	_ =	shalt  }
0x77: {  	_ =	shalt  }
0x78: {  	_ =	shalt  }
0x79: {  	_ =	shalt  }
0x7a: {  	_ =	shalt  }
0x7b: {  	_ =	shalt  }
0x7c: {  	_ =	shalt  }
0x7d: {  	_ =	shalt  }
0x7e: {  	_ =	shalt  }
0x7f: {  	_ =	shalt  }
0x80: {  	_ =	shalt  }
0x81: {  	_ =	shalt  }
0x82: {  	_ =	shalt  }
0x83: {  	_ =	shalt  }
0x84: {  	_ =	shalt  }
0x85: {  	_ =	shalt  }
0x86: {  	_ =	shalt  }
0x87: {  	_ =	shalt  }
.Lfunc_end0:
.L_simem_size_0:
called_computation.6_lowered:
.L_overlay_start_0:
0x88: {  	s2 =	sld [smem:$0x3FD9]  }
0x89: {  	s3 =	sld [smem:$0x3FFE];
	_ =	sdelay $0x1  }
0x8a: {  	s1 =	srdreg.scid  }
0x8b: {  	s0 =	sand.u32 $0x1, s1  }
0x8c: {  	s17 =	sshll.u32 s0, $0xA;
	s2 =	sadd.s32 s3, s2  }
0x8d: {  	s2 =	sadd.s32 s2, s17  }
0x8e: {  	[smem:$0x3FBE] =	sst s2  }
0x8f: {  	_ = 	snop  }
0x90: {  	(tm) =	ssettm $0x1  }
0x91: {  	s18 =	sld [smem:$0x3FFB];
	_ =	sdelay $0x3  }
0x92: {  	_ =	strace s18  }
0x93: {  	s2 =	sld [smem:$0x3FFC];
	_ =	sdelay $0x3  }
0x94: {  	_ =	strace s2  }
0x95: {  	s2 =	sld [smem:$0x3FFD];
	_ =	sdelay $0x3  }
0x96: {  	_ =	strace s2  }
0x97: {  	_ =	strace $0x8FFFFFFF  }
0x98: {  	s19 =	sld [smem:$0x3FDB];
	_ =	sdelay $0x1  }
0x99: {  	s20 =	simm.s32 $_scs_section_size  }
0x9a: {  	s4 =	simm.s32 $_size__tile_overlayer_lowered;
	s5 =	simm.s32 $_tile_overlayer_lowered  }
0x9b: {  	s6 =	simm.s32 $0x1BFF;
	s21 =	sshll.u32 s5, $0x1;
	s3 =	sadd.s32 s20, s19  }
0x9c: {  	s22 =	simm.s32 $0x0;
	s4 =	sshll.u32 s4, $0x1;
	s5 =	sadd.s32 s21, s3  }
0x9d: {  	[timem:s22], [sflag:s6] =	dma.local [hbm:s5], s4  }
0x9e: {  	_ =	swait.ge [sflag:s6], s4  }
0x9f: {  	s4 =	ssub.s32 $0x0, s4;
	[sflag:s6] =	ssyncset.done $0x0  }
0xa0: {  	[sflag:s6] =	ssyncadd.s32 s4;
	_ =	sdelay $0x1  }
0xa1: {  	s23 =	simm.s32 $0x1B8B  }
0xa2: {  	_ =	swait.ge [sflag:s23], $0x1  }
0xa3: {  	[sflag:s23] =	ssyncset.done $0x0  }
0xa4: {  	[sflag:s23] =	ssyncadd.s32 $0xFFFFFFFF  }
0xa5: {  	s4 =	sld [smem:$0x0]  }
0xa6: {  	s5 =	sand.u32 $0xFFFFFFFE, s1  }
0xa7: {  	p0 =	sne.s32 s1, s5  }
0xa8: {  	s5 =	sshll.u32 @p0 s5, $0xE  }
0xa9: {  	s5 =	sadd.s32 @p0 $0x11B8D, s5;
	s6 =	sshll.u32 @p0 s4, $0x11  }
0xaa: {  	s5 =	sor.u32 @p0 s6, s5  }
0xab: {  	[sflag:s5] =	ssyncadd.remote.s32 @p0 $0x1;
	_ =	sdelay $0x1  }
0xac: {  	s5 =	simm.s32 @p0 $0x1B8D  }
0xad: {  	_ =	swait.eq @p0 [sflag:s5], $0x1  }
0xae: {  	[sflag:s5] =	ssyncadd.s32 @p0 $0xFFFFFFFF  }
0xaf: {  	s6 =	sshll.u32 @!p0 s1, $0xE  }
0xb0: {  	s6 =	sor.u32 @!p0 $0x4000, s6;
	s5 =	simm.s32 @!p0 $0x1B8D  }
0xb1: {  	s4 =	sshll.u32 @!p0 s4, $0x11;
	s6 =	sadd.s32 @!p0 $0x11B8D, s6;
	_ =	swait.eq @!p0 [sflag:s5], $0x1  }
0xb2: {  	s4 =	sor.u32 @!p0 s4, s6;
	[sflag:s5] =	ssyncadd.s32 @!p0 $0xFFFFFFFF  }
0xb3: {  	s25 =	simm.s32 $0x1B8E;
	s24 =	sld [smem:$0x3FFE];
	[sflag:s4] =	ssyncadd.remote.s32 @!p0 $0x1  }
0xb4: {  	s26 =	simm.s32 $execute0_lowered;
	[smem:$0x3FD2] =	sst s25  }
0xb5: {  	s5 =	sshll.u32 s26, $0x1;
	_ =	strace $0x80000061;
	[dreg:$0x1] =	wrdreg $0xFFFFFFFF  }
0xb6: {  	s28 =	simm.s32 $_size_execute0_lowered;
	s3 =	sadd.s32 s3, s5;
	[dreg:$0x0] =	wrdreg $0x0  }
0xb7: {  	s5 =	sshll.u32 s28, $0x1;
	[dreg:$0x2] =	wrdreg s3  }
0xb8: {  	[dreg:$0x3] =	wrdreg s5  }
0xb9: {  	[dreg:$0x4] =	wrdreg $0xC0  }
0xba: {  	_ =	task [dreg:s22], $0x5FFFF  }
0xbb: {  	[dreg:$0x1] =	wrdreg $0xFFFFFFFF  }
0xbc: {  	[dreg:$0x0] =	wrdreg $0x60  }
0xbd: {  	[dreg:$0x2] =	wrdreg s24  }
0xbe: {  	[dreg:$0x3] =	wrdreg $0xA  }
0xbf: {  	_ =	task.clear_ibuf [dreg:s22], $0x4FFFF;
	_ =	strace $0x90000061  }
0xc0: {  	s29 =	simm.s32 $0xA;
	_ =	strace $0x80000063  }
0xc1: {  	_ =	swait.ge [sflag:s29], $0x1  }
0xc2: {  	[sflag:s29] =	ssyncadd.s32 $0xFFFFFFFF  }
0xc3: {  	_ =	strace $0x90000063  }
0xc4: {  	_ =	sfence  }
0xc5: {  	s30 =	sld [smem:$0x0];
	_ =	sdelay $0x2  }
0xc6: {  	s31 =	sshll.u32 s1, $0xD;
	s1 =	sshrl.u32 s1, $0x2  }
0xc7: {  	s4 =	sand.u32 $0x4000, s31;
	s1 =	sadd.s32 s1, s30  }
0xc8: {  	s0 =	sor.u32 s4, s0;
	s1 =	sshll.u32 s1, $0x11  }
0xc9: {  	s0 =	sor.u32 s1, s0  }
0xca: {  	s0 =	sadd.s32 $0x8F2B, s0  }
0xcb: {  	[sflag:s0] =	ssyncadd.remote.s32 $0x1  }
0xcc: {  	_ =	sfence.sel $0xFFFF  }
0xcd: {  	[dreg:$0x0] =	wrdreg $0xFFFFFFFF;
	(pc) =	sbr.abs _section_cstart, $3  }
0xce: {  	[dreg:$0x1] =	wrdreg $0xFFFFFFFF  }
0xcf: {  	_ =	task.clear_ibuf [dreg:s22], $0x2FFFF;
	_ =	strace $0x9FFFFFFF  }
0xd0: {  	(tm) =	ssettm $0x7FFFFFFF  }
0xd1: {  	_ =	shalt  }
tec
execute0_lowered:
.L_overlay_start_1:
0x0: {  	(tag) =	ssettag $0x1  }
0x1: {  	s0 =	srdreg.scid;
	s5 =	rddreg [dreg:$0x0]  }
0x2: {  	s1 =	stileid.u32;
	s6 =	simm.s32 $0x1;
	s9 =	simm.s32 $0x1  }
0x3: {  	s10 =	simm.s32 $0x3;
	s13 =	simm.s32 $0x0;
	s2 =	sshll.u32 s0, $0x6  }
0x4: {  	s12 =	simm.s32 $0x0;
	s3 =	sshll.u32 s1, $0x7;
	s2 =	sand.u32 $0x40, s2  }
0x5: {  	s0 =	rddreg [dreg:$0x1];
	_ =	strace $0x80000062;
	s2 =	sor.u32 s3, s2  }
0x6: {  	s4 =	sadd.s32 $0x15200, s5;
	[sflag:s6] =	ssyncpa.u1 $0x0;
	s8 =	ssub.s32 $0x1000, s2  }
.Ltmp0:
0x7: {  	s3 =	sadd.s32 $0x14C00, s5;
	s7 =	sand.u32 $0x7C0, s8;
	(pc) =	sbr.rel .LBB2_1-.Ltmp0, $4  }
0x8: {  	s5 =	sadd.s32 $0x14800, s5;
	s11 =	smov.u32 s2;
	p0 =	sne.s32 s7, $0x0  }
0x9: {  	s8 =	sshrl.u32 s8, $0xB;
	s7 =	simm.s32 $0x2;
	s9 =	simm.s32 @!p0 $0x0  }
0xa: {  	[sflag:s7] =	ssyncpa.u1 $0x0;
	p0 =	por $0x0, $0x0;
	s8 =	sadd.s32 s9, s8  }
0xb: {  	vm0 =	vmmov $0xffff;
	[sflag:s10] =	ssyncpa.u1 $0x0;
	s10 =	simm.s32 $0x0;
	s9 =	sadd.s32 $0x1, s8  }
.LBB2_4:
0xc: {  	v2 =	vnsel vm1, $0x0, v2  }
0xd: {  	vm1 =	vgt.s32 v0, $0x0;
	v2 =	vmin.u32 v2, $0x270F  }
0xe: {  	v0 =	vnsel vm1, $0x0, v0  }
0xf: {  	v0 =	vmin.u32 v0, $0x270F  }
0x10: {  	[tilespmem:s15], [sflag:$0x1] =	stream.indirect_vreg.gather [hbm4b:s3+s10], $0x1, v1, vm0, $0x4038;
	[tilespmem:$0x100] =	vst v63  }
0x11: {  	(ifvalue) =	ssetifvalue $0x7FFFFFFF  }
0x12: {  	[tilespmem:s16], [sflag:$0x1] =	stream.indirect_vreg.gather [hbm4b:s3+s10], $0x1, v2, vm0, $0x4038;
	[tilespmem:$0x100] =	vst v63  }
0x13: {  	s29 =	sadd.s32 $0x10, s16;
	(ifvalue) =	ssetifvalue $0x7FFFFFFF  }
0x14: {  	[tilespmem:s29], [sflag:$0x1] =	stream.indirect_vreg.gather [hbm4b:s3+s10], $0x1, v0, vm0, $0x4038;
	[tilespmem:$0x100] =	vst v63  }
0x15: {  	_ =	swait.ge [sflag:s6], $0x40  }
0x16: {  	s30 =	sshrl.u32 s13, $0x3;
	[sflag:s6] =	ssyncset.done $0x0  }
0x17: {  	s31 =	sand.u32 $0x7, s13;
	s15 =	sadd.s32 s5, s30;
	[sflag:s6] =	ssyncadd.s32 $0xFFFFFFC0  }
0x18: {  	[hbm4b:s15+s31] =	stream.linear.scatter [tilespmem:s14], [sflag:$0x3], $0x40, $0x38;
	[tilespmem:$0x100] =	vst v63  }
.LBB2_5:
0x19: {  	s15 =	sadd.s32 $0x800, s11  }
0x1a: {  	p2 =	sgt.s32 s15, $0xFFF  }
0x1b: {  	s15 =	smov.u32 @p2 s2;
	p2 =	sne.s32 s12, s9  }
.Ltmp1:
0x1c: {  	p1 =	slt.u32 s12, $0x2;
	(pc) =	sbr.rel @!p2 .LBB2_6-.Ltmp1, $4  }
0x1d: {  	s14 =	simm.s32 @!p1 $0x3  }
0x1e: {  	s16 =	sadd.s32 $0x1, s12;
	_ =	swait.ge @!p1 [sflag:s14], $0x40  }
0x1f: {  	s13 =	smov.u32 s11;
	p0 =	por !p0, !p0;
	[sflag:s14] =	ssyncset.done @!p1 $0x0  }
0x20: {  	s12 =	smov.u32 s16;
	s11 =	smov.u32 s15;
	[sflag:s14] =	ssyncadd.s32 @!p1 $0xFFFFFFC0  }
.LBB2_1:
0x21: {  	p1 =	sge.u32 s12, s8  }
0x22: {  	s14 =	sxor.u32 @!p1 $0xFFFFFFFF, s12  }
0x23: {  	s31 =	sadd.s32 $0xFFFFFFFF, s12;
	s15 =	sshrl.u32 @!p1 s11, $0x3;
	s14 =	sshll.u32 @!p1 s14, $0x6  }
0x24: {  	s16 =	sand.u32 @!p1 $0x7, s11;
	s15 =	sadd.s32 @!p1 s4, s15;
	s14 =	sand.u32 @!p1 $0x40, s14  }
0x25: {  	[tilespmem:s14], [sflag:$0x2] =	stream.linear.gather @!p1 [hbm4b:s15+s16], $0x40, $0x38;
	[tilespmem:$0x100] =	vst v63  }
0x26: {  	p1 =	sge.u32 s31, s8  }
.Ltmp2:
0x27: {  	_ = 	snop;
	(pc) =	sbr.rel @p1 .LBB2_5-.Ltmp2, $1  }
0x28: {  	_ =	sdelay $0x3  }
0x29: {  	s14 =	simm.s32 $0x1  }
0x2a: {  	_ =	swait.ge [sflag:s7], $0x40;
	s14 =	simm.s32 @!p0 $0x0  }
0x2b: {  	[sflag:s7] =	ssyncset.done $0x0;
	s14 =	sshll.u32 s14, $0x6  }
0x2c: {  	[sflag:s7] =	ssyncadd.s32 $0xFFFFFFC0;
	(ifvalue) =	ssetifvalue $0x7FFFFFFF;
	v0 =	vld.msk [tilespmem:s14+$0x0 ss:$0x1], $0xffff;
	_ =	sdelay $0x4  }
0x2d: {  	s15 =	sadd.s32 $0x10, s14;
	vm1 =	vgt.s32 v0, $0x0  }
0x2e: {  	v2 =	vld.msk [tilespmem:s15+$0x0 ss:$0x1], $0xffff;
	v1 =	vnsel vm1, $0x0, v0  }
0x2f: {  	v1 =	vmin.u32 v1, $0x270F;
	_ =	sdelay $0x1  }
0x30: {  	s16 =	sshll.u32 s12, $0x6;
	s18 =	simm.s32 $0x20  }
0x31: {  	s16 =	sand.u32 $0x40, s16;
	s17 =	sadd.s32 $0x10, s15;
	s15 =	sor.u32 $0x80, s14  }
0x32: {  	s14 =	sor.u32 $0x80, s16;
	s16 =	sadd.s32 $0x10, s15;
	v0 =	vld.msk [tilespmem:s17+$0x0 ss:$0x1], $0xffff;
	vm1 =	vgt.s32 v2, $0x0;
	(ifvalue) =	ssetifvalue $0x7FFFFFFF  }
.LBB2_3:
0x33: {  	[tilespmem:s15], [sflag:$0x1] =	stream.indirect_vreg.gather [hbm4b:s3+s10], $0x1, v1, vm0, $0x4038;
	[tilespmem:$0x100] =	vst v63  }
0x34: {  	s18 =	sadd.s32 $0x10, s18  }
0x35: {  	v2 =	vnsel vm1, $0x0, v2;
	p1 =	slt.u32 s18, $0x30  }
.Ltmp3:
0x36: {  	s15 =	smov.u32 s16;
	v1 =	vmin.u32 v2, $0x270F;
	(pc) =	sbr.rel @p1 .LBB2_3-.Ltmp3, $3  }
0x37: {  	_ =	sdelay $0x1  }
0x38: {  	s17 =	sadd.s32 $0x10, s17  }
0x39: {  	vm1 =	vgt.s32 v0, $0x0;
	s16 =	sadd.s32 $0x10, s16;
	v2 =	vmov v0;
	(ifvalue) =	ssetifvalue $0x7FFFFFFF;
	v0 =	vld.msk [tilespmem:s17+$0x0 ss:$0x1], $0xffff  }
.Ltmp4:
0x3a: {  	_ = 	snop;
	(pc) =	sbr.rel .LBB2_4-.Ltmp4, $1  }
0x3b: {  	_ =	sdelay $0x3  }
.LBB2_6:
0x3c: {  	_ =	sfence.sel $0x180000  }
0x3d: {  	s2 =	simm.s32 $0x2;
	[bflag:$0x0] =	sbarrier.arrive $0xFFFF  }
0x3e: {  	s30 =	simm.s32 $0x3;
	[sflag:s2] =	ssyncpa.u1 $0x1  }
0x3f: {  	s31 =	simm.s32 $0x1;
	[sflag:s30] =	ssyncpa.u1 $0x1  }
0x40: {  	[sflag:s31] =	ssyncpa.u1 $0x1  }
0x41: {  	p0 =	sne.s32 s1, $0x0;
	_ =	strace $0x90000062  }
0x42: {  	s0 =	sadd.s32 @!p0 $0x100000, s0;
	[bflag:$0x2] =	sbarrier.arrive $0xFFFF  }
0x43: {  	[sflag:s0] =	ssyncadd.tile.s32 @!p0 $0x1;
	_ =	shalt  }
.Lfunc_end2:
_tile_overlayer_lowered:
.L_overlay_start_2:
0x44: {  	(tag) =	ssettag $0x2  }
0x45: {  	s0 =	rddreg [dreg:$0x0];
	s2 =	stileid.u32  }
0x46: {  	s1 =	rddreg [dreg:$0x1];
	p0 =	sne.s32 s2, $0x0  }
0x47: {  	s3 =	rddreg [dreg:$0x2];
	[bflag:$0x3] =	sbarrier.arrive $0xFFFF;
	s2 =	simm.s32 @!p0 $0x1C01  }
0x48: {  	[timem:s3], [sflag:s2] =	dma.local @!p0 [hbm:s0], s1  }
0x49: {  	s0 =	simm.s32 @!p0 $0x1  }
0x4a: {  	_ =	swait.ge @!p0 [sflag:s0], s1  }
0x4b: {  	s1 =	ssub.s32 @!p0 $0x0, s1;
	[sflag:s0] =	ssyncset.done @!p0 $0x0  }
0x4c: {  	[sflag:s0] =	ssyncadd.s32 @!p0 s1  }
0x4d: {  	[bflag:$0x3] =	sbarrier.arrive $0xFFFF  }
0x4e: {  	_ =	shalt  }

// kernel: gather_offload_async_start.4
scs
__scs_entry_jumppad:
0x0: {  	(pc) =	sbr.rel $0x88, $3  }
0x1: {  	(tag) =	ssettag $0x0;
	lr =	simm.s32 $0x1  }
0x2: {  	[smem:$0x3F97] =	sst lr;
	_ =	strace $0xD0000000  }
0x3: {  	_ = 	snop  }
0x4: {  	_ = 	snop  }
0x5: {  	_ = 	snop  }
0x6: {  	_ = 	snop  }
0x7: {  	_ = 	snop  }
__scs_overlays_trampoline_lowered:
0x8: {  	[smem:$0x3FA6] =	sst s0  }
0x9: {  	[smem:$0x3FA7] =	sst s1  }
0xa: {  	[smem:$0x3FA8] =	sst s2  }
0xb: {  	[smem:$0x3FA9] =	sst s3  }
0xc: {  	[smem:$0x3FAA] =	sst s4  }
0xd: {  	[smem:$0x3FAB] =	sst s5  }
0xe: {  	[smem:$0x3FAC] =	sst s6  }
0xf: {  	[smem:$0x3FAD] =	sst s7  }
0x10: {  	[smem:$0x3FAE] =	sst s8  }
0x11: {  	[smem:$0x3FAF] =	sst s9;
	s0 =	simm.s32 @!p0 $0x0  }
0x12: {  	s1 =	sld [smem:$0x3F95];
	s0 =	simm.s32 @p0 $0x1  }
0x13: {  	[smem:$0x3FB0] =	sst s0;
	s0 =	simm.s32 @!p1 $0x0  }
0x14: {  	s2 =	sld [smem:$0x3F94];
	s0 =	simm.s32 @p1 $0x1  }
0x15: {  	[smem:$0x3FB1] =	sst s0;
	s0 =	simm.s32 @!p2 $0x0  }
0x16: {  	s3 =	sld [smem:$0x3FDB];
	s0 =	simm.s32 @p2 $0x1  }
0x17: {  	s4 =	simm.s32 $0x1BF5;
	[smem:$0x3FB3] =	sst s0  }
0x18: {  	s0 =	sld [smem:$0x3F96];
	_ =	swait.ge [sflag:s4], $0x0  }
0x19: {  	s7 =	sld [smem:$0x3F97]  }
0x1a: {  	s8 =	sadd.s32 $0xFFFFE003, lr  }
0x1b: {  	s9 =	sadd.s32 $0xFFFFFEF7, lr;
	s5 =	simm.s32 $0xFFFFFFFF;
	p2 =	slt.u32 s8, $0xFFFFF086  }
0x1c: {  	p1 =	slt.u32 s9, $0xF7A;
	s5 =	simm.s32 @!p2 $0x0  }
0x1d: {  	s5 =	simm.s32 @p1 $0x1;
	p0 =	seq.s32 s7, s2  }
0x1e: {  	s7 =	smul.u32 @!p0 $0xF7A, s2;
	p2 =	seq.s32 @!p0 s5, $0x0  }
0x1f: {  	s9 =	smul.u32 $0xF7A, s1;
	s8 =	simm.s32 @!p0 $0x1BF5;
	p2 =	por !p2, p0  }
0x20: {  	[sflag:s8] =	ssyncset.s32 @!p0 $0xFFFFF086;
	s6 =	sadd.s32 @!p0 s3, s7;
	s7 =	simm.s32 @!p0 $0x108  }
0x21: {  	s3 =	sadd.s32 s3, s9;
	s6 =	sadd.s32 @!p0 $0x88, s6;
	s7 =	simm.s32 @p2 $0x1082  }
0x22: {  	[simem:s7], [sflag:s8] =	dma.local @!p0 [hbm:s6], $0xF7A  }
0x23: {  	s9 =	sor.u32 $0xD0000000, s2;
	s6 =	simm.s32 $0x108;
	_ =	swait.ge @!p0 [sflag:s8], $0x0  }
0x24: {  	s3 =	sadd.s32 $0x88, s3;
	s6 =	simm.s32 @!p1 $0x1082;
	[sflag:s4] =	ssyncset.s32 $0xFFFFF086  }
0x25: {  	[simem:s6], [sflag:s4] =	dma.local [hbm:s3], $0xF7A  }
0x26: {  	[smem:$0x3F97] =	sst s1;
	(tag) =	ssettag s2;
	_ =	strace s9  }
0x27: {  	s1 =	sld [smem:$0x3FA7]  }
0x28: {  	s2 =	sld [smem:$0x3FA8]  }
0x29: {  	s4 =	sld [smem:$0x3FAA]  }
0x2a: {  	p0 =	seq.s32 s5, $0x0;
	s5 =	sld [smem:$0x3FAB]  }
0x2b: {  	s6 =	sld [smem:$0x3FAC]  }
0x2c: {  	s7 =	sld [smem:$0x3FAD]  }
0x2d: {  	s3 =	simm.s32 $0x108;
	s8 =	sld [smem:$0x3FAE]  }
0x2e: {  	s3 =	simm.s32 @!p0 $0x1082;
	s9 =	sld [smem:$0x3FAF]  }
0x2f: {  	lr =	sadd.s32 s0, s3;
	s0 =	sld [smem:$0x3FA6]  }
0x30: {  	s3 =	sld [smem:$0x3FA9]  }
0x31: {  	[smem:$0x3FB2] =	sst s10  }
0x32: {  	s10 =	sld [smem:$0x3FB0];
	_ =	sdelay $0x3  }
0x33: {  	p0 =	seq.s32 s10, $0x1;
	s10 =	sld [smem:$0x3FB2];
	_ =	sdelay $0x3  }
0x34: {  	[smem:$0x3FB2] =	sst s10  }
0x35: {  	s10 =	sld [smem:$0x3FB1];
	_ =	sdelay $0x3  }
0x36: {  	p1 =	seq.s32 s10, $0x1;
	s10 =	sld [smem:$0x3FB2];
	_ =	sdelay $0x3  }
0x37: {  	[smem:$0x3FB2] =	sst s10  }
0x38: {  	s10 =	sld [smem:$0x3FB3]  }
0x39: {  	_ = 	snop;
	(pc) =	sbr.ind lr, $3  }
0x3a: {  	_ = 	snop  }
0x3b: {  	_ = 	snop  }
0x3c: {  	p2 =	seq.s32 s10, $0x1;
	s10 =	sld [smem:$0x3FB2]  }
0x3d: {  	_ =	shalt  }
0x3e: {  	_ =	shalt  }
0x3f: {  	_ =	shalt  }
0x40: {  	_ =	shalt  }
0x41: {  	_ =	shalt  }
0x42: {  	_ =	shalt  }
0x43: {  	_ =	shalt  }
0x44: {  	_ =	shalt  }
0x45: {  	_ =	shalt  }
0x46: {  	_ =	shalt  }
0x47: {  	_ =	shalt  }
0x48: {  	_ =	shalt  }
0x49: {  	_ =	shalt  }
0x4a: {  	_ =	shalt  }
0x4b: {  	_ =	shalt  }
0x4c: {  	_ =	shalt  }
0x4d: {  	_ =	shalt  }
0x4e: {  	_ =	shalt  }
0x4f: {  	_ =	shalt  }
0x50: {  	_ =	shalt  }
0x51: {  	_ =	shalt  }
0x52: {  	_ =	shalt  }
0x53: {  	_ =	shalt  }
0x54: {  	_ =	shalt  }
0x55: {  	_ =	shalt  }
0x56: {  	_ =	shalt  }
0x57: {  	_ =	shalt  }
0x58: {  	_ =	shalt  }
0x59: {  	_ =	shalt  }
0x5a: {  	_ =	shalt  }
0x5b: {  	_ =	shalt  }
0x5c: {  	_ =	shalt  }
0x5d: {  	_ =	shalt  }
0x5e: {  	_ =	shalt  }
0x5f: {  	_ =	shalt  }
0x60: {  	_ =	shalt  }
0x61: {  	_ =	shalt  }
0x62: {  	_ =	shalt  }
0x63: {  	_ =	shalt  }
0x64: {  	_ =	shalt  }
0x65: {  	_ =	shalt  }
0x66: {  	_ =	shalt  }
0x67: {  	_ =	shalt  }
0x68: {  	_ =	shalt  }
0x69: {  	_ =	shalt  }
0x6a: {  	_ =	shalt  }
0x6b: {  	_ =	shalt  }
0x6c: {  	_ =	shalt  }
0x6d: {  	_ =	shalt  }
0x6e: {  	_ =	shalt  }
0x6f: {  	_ =	shalt  }
0x70: {  	_ =	shalt  }
0x71: {  	_ =	shalt  }
0x72: {  	_ =	shalt  }
0x73: {  	_ =	shalt  }
0x74: {  	_ =	shalt  }
0x75: {  	_ =	shalt  }
0x76: {  	_ =	shalt  }
0x77: {  	_ =	shalt  }
0x78: {  	_ =	shalt  }
0x79: {  	_ =	shalt  }
0x7a: {  	_ =	shalt  }
0x7b: {  	_ =	shalt  }
0x7c: {  	_ =	shalt  }
0x7d: {  	_ =	shalt  }
0x7e: {  	_ =	shalt  }
0x7f: {  	_ =	shalt  }
0x80: {  	_ =	shalt  }
0x81: {  	_ =	shalt  }
0x82: {  	_ =	shalt  }
0x83: {  	_ =	shalt  }
0x84: {  	_ =	shalt  }
0x85: {  	_ =	shalt  }
0x86: {  	_ =	shalt  }
0x87: {  	_ =	shalt  }
.Lfunc_end0:
.L_simem_size_0:
called_computation.7_lowered:
.L_overlay_start_0:
0x88: {  	s0 =	sld [smem:$0x3FD9]  }
0x89: {  	s1 =	sld [smem:$0x3FFE];
	_ =	sdelay $0x3  }
0x8a: {  	s0 =	sadd.s32 s1, s0  }
0x8b: {  	[smem:$0x3FBE] =	sst s0  }
0x8c: {  	_ = 	snop  }
0x8d: {  	(tm) =	ssettm $0x1  }
0x8e: {  	s15 =	sld [smem:$0x3FFB];
	_ =	sdelay $0x3  }
0x8f: {  	_ =	strace s15  }
0x90: {  	s0 =	sld [smem:$0x3FFC];
	_ =	sdelay $0x3  }
0x91: {  	_ =	strace s0  }
0x92: {  	s0 =	sld [smem:$0x3FFD];
	_ =	sdelay $0x3  }
0x93: {  	_ =	strace s0  }
0x94: {  	_ =	strace $0x8FFFFFFF  }
0x95: {  	s16 =	sld [smem:$0x3FDB];
	_ =	sdelay $0x1  }
0x96: {  	s17 =	simm.s32 $_scs_section_size  }
0x97: {  	s2 =	simm.s32 $_size__tile_overlayer_lowered;
	s3 =	simm.s32 $_tile_overlayer_lowered  }
0x98: {  	s20 =	simm.s32 $0x1BFF;
	s19 =	sshll.u32 s3, $0x1;
	s0 =	sadd.s32 s17, s16  }
0x99: {  	s4 =	simm.s32 $0x0;
	s18 =	sshll.u32 s2, $0x1;
	s2 =	sadd.s32 s19, s0  }
0x9a: {  	[timem:s4], [sflag:s20] =	dma.local [hbm:s2], s18  }
0x9b: {  	_ =	swait.ge [sflag:s20], s18  }
0x9c: {  	s1 =	ssub.s32 $0x0, s18;
	[sflag:s20] =	ssyncset.done $0x0  }
0x9d: {  	[sflag:s20] =	ssyncadd.s32 s1;
	_ =	sdelay $0x1  }
0x9e: {  	s21 =	simm.s32 $0x1B8B  }
0x9f: {  	_ =	swait.ge [sflag:s21], $0x1  }
0xa0: {  	[sflag:s21] =	ssyncset.done $0x0  }
0xa1: {  	s23 =	simm.s32 $0x1B8E;
	s22 =	sld [smem:$0x3FFE];
	[sflag:s21] =	ssyncadd.s32 $0xFFFFFFFF  }
0xa2: {  	s24 =	simm.s32 $execute0_lowered;
	[smem:$0x3FD2] =	sst s23  }
0xa3: {  	s2 =	sshll.u32 s24, $0x1;
	_ =	strace $0x8000004C;
	[dreg:$0x1] =	wrdreg $0xFFFFFFFF  }
0xa4: {  	s25 =	simm.s32 $_size_execute0_lowered;
	s0 =	sadd.s32 s0, s2;
	[dreg:$0x0] =	wrdreg $0x0  }
0xa5: {  	s2 =	sshll.u32 s25, $0x1;
	[dreg:$0x2] =	wrdreg s0  }
0xa6: {  	[dreg:$0x3] =	wrdreg s2  }
0xa7: {  	[dreg:$0x4] =	wrdreg $0xC0  }
0xa8: {  	_ =	task [dreg:s4], $0x5FFFF  }
0xa9: {  	[dreg:$0x1] =	wrdreg $0xFFFFFFFF  }
0xaa: {  	[dreg:$0x0] =	wrdreg $0x60  }
0xab: {  	[dreg:$0x2] =	wrdreg s22  }
0xac: {  	[dreg:$0x3] =	wrdreg $0x9  }
0xad: {  	_ =	task.clear_ibuf [dreg:s4], $0x4FFFF;
	_ =	strace $0x9000004C  }
0xae: {  	s26 =	simm.s32 $0x9;
	_ =	strace $0x8000004E  }
0xaf: {  	_ =	swait.ge [sflag:s26], $0x1  }
0xb0: {  	[sflag:s26] =	ssyncadd.s32 $0xFFFFFFFF  }
0xb1: {  	_ =	strace $0x9000004E  }
0xb2: {  	_ =	sfence  }
0xb3: {  	s28 =	sld [smem:$0x0];
	_ =	sdelay $0x1  }
0xb4: {  	s29 =	srdreg.scid  }
0xb5: {  	s30 =	sshll.u32 s29, $0xD;
	s31 =	sshrl.u32 s29, $0x2  }
0xb6: {  	s1 =	sand.u32 $0x1, s29;
	s2 =	sand.u32 $0x4000, s30;
	s0 =	sadd.s32 s31, s28  }
0xb7: {  	s1 =	sor.u32 s2, s1;
	s0 =	sshll.u32 s0, $0x11  }
0xb8: {  	s0 =	sor.u32 s0, s1  }
0xb9: {  	s0 =	sadd.s32 $0x8F2B, s0  }
0xba: {  	[sflag:s0] =	ssyncadd.remote.s32 $0x1  }
0xbb: {  	_ =	sfence.sel $0xFFFF  }
0xbc: {  	[dreg:$0x0] =	wrdreg $0xFFFFFFFF;
	(pc) =	sbr.abs _section_cstart, $3  }
0xbd: {  	[dreg:$0x1] =	wrdreg $0xFFFFFFFF  }
0xbe: {  	_ =	task.clear_ibuf [dreg:s4], $0x2FFFF;
	_ =	strace $0x9FFFFFFF  }
0xbf: {  	(tm) =	ssettm $0x7FFFFFFF  }
tec
execute0_lowered:
.L_overlay_start_1:
0x0: {  	(tag) =	ssettag $0x1  }
0x1: {  	s8 =	rddreg [dreg:$0x0]  }
0x2: {  	s0 =	rddreg [dreg:$0x1];
	_ =	strace $0x8000004D  }
0x3: {  	s4 =	simm.s32 $0x1;
	s1 =	stileid.u32;
	s7 =	simm.s32 $0x1  }
0x4: {  	s9 =	simm.s32 $0x1;
	s6 =	simm.s32 $0x2;
	s10 =	simm.s32 $0x3  }
0x5: {  	s13 =	simm.s32 $0x0;
	s12 =	simm.s32 $0x0;
	s2 =	sadd.s32 $0x14A00, s8  }
.Ltmp0:
0x6: {  	s3 =	sadd.s32 $0x16000, s8;
	p0 =	slt.u32 s1, $0xA;
	(pc) =	sbr.rel .LBB2_1-.Ltmp0, $4  }
0x7: {  	[sflag:s4] =	ssyncpa.u1 $0x0;
	s7 =	simm.s32 @!p0 $0x0;
	p0 =	sne.s32 s1, $0x9  }
0x8: {  	s5 =	smul.u32 $0x190, s1;
	[sflag:s6] =	ssyncpa.u1 $0x0;
	s9 =	simm.s32 @!p0 $0x0  }
0x9: {  	s8 =	sadd.s32 $0x1B600, s8;
	[sflag:s10] =	ssyncpa.u1 $0x0;
	s7 =	sadd.s32 s9, s7  }
0xa: {  	vm0 =	vmmov $0xffff;
	s10 =	simm.s32 $0x0;
	s11 =	smov.u32 s5;
	s9 =	sadd.s32 $0x1, s7  }
.LBB2_4:
0xb: {  	v2 =	vnsel vm1, $0x0, v2  }
0xc: {  	vm1 =	vgt.s32 v0, $0x0;
	v2 =	vmin.u32 v2, $0x270F  }
0xd: {  	v0 =	vnsel vm1, $0x0, v0  }
0xe: {  	v0 =	vmin.u32 v0, $0x270F  }
0xf: {  	[tilespmem:s18], [sflag:$0x1] =	stream.indirect_vreg.gather [hbm4b:s2+s10], $0x1, v1, vm0, $0x4038;
	[tilespmem:$0x640] =	vst v63  }
0x10: {  	(ifvalue) =	ssetifvalue $0x7FFFFFFF  }
0x11: {  	[tilespmem:s15], [sflag:$0x1] =	stream.indirect_vreg.gather [hbm4b:s2+s10], $0x1, v2, vm0, $0x4038;
	[tilespmem:$0x640] =	vst v63  }
0x12: {  	s29 =	sadd.s32 $0x10, s15;
	(ifvalue) =	ssetifvalue $0x7FFFFFFF  }
0x13: {  	[tilespmem:s29], [sflag:$0x1] =	stream.indirect_vreg.gather [hbm4b:s2+s10], $0x1, v0, vm0, $0x4038;
	[tilespmem:$0x640] =	vst v63  }
0x14: {  	_ =	swait.ge [sflag:s4], $0x190  }
0x15: {  	s30 =	sshrl.u32 s13, $0x3;
	[sflag:s4] =	ssyncset.done $0x0  }
0x16: {  	s31 =	sand.u32 $0x7, s13;
	s15 =	sadd.s32 s8, s30;
	[sflag:s4] =	ssyncadd.s32 $0xFFFFFE70  }
0x17: {  	[hbm4b:s15+s31] =	stream.linear.scatter [tilespmem:s14], [sflag:$0x3], $0x190, $0x38;
	[tilespmem:$0x640] =	vst v63  }
.LBB2_5:
0x18: {  	s15 =	sadd.s32 $0x1900, s11  }
0x19: {  	p1 =	sgt.s32 s15, $0x270F  }
0x1a: {  	s15 =	smov.u32 @p1 s5;
	p1 =	sne.s32 s12, s9  }
.Ltmp1:
0x1b: {  	p0 =	slt.u32 s12, $0x2;
	(pc) =	sbr.rel @!p1 .LBB2_6-.Ltmp1, $4  }
0x1c: {  	s14 =	simm.s32 @!p0 $0x3  }
0x1d: {  	_ =	swait.ge @!p0 [sflag:s14], $0x190  }
0x1e: {  	s16 =	sadd.s32 $0x1, s12;
	s13 =	smov.u32 s11;
	[sflag:s14] =	ssyncset.done @!p0 $0x0  }
0x1f: {  	s12 =	smov.u32 s16;
	s11 =	smov.u32 s15;
	[sflag:s14] =	ssyncadd.s32 @!p0 $0xFFFFFE70  }
.LBB2_1:
0x20: {  	p0 =	sge.u32 s12, s7  }
0x21: {  	s14 =	sxor.u32 @!p0 $0x1, s12  }
0x22: {  	s14 =	smul.u32 @!p0 $0x640, s14  }
0x23: {  	s31 =	sadd.s32 $0xFFFFFFFF, s12;
	s15 =	sshrl.u32 @!p0 s11, $0x3  }
0x24: {  	s16 =	sand.u32 @!p0 $0x7, s11;
	s15 =	sadd.s32 @!p0 s3, s15;
	s14 =	sshra.s32 @!p0 s14, $0x2  }
0x25: {  	[tilespmem:s14], [sflag:$0x2] =	stream.linear.gather @!p0 [hbm4b:s15+s16], $0x190, $0x38;
	[tilespmem:$0x640] =	vst v63  }
0x26: {  	p0 =	sge.u32 s31, s7  }
.Ltmp2:
0x27: {  	_ = 	snop;
	(pc) =	sbr.rel @p0 .LBB2_5-.Ltmp2, $1  }
0x28: {  	_ =	sdelay $0x3  }
0x29: {  	s14 =	sand.u32 $0x1, s12  }
0x2a: {  	_ =	swait.ge [sflag:s6], $0x190;
	p0 =	seq.s32 s14, $0x1;
	s14 =	simm.s32 $0x190  }
0x2b: {  	[sflag:s6] =	ssyncset.done $0x0;
	s14 =	simm.s32 @!p0 $0x0  }
0x2c: {  	[sflag:s6] =	ssyncadd.s32 $0xFFFFFE70;
	(ifvalue) =	ssetifvalue $0x7FFFFFFF;
	v0 =	vld.msk [tilespmem:s14+$0x0 ss:$0x1], $0xffff;
	_ =	sdelay $0x4  }
0x2d: {  	s15 =	sadd.s32 $0x10, s14;
	vm1 =	vgt.s32 v0, $0x0  }
0x2e: {  	v2 =	vld.msk [tilespmem:s15+$0x0 ss:$0x1], $0xffff;
	v1 =	vnsel vm1, $0x0, v0  }
0x2f: {  	v1 =	vmin.u32 v1, $0x270F;
	_ =	sdelay $0x2  }
0x30: {  	s17 =	simm.s32 $0x20;
	s14 =	sadd.s32 $0x320, s14;
	s16 =	sadd.s32 $0x10, s15  }
0x31: {  	s15 =	sadd.s32 $0x10, s14;
	s18 =	smov.u32 s14;
	v0 =	vld.msk [tilespmem:s16+$0x0 ss:$0x1], $0xffff;
	vm1 =	vgt.s32 v2, $0x0;
	(ifvalue) =	ssetifvalue $0x7FFFFFFF  }
.LBB2_3:
0x32: {  	[tilespmem:s18], [sflag:$0x1] =	stream.indirect_vreg.gather [hbm4b:s2+s10], $0x1, v1, vm0, $0x4038;
	[tilespmem:$0x640] =	vst v63  }
0x33: {  	s17 =	sadd.s32 $0x10, s17  }
0x34: {  	v2 =	vnsel vm1, $0x0, v2;
	p0 =	slt.u32 s17, $0x180  }
.Ltmp3:
0x35: {  	s18 =	smov.u32 s15;
	v1 =	vmin.u32 v2, $0x270F;
	(pc) =	sbr.rel @p0 .LBB2_3-.Ltmp3, $3  }
0x36: {  	_ =	sdelay $0x1  }
0x37: {  	s16 =	sadd.s32 $0x10, s16  }
0x38: {  	vm1 =	vgt.s32 v0, $0x0;
	s15 =	sadd.s32 $0x10, s15;
	v2 =	vmov v0;
	(ifvalue) =	ssetifvalue $0x7FFFFFFF;
	v0 =	vld.msk [tilespmem:s16+$0x0 ss:$0x1], $0xffff  }
.Ltmp4:
0x39: {  	_ = 	snop;
	(pc) =	sbr.rel .LBB2_4-.Ltmp4, $1  }
0x3a: {  	_ =	sdelay $0x3  }
.LBB2_6:
0x3b: {  	_ =	sfence.sel $0x180000  }
0x3c: {  	s2 =	simm.s32 $0x2;
	[bflag:$0x0] =	sbarrier.arrive $0xFFFF  }
0x3d: {  	s30 =	simm.s32 $0x3;
	[sflag:s2] =	ssyncpa.u1 $0x1  }
0x3e: {  	s31 =	simm.s32 $0x1;
	[sflag:s30] =	ssyncpa.u1 $0x1  }
0x3f: {  	[sflag:s31] =	ssyncpa.u1 $0x1  }
0x40: {  	p0 =	sne.s32 s1, $0x0;
	_ =	strace $0x9000004D  }
0x41: {  	s0 =	sadd.s32 @!p0 $0x100000, s0;
	[bflag:$0x2] =	sbarrier.arrive $0xFFFF  }
0x42: {  	[sflag:s0] =	ssyncadd.tile.s32 @!p0 $0x1;
	_ =	shalt  }
.Lfunc_end2:
_tile_overlayer_lowered:
.L_overlay_start_2:
0x43: {  	(tag) =	ssettag $0x2  }
0x44: {  	s0 =	rddreg [dreg:$0x0];
	s2 =	stileid.u32  }
0x45: {  	s1 =	rddreg [dreg:$0x1];
	p0 =	sne.s32 s2, $0x0  }
0x46: {  	s3 =	rddreg [dreg:$0x2];
	[bflag:$0x3] =	sbarrier.arrive $0xFFFF;
	s2 =	simm.s32 @!p0 $0x1C01  }
0x47: {  	[timem:s3], [sflag:s2] =	dma.local @!p0 [hbm:s0], s1  }
0x48: {  	s0 =	simm.s32 @!p0 $0x1  }
0x49: {  	_ =	swait.ge @!p0 [sflag:s0], s1  }
0x4a: {  	s1 =	ssub.s32 @!p0 $0x0, s1;
	[sflag:s0] =	ssyncset.done @!p0 $0x0  }
0x4b: {  	[sflag:s0] =	ssyncadd.s32 @!p0 s1  }
0x4c: {  	[bflag:$0x3] =	sbarrier.arrive $0xFFFF  }
0x4d: {  	_ =	shalt  }

// kernel: gather_offload_async_start
scs
__scs_entry_jumppad:
0x0: {  	(pc) =	sbr.rel $0x88, $3  }
0x1: {  	(tag) =	ssettag $0x0;
	lr =	simm.s32 $0x1  }
0x2: {  	[smem:$0x3F97] =	sst lr;
	_ =	strace $0xD0000000  }
0x3: {  	_ = 	snop  }
0x4: {  	_ = 	snop  }
0x5: {  	_ = 	snop  }
0x6: {  	_ = 	snop  }
0x7: {  	_ = 	snop  }
__scs_overlays_trampoline_lowered:
0x8: {  	[smem:$0x3FA6] =	sst s0  }
0x9: {  	[smem:$0x3FA7] =	sst s1  }
0xa: {  	[smem:$0x3FA8] =	sst s2  }
0xb: {  	[smem:$0x3FA9] =	sst s3  }
0xc: {  	[smem:$0x3FAA] =	sst s4  }
0xd: {  	[smem:$0x3FAB] =	sst s5  }
0xe: {  	[smem:$0x3FAC] =	sst s6  }
0xf: {  	[smem:$0x3FAD] =	sst s7  }
0x10: {  	[smem:$0x3FAE] =	sst s8  }
0x11: {  	[smem:$0x3FAF] =	sst s9;
	s0 =	simm.s32 @!p0 $0x0  }
0x12: {  	s1 =	sld [smem:$0x3F95];
	s0 =	simm.s32 @p0 $0x1  }
0x13: {  	[smem:$0x3FB0] =	sst s0;
	s0 =	simm.s32 @!p1 $0x0  }
0x14: {  	s2 =	sld [smem:$0x3F94];
	s0 =	simm.s32 @p1 $0x1  }
0x15: {  	[smem:$0x3FB1] =	sst s0;
	s0 =	simm.s32 @!p2 $0x0  }
0x16: {  	s3 =	sld [smem:$0x3FDB];
	s0 =	simm.s32 @p2 $0x1  }
0x17: {  	s4 =	simm.s32 $0x1BF5;
	[smem:$0x3FB3] =	sst s0  }
0x18: {  	s0 =	sld [smem:$0x3F96];
	_ =	swait.ge [sflag:s4], $0x0  }
0x19: {  	s7 =	sld [smem:$0x3F97]  }
0x1a: {  	s8 =	sadd.s32 $0xFFFFE003, lr  }
0x1b: {  	s9 =	sadd.s32 $0xFFFFFEF7, lr;
	s5 =	simm.s32 $0xFFFFFFFF;
	p2 =	slt.u32 s8, $0xFFFFF086  }
0x1c: {  	p1 =	slt.u32 s9, $0xF7A;
	s5 =	simm.s32 @!p2 $0x0  }
0x1d: {  	s5 =	simm.s32 @p1 $0x1;
	p0 =	seq.s32 s7, s2  }
0x1e: {  	s7 =	smul.u32 @!p0 $0xF7A, s2;
	p2 =	seq.s32 @!p0 s5, $0x0  }
0x1f: {  	s9 =	smul.u32 $0xF7A, s1;
	s8 =	simm.s32 @!p0 $0x1BF5;
	p2 =	por !p2, p0  }
0x20: {  	[sflag:s8] =	ssyncset.s32 @!p0 $0xFFFFF086;
	s6 =	sadd.s32 @!p0 s3, s7;
	s7 =	simm.s32 @!p0 $0x108  }
0x21: {  	s3 =	sadd.s32 s3, s9;
	s6 =	sadd.s32 @!p0 $0x88, s6;
	s7 =	simm.s32 @p2 $0x1082  }
0x22: {  	[simem:s7], [sflag:s8] =	dma.local @!p0 [hbm:s6], $0xF7A  }
0x23: {  	s9 =	sor.u32 $0xD0000000, s2;
	s6 =	simm.s32 $0x108;
	_ =	swait.ge @!p0 [sflag:s8], $0x0  }
0x24: {  	s3 =	sadd.s32 $0x88, s3;
	s6 =	simm.s32 @!p1 $0x1082;
	[sflag:s4] =	ssyncset.s32 $0xFFFFF086  }
0x25: {  	[simem:s6], [sflag:s4] =	dma.local [hbm:s3], $0xF7A  }
0x26: {  	[smem:$0x3F97] =	sst s1;
	(tag) =	ssettag s2;
	_ =	strace s9  }
0x27: {  	s1 =	sld [smem:$0x3FA7]  }
0x28: {  	s2 =	sld [smem:$0x3FA8]  }
0x29: {  	s4 =	sld [smem:$0x3FAA]  }
0x2a: {  	p0 =	seq.s32 s5, $0x0;
	s5 =	sld [smem:$0x3FAB]  }
0x2b: {  	s6 =	sld [smem:$0x3FAC]  }
0x2c: {  	s7 =	sld [smem:$0x3FAD]  }
0x2d: {  	s3 =	simm.s32 $0x108;
	s8 =	sld [smem:$0x3FAE]  }
0x2e: {  	s3 =	simm.s32 @!p0 $0x1082;
	s9 =	sld [smem:$0x3FAF]  }
0x2f: {  	lr =	sadd.s32 s0, s3;
	s0 =	sld [smem:$0x3FA6]  }
0x30: {  	s3 =	sld [smem:$0x3FA9]  }
0x31: {  	[smem:$0x3FB2] =	sst s10  }
0x32: {  	s10 =	sld [smem:$0x3FB0];
	_ =	sdelay $0x3  }
0x33: {  	p0 =	seq.s32 s10, $0x1;
	s10 =	sld [smem:$0x3FB2];
	_ =	sdelay $0x3  }
0x34: {  	[smem:$0x3FB2] =	sst s10  }
0x35: {  	s10 =	sld [smem:$0x3FB1];
	_ =	sdelay $0x3  }
0x36: {  	p1 =	seq.s32 s10, $0x1;
	s10 =	sld [smem:$0x3FB2];
	_ =	sdelay $0x3  }
0x37: {  	[smem:$0x3FB2] =	sst s10  }
0x38: {  	s10 =	sld [smem:$0x3FB3]  }
0x39: {  	_ = 	snop;
	(pc) =	sbr.ind lr, $3  }
0x3a: {  	_ = 	snop  }
0x3b: {  	_ = 	snop  }
0x3c: {  	p2 =	seq.s32 s10, $0x1;
	s10 =	sld [smem:$0x3FB2]  }
0x3d: {  	_ =	shalt  }
0x3e: {  	_ =	shalt  }
0x3f: {  	_ =	shalt  }
0x40: {  	_ =	shalt  }
0x41: {  	_ =	shalt  }
0x42: {  	_ =	shalt  }
0x43: {  	_ =	shalt  }
0x44: {  	_ =	shalt  }
0x45: {  	_ =	shalt  }
0x46: {  	_ =	shalt  }
0x47: {  	_ =	shalt  }
0x48: {  	_ =	shalt  }
0x49: {  	_ =	shalt  }
0x4a: {  	_ =	shalt  }
0x4b: {  	_ =	shalt  }
0x4c: {  	_ =	shalt  }
0x4d: {  	_ =	shalt  }
0x4e: {  	_ =	shalt  }
0x4f: {  	_ =	shalt  }
0x50: {  	_ =	shalt  }
0x51: {  	_ =	shalt  }
0x52: {  	_ =	shalt  }
0x53: {  	_ =	shalt  }
0x54: {  	_ =	shalt  }
0x55: {  	_ =	shalt  }
0x56: {  	_ =	shalt  }
0x57: {  	_ =	shalt  }
0x58: {  	_ =	shalt  }
0x59: {  	_ =	shalt  }
0x5a: {  	_ =	shalt  }
0x5b: {  	_ =	shalt  }
0x5c: {  	_ =	shalt  }
0x5d: {  	_ =	shalt  }
0x5e: {  	_ =	shalt  }
0x5f: {  	_ =	shalt  }
0x60: {  	_ =	shalt  }
0x61: {  	_ =	shalt  }
0x62: {  	_ =	shalt  }
0x63: {  	_ =	shalt  }
0x64: {  	_ =	shalt  }
0x65: {  	_ =	shalt  }
0x66: {  	_ =	shalt  }
0x67: {  	_ =	shalt  }
0x68: {  	_ =	shalt  }
0x69: {  	_ =	shalt  }
0x6a: {  	_ =	shalt  }
0x6b: {  	_ =	shalt  }
0x6c: {  	_ =	shalt  }
0x6d: {  	_ =	shalt  }
0x6e: {  	_ =	shalt  }
0x6f: {  	_ =	shalt  }
0x70: {  	_ =	shalt  }
0x71: {  	_ =	shalt  }
0x72: {  	_ =	shalt  }
0x73: {  	_ =	shalt  }
0x74: {  	_ =	shalt  }
0x75: {  	_ =	shalt  }
0x76: {  	_ =	shalt  }
0x77: {  	_ =	shalt  }
0x78: {  	_ =	shalt  }
0x79: {  	_ =	shalt  }
0x7a: {  	_ =	shalt  }
0x7b: {  	_ =	shalt  }
0x7c: {  	_ =	shalt  }
0x7d: {  	_ =	shalt  }
0x7e: {  	_ =	shalt  }
0x7f: {  	_ =	shalt  }
0x80: {  	_ =	shalt  }
0x81: {  	_ =	shalt  }
0x82: {  	_ =	shalt  }
0x83: {  	_ =	shalt  }
0x84: {  	_ =	shalt  }
0x85: {  	_ =	shalt  }
0x86: {  	_ =	shalt  }
0x87: {  	_ =	shalt  }
.Lfunc_end0:
.L_simem_size_0:
called_computation.3_lowered:
.L_overlay_start_0:
0x88: {  	s2 =	sld [smem:$0x3FD9]  }
0x89: {  	s3 =	sld [smem:$0x3FFE];
	_ =	sdelay $0x1  }
0x8a: {  	s1 =	srdreg.scid  }
0x8b: {  	s0 =	sand.u32 $0x1, s1  }
0x8c: {  	s16 =	sshll.u32 s0, $0xA;
	s2 =	sadd.s32 s3, s2  }
0x8d: {  	s2 =	sadd.s32 s2, s16  }
0x8e: {  	[smem:$0x3FBE] =	sst s2  }
0x8f: {  	_ = 	snop  }
0x90: {  	(tm) =	ssettm $0x1  }
0x91: {  	s17 =	sld [smem:$0x3FFB];
	_ =	sdelay $0x3  }
0x92: {  	_ =	strace s17  }
0x93: {  	s2 =	sld [smem:$0x3FFC];
	_ =	sdelay $0x3  }
0x94: {  	_ =	strace s2  }
0x95: {  	s2 =	sld [smem:$0x3FFD];
	_ =	sdelay $0x3  }
0x96: {  	_ =	strace s2  }
0x97: {  	_ =	strace $0x8FFFFFFF  }
0x98: {  	s18 =	sld [smem:$0x3FDB];
	_ =	sdelay $0x1  }
0x99: {  	s19 =	simm.s32 $_scs_section_size  }
0x9a: {  	s4 =	simm.s32 $_size__tile_overlayer_lowered;
	s5 =	simm.s32 $_tile_overlayer_lowered  }
0x9b: {  	s22 =	simm.s32 $0x1BFF;
	s21 =	sshll.u32 s5, $0x1;
	s2 =	sadd.s32 s19, s18  }
0x9c: {  	s6 =	simm.s32 $0x0;
	s20 =	sshll.u32 s4, $0x1;
	s4 =	sadd.s32 s21, s2  }
0x9d: {  	[timem:s6], [sflag:s22] =	dma.local [hbm:s4], s20  }
0x9e: {  	_ =	swait.ge [sflag:s22], s20  }
0x9f: {  	s3 =	ssub.s32 $0x0, s20;
	[sflag:s22] =	ssyncset.done $0x0  }
0xa0: {  	[sflag:s22] =	ssyncadd.s32 s3;
	_ =	sdelay $0x1  }
0xa1: {  	s23 =	simm.s32 $0x1B8B  }
0xa2: {  	_ =	swait.ge [sflag:s23], $0x1  }
0xa3: {  	[sflag:s23] =	ssyncset.done $0x0  }
0xa4: {  	s25 =	simm.s32 $0x1B8E;
	s24 =	sld [smem:$0x3FFE];
	[sflag:s23] =	ssyncadd.s32 $0xFFFFFFFF  }
0xa5: {  	s26 =	simm.s32 $execute0_lowered;
	[smem:$0x3FD2] =	sst s25  }
0xa6: {  	s4 =	sshll.u32 s26, $0x1;
	_ =	strace $0x80000055;
	[dreg:$0x1] =	wrdreg $0xFFFFFFFF  }
0xa7: {  	s28 =	simm.s32 $_size_execute0_lowered;
	s2 =	sadd.s32 s2, s4;
	[dreg:$0x0] =	wrdreg $0x0  }
0xa8: {  	s4 =	sshll.u32 s28, $0x1;
	[dreg:$0x2] =	wrdreg s2  }
0xa9: {  	[dreg:$0x3] =	wrdreg s4  }
0xaa: {  	[dreg:$0x4] =	wrdreg $0xC0  }
0xab: {  	_ =	task [dreg:s6], $0x5FFFF  }
0xac: {  	[dreg:$0x1] =	wrdreg $0xFFFFFFFF  }
0xad: {  	[dreg:$0x0] =	wrdreg $0x60  }
0xae: {  	[dreg:$0x2] =	wrdreg s24  }
0xaf: {  	[dreg:$0x3] =	wrdreg $0x9  }
0xb0: {  	_ =	task.clear_ibuf [dreg:s6], $0x4FFFF;
	_ =	strace $0x90000055  }
0xb1: {  	s29 =	simm.s32 $0x9;
	_ =	strace $0x80000057  }
0xb2: {  	_ =	swait.ge [sflag:s29], $0x1  }
0xb3: {  	[sflag:s29] =	ssyncadd.s32 $0xFFFFFFFF  }
0xb4: {  	_ =	strace $0x90000057  }
0xb5: {  	_ =	sfence  }
0xb6: {  	s30 =	sld [smem:$0x0];
	_ =	sdelay $0x2  }
0xb7: {  	s31 =	sshll.u32 s1, $0xD;
	s1 =	sshrl.u32 s1, $0x2  }
0xb8: {  	s3 =	sand.u32 $0x4000, s31;
	s1 =	sadd.s32 s1, s30  }
0xb9: {  	s0 =	sor.u32 s3, s0;
	s1 =	sshll.u32 s1, $0x11  }
0xba: {  	s0 =	sor.u32 s1, s0  }
0xbb: {  	s0 =	sadd.s32 $0x8F2B, s0  }
0xbc: {  	[sflag:s0] =	ssyncadd.remote.s32 $0x1  }
0xbd: {  	_ =	sfence.sel $0xFFFF  }
0xbe: {  	[dreg:$0x0] =	wrdreg $0xFFFFFFFF;
	(pc) =	sbr.abs _section_cstart, $3  }
0xbf: {  	[dreg:$0x1] =	wrdreg $0xFFFFFFFF  }
0xc0: {  	_ =	task.clear_ibuf [dreg:s6], $0x2FFFF;
	_ =	strace $0x9FFFFFFF  }
0xc1: {  	(tm) =	ssettm $0x7FFFFFFF  }
tec
execute0_lowered:
.L_overlay_start_1:
0x0: {  	(tag) =	ssettag $0x1  }
0x1: {  	s0 =	srdreg.scid;
	s5 =	rddreg [dreg:$0x0]  }
0x2: {  	s1 =	stileid.u32;
	s6 =	simm.s32 $0x1;
	s9 =	simm.s32 $0x1  }
0x3: {  	s10 =	simm.s32 $0x3;
	s13 =	simm.s32 $0x0;
	s2 =	sshll.u32 s0, $0x6  }
0x4: {  	s12 =	simm.s32 $0x0;
	s3 =	sshll.u32 s1, $0x7;
	s2 =	sand.u32 $0x40, s2  }
0x5: {  	s0 =	rddreg [dreg:$0x1];
	_ =	strace $0x80000056;
	s2 =	sor.u32 s3, s2  }
0x6: {  	s4 =	sadd.s32 $0x16E00, s5;
	[sflag:s6] =	ssyncpa.u1 $0x0;
	s8 =	ssub.s32 $0x1000, s2  }
.Ltmp0:
0x7: {  	s3 =	sadd.s32 $0x5000, s5;
	s7 =	sand.u32 $0x7C0, s8;
	(pc) =	sbr.rel .LBB2_1-.Ltmp0, $4  }
0x8: {  	s5 =	sadd.s32 $0x14A00, s5;
	s11 =	smov.u32 s2;
	p0 =	sne.s32 s7, $0x0  }
0x9: {  	s8 =	sshrl.u32 s8, $0xB;
	s7 =	simm.s32 $0x2;
	s9 =	simm.s32 @!p0 $0x0  }
0xa: {  	[sflag:s7] =	ssyncpa.u1 $0x0;
	p0 =	por $0x0, $0x0;
	s8 =	sadd.s32 s9, s8  }
0xb: {  	vm0 =	vmmov $0xffff;
	[sflag:s10] =	ssyncpa.u1 $0x0;
	s10 =	simm.s32 $0x0;
	s9 =	sadd.s32 $0x1, s8  }
.LBB2_4:
0xc: {  	v2 =	vnsel vm1, $0x0, v2  }
0xd: {  	vm1 =	vgt.s32 v0, $0x0;
	v2 =	vmin.u32 v2, $0x270FF  }
0xe: {  	v0 =	vnsel vm1, $0x0, v0  }
0xf: {  	v0 =	vmin.u32 v0, $0x270FF  }
0x10: {  	[tilespmem:s15], [sflag:$0x1] =	stream.indirect_vreg.gather [hbm4b:s3+s10], $0x1, v1, vm0, $0x4038;
	[tilespmem:$0x100] =	vst v63  }
0x11: {  	(ifvalue) =	ssetifvalue $0x7FFFFFFF  }
0x12: {  	[tilespmem:s16], [sflag:$0x1] =	stream.indirect_vreg.gather [hbm4b:s3+s10], $0x1, v2, vm0, $0x4038;
	[tilespmem:$0x100] =	vst v63  }
0x13: {  	s29 =	sadd.s32 $0x10, s16;
	(ifvalue) =	ssetifvalue $0x7FFFFFFF  }
0x14: {  	[tilespmem:s29], [sflag:$0x1] =	stream.indirect_vreg.gather [hbm4b:s3+s10], $0x1, v0, vm0, $0x4038;
	[tilespmem:$0x100] =	vst v63  }
0x15: {  	_ =	swait.ge [sflag:s6], $0x40  }
0x16: {  	s30 =	sshrl.u32 s13, $0x3;
	[sflag:s6] =	ssyncset.done $0x0  }
0x17: {  	s31 =	sand.u32 $0x7, s13;
	s15 =	sadd.s32 s5, s30;
	[sflag:s6] =	ssyncadd.s32 $0xFFFFFFC0  }
0x18: {  	[hbm4b:s15+s31] =	stream.linear.scatter [tilespmem:s14], [sflag:$0x3], $0x40, $0x38;
	[tilespmem:$0x100] =	vst v63  }
.LBB2_5:
0x19: {  	s15 =	sadd.s32 $0x800, s11  }
0x1a: {  	p2 =	sgt.s32 s15, $0xFFF  }
0x1b: {  	s15 =	smov.u32 @p2 s2;
	p2 =	sne.s32 s12, s9  }
.Ltmp1:
0x1c: {  	p1 =	slt.u32 s12, $0x2;
	(pc) =	sbr.rel @!p2 .LBB2_6-.Ltmp1, $4  }
0x1d: {  	s14 =	simm.s32 @!p1 $0x3  }
0x1e: {  	s16 =	sadd.s32 $0x1, s12;
	_ =	swait.ge @!p1 [sflag:s14], $0x40  }
0x1f: {  	s13 =	smov.u32 s11;
	p0 =	por !p0, !p0;
	[sflag:s14] =	ssyncset.done @!p1 $0x0  }
0x20: {  	s12 =	smov.u32 s16;
	s11 =	smov.u32 s15;
	[sflag:s14] =	ssyncadd.s32 @!p1 $0xFFFFFFC0  }
.LBB2_1:
0x21: {  	p1 =	sge.u32 s12, s8  }
0x22: {  	s14 =	sxor.u32 @!p1 $0xFFFFFFFF, s12  }
0x23: {  	s31 =	sadd.s32 $0xFFFFFFFF, s12;
	s15 =	sshrl.u32 @!p1 s11, $0x3;
	s14 =	sshll.u32 @!p1 s14, $0x6  }
0x24: {  	s16 =	sand.u32 @!p1 $0x7, s11;
	s15 =	sadd.s32 @!p1 s4, s15;
	s14 =	sand.u32 @!p1 $0x40, s14  }
0x25: {  	[tilespmem:s14], [sflag:$0x2] =	stream.linear.gather @!p1 [hbm4b:s15+s16], $0x40, $0x38;
	[tilespmem:$0x100] =	vst v63  }
0x26: {  	p1 =	sge.u32 s31, s8  }
.Ltmp2:
0x27: {  	_ = 	snop;
	(pc) =	sbr.rel @p1 .LBB2_5-.Ltmp2, $1  }
0x28: {  	_ =	sdelay $0x3  }
0x29: {  	s14 =	simm.s32 $0x1  }
0x2a: {  	_ =	swait.ge [sflag:s7], $0x40;
	s14 =	simm.s32 @!p0 $0x0  }
0x2b: {  	[sflag:s7] =	ssyncset.done $0x0;
	s14 =	sshll.u32 s14, $0x6  }
0x2c: {  	[sflag:s7] =	ssyncadd.s32 $0xFFFFFFC0;
	(ifvalue) =	ssetifvalue $0x7FFFFFFF;
	v0 =	vld.msk [tilespmem:s14+$0x0 ss:$0x1], $0xffff;
	_ =	sdelay $0x4  }
0x2d: {  	s15 =	sadd.s32 $0x10, s14;
	vm1 =	vgt.s32 v0, $0x0  }
0x2e: {  	v2 =	vld.msk [tilespmem:s15+$0x0 ss:$0x1], $0xffff;
	v1 =	vnsel vm1, $0x0, v0  }
0x2f: {  	v1 =	vmin.u32 v1, $0x270FF;
	_ =	sdelay $0x1  }
0x30: {  	s16 =	sshll.u32 s12, $0x6;
	s18 =	simm.s32 $0x20  }
0x31: {  	s16 =	sand.u32 $0x40, s16;
	s17 =	sadd.s32 $0x10, s15;
	s15 =	sor.u32 $0x80, s14  }
0x32: {  	s14 =	sor.u32 $0x80, s16;
	s16 =	sadd.s32 $0x10, s15;
	v0 =	vld.msk [tilespmem:s17+$0x0 ss:$0x1], $0xffff;
	vm1 =	vgt.s32 v2, $0x0;
	(ifvalue) =	ssetifvalue $0x7FFFFFFF  }
.LBB2_3:
0x33: {  	[tilespmem:s15], [sflag:$0x1] =	stream.indirect_vreg.gather [hbm4b:s3+s10], $0x1, v1, vm0, $0x4038;
	[tilespmem:$0x100] =	vst v63  }
0x34: {  	s18 =	sadd.s32 $0x10, s18  }
0x35: {  	v2 =	vnsel vm1, $0x0, v2;
	p1 =	slt.u32 s18, $0x30  }
.Ltmp3:
0x36: {  	s15 =	smov.u32 s16;
	v1 =	vmin.u32 v2, $0x270FF;
	(pc) =	sbr.rel @p1 .LBB2_3-.Ltmp3, $3  }
0x37: {  	_ =	sdelay $0x1  }
0x38: {  	s17 =	sadd.s32 $0x10, s17  }
0x39: {  	vm1 =	vgt.s32 v0, $0x0;
	s16 =	sadd.s32 $0x10, s16;
	v2 =	vmov v0;
	(ifvalue) =	ssetifvalue $0x7FFFFFFF;
	v0 =	vld.msk [tilespmem:s17+$0x0 ss:$0x1], $0xffff  }
.Ltmp4:
0x3a: {  	_ = 	snop;
	(pc) =	sbr.rel .LBB2_4-.Ltmp4, $1  }
0x3b: {  	_ =	sdelay $0x3  }
.LBB2_6:
0x3c: {  	_ =	sfence.sel $0x180000  }
0x3d: {  	s2 =	simm.s32 $0x2;
	[bflag:$0x0] =	sbarrier.arrive $0xFFFF  }
0x3e: {  	s30 =	simm.s32 $0x3;
	[sflag:s2] =	ssyncpa.u1 $0x1  }
0x3f: {  	s31 =	simm.s32 $0x1;
	[sflag:s30] =	ssyncpa.u1 $0x1  }
0x40: {  	[sflag:s31] =	ssyncpa.u1 $0x1  }
0x41: {  	p0 =	sne.s32 s1, $0x0;
	_ =	strace $0x90000056  }
0x42: {  	s0 =	sadd.s32 @!p0 $0x100000, s0;
	[bflag:$0x2] =	sbarrier.arrive $0xFFFF  }
0x43: {  	[sflag:s0] =	ssyncadd.tile.s32 @!p0 $0x1;
	_ =	shalt  }
.Lfunc_end2:
_tile_overlayer_lowered:
.L_overlay_start_2:
0x44: {  	(tag) =	ssettag $0x2  }
0x45: {  	s0 =	rddreg [dreg:$0x0];
	s2 =	stileid.u32  }
0x46: {  	s1 =	rddreg [dreg:$0x1];
	p0 =	sne.s32 s2, $0x0  }
0x47: {  	s3 =	rddreg [dreg:$0x2];
	[bflag:$0x3] =	sbarrier.arrive $0xFFFF;
	s2 =	simm.s32 @!p0 $0x1C01  }
0x48: {  	[timem:s3], [sflag:s2] =	dma.local @!p0 [hbm:s0], s1  }
0x49: {  	s0 =	simm.s32 @!p0 $0x1  }
0x4a: {  	_ =	swait.ge @!p0 [sflag:s0], s1  }
0x4b: {  	s1 =	ssub.s32 @!p0 $0x0, s1;
	[sflag:s0] =	ssyncset.done @!p0 $0x0  }
0x4c: {  	[sflag:s0] =	ssyncadd.s32 @!p0 s1  }
0x4d: {  	[bflag:$0x3] =	sbarrier.arrive $0xFFFF  }
0x4e: {  	_ =	shalt  }

// kernel: kernel.6.cloned.1.call-start
scs
__scs_entry_jumppad:
0x0: {  	(pc) =	sbr.rel $0x88, $3  }
0x1: {  	(tag) =	ssettag $0x0;
	lr =	simm.s32 $0x1  }
0x2: {  	[smem:$0x3F97] =	sst lr;
	_ =	strace $0xD0000000  }
0x3: {  	_ = 	snop  }
0x4: {  	_ = 	snop  }
0x5: {  	_ = 	snop  }
0x6: {  	_ = 	snop  }
0x7: {  	_ = 	snop  }
__scs_overlays_trampoline_lowered:
0x8: {  	[smem:$0x3FA6] =	sst s0  }
0x9: {  	[smem:$0x3FA7] =	sst s1  }
0xa: {  	[smem:$0x3FA8] =	sst s2  }
0xb: {  	[smem:$0x3FA9] =	sst s3  }
0xc: {  	[smem:$0x3FAA] =	sst s4  }
0xd: {  	[smem:$0x3FAB] =	sst s5  }
0xe: {  	[smem:$0x3FAC] =	sst s6  }
0xf: {  	[smem:$0x3FAD] =	sst s7  }
0x10: {  	[smem:$0x3FAE] =	sst s8  }
0x11: {  	[smem:$0x3FAF] =	sst s9;
	s0 =	simm.s32 @!p0 $0x0  }
0x12: {  	s1 =	sld [smem:$0x3F95];
	s0 =	simm.s32 @p0 $0x1  }
0x13: {  	[smem:$0x3FB0] =	sst s0;
	s0 =	simm.s32 @!p1 $0x0  }
0x14: {  	s2 =	sld [smem:$0x3F94];
	s0 =	simm.s32 @p1 $0x1  }
0x15: {  	[smem:$0x3FB1] =	sst s0;
	s0 =	simm.s32 @!p2 $0x0  }
0x16: {  	s3 =	sld [smem:$0x3FDB];
	s0 =	simm.s32 @p2 $0x1  }
0x17: {  	s4 =	simm.s32 $0x1BF5;
	[smem:$0x3FB3] =	sst s0  }
0x18: {  	s0 =	sld [smem:$0x3F96];
	_ =	swait.ge [sflag:s4], $0x0  }
0x19: {  	s7 =	sld [smem:$0x3F97]  }
0x1a: {  	s8 =	sadd.s32 $0xFFFFE003, lr  }
0x1b: {  	s9 =	sadd.s32 $0xFFFFFEF7, lr;
	s5 =	simm.s32 $0xFFFFFFFF;
	p2 =	slt.u32 s8, $0xFFFFF086  }
0x1c: {  	p1 =	slt.u32 s9, $0xF7A;
	s5 =	simm.s32 @!p2 $0x0  }
0x1d: {  	s5 =	simm.s32 @p1 $0x1;
	p0 =	seq.s32 s7, s2  }
0x1e: {  	s7 =	smul.u32 @!p0 $0xF7A, s2;
	p2 =	seq.s32 @!p0 s5, $0x0  }
0x1f: {  	s9 =	smul.u32 $0xF7A, s1;
	s8 =	simm.s32 @!p0 $0x1BF5;
	p2 =	por !p2, p0  }
0x20: {  	[sflag:s8] =	ssyncset.s32 @!p0 $0xFFFFF086;
	s6 =	sadd.s32 @!p0 s3, s7;
	s7 =	simm.s32 @!p0 $0x108  }
0x21: {  	s3 =	sadd.s32 s3, s9;
	s6 =	sadd.s32 @!p0 $0x88, s6;
	s7 =	simm.s32 @p2 $0x1082  }
0x22: {  	[simem:s7], [sflag:s8] =	dma.local @!p0 [hbm:s6], $0xF7A  }
0x23: {  	s9 =	sor.u32 $0xD0000000, s2;
	s6 =	simm.s32 $0x108;
	_ =	swait.ge @!p0 [sflag:s8], $0x0  }
0x24: {  	s3 =	sadd.s32 $0x88, s3;
	s6 =	simm.s32 @!p1 $0x1082;
	[sflag:s4] =	ssyncset.s32 $0xFFFFF086  }
0x25: {  	[simem:s6], [sflag:s4] =	dma.local [hbm:s3], $0xF7A  }
0x26: {  	[smem:$0x3F97] =	sst s1;
	(tag) =	ssettag s2;
	_ =	strace s9  }
0x27: {  	s1 =	sld [smem:$0x3FA7]  }
0x28: {  	s2 =	sld [smem:$0x3FA8]  }
0x29: {  	s4 =	sld [smem:$0x3FAA]  }
0x2a: {  	p0 =	seq.s32 s5, $0x0;
	s5 =	sld [smem:$0x3FAB]  }
0x2b: {  	s6 =	sld [smem:$0x3FAC]  }
0x2c: {  	s7 =	sld [smem:$0x3FAD]  }
0x2d: {  	s3 =	simm.s32 $0x108;
	s8 =	sld [smem:$0x3FAE]  }
0x2e: {  	s3 =	simm.s32 @!p0 $0x1082;
	s9 =	sld [smem:$0x3FAF]  }
0x2f: {  	lr =	sadd.s32 s0, s3;
	s0 =	sld [smem:$0x3FA6]  }
0x30: {  	s3 =	sld [smem:$0x3FA9]  }
0x31: {  	[smem:$0x3FB2] =	sst s10  }
0x32: {  	s10 =	sld [smem:$0x3FB0];
	_ =	sdelay $0x3  }
0x33: {  	p0 =	seq.s32 s10, $0x1;
	s10 =	sld [smem:$0x3FB2];
	_ =	sdelay $0x3  }
0x34: {  	[smem:$0x3FB2] =	sst s10  }
0x35: {  	s10 =	sld [smem:$0x3FB1];
	_ =	sdelay $0x3  }
0x36: {  	p1 =	seq.s32 s10, $0x1;
	s10 =	sld [smem:$0x3FB2];
	_ =	sdelay $0x3  }
0x37: {  	[smem:$0x3FB2] =	sst s10  }
0x38: {  	s10 =	sld [smem:$0x3FB3]  }
0x39: {  	_ = 	snop;
	(pc) =	sbr.ind lr, $3  }
0x3a: {  	_ = 	snop  }
0x3b: {  	_ = 	snop  }
0x3c: {  	p2 =	seq.s32 s10, $0x1;
	s10 =	sld [smem:$0x3FB2]  }
0x3d: {  	_ =	shalt  }
0x3e: {  	_ =	shalt  }
0x3f: {  	_ =	shalt  }
0x40: {  	_ =	shalt  }
0x41: {  	_ =	shalt  }
0x42: {  	_ =	shalt  }
0x43: {  	_ =	shalt  }
0x44: {  	_ =	shalt  }
0x45: {  	_ =	shalt  }
0x46: {  	_ =	shalt  }
0x47: {  	_ =	shalt  }
0x48: {  	_ =	shalt  }
0x49: {  	_ =	shalt  }
0x4a: {  	_ =	shalt  }
0x4b: {  	_ =	shalt  }
0x4c: {  	_ =	shalt  }
0x4d: {  	_ =	shalt  }
0x4e: {  	_ =	shalt  }
0x4f: {  	_ =	shalt  }
0x50: {  	_ =	shalt  }
0x51: {  	_ =	shalt  }
0x52: {  	_ =	shalt  }
0x53: {  	_ =	shalt  }
0x54: {  	_ =	shalt  }
0x55: {  	_ =	shalt  }
0x56: {  	_ =	shalt  }
0x57: {  	_ =	shalt  }
0x58: {  	_ =	shalt  }
0x59: {  	_ =	shalt  }
0x5a: {  	_ =	shalt  }
0x5b: {  	_ =	shalt  }
0x5c: {  	_ =	shalt  }
0x5d: {  	_ =	shalt  }
0x5e: {  	_ =	shalt  }
0x5f: {  	_ =	shalt  }
0x60: {  	_ =	shalt  }
0x61: {  	_ =	shalt  }
0x62: {  	_ =	shalt  }
0x63: {  	_ =	shalt  }
0x64: {  	_ =	shalt  }
0x65: {  	_ =	shalt  }
0x66: {  	_ =	shalt  }
0x67: {  	_ =	shalt  }
0x68: {  	_ =	shalt  }
0x69: {  	_ =	shalt  }
0x6a: {  	_ =	shalt  }
0x6b: {  	_ =	shalt  }
0x6c: {  	_ =	shalt  }
0x6d: {  	_ =	shalt  }
0x6e: {  	_ =	shalt  }
0x6f: {  	_ =	shalt  }
0x70: {  	_ =	shalt  }
0x71: {  	_ =	shalt  }
0x72: {  	_ =	shalt  }
0x73: {  	_ =	shalt  }
0x74: {  	_ =	shalt  }
0x75: {  	_ =	shalt  }
0x76: {  	_ =	shalt  }
0x77: {  	_ =	shalt  }
0x78: {  	_ =	shalt  }
0x79: {  	_ =	shalt  }
0x7a: {  	_ =	shalt  }
0x7b: {  	_ =	shalt  }
0x7c: {  	_ =	shalt  }
0x7d: {  	_ =	shalt  }
0x7e: {  	_ =	shalt  }
0x7f: {  	_ =	shalt  }
0x80: {  	_ =	shalt  }
0x81: {  	_ =	shalt  }
0x82: {  	_ =	shalt  }
0x83: {  	_ =	shalt  }
0x84: {  	_ =	shalt  }
0x85: {  	_ =	shalt  }
0x86: {  	_ =	shalt  }
0x87: {  	_ =	shalt  }
.Lfunc_end0:
.L_simem_size_0:
called_computation.8_lowered:
.L_overlay_start_0:
0x88: {  	s2 =	sld [smem:$0x3FD9]  }
0x89: {  	s3 =	sld [smem:$0x3FFE];
	_ =	sdelay $0x1  }
0x8a: {  	s1 =	srdreg.scid  }
0x8b: {  	s0 =	sand.u32 $0x1, s1  }
0x8c: {  	s16 =	sshll.u32 s0, $0xA;
	s2 =	sadd.s32 s3, s2  }
0x8d: {  	s2 =	sadd.s32 s2, s16  }
0x8e: {  	[smem:$0x3FBE] =	sst s2  }
0x8f: {  	_ = 	snop  }
0x90: {  	(tm) =	ssettm $0x1  }
0x91: {  	s17 =	sld [smem:$0x3FFB];
	_ =	sdelay $0x3  }
0x92: {  	_ =	strace s17  }
0x93: {  	s2 =	sld [smem:$0x3FFC];
	_ =	sdelay $0x3  }
0x94: {  	_ =	strace s2  }
0x95: {  	s2 =	sld [smem:$0x3FFD];
	_ =	sdelay $0x3  }
0x96: {  	_ =	strace s2  }
0x97: {  	_ =	strace $0x8FFFFFFF  }
0x98: {  	s18 =	sld [smem:$0x3FDB];
	_ =	sdelay $0x1  }
0x99: {  	s19 =	simm.s32 $_scs_section_size  }
0x9a: {  	s4 =	simm.s32 $_size__tile_overlayer_lowered;
	s5 =	simm.s32 $_tile_overlayer_lowered  }
0x9b: {  	s22 =	simm.s32 $0x1BFF;
	s21 =	sshll.u32 s5, $0x1;
	s2 =	sadd.s32 s19, s18  }
0x9c: {  	s6 =	simm.s32 $0x0;
	s20 =	sshll.u32 s4, $0x1;
	s4 =	sadd.s32 s21, s2  }
0x9d: {  	[timem:s6], [sflag:s22] =	dma.local [hbm:s4], s20  }
0x9e: {  	_ =	swait.ge [sflag:s22], s20  }
0x9f: {  	s3 =	ssub.s32 $0x0, s20;
	[sflag:s22] =	ssyncset.done $0x0  }
0xa0: {  	[sflag:s22] =	ssyncadd.s32 s3;
	_ =	sdelay $0x1  }
0xa1: {  	s23 =	simm.s32 $0x1B8B  }
0xa2: {  	_ =	swait.ge [sflag:s23], $0x1  }
0xa3: {  	[sflag:s23] =	ssyncset.done $0x0  }
0xa4: {  	s25 =	simm.s32 $0x1B8E;
	s24 =	sld [smem:$0x3FFE];
	[sflag:s23] =	ssyncadd.s32 $0xFFFFFFFF  }
0xa5: {  	s26 =	simm.s32 $execute0_lowered;
	[smem:$0x3FD2] =	sst s25  }
0xa6: {  	s4 =	sshll.u32 s26, $0x1;
	_ =	strace $0x80000046;
	[dreg:$0x1] =	wrdreg $0xFFFFFFFF  }
0xa7: {  	s28 =	simm.s32 $_size_execute0_lowered;
	s2 =	sadd.s32 s2, s4;
	[dreg:$0x0] =	wrdreg $0x0  }
0xa8: {  	s4 =	sshll.u32 s28, $0x1;
	[dreg:$0x2] =	wrdreg s2  }
0xa9: {  	[dreg:$0x3] =	wrdreg s4  }
0xaa: {  	[dreg:$0x4] =	wrdreg $0xC0  }
0xab: {  	_ =	task [dreg:s6], $0x5FFFF  }
0xac: {  	[dreg:$0x1] =	wrdreg $0xFFFFFFFF  }
0xad: {  	[dreg:$0x0] =	wrdreg $0x60  }
0xae: {  	[dreg:$0x2] =	wrdreg s24  }
0xaf: {  	[dreg:$0x3] =	wrdreg $0x3F000  }
0xb0: {  	[dreg:$0x4] =	wrdreg $0x41800  }
0xb1: {  	[dreg:$0x5] =	wrdreg $0x9  }
0xb2: {  	_ =	task.clear_ibuf [dreg:s6], $0x6FFFF;
	_ =	strace $0x90000046  }
0xb3: {  	s29 =	simm.s32 $0x9;
	_ =	strace $0x80000048  }
0xb4: {  	_ =	swait.ge [sflag:s29], $0x1  }
0xb5: {  	[sflag:s29] =	ssyncadd.s32 $0xFFFFFFFF  }
0xb6: {  	_ =	strace $0x90000048  }
0xb7: {  	_ =	sfence  }
0xb8: {  	s30 =	sld [smem:$0x0];
	_ =	sdelay $0x2  }
0xb9: {  	s31 =	sshll.u32 s1, $0xD;
	s1 =	sshrl.u32 s1, $0x2  }
0xba: {  	s3 =	sand.u32 $0x4000, s31;
	s1 =	sadd.s32 s1, s30  }
0xbb: {  	s0 =	sor.u32 s3, s0;
	s1 =	sshll.u32 s1, $0x11  }
0xbc: {  	s0 =	sor.u32 s1, s0  }
0xbd: {  	s0 =	sadd.s32 $0x8F2B, s0  }
0xbe: {  	[sflag:s0] =	ssyncadd.remote.s32 $0x1  }
0xbf: {  	_ =	sfence.sel $0xFFFF  }
0xc0: {  	[dreg:$0x0] =	wrdreg $0xFFFFFFFF;
	(pc) =	sbr.abs _section_cstart, $3  }
0xc1: {  	[dreg:$0x1] =	wrdreg $0xFFFFFFFF  }
0xc2: {  	_ =	task.clear_ibuf [dreg:s6], $0x2FFFF;
	_ =	strace $0x9FFFFFFF  }
0xc3: {  	(tm) =	ssettm $0x7FFFFFFF  }
tec
execute0_lowered:
.L_overlay_start_1:
0x0: {  	(tag) =	ssettag $0x1  }
0x1: {  	s5 =	rddreg [dreg:$0x0]  }
0x2: {  	s0 =	srdreg.scid;
	s2 =	rddreg [dreg:$0x1]  }
0x3: {  	s3 =	rddreg [dreg:$0x2];
	s4 =	simm.s32 $0x0;
	s13 =	simm.s32 $0x1400  }
0x4: {  	s14 =	simm.s32 $0x3C80;
	s15 =	simm.s32 $0x80;
	s16 =	simm.s32 $0x3C00  }
0x5: {  	s19 =	simm.s32 $0x20;
	s20 =	simm.s32 $0x10;
	s22 =	simm.s32 $0x0  }
0x6: {  	s6 =	sand.u32 $0x1, s0;
	s0 =	stileid.u32;
	[smem:$0x7FF] =	sst s4  }
0x7: {  	s1 =	sshll.u32 s6, $0x4;
	s8 =	smul.u32 $0x500, s0;
	s9 =	sshll.u32 s6, $0x7  }
0x8: {  	s6 =	ssub.s32 $0x2, s6;
	s10 =	smul.u32 $0x280, s0;
	s17 =	sshll.u32 s0, $0x6  }
0x9: {  	s7 =	sor.u32 s0, s1;
	s1 =	rddreg [dreg:$0x3];
	_ =	strace $0x80000047  }
0xa: {  	s31 =	sshrl.u32 s6, $0x1;
	s7 =	smul.u32 $0x280, s7;
	s8 =	sor.u32 s9, s8  }
0xb: {  	s17 =	sor.u32 $0x1C01, s17;
	s12 =	ssub.s32 s6, s31;
	s8 =	sshrl.u32 s8, $0x3  }
0xc: {  	s7 =	sadd.s32 s7, s5;
	s11 =	sadd.s32 s8, s5;
	s8 =	sadd.s32 s10, s3  }
0xd: {  	s5 =	sadd.s32 $0xA000, s7;
	s6 =	sadd.s32 $0xF000, s7;
	s7 =	sadd.s32 s10, s2  }
0xe: {  	s9 =	sadd.s32 $0x14A00, s11;
	s10 =	sadd.s32 $0x14000, s11;
	s11 =	smax.u32 s12, $0x1  }
0xf: {  	v0 =	vimm.f32 $1.000000000e+00;
	v1 =	vimm.f32 $0.0e+00;
	s12 =	simm.s32 $0x1;
	s21 =	sshrl.u32 s8, $0x3;
	s18 =	sshrl.u32 s7, $0x3  }
.LBB2_1:
0x10: {  	[tilespmem:s4], [sflag:$0x1] =	stream.linear.gather [hbm4b:s5+s4], $0x1400, $0x38;
	[tilespmem:$0x4400] =	vst v63  }
0x11: {  	_ =	swait.ge [sflag:s12], $0x1400  }
0x12: {  	[sflag:s12] =	ssyncset.done $0x0  }
0x13: {  	[sflag:s12] =	ssyncadd.s32 $0xFFFFEC00  }
0x14: {  	[tilespmem:s13], [sflag:$0x1] =	stream.linear.gather [hbm4b:s6+s4], $0x1400, $0x38;
	[tilespmem:$0x4400] =	vst v63  }
0x15: {  	_ =	swait.ge [sflag:s12], $0x1400  }
0x16: {  	[sflag:s12] =	ssyncset.done $0x0  }
0x17: {  	[sflag:s12] =	ssyncadd.s32 $0xFFFFEC00  }
0x18: {  	[tilespmem:$0x3C00] =	vst v0  }
0x19: {  	[tilespmem:$0x3C10] =	vst v0  }
0x1a: {  	[tilespmem:$0x3C20] =	vst v0  }
0x1b: {  	[tilespmem:$0x3C30] =	vst v0  }
0x1c: {  	[tilespmem:$0x3C40] =	vst v0  }
0x1d: {  	[tilespmem:$0x3C50] =	vst v0  }
0x1e: {  	[tilespmem:$0x3C60] =	vst v0  }
0x1f: {  	[tilespmem:$0x3C70] =	vst v0  }
0x20: {  	[tilespmem:$0x3C80] =	vst v1  }
0x21: {  	[tilespmem:$0x3C90] =	vst v1  }
0x22: {  	[tilespmem:$0x3CA0] =	vst v1  }
0x23: {  	[tilespmem:$0x3CB0] =	vst v1  }
0x24: {  	[tilespmem:$0x3CC0] =	vst v1  }
0x25: {  	[tilespmem:$0x3CD0] =	vst v1  }
0x26: {  	[tilespmem:$0x3CE0] =	vst v1  }
0x27: {  	[tilespmem:$0x3CF0] =	vst v1  }
0x28: {  	[tilespmem:$0x3D00] =	vst v1  }
0x29: {  	[tilespmem:$0x3D10] =	vst v1  }
0x2a: {  	[tilespmem:$0x3D20] =	vst v1  }
0x2b: {  	[tilespmem:$0x3D30] =	vst v1  }
0x2c: {  	[tilespmem:$0x3D40] =	vst v1  }
0x2d: {  	[tilespmem:$0x3D50] =	vst v1  }
0x2e: {  	[tilespmem:$0x3D60] =	vst v1  }
0x2f: {  	[tilespmem:$0x3D70] =	vst v1  }
0x30: {  	[tilespmem:$0x3D80] =	vst v1  }
0x31: {  	[tilespmem:$0x3D90] =	vst v1  }
0x32: {  	[tilespmem:$0x3DA0] =	vst v1  }
0x33: {  	[tilespmem:$0x3DB0] =	vst v1  }
0x34: {  	[tilespmem:$0x3DC0] =	vst v1  }
0x35: {  	[tilespmem:$0x3DD0] =	vst v1  }
0x36: {  	[tilespmem:$0x3DE0] =	vst v1  }
0x37: {  	[tilespmem:$0x3DF0] =	vst v1  }
0x38: {  	[tilespmem:$0x3E00] =	vst v1  }
0x39: {  	[tilespmem:$0x3E10] =	vst v1  }
0x3a: {  	[tilespmem:$0x3E20] =	vst v1  }
0x3b: {  	[tilespmem:$0x3E30] =	vst v1  }
0x3c: {  	[tilespmem:$0x3E40] =	vst v1  }
0x3d: {  	[tilespmem:$0x3E50] =	vst v1  }
0x3e: {  	[tilespmem:$0x3E60] =	vst v1  }
0x3f: {  	[tilespmem:$0x3E70] =	vst v1  }
0x40: {  	[tilespmem:$0x3E80] =	vst v1  }
0x41: {  	[tilespmem:$0x3E90] =	vst v1  }
0x42: {  	[tilespmem:$0x3EA0] =	vst v1  }
0x43: {  	[tilespmem:$0x3EB0] =	vst v1  }
0x44: {  	[tilespmem:$0x3EC0] =	vst v1  }
0x45: {  	[tilespmem:$0x3ED0] =	vst v1  }
0x46: {  	[tilespmem:$0x3EE0] =	vst v1  }
0x47: {  	[tilespmem:$0x3EF0] =	vst v1  }
0x48: {  	[spmem:s7] =	stream.linear.scatter [tilespmem:s14], [sflag:$0x1], $0x280, $0x38;
	[tilespmem:$0x4400] =	vst v63  }
0x49: {  	_ =	swait.ge [sflag:s12], $0x280  }
0x4a: {  	[sflag:s12] =	ssyncset.done $0x0  }
0x4b: {  	[sflag:s12] =	ssyncadd.s32 $0xFFFFFD80  }
0x4c: {  	[spmem:s8] =	stream.linear.scatter [tilespmem:s14], [sflag:$0x1], $0x280, $0x38;
	[tilespmem:$0x4400] =	vst v63  }
0x4d: {  	_ =	swait.ge [sflag:s12], $0x280  }
0x4e: {  	[sflag:s12] =	ssyncset.done $0x0  }
0x4f: {  	[sflag:s12] =	ssyncadd.s32 $0xFFFFFD80  }
0x50: {  	s23 =	simm.s32 $0x0;
	[bflag:$0x0] =	sbarrier.arrive $0xFFFF  }
0x51: {  	v2 =	vld [tilespmem:s23+$0x70]  }
0x52: {  	v3 =	vld [tilespmem:s23+$0x60]  }
0x53: {  	v5 =	vld [tilespmem:s23+$0x30]  }
0x54: {  	v7 =	vld [tilespmem:s23+$0x10]  }
0x55: {  	v4 =	vld [tilespmem:s23+$0x40]  }
0x56: {  	v6 =	vld [tilespmem:s23+$0x20];
	vm0 =	veq.s32 v2, $0x0  }
0x57: {  	v8 =	vld [tilespmem:s23+$0x0];
	vm1 =	veq.s32 v3, $0x0;
	v3 =	vsel vm0, $0x3F800000, v1  }
0x58: {  	v2 =	vld [tilespmem:s23+$0x50];
	vm11 =	veq.s32 v5, $0x0;
	v61 =	vsel vm1, $0x3F800000, v1;
	[tilespmem:s23+$0x2870] =	vst v3  }
0x59: {  	vm13 =	veq.s32 v7, $0x0;
	v62 =	vsel vm11, $0x3F800000, v1;
	[tilespmem:s23+$0x2860] =	vst v61  }
0x5a: {  	vm10 =	veq.s32 v4, $0x0;
	v63 =	vsel vm13, $0x3F800000, v1;
	[tilespmem:s23+$0x2830] =	vst v62  }
0x5b: {  	vm12 =	veq.s32 v6, $0x0;
	v3 =	vsel vm10, $0x3F800000, v1;
	[tilespmem:s23+$0x2810] =	vst v63  }
0x5c: {  	vm15 =	veq.s32 v8, $0x0;
	[tilespmem:s23+$0x2840] =	vst v3;
	v3 =	vsel vm12, $0x3F800000, v1  }
0x5d: {  	[tilespmem:s23+$0x2820] =	vst v3;
	v3 =	vsel vm15, $0x3F800000, v1;
	vm14 =	veq.s32 v2, $0x0  }
0x5e: {  	[tilespmem:s23+$0x2800] =	vst v3;
	v2 =	vsel vm14, $0x3F800000, v1  }
0x5f: {  	s24 =	simm.s32 $0x200;
	[tilespmem:s23+$0x2850] =	vst v2  }
.LBB2_2:
0x60: {  	[spmem:s2] =	stream.indirect.scatter.add.f32 [tilespmem:s16], [sflag:$0x1], $0x1, s23, s15, $0xb8;
	[tilespmem:$0x4400] =	vst v63  }
0x61: {  	s25 =	smov.u32 s24  }
0x62: {  	p0 =	sne.s32 s24, $0x4E00;
	s24 =	sadd.s32 $0x200, s24;
	_ =	swait.ge [sflag:s12], $0x80  }
0x63: {  	[sflag:s12] =	ssyncset.done $0x0  }
0x64: {  	s26 =	sadd.s32 $0x2800, s23;
	s23 =	sadd.s32 $0x1400, s23;
	[sflag:s12] =	ssyncadd.s32 $0xFFFFFF80  }
0x65: {  	[spmem:s3] =	stream.indirect.scatter.add.f32 [tilespmem:s26], [sflag:$0x1], $0x1, s23, s15, $0xb8;
	[tilespmem:$0x4400] =	vst v63  }
0x66: {  	_ =	swait.ge [sflag:s12], $0x80  }
0x67: {  	[sflag:s12] =	ssyncset.done $0x0  }
0x68: {  	[sflag:s12] =	ssyncadd.s32 $0xFFFFFF80  }
0x69: {  	s23 =	sshra.s32 s25, $0x2  }
0x6a: {  	v2 =	vld [tilespmem:s23+$0x70]  }
0x6b: {  	v3 =	vld [tilespmem:s23+$0x60]  }
0x6c: {  	v4 =	vld [tilespmem:s23+$0x40]  }
0x6d: {  	v5 =	vld [tilespmem:s23+$0x30]  }
0x6e: {  	v6 =	vld [tilespmem:s23+$0x20]  }
0x6f: {  	v7 =	vld [tilespmem:s23+$0x10];
	vm0 =	veq.s32 v2, $0x0  }
0x70: {  	v2 =	vld [tilespmem:s23+$0x50];
	vm1 =	veq.s32 v3, $0x0;
	v3 =	vsel vm0, $0x3F800000, v1  }
0x71: {  	v8 =	vld [tilespmem:s23+$0x0];
	vm0 =	veq.s32 v4, $0x0;
	v4 =	vsel vm1, $0x3F800000, v1;
	[tilespmem:s23+$0x2870] =	vst v3  }
0x72: {  	vm1 =	veq.s32 v5, $0x0;
	v3 =	vsel vm0, $0x3F800000, v1;
	[tilespmem:s23+$0x2860] =	vst v4  }
0x73: {  	vm0 =	veq.s32 v6, $0x0;
	v4 =	vsel vm1, $0x3F800000, v1;
	[tilespmem:s23+$0x2840] =	vst v3  }
.Ltmp0:
0x74: {  	vm1 =	veq.s32 v7, $0x0;
	v3 =	vsel vm0, $0x3F800000, v1;
	[tilespmem:s23+$0x2830] =	vst v4;
	(pc) =	sbr.rel @p0 .LBB2_2-.Ltmp0, $4  }
0x75: {  	v4 =	vsel vm1, $0x3F800000, v1;
	[tilespmem:s23+$0x2820] =	vst v3;
	vm0 =	veq.s32 v2, $0x0  }
0x76: {  	vm1 =	veq.s32 v8, $0x0;
	[tilespmem:s23+$0x2810] =	vst v4;
	v2 =	vsel vm0, $0x3F800000, v1  }
0x77: {  	v3 =	vsel vm1, $0x3F800000, v1;
	[tilespmem:s23+$0x2850] =	vst v2  }
0x78: {  	[tilespmem:s23+$0x2800] =	vst v3  }
0x79: {  	[spmem:s2] =	stream.indirect.scatter.add.f32 [tilespmem:s16], [sflag:$0x1], $0x1, s23, s15, $0xb8;
	[tilespmem:$0x4400] =	vst v63  }
0x7a: {  	_ =	swait.ge [sflag:s12], $0x80  }
0x7b: {  	[sflag:s12] =	ssyncset.done $0x0  }
0x7c: {  	s24 =	sadd.s32 $0x2800, s23;
	s31 =	sadd.s32 $0x1400, s23;
	[sflag:s12] =	ssyncadd.s32 $0xFFFFFF80  }
0x7d: {  	[spmem:s3] =	stream.indirect.scatter.add.f32 [tilespmem:s24], [sflag:$0x1], $0x1, s31, s15, $0xb8;
	[tilespmem:$0x4400] =	vst v63  }
0x7e: {  	_ =	swait.ge [sflag:s12], $0x80  }
0x7f: {  	[sflag:s12] =	ssyncset.done $0x0  }
0x80: {  	[sflag:s12] =	ssyncadd.s32 $0xFFFFFF80  }
0x81: {  	[bflag:$0x0] =	sbarrier.arrive $0xFFFF  }
0x82: {  	[hbm:s9@s19], [sflag:s17] =	dma.strided [spmem:s18@s20], $0x50, s12, $0x10   }
0x83: {  	s22 =	sadd.s32 $0x1, s22;
	_ =	swait.ge [sflag:s12], $0x50  }
0x84: {  	p0 =	sne.s32 s22, s11;
	[sflag:s12] =	ssyncset.done $0x0  }
.Ltmp1:
0x85: {  	[sflag:s12] =	ssyncadd.s32 $0xFFFFFFB0;
	(pc) =	sbr.rel @p0 .LBB2_1-.Ltmp1, $4  }
0x86: {  	[hbm:s10@s19], [sflag:s17] =	dma.strided [spmem:s21@s20], $0x50, s12, $0x10   }
0x87: {  	_ =	swait.ge [sflag:s12], $0x50  }
0x88: {  	[sflag:s12] =	ssyncset.done $0x0  }
0x89: {  	[sflag:s12] =	ssyncadd.s32 $0xFFFFFFB0  }
0x8a: {  	_ =	sfence.sel $0x180000  }
0x8b: {  	[bflag:$0x0] =	sbarrier.arrive $0xFFFF  }
0x8c: {  	p0 =	sne.s32 s0, $0x0;
	_ =	strace $0x90000047  }
0x8d: {  	s0 =	sadd.s32 @!p0 $0x100000, s1;
	[bflag:$0x2] =	sbarrier.arrive $0xFFFF  }
0x8e: {  	[sflag:s0] =	ssyncadd.tile.s32 @!p0 $0x1;
	_ =	shalt  }
.Lfunc_end2:
_tile_overlayer_lowered:
.L_overlay_start_2:
0x8f: {  	(tag) =	ssettag $0x2  }
0x90: {  	s0 =	rddreg [dreg:$0x0];
	s2 =	stileid.u32  }
0x91: {  	s1 =	rddreg [dreg:$0x1];
	p0 =	sne.s32 s2, $0x0  }
0x92: {  	s3 =	rddreg [dreg:$0x2];
	[bflag:$0x3] =	sbarrier.arrive $0xFFFF;
	s2 =	simm.s32 @!p0 $0x1C01  }
0x93: {  	[timem:s3], [sflag:s2] =	dma.local @!p0 [hbm:s0], s1  }
0x94: {  	s0 =	simm.s32 @!p0 $0x1  }
0x95: {  	_ =	swait.ge @!p0 [sflag:s0], s1  }
0x96: {  	s1 =	ssub.s32 @!p0 $0x0, s1;
	[sflag:s0] =	ssyncset.done @!p0 $0x0  }
0x97: {  	[sflag:s0] =	ssyncadd.s32 @!p0 s1  }
0x98: {  	[bflag:$0x3] =	sbarrier.arrive $0xFFFF  }
0x99: {  	_ =	shalt  }

// kernel: kernel.9.cloned.1.call-start
scs
__scs_entry_jumppad:
0x0: {  	(pc) =	sbr.rel $0x88, $3  }
0x1: {  	(tag) =	ssettag $0x0;
	lr =	simm.s32 $0x1  }
0x2: {  	[smem:$0x3F97] =	sst lr;
	_ =	strace $0xD0000000  }
0x3: {  	_ = 	snop  }
0x4: {  	_ = 	snop  }
0x5: {  	_ = 	snop  }
0x6: {  	_ = 	snop  }
0x7: {  	_ = 	snop  }
__scs_overlays_trampoline_lowered:
0x8: {  	[smem:$0x3FA6] =	sst s0  }
0x9: {  	[smem:$0x3FA7] =	sst s1  }
0xa: {  	[smem:$0x3FA8] =	sst s2  }
0xb: {  	[smem:$0x3FA9] =	sst s3  }
0xc: {  	[smem:$0x3FAA] =	sst s4  }
0xd: {  	[smem:$0x3FAB] =	sst s5  }
0xe: {  	[smem:$0x3FAC] =	sst s6  }
0xf: {  	[smem:$0x3FAD] =	sst s7  }
0x10: {  	[smem:$0x3FAE] =	sst s8  }
0x11: {  	[smem:$0x3FAF] =	sst s9;
	s0 =	simm.s32 @!p0 $0x0  }
0x12: {  	s1 =	sld [smem:$0x3F95];
	s0 =	simm.s32 @p0 $0x1  }
0x13: {  	[smem:$0x3FB0] =	sst s0;
	s0 =	simm.s32 @!p1 $0x0  }
0x14: {  	s2 =	sld [smem:$0x3F94];
	s0 =	simm.s32 @p1 $0x1  }
0x15: {  	[smem:$0x3FB1] =	sst s0;
	s0 =	simm.s32 @!p2 $0x0  }
0x16: {  	s3 =	sld [smem:$0x3FDB];
	s0 =	simm.s32 @p2 $0x1  }
0x17: {  	s4 =	simm.s32 $0x1BF5;
	[smem:$0x3FB3] =	sst s0  }
0x18: {  	s0 =	sld [smem:$0x3F96];
	_ =	swait.ge [sflag:s4], $0x0  }
0x19: {  	s7 =	sld [smem:$0x3F97]  }
0x1a: {  	s8 =	sadd.s32 $0xFFFFE003, lr  }
0x1b: {  	s9 =	sadd.s32 $0xFFFFFEF7, lr;
	s5 =	simm.s32 $0xFFFFFFFF;
	p2 =	slt.u32 s8, $0xFFFFF086  }
0x1c: {  	p1 =	slt.u32 s9, $0xF7A;
	s5 =	simm.s32 @!p2 $0x0  }
0x1d: {  	s5 =	simm.s32 @p1 $0x1;
	p0 =	seq.s32 s7, s2  }
0x1e: {  	s7 =	smul.u32 @!p0 $0xF7A, s2;
	p2 =	seq.s32 @!p0 s5, $0x0  }
0x1f: {  	s9 =	smul.u32 $0xF7A, s1;
	s8 =	simm.s32 @!p0 $0x1BF5;
	p2 =	por !p2, p0  }
0x20: {  	[sflag:s8] =	ssyncset.s32 @!p0 $0xFFFFF086;
	s6 =	sadd.s32 @!p0 s3, s7;
	s7 =	simm.s32 @!p0 $0x108  }
0x21: {  	s3 =	sadd.s32 s3, s9;
	s6 =	sadd.s32 @!p0 $0x88, s6;
	s7 =	simm.s32 @p2 $0x1082  }
0x22: {  	[simem:s7], [sflag:s8] =	dma.local @!p0 [hbm:s6], $0xF7A  }
0x23: {  	s9 =	sor.u32 $0xD0000000, s2;
	s6 =	simm.s32 $0x108;
	_ =	swait.ge @!p0 [sflag:s8], $0x0  }
0x24: {  	s3 =	sadd.s32 $0x88, s3;
	s6 =	simm.s32 @!p1 $0x1082;
	[sflag:s4] =	ssyncset.s32 $0xFFFFF086  }
0x25: {  	[simem:s6], [sflag:s4] =	dma.local [hbm:s3], $0xF7A  }
0x26: {  	[smem:$0x3F97] =	sst s1;
	(tag) =	ssettag s2;
	_ =	strace s9  }
0x27: {  	s1 =	sld [smem:$0x3FA7]  }
0x28: {  	s2 =	sld [smem:$0x3FA8]  }
0x29: {  	s4 =	sld [smem:$0x3FAA]  }
0x2a: {  	p0 =	seq.s32 s5, $0x0;
	s5 =	sld [smem:$0x3FAB]  }
0x2b: {  	s6 =	sld [smem:$0x3FAC]  }
0x2c: {  	s7 =	sld [smem:$0x3FAD]  }
0x2d: {  	s3 =	simm.s32 $0x108;
	s8 =	sld [smem:$0x3FAE]  }
0x2e: {  	s3 =	simm.s32 @!p0 $0x1082;
	s9 =	sld [smem:$0x3FAF]  }
0x2f: {  	lr =	sadd.s32 s0, s3;
	s0 =	sld [smem:$0x3FA6]  }
0x30: {  	s3 =	sld [smem:$0x3FA9]  }
0x31: {  	[smem:$0x3FB2] =	sst s10  }
0x32: {  	s10 =	sld [smem:$0x3FB0];
	_ =	sdelay $0x3  }
0x33: {  	p0 =	seq.s32 s10, $0x1;
	s10 =	sld [smem:$0x3FB2];
	_ =	sdelay $0x3  }
0x34: {  	[smem:$0x3FB2] =	sst s10  }
0x35: {  	s10 =	sld [smem:$0x3FB1];
	_ =	sdelay $0x3  }
0x36: {  	p1 =	seq.s32 s10, $0x1;
	s10 =	sld [smem:$0x3FB2];
	_ =	sdelay $0x3  }
0x37: {  	[smem:$0x3FB2] =	sst s10  }
0x38: {  	s10 =	sld [smem:$0x3FB3]  }
0x39: {  	_ = 	snop;
	(pc) =	sbr.ind lr, $3  }
0x3a: {  	_ = 	snop  }
0x3b: {  	_ = 	snop  }
0x3c: {  	p2 =	seq.s32 s10, $0x1;
	s10 =	sld [smem:$0x3FB2]  }
0x3d: {  	_ =	shalt  }
0x3e: {  	_ =	shalt  }
0x3f: {  	_ =	shalt  }
0x40: {  	_ =	shalt  }
0x41: {  	_ =	shalt  }
0x42: {  	_ =	shalt  }
0x43: {  	_ =	shalt  }
0x44: {  	_ =	shalt  }
0x45: {  	_ =	shalt  }
0x46: {  	_ =	shalt  }
0x47: {  	_ =	shalt  }
0x48: {  	_ =	shalt  }
0x49: {  	_ =	shalt  }
0x4a: {  	_ =	shalt  }
0x4b: {  	_ =	shalt  }
0x4c: {  	_ =	shalt  }
0x4d: {  	_ =	shalt  }
0x4e: {  	_ =	shalt  }
0x4f: {  	_ =	shalt  }
0x50: {  	_ =	shalt  }
0x51: {  	_ =	shalt  }
0x52: {  	_ =	shalt  }
0x53: {  	_ =	shalt  }
0x54: {  	_ =	shalt  }
0x55: {  	_ =	shalt  }
0x56: {  	_ =	shalt  }
0x57: {  	_ =	shalt  }
0x58: {  	_ =	shalt  }
0x59: {  	_ =	shalt  }
0x5a: {  	_ =	shalt  }
0x5b: {  	_ =	shalt  }
0x5c: {  	_ =	shalt  }
0x5d: {  	_ =	shalt  }
0x5e: {  	_ =	shalt  }
0x5f: {  	_ =	shalt  }
0x60: {  	_ =	shalt  }
0x61: {  	_ =	shalt  }
0x62: {  	_ =	shalt  }
0x63: {  	_ =	shalt  }
0x64: {  	_ =	shalt  }
0x65: {  	_ =	shalt  }
0x66: {  	_ =	shalt  }
0x67: {  	_ =	shalt  }
0x68: {  	_ =	shalt  }
0x69: {  	_ =	shalt  }
0x6a: {  	_ =	shalt  }
0x6b: {  	_ =	shalt  }
0x6c: {  	_ =	shalt  }
0x6d: {  	_ =	shalt  }
0x6e: {  	_ =	shalt  }
0x6f: {  	_ =	shalt  }
0x70: {  	_ =	shalt  }
0x71: {  	_ =	shalt  }
0x72: {  	_ =	shalt  }
0x73: {  	_ =	shalt  }
0x74: {  	_ =	shalt  }
0x75: {  	_ =	shalt  }
0x76: {  	_ =	shalt  }
0x77: {  	_ =	shalt  }
0x78: {  	_ =	shalt  }
0x79: {  	_ =	shalt  }
0x7a: {  	_ =	shalt  }
0x7b: {  	_ =	shalt  }
0x7c: {  	_ =	shalt  }
0x7d: {  	_ =	shalt  }
0x7e: {  	_ =	shalt  }
0x7f: {  	_ =	shalt  }
0x80: {  	_ =	shalt  }
0x81: {  	_ =	shalt  }
0x82: {  	_ =	shalt  }
0x83: {  	_ =	shalt  }
0x84: {  	_ =	shalt  }
0x85: {  	_ =	shalt  }
0x86: {  	_ =	shalt  }
0x87: {  	_ =	shalt  }
.Lfunc_end0:
.L_simem_size_0:
called_computation.9_lowered:
.L_overlay_start_0:
0x88: {  	s2 =	sld [smem:$0x3FD9]  }
0x89: {  	s3 =	sld [smem:$0x3FFE];
	_ =	sdelay $0x1  }
0x8a: {  	s1 =	srdreg.scid  }
0x8b: {  	s0 =	sand.u32 $0x1, s1  }
0x8c: {  	s17 =	sshll.u32 s0, $0xA;
	s2 =	sadd.s32 s3, s2  }
0x8d: {  	s2 =	sadd.s32 s2, s17  }
0x8e: {  	[smem:$0x3FBE] =	sst s2  }
0x8f: {  	_ = 	snop  }
0x90: {  	(tm) =	ssettm $0x1  }
0x91: {  	s18 =	sld [smem:$0x3FFB];
	_ =	sdelay $0x3  }
0x92: {  	_ =	strace s18  }
0x93: {  	s2 =	sld [smem:$0x3FFC];
	_ =	sdelay $0x3  }
0x94: {  	_ =	strace s2  }
0x95: {  	s2 =	sld [smem:$0x3FFD];
	_ =	sdelay $0x3  }
0x96: {  	_ =	strace s2  }
0x97: {  	_ =	strace $0x8FFFFFFF  }
0x98: {  	s19 =	sld [smem:$0x3FDB];
	_ =	sdelay $0x1  }
0x99: {  	s20 =	simm.s32 $_scs_section_size  }
0x9a: {  	s4 =	simm.s32 $_size__tile_overlayer_lowered;
	s5 =	simm.s32 $_tile_overlayer_lowered  }
0x9b: {  	s6 =	simm.s32 $0x1BFF;
	s21 =	sshll.u32 s5, $0x1;
	s3 =	sadd.s32 s20, s19  }
0x9c: {  	s22 =	simm.s32 $0x0;
	s4 =	sshll.u32 s4, $0x1;
	s5 =	sadd.s32 s21, s3  }
0x9d: {  	[timem:s22], [sflag:s6] =	dma.local [hbm:s5], s4  }
0x9e: {  	_ =	swait.ge [sflag:s6], s4  }
0x9f: {  	s4 =	ssub.s32 $0x0, s4;
	[sflag:s6] =	ssyncset.done $0x0  }
0xa0: {  	[sflag:s6] =	ssyncadd.s32 s4;
	_ =	sdelay $0x1  }
0xa1: {  	s23 =	simm.s32 $0x1B8B  }
0xa2: {  	_ =	swait.ge [sflag:s23], $0x1  }
0xa3: {  	[sflag:s23] =	ssyncset.done $0x0  }
0xa4: {  	[sflag:s23] =	ssyncadd.s32 $0xFFFFFFFF  }
0xa5: {  	s4 =	sld [smem:$0x0]  }
0xa6: {  	s5 =	sand.u32 $0xFFFFFFFE, s1  }
0xa7: {  	p0 =	sne.s32 s1, s5  }
0xa8: {  	s5 =	sshll.u32 @p0 s5, $0xE  }
0xa9: {  	s5 =	sadd.s32 @p0 $0x11B8D, s5;
	s6 =	sshll.u32 @p0 s4, $0x11  }
0xaa: {  	s5 =	sor.u32 @p0 s6, s5  }
0xab: {  	[sflag:s5] =	ssyncadd.remote.s32 @p0 $0x1;
	_ =	sdelay $0x1  }
0xac: {  	s5 =	simm.s32 @p0 $0x1B8D  }
0xad: {  	_ =	swait.eq @p0 [sflag:s5], $0x1  }
0xae: {  	[sflag:s5] =	ssyncadd.s32 @p0 $0xFFFFFFFF  }
0xaf: {  	s6 =	sshll.u32 @!p0 s1, $0xE  }
0xb0: {  	s6 =	sor.u32 @!p0 $0x4000, s6;
	s5 =	simm.s32 @!p0 $0x1B8D  }
0xb1: {  	s4 =	sshll.u32 @!p0 s4, $0x11;
	s6 =	sadd.s32 @!p0 $0x11B8D, s6;
	_ =	swait.eq @!p0 [sflag:s5], $0x1  }
0xb2: {  	s4 =	sor.u32 @!p0 s4, s6;
	[sflag:s5] =	ssyncadd.s32 @!p0 $0xFFFFFFFF  }
0xb3: {  	s25 =	simm.s32 $0x1B8E;
	s24 =	sld [smem:$0x3FFE];
	[sflag:s4] =	ssyncadd.remote.s32 @!p0 $0x1  }
0xb4: {  	s26 =	simm.s32 $execute0_lowered;
	[smem:$0x3FD2] =	sst s25  }
0xb5: {  	s5 =	sshll.u32 s26, $0x1;
	_ =	strace $0x8000005E;
	[dreg:$0x1] =	wrdreg $0xFFFFFFFF  }
0xb6: {  	s28 =	simm.s32 $_size_execute0_lowered;
	s3 =	sadd.s32 s3, s5;
	[dreg:$0x0] =	wrdreg $0x0  }
0xb7: {  	s5 =	sshll.u32 s28, $0x1;
	[dreg:$0x2] =	wrdreg s3  }
0xb8: {  	[dreg:$0x3] =	wrdreg s5  }
0xb9: {  	[dreg:$0x4] =	wrdreg $0xC0  }
0xba: {  	_ =	task [dreg:s22], $0x5FFFF  }
0xbb: {  	[dreg:$0x1] =	wrdreg $0xFFFFFFFF  }
0xbc: {  	[dreg:$0x0] =	wrdreg $0x60  }
0xbd: {  	[dreg:$0x2] =	wrdreg s24  }
0xbe: {  	[dreg:$0x3] =	wrdreg $0xD2800  }
0xbf: {  	[dreg:$0x4] =	wrdreg $0xD5000  }
0xc0: {  	[dreg:$0x5] =	wrdreg $0x9  }
0xc1: {  	_ =	task.clear_ibuf [dreg:s22], $0x6FFFF;
	_ =	strace $0x9000005E  }
0xc2: {  	s29 =	simm.s32 $0x9;
	_ =	strace $0x80000060  }
0xc3: {  	_ =	swait.ge [sflag:s29], $0x1  }
0xc4: {  	[sflag:s29] =	ssyncadd.s32 $0xFFFFFFFF  }
0xc5: {  	_ =	strace $0x90000060  }
0xc6: {  	_ =	sfence  }
0xc7: {  	s30 =	sld [smem:$0x0];
	_ =	sdelay $0x2  }
0xc8: {  	s31 =	sshll.u32 s1, $0xD;
	s1 =	sshrl.u32 s1, $0x2  }
0xc9: {  	s4 =	sand.u32 $0x4000, s31;
	s1 =	sadd.s32 s1, s30  }
0xca: {  	s0 =	sor.u32 s4, s0;
	s1 =	sshll.u32 s1, $0x11  }
0xcb: {  	s0 =	sor.u32 s1, s0  }
0xcc: {  	s0 =	sadd.s32 $0x8F2B, s0  }
0xcd: {  	[sflag:s0] =	ssyncadd.remote.s32 $0x1  }
0xce: {  	_ =	sfence.sel $0xFFFF  }
0xcf: {  	[dreg:$0x0] =	wrdreg $0xFFFFFFFF;
	(pc) =	sbr.abs _section_cstart, $3  }
0xd0: {  	[dreg:$0x1] =	wrdreg $0xFFFFFFFF  }
0xd1: {  	_ =	task.clear_ibuf [dreg:s22], $0x2FFFF;
	_ =	strace $0x9FFFFFFF  }
0xd2: {  	(tm) =	ssettm $0x7FFFFFFF  }
0xd3: {  	_ =	shalt  }
tec
execute0_lowered:
.L_overlay_start_1:
0x0: {  	(tag) =	ssettag $0x1  }
0x1: {  	s0 =	rddreg [dreg:$0x0]  }
0x2: {  	s1 =	rddreg [dreg:$0x1]  }
0x3: {  	s2 =	rddreg [dreg:$0x2];
	s3 =	stileid.u32;
	s4 =	simm.s32 $0x0  }
0x4: {  	s6 =	srdreg.scid;
	s23 =	simm.s32 $0xA000;
	s24 =	simm.s32 $0x0  }
0x5: {  	s5 =	smul.u32 $0x500, s3;
	[smem:$0x7FF] =	sst s4;
	s12 =	sand.u32 $0x1, s6  }
0x6: {  	s14 =	smul.u32 $0xC800, s3;
	p0 =	sne.s32 s3, $0x0;
	_ =	strace $0x8000005F  }
0x7: {  	s6 =	ssub.s32 $0x2, s12;
	s15 =	smul.u32 $0x1400, s12;
	s13 =	sshll.u32 s12, $0x2  }
0x8: {  	s16 =	smul.u32 $0x320000, s12;
	s21 =	sshllo.u32 s12, $0x2;
	s12 =	sadd.s32 $0xC8000, s2  }
0x9: {  	s7 =	sadd.s32 s5, s0;
	s5 =	sadd.s32 $0x15400, s0;
	s22 =	smul.u32 $0xC8000, s21  }
0xa: {  	s0 =	sadd.s32 $0x17600, s0;
	s18 =	sor.u32 $0x1, s13;
	s21 =	smul.u32 $0x500, s21  }
0xb: {  	s8 =	sshrl.u32 s6, $0x1;
	s20 =	sor.u32 $0x2, s13;
	s19 =	smul.u32 $0x500, s18  }
0xc: {  	s17 =	ssub.s32 s6, s8;
	s6 =	sadd.s32 $0xF000, s7;
	s18 =	smul.u32 $0xC8000, s18  }
0xd: {  	s7 =	sadd.s32 $0xA000, s7;
	s8 =	sadd.s32 s14, s2;
	s29 =	smul.u32 $0xC8000, s20  }
0xe: {  	s28 =	sadd.s32 s14, s16;
	s20 =	smul.u32 $0x500, s20;
	s9 =	sadd.s32 $0x3200, s8  }
0xf: {  	s10 =	sadd.s32 $0x6400, s8;
	s11 =	sadd.s32 $0x9600, s8;
	s13 =	sshrl.u32 s28, $0x3  }
0x10: {  	v4 =	vimm.f32 $1.000000000e+00;
	v13 =	vlaneseq.u32;
	v3 =	vmov s21;
	s17 =	smax.u32 s17, $0x1;
	s21 =	simm.s32 $0x80;
	s13 =	sadd.s32 s0, s13  }
0x11: {  	v5 =	vimm.f32 $0.0e+00;
	v6 =	vor.u32 $0xC8000, v13;
	v7 =	vor.u32 $0xC8010, v13;
	s18 =	sadd.s32 s14, s18;
	s16 =	sadd.s32 s14, s29;
	s14 =	sadd.s32 s14, s22  }
0x12: {  	v8 =	vor.u32 $0xC8020, v13;
	v9 =	vor.u32 $0xC8030, v13;
	v2 =	vmov s20;
	s20 =	sshrl.u32 @!p0 s1, $0x3;
	s22 =	simm.s32 $0xA080;
	s30 =	sshrl.u32 s18, $0x3  }
0x13: {  	v10 =	vor.u32 $0xC8040, v13;
	v11 =	vor.u32 $0xC8050, v13;
	v12 =	vor.u32 $0xC8060, v13;
	s16 =	sshrl.u32 s16, $0x3;
	s31 =	sshrl.u32 s14, $0x3;
	s18 =	simm.s32 $0x1  }
0x14: {  	v13 =	vor.u32 $0xC8070, v13;
	v0 =	vmov s15;
	v1 =	vmov s19;
	s14 =	sadd.s32 s0, s30;
	s15 =	sadd.s32 s0, s16;
	s16 =	sadd.s32 s0, s31  }
.LBB2_1:
0x15: {  	[tilespmem:s4], [sflag:$0x1] =	stream.linear.gather [hbm4b:s6+s4], $0x2800, $0x38;
	[tilespmem:$0x19D08] =	vst v63  }
0x16: {  	_ =	swait.ge [sflag:s18], $0x2800  }
0x17: {  	[sflag:s18] =	ssyncset.done $0x0  }
0x18: {  	s0 =	simm.s32 $0x2800;
	[sflag:s18] =	ssyncadd.s32 $0xFFFFD800  }
0x19: {  	[tilespmem:s0], [sflag:$0x1] =	stream.linear.gather [hbm4b:s7+s4], $0x2800, $0x38;
	[tilespmem:$0x19D08] =	vst v63  }
0x1a: {  	_ =	swait.ge [sflag:s18], $0x2800  }
0x1b: {  	[sflag:s18] =	ssyncset.done $0x0  }
0x1c: {  	s0 =	simm.s32 @!p0 $0x1C01;
	[sflag:s18] =	ssyncadd.s32 $0xFFFFD800  }
0x1d: {  	[spmem:s20], [sflag:s0] =	dma.local @!p0 [hbm:s5], $0x500  }
0x1e: {  	s0 =	simm.s32 @!p0 $0x1  }
0x1f: {  	_ =	swait.ge @!p0 [sflag:s0], $0x500  }
0x20: {  	[sflag:s0] =	ssyncset.done @!p0 $0x0  }
0x21: {  	[sflag:s0] =	ssyncadd.s32 @!p0 $0xFFFFFB00  }
0x22: {  	[tilespmem:$0xA000] =	vst v4  }
0x23: {  	[tilespmem:$0xA010] =	vst v4  }
0x24: {  	[tilespmem:$0xA020] =	vst v4  }
0x25: {  	[tilespmem:$0xA030] =	vst v4  }
0x26: {  	[tilespmem:$0xA040] =	vst v4  }
0x27: {  	[tilespmem:$0xA050] =	vst v4  }
0x28: {  	[tilespmem:$0xA060] =	vst v4  }
0x29: {  	s25 =	simm.s32 $0x0;
	s0 =	simm.s32 $0x40;
	[tilespmem:$0xA070] =	vst v4  }
.LBB2_2:
0x2a: {  	p1 =	sne.s32 s0, $0xC7C0;
	[tilespmem:s25+$0xA080] =	vst v5;
	s25 =	smov.u32 s0;
	s0 =	sadd.s32 $0x40, s0  }
.Ltmp0:
0x2b: {  	(pc) =	sbr.rel @p1 .LBB2_2-.Ltmp0, $2  }
0x2c: {  	_ =	sdelay $0x2  }
0x2d: {  	s25 =	sshra.s32 s25, $0x2  }
0x2e: {  	[tilespmem:s25+$0xA080] =	vst v5  }
0x2f: {  	s0 =	simm.s32 $0x0;
	s31 =	simm.s32 $0x7800;
	[bflag:$0x0] =	sbarrier.arrive $0xFFFF  }
0x30: {  	[tilespmem:s31], [sflag:$0x1] =	stream.indirect.gather [spmem:s1], $0x1, s0, s21, $0xb8;
	[tilespmem:$0x19D08] =	vst v63  }
0x31: {  	s0 =	simm.s32 $0x200;
	_ =	swait.ge [sflag:s18], $0x80  }
.LBB2_4:
0x32: {  	s25 =	sshra.s32 s0, $0x2;
	[sflag:s18] =	ssyncset.done $0x0;
	p1 =	sne.s32 s0, $0x9E00  }
.Ltmp1:
0x33: {  	s26 =	sadd.s32 $0x7800, s25;
	[sflag:s18] =	ssyncadd.s32 $0xFFFFFF80;
	(pc) =	sbr.rel @p1 .LBB2_4-.Ltmp1, $3  }
0x34: {  	[tilespmem:s26], [sflag:$0x1] =	stream.indirect.gather [spmem:s1], $0x1, s25, s21, $0xb8;
	[tilespmem:$0x19D08] =	vst v63  }
0x35: {  	s0 =	sadd.s32 $0x200, s0;
	_ =	sdelay $0x1  }
0x36: {  	_ =	swait.ge [sflag:s18], $0x80  }
0x37: {  	[sflag:s18] =	ssyncset.done $0x0  }
0x38: {  	[sflag:s18] =	ssyncadd.s32 $0xFFFFFF80  }
0x39: {  	[spmem:s8] =	stream.linear.scatter [tilespmem:s22], [sflag:$0x1], $0x3200, $0x38;
	[tilespmem:$0x19D08] =	vst v63  }
0x3a: {  	_ =	swait.ge [sflag:s18], $0x3200  }
0x3b: {  	[sflag:s18] =	ssyncset.done $0x0  }
0x3c: {  	[sflag:s18] =	ssyncadd.s32 $0xFFFFCE00  }
0x3d: {  	[spmem:s9] =	stream.linear.scatter [tilespmem:s22], [sflag:$0x1], $0x3200, $0x38;
	[tilespmem:$0x19D08] =	vst v63  }
0x3e: {  	_ =	swait.ge [sflag:s18], $0x3200  }
0x3f: {  	[sflag:s18] =	ssyncset.done $0x0  }
0x40: {  	[sflag:s18] =	ssyncadd.s32 $0xFFFFCE00  }
0x41: {  	[spmem:s10] =	stream.linear.scatter [tilespmem:s22], [sflag:$0x1], $0x3200, $0x38;
	[tilespmem:$0x19D08] =	vst v63  }
0x42: {  	_ =	swait.ge [sflag:s18], $0x3200  }
0x43: {  	[sflag:s18] =	ssyncset.done $0x0  }
0x44: {  	[sflag:s18] =	ssyncadd.s32 $0xFFFFCE00  }
0x45: {  	[spmem:s11] =	stream.linear.scatter [tilespmem:s22], [sflag:$0x1], $0x3200, $0x38;
	[tilespmem:$0x19D08] =	vst v63  }
0x46: {  	_ =	swait.ge [sflag:s18], $0x3200  }
0x47: {  	[sflag:s18] =	ssyncset.done $0x0  }
0x48: {  	s0 =	simm.s32 @!p0 $0xA080;
	[sflag:s18] =	ssyncadd.s32 $0xFFFFCE00  }
0x49: {  	[spmem:s12] =	stream.linear.scatter @!p0 [tilespmem:s0], [sflag:$0x1], $0x80, $0x38;
	[tilespmem:$0x19D08] =	vst v63  }
0x4a: {  	s0 =	simm.s32 @!p0 $0x1  }
0x4b: {  	_ =	swait.ge @!p0 [sflag:s0], $0x80  }
0x4c: {  	[sflag:s0] =	ssyncset.done @!p0 $0x0  }
0x4d: {  	[sflag:s0] =	ssyncadd.s32 @!p0 $0xFFFFFF80  }
0x4e: {  	s28 =	simm.s32 $0x0;
	[bflag:$0x0] =	sbarrier.arrive $0xFFFF  }
0x4f: {  	v14 =	vld [tilespmem:s28+$0x7810]  }
0x50: {  	v15 =	vld [tilespmem:s28+$0x2840]  }
0x51: {  	s26 =	simm.s32 $0x200;
	s25 =	simm.s32 $0x400;
	s29 =	simm.s32 $0x600;
	v16 =	vld [tilespmem:s28+$0x2810]  }
.LBB2_6:
0x52: {  	p1 =	sne.s32 s29, $0x9E00;
	v17 =	vld [tilespmem:s28+$0x2870];
	s30 =	smov.u32 s29;
	s29 =	sadd.s32 $0x200, s29  }
0x53: {  	v18 =	vld [tilespmem:s28+$0x7840]  }
0x54: {  	v19 =	vld [tilespmem:s28+$0x2820]  }
0x55: {  	v20 =	vld [tilespmem:s28+$0x2800]  }
0x56: {  	v15 =	vsub.s32 v15, v0;
	v16 =	vsub.s32 v16, v0;
	v21 =	vld [tilespmem:s28+$0x2860]  }
0x57: {  	vm0 =	vlt.u32 v15, $0x500;
	v15 =	vmul.u32 $0x280, v15;
	v22 =	vmul.u32 $0x280, v16;
	v23 =	vld [tilespmem:s28+$0x7870]  }
0x58: {  	vm1 =	vlt.u32 v16, $0x500;
	v17 =	vsub.s32 v17, v0;
	v16 =	vld [tilespmem:s28+$0x2850]  }
0x59: {  	v15 =	vadd.s32 v18, v15;
	vm2 =	vlt.u32 v17, $0x500;
	v14 =	vadd.s32 v14, v22;
	v22 =	vld [tilespmem:s28+$0x7820]  }
0x5a: {  	v17 =	vmul.u32 $0x280, v17;
	v15 =	vsel vm0, v15, v10;
	v14 =	vsel vm1, v14, v7;
	v18 =	vld [tilespmem:s28+$0x2830]  }
0x5b: {  	v19 =	vsub.s32 v19, v0;
	v20 =	vsub.s32 v20, v0;
	v24 =	vld [tilespmem:s28+$0x7860];
	v21 =	vsub.s32 v21, v0  }
0x5c: {  	v25 =	vmul.u32 $0x280, v19;
	[tilespmem:s28+$0x5040] =	vst v15;
	v15 =	vld [tilespmem:s28+$0x7850];
	vm0 =	vlt.u32 v21, $0x500;
	v17 =	vadd.s32 v23, v17  }
0x5d: {  	vm1 =	vlt.u32 v19, $0x500;
	v23 =	vld [tilespmem:s28+$0x7800];
	v16 =	vsub.s32 v16, v0;
	v17 =	vsel vm2, v17, v13  }
0x5e: {  	v21 =	vmul.u32 $0x280, v21;
	vm2 =	vlt.u32 v20, $0x500;
	v19 =	vadd.s32 v22, v25;
	v22 =	vld [tilespmem:s28+$0x7830]  }
0x5f: {  	v25 =	vmul.u32 $0x280, v16;
	v19 =	vsel vm1, v19, v8;
	v18 =	vsub.s32 v18, v0;
	[tilespmem:s28+$0x5070] =	vst v17  }
0x60: {  	v17 =	vmul.u32 $0x280, v20;
	vm1 =	vlt.u32 v16, $0x500;
	[tilespmem:s28+$0x5020] =	vst v19;
	v16 =	vadd.s32 v24, v21  }
0x61: {  	[tilespmem:s28+$0x5010] =	vst v14;
	v14 =	vmul.u32 $0x280, v18;
	v15 =	vadd.s32 v15, v25;
	v16 =	vsel vm0, v16, v12  }
0x62: {  	v17 =	vadd.s32 v23, v17;
	v15 =	vsel vm1, v15, v11;
	[tilespmem:s28+$0x5060] =	vst v16  }
0x63: {  	vm0 =	vlt.u32 v18, $0x500;
	v16 =	vsel vm2, v17, v6;
	v14 =	vadd.s32 v22, v14;
	[tilespmem:s28+$0x5050] =	vst v15  }
0x64: {  	[tilespmem:s28+$0x5000] =	vst v16;
	v14 =	vsel vm0, v14, v9  }
0x65: {  	s0 =	sadd.s32 $0x5000, s28;
	[tilespmem:s28+$0x5030] =	vst v14  }
0x66: {  	[spmem:s2] =	stream.indirect.scatter.add.f32 [tilespmem:s23], [sflag:$0x1], $0x1, s0, s21, $0xb8;
	[tilespmem:$0x19D08] =	vst v63  }
0x67: {  	_ =	swait.ge [sflag:s18], $0x80  }
.Ltmp2:
0x68: {  	[sflag:s18] =	ssyncset.done $0x0;
	(pc) =	sbr.rel @p1 .LBB2_6-.Ltmp2, $4  }
0x69: {  	s28 =	sshra.s32 s26, $0x2;
	s26 =	smov.u32 s25;
	[sflag:s18] =	ssyncadd.s32 $0xFFFFFF80  }
0x6a: {  	s25 =	smov.u32 s30;
	v14 =	vld [tilespmem:s28+$0x7810]  }
0x6b: {  	v15 =	vld [tilespmem:s28+$0x2840]  }
0x6c: {  	v16 =	vld [tilespmem:s28+$0x2810]  }
0x6d: {  	v17 =	vld [tilespmem:s28+$0x2870]  }
0x6e: {  	v18 =	vld [tilespmem:s28+$0x7840]  }
0x6f: {  	v19 =	vld [tilespmem:s28+$0x2820]  }
0x70: {  	v21 =	vld [tilespmem:s28+$0x2860];
	_ =	sdelay $0x1  }
0x71: {  	v25 =	vld [tilespmem:s28+$0x2850];
	v15 =	vsub.s32 v15, v0  }
0x72: {  	v20 =	vld [tilespmem:s28+$0x2800];
	v16 =	vsub.s32 v16, v0;
	v24 =	vmul.u32 $0x280, v15;
	vm0 =	vlt.u32 v15, $0x500  }
0x73: {  	v22 =	vld [tilespmem:s28+$0x7870];
	v23 =	vmul.u32 $0x280, v16;
	vm1 =	vlt.u32 v16, $0x500;
	v16 =	vsub.s32 v17, v0  }
0x74: {  	v41 =	vld [tilespmem:s28+$0x7850];
	v19 =	vsub.s32 v19, v0;
	v21 =	vsub.s32 v21, v0;
	v17 =	vadd.s32 v18, v24  }
0x75: {  	v15 =	vld [tilespmem:s28+$0x7820];
	vm2 =	vlt.u32 v16, $0x500;
	v16 =	vmul.u32 $0x280, v16;
	v40 =	vmul.u32 $0x280, v19  }
0x76: {  	v18 =	vld [tilespmem:s28+$0x2830];
	vm7 =	vlt.u32 v21, $0x500;
	vm8 =	vlt.u32 v19, $0x500;
	v19 =	vsub.s32 v25, v0  }
0x77: {  	v39 =	vld [tilespmem:s28+$0x7860];
	v21 =	vmul.u32 $0x280, v21;
	v14 =	vadd.s32 v14, v23;
	v17 =	vsel vm0, v17, v10  }
0x78: {  	v42 =	vld [tilespmem:s28+$0x7800];
	v25 =	vmul.u32 $0x280, v19;
	vm9 =	vlt.u32 v19, $0x500;
	v16 =	vadd.s32 v22, v16  }
0x79: {  	v43 =	vld [tilespmem:s28+$0x7830];
	v14 =	vsel vm1, v14, v7;
	[tilespmem:s28+$0x5040] =	vst v17;
	v17 =	vsub.s32 v20, v0;
	v16 =	vsel vm2, v16, v13  }
0x7a: {  	v15 =	vadd.s32 v15, v40;
	[tilespmem:s28+$0x5010] =	vst v14;
	v19 =	vadd.s32 v41, v25;
	vm10 =	vlt.u32 v17, $0x500  }
0x7b: {  	v15 =	vsel vm8, v15, v8;
	[tilespmem:s28+$0x5070] =	vst v16;
	v16 =	vmul.u32 $0x280, v17;
	v18 =	vsub.s32 v18, v0  }
0x7c: {  	v17 =	vsel vm9, v19, v11;
	[tilespmem:s28+$0x5020] =	vst v15;
	v15 =	vadd.s32 v39, v21;
	v14 =	vmul.u32 $0x280, v18  }
0x7d: {  	[tilespmem:s28+$0x5050] =	vst v17;
	v15 =	vsel vm7, v15, v12;
	v16 =	vadd.s32 v42, v16  }
0x7e: {  	vm11 =	vlt.u32 v18, $0x500;
	[tilespmem:s28+$0x5060] =	vst v15;
	v15 =	vsel vm10, v16, v6;
	v14 =	vadd.s32 v43, v14  }
0x7f: {  	[tilespmem:s28+$0x5000] =	vst v15;
	v14 =	vsel vm11, v14, v9  }
0x80: {  	s0 =	sadd.s32 $0x5000, s28;
	[tilespmem:s28+$0x5030] =	vst v14  }
0x81: {  	[spmem:s2] =	stream.indirect.scatter.add.f32 [tilespmem:s23], [sflag:$0x1], $0x1, s0, s21, $0xb8;
	[tilespmem:$0x19D08] =	vst v63  }
0x82: {  	_ =	swait.ge [sflag:s18], $0x80  }
0x83: {  	[sflag:s18] =	ssyncset.done $0x0  }
0x84: {  	s19 =	sshra.s32 s26, $0x2;
	[sflag:s18] =	ssyncadd.s32 $0xFFFFFF80  }
0x85: {  	v15 =	vld [tilespmem:s19+$0x2840]  }
0x86: {  	v16 =	vld [tilespmem:s19+$0x2810]  }
0x87: {  	v19 =	vld [tilespmem:s19+$0x2820]  }
0x88: {  	v44 =	vld [tilespmem:s19+$0x2800]  }
0x89: {  	v45 =	vld [tilespmem:s19+$0x2860]  }
0x8a: {  	v49 =	vld [tilespmem:s19+$0x2830]  }
0x8b: {  	v17 =	vld [tilespmem:s19+$0x2870];
	_ =	sdelay $0x1  }
0x8c: {  	v14 =	vld [tilespmem:s19+$0x7810];
	v16 =	vsub.s32 v16, v0  }
0x8d: {  	v18 =	vld [tilespmem:s19+$0x7840];
	v15 =	vsub.s32 v15, v0;
	v20 =	vsub.s32 v44, v0;
	v19 =	vsub.s32 v19, v0  }
0x8e: {  	v48 =	vld [tilespmem:s19+$0x7870];
	v21 =	vsub.s32 v45, v0;
	v22 =	vsub.s32 v49, v0;
	v46 =	vmul.u32 $0x280, v16  }
0x8f: {  	v47 =	vmul.u32 $0x280, v15;
	vm13 =	vlt.u32 v16, $0x500;
	v16 =	vsub.s32 v17, v0;
	v17 =	vld [tilespmem:s19+$0x7820]  }
0x90: {  	vm12 =	vlt.u32 v15, $0x500;
	v15 =	vld [tilespmem:s19+$0x2850];
	v51 =	vmul.u32 $0x280, v19;
	vm15 =	vlt.u32 v21, $0x500  }
0x91: {  	v50 =	vld [tilespmem:s19+$0x7860];
	vm4 =	vlt.u32 v19, $0x500;
	vm14 =	vlt.u32 v16, $0x500;
	v16 =	vmul.u32 $0x280, v16  }
0x92: {  	v19 =	vld [tilespmem:s19+$0x7800];
	v21 =	vmul.u32 $0x280, v21;
	vm6 =	vlt.u32 v20, $0x500;
	v18 =	vadd.s32 v18, v47  }
0x93: {  	v52 =	vld [tilespmem:s19+$0x7850];
	v14 =	vadd.s32 v14, v46;
	v18 =	vsel vm12, v18, v10;
	v16 =	vadd.s32 v48, v16  }
0x94: {  	v14 =	vsel vm13, v14, v7;
	[tilespmem:s19+$0x5040] =	vst v18;
	v16 =	vsel vm14, v16, v13;
	v18 =	vld [tilespmem:s19+$0x7830];
	v17 =	vadd.s32 v17, v51  }
0x95: {  	v15 =	vsub.s32 v15, v0;
	[tilespmem:s19+$0x5070] =	vst v16;
	v16 =	vmul.u32 $0x280, v20;
	v17 =	vsel vm4, v17, v8  }
0x96: {  	[tilespmem:s19+$0x5010] =	vst v14;
	v53 =	vmul.u32 $0x280, v15;
	vm5 =	vlt.u32 v15, $0x500;
	v15 =	vadd.s32 v50, v21  }
0x97: {  	v14 =	vmul.u32 $0x280, v22;
	[tilespmem:s19+$0x5020] =	vst v17;
	v15 =	vsel vm15, v15, v12;
	v16 =	vadd.s32 v19, v16  }
0x98: {  	v17 =	vadd.s32 v52, v53;
	[tilespmem:s19+$0x5060] =	vst v15;
	v15 =	vsel vm6, v16, v6  }
0x99: {  	vm7 =	vlt.u32 v22, $0x500;
	v17 =	vsel vm5, v17, v11;
	v14 =	vadd.s32 v18, v14;
	[tilespmem:s19+$0x5000] =	vst v15  }
0x9a: {  	[tilespmem:s19+$0x5050] =	vst v17;
	v14 =	vsel vm7, v14, v9  }
0x9b: {  	s26 =	sadd.s32 $0x5000, s19;
	[tilespmem:s19+$0x5030] =	vst v14  }
0x9c: {  	[spmem:s2] =	stream.indirect.scatter.add.f32 [tilespmem:s23], [sflag:$0x1], $0x1, s26, s21, $0xb8;
	[tilespmem:$0x19D08] =	vst v63  }
0x9d: {  	_ =	swait.ge [sflag:s18], $0x80  }
0x9e: {  	[sflag:s18] =	ssyncset.done $0x0  }
0x9f: {  	s19 =	sshra.s32 s25, $0x2;
	[sflag:s18] =	ssyncadd.s32 $0xFFFFFF80  }
0xa0: {  	v15 =	vld [tilespmem:s19+$0x2840]  }
0xa1: {  	v16 =	vld [tilespmem:s19+$0x2810]  }
0xa2: {  	v19 =	vld [tilespmem:s19+$0x2820]  }
0xa3: {  	v54 =	vld [tilespmem:s19+$0x2800]  }
0xa4: {  	v55 =	vld [tilespmem:s19+$0x2860]  }
0xa5: {  	v59 =	vld [tilespmem:s19+$0x2830]  }
0xa6: {  	v17 =	vld [tilespmem:s19+$0x2870];
	_ =	sdelay $0x1  }
0xa7: {  	v14 =	vld [tilespmem:s19+$0x7810];
	v16 =	vsub.s32 v16, v0  }
0xa8: {  	v18 =	vld [tilespmem:s19+$0x7840];
	v15 =	vsub.s32 v15, v0;
	v20 =	vsub.s32 v54, v0;
	v19 =	vsub.s32 v19, v0  }
0xa9: {  	v58 =	vld [tilespmem:s19+$0x7870];
	v21 =	vsub.s32 v55, v0;
	v22 =	vsub.s32 v59, v0;
	v56 =	vmul.u32 $0x280, v16  }
0xaa: {  	v57 =	vmul.u32 $0x280, v15;
	vm9 =	vlt.u32 v16, $0x500;
	v16 =	vsub.s32 v17, v0;
	v17 =	vld [tilespmem:s19+$0x7820]  }
0xab: {  	vm8 =	vlt.u32 v15, $0x500;
	v15 =	vld [tilespmem:s19+$0x2850];
	v61 =	vmul.u32 $0x280, v19;
	vm11 =	vlt.u32 v21, $0x500  }
0xac: {  	v60 =	vld [tilespmem:s19+$0x7860];
	vm12 =	vlt.u32 v19, $0x500;
	vm10 =	vlt.u32 v16, $0x500;
	v16 =	vmul.u32 $0x280, v16  }
0xad: {  	v19 =	vld [tilespmem:s19+$0x7800];
	v21 =	vmul.u32 $0x280, v21;
	vm14 =	vlt.u32 v20, $0x500;
	v18 =	vadd.s32 v18, v57  }
0xae: {  	v62 =	vld [tilespmem:s19+$0x7850];
	v14 =	vadd.s32 v14, v56;
	v18 =	vsel vm8, v18, v10;
	v16 =	vadd.s32 v58, v16  }
0xaf: {  	v14 =	vsel vm9, v14, v7;
	[tilespmem:s19+$0x5040] =	vst v18;
	v16 =	vsel vm10, v16, v13;
	v18 =	vld [tilespmem:s19+$0x7830];
	v17 =	vadd.s32 v17, v61  }
0xb0: {  	v15 =	vsub.s32 v15, v0;
	[tilespmem:s19+$0x5070] =	vst v16;
	v16 =	vmul.u32 $0x280, v20;
	v17 =	vsel vm12, v17, v8  }
0xb1: {  	[tilespmem:s19+$0x5010] =	vst v14;
	v63 =	vmul.u32 $0x280, v15;
	vm13 =	vlt.u32 v15, $0x500;
	v15 =	vadd.s32 v60, v21  }
0xb2: {  	v14 =	vmul.u32 $0x280, v22;
	[tilespmem:s19+$0x5020] =	vst v17;
	v15 =	vsel vm11, v15, v12;
	v16 =	vadd.s32 v19, v16  }
0xb3: {  	v17 =	vadd.s32 v62, v63;
	[tilespmem:s19+$0x5060] =	vst v15;
	v15 =	vsel vm14, v16, v6  }
0xb4: {  	vm15 =	vlt.u32 v22, $0x500;
	v17 =	vsel vm13, v17, v11;
	v14 =	vadd.s32 v18, v14;
	[tilespmem:s19+$0x5000] =	vst v15  }
0xb5: {  	[tilespmem:s19+$0x5050] =	vst v17;
	v14 =	vsel vm15, v14, v9  }
0xb6: {  	s25 =	sadd.s32 $0x5000, s19;
	[tilespmem:s19+$0x5030] =	vst v14  }
0xb7: {  	[spmem:s2] =	stream.indirect.scatter.add.f32 [tilespmem:s23], [sflag:$0x1], $0x1, s25, s21, $0xb8;
	[tilespmem:$0x19D08] =	vst v63  }
0xb8: {  	_ =	swait.ge [sflag:s18], $0x80  }
0xb9: {  	[sflag:s18] =	ssyncset.done $0x0  }
0xba: {  	s26 =	sshll.u32 s3, $0x6;
	[sflag:s18] =	ssyncadd.s32 $0xFFFFFF80  }
0xbb: {  	s25 =	sor.u32 $0x1C01, s26;
	s26 =	sshrl.u32 s8, $0x3;
	[bflag:$0x0] =	sbarrier.arrive $0xFFFF  }
0xbc: {  	[hbm:s13], [sflag:s25] =	dma.local [spmem:s26], $0x1900  }
0xbd: {  	_ =	swait.ge [sflag:s18], $0x1900  }
0xbe: {  	[sflag:s18] =	ssyncset.done $0x0  }
0xbf: {  	[sflag:s18] =	ssyncadd.s32 $0xFFFFE700  }
0xc0: {  	[bflag:$0x0] =	sbarrier.arrive $0xFFFF  }
0xc1: {  	[spmem:s8] =	stream.linear.scatter [tilespmem:s22], [sflag:$0x1], $0x3200, $0x38;
	[tilespmem:$0x19D08] =	vst v63  }
0xc2: {  	_ =	swait.ge [sflag:s18], $0x3200  }
0xc3: {  	[sflag:s18] =	ssyncset.done $0x0  }
0xc4: {  	[sflag:s18] =	ssyncadd.s32 $0xFFFFCE00  }
0xc5: {  	[spmem:s9] =	stream.linear.scatter [tilespmem:s22], [sflag:$0x1], $0x3200, $0x38;
	[tilespmem:$0x19D08] =	vst v63  }
0xc6: {  	_ =	swait.ge [sflag:s18], $0x3200  }
0xc7: {  	[sflag:s18] =	ssyncset.done $0x0  }
0xc8: {  	[sflag:s18] =	ssyncadd.s32 $0xFFFFCE00  }
0xc9: {  	[spmem:s10] =	stream.linear.scatter [tilespmem:s22], [sflag:$0x1], $0x3200, $0x38;
	[tilespmem:$0x19D08] =	vst v63  }
0xca: {  	_ =	swait.ge [sflag:s18], $0x3200  }
0xcb: {  	[sflag:s18] =	ssyncset.done $0x0  }
0xcc: {  	[sflag:s18] =	ssyncadd.s32 $0xFFFFCE00  }
0xcd: {  	[spmem:s11] =	stream.linear.scatter [tilespmem:s22], [sflag:$0x1], $0x3200, $0x38;
	[tilespmem:$0x19D08] =	vst v63  }
0xce: {  	_ =	swait.ge [sflag:s18], $0x3200  }
0xcf: {  	[sflag:s18] =	ssyncset.done $0x0  }
0xd0: {  	s0 =	simm.s32 @!p0 $0xA080;
	[sflag:s18] =	ssyncadd.s32 $0xFFFFCE00  }
0xd1: {  	[spmem:s12] =	stream.linear.scatter @!p0 [tilespmem:s0], [sflag:$0x1], $0x80, $0x38;
	[tilespmem:$0x19D08] =	vst v63  }
0xd2: {  	s0 =	simm.s32 @!p0 $0x1  }
0xd3: {  	_ =	swait.ge @!p0 [sflag:s0], $0x80  }
0xd4: {  	[sflag:s0] =	ssyncset.done @!p0 $0x0  }
0xd5: {  	[sflag:s0] =	ssyncadd.s32 @!p0 $0xFFFFFF80  }
0xd6: {  	s30 =	simm.s32 $0x0;
	[bflag:$0x0] =	sbarrier.arrive $0xFFFF  }
0xd7: {  	v14 =	vld [tilespmem:s30+$0x7810]  }
0xd8: {  	v15 =	vld [tilespmem:s30+$0x2840]  }
0xd9: {  	s29 =	simm.s32 $0x200;
	s31 =	simm.s32 $0x600;
	s28 =	simm.s32 $0x400;
	v16 =	vld [tilespmem:s30+$0x2810]  }
.LBB2_8:
0xda: {  	p1 =	sne.s32 s31, $0x9E00;
	v17 =	vld [tilespmem:s30+$0x2870];
	s0 =	smov.u32 s31;
	s31 =	sadd.s32 $0x200, s31  }
0xdb: {  	v18 =	vld [tilespmem:s30+$0x7840]  }
0xdc: {  	v19 =	vld [tilespmem:s30+$0x2820]  }
0xdd: {  	v20 =	vld [tilespmem:s30+$0x2800]  }
0xde: {  	v15 =	vsub.s32 v15, v1;
	v16 =	vsub.s32 v16, v1;
	v21 =	vld [tilespmem:s30+$0x2860]  }
0xdf: {  	vm0 =	vlt.u32 v15, $0x500;
	v15 =	vmul.u32 $0x280, v15;
	v22 =	vmul.u32 $0x280, v16;
	v23 =	vld [tilespmem:s30+$0x7870]  }
0xe0: {  	vm1 =	vlt.u32 v16, $0x500;
	v17 =	vsub.s32 v17, v1;
	v16 =	vld [tilespmem:s30+$0x2850]  }
0xe1: {  	v15 =	vadd.s32 v18, v15;
	vm2 =	vlt.u32 v17, $0x500;
	v14 =	vadd.s32 v14, v22;
	v22 =	vld [tilespmem:s30+$0x7820]  }
0xe2: {  	v17 =	vmul.u32 $0x280, v17;
	v15 =	vsel vm0, v15, v10;
	v14 =	vsel vm1, v14, v7;
	v18 =	vld [tilespmem:s30+$0x2830]  }
0xe3: {  	v19 =	vsub.s32 v19, v1;
	v20 =	vsub.s32 v20, v1;
	v24 =	vld [tilespmem:s30+$0x7860];
	v21 =	vsub.s32 v21, v1  }
0xe4: {  	v25 =	vmul.u32 $0x280, v19;
	[tilespmem:s30+$0x5040] =	vst v15;
	v15 =	vld [tilespmem:s30+$0x7850];
	vm0 =	vlt.u32 v21, $0x500;
	v17 =	vadd.s32 v23, v17  }
0xe5: {  	vm1 =	vlt.u32 v19, $0x500;
	v23 =	vld [tilespmem:s30+$0x7800];
	v16 =	vsub.s32 v16, v1;
	v17 =	vsel vm2, v17, v13  }
0xe6: {  	v21 =	vmul.u32 $0x280, v21;
	vm2 =	vlt.u32 v20, $0x500;
	v19 =	vadd.s32 v22, v25;
	v22 =	vld [tilespmem:s30+$0x7830]  }
0xe7: {  	v25 =	vmul.u32 $0x280, v16;
	v19 =	vsel vm1, v19, v8;
	v18 =	vsub.s32 v18, v1;
	[tilespmem:s30+$0x5070] =	vst v17  }
0xe8: {  	v17 =	vmul.u32 $0x280, v20;
	vm1 =	vlt.u32 v16, $0x500;
	[tilespmem:s30+$0x5020] =	vst v19;
	v16 =	vadd.s32 v24, v21  }
0xe9: {  	[tilespmem:s30+$0x5010] =	vst v14;
	v14 =	vmul.u32 $0x280, v18;
	v15 =	vadd.s32 v15, v25;
	v16 =	vsel vm0, v16, v12  }
0xea: {  	v17 =	vadd.s32 v23, v17;
	v15 =	vsel vm1, v15, v11;
	[tilespmem:s30+$0x5060] =	vst v16  }
0xeb: {  	vm0 =	vlt.u32 v18, $0x500;
	v16 =	vsel vm2, v17, v6;
	v14 =	vadd.s32 v22, v14;
	[tilespmem:s30+$0x5050] =	vst v15  }
0xec: {  	[tilespmem:s30+$0x5000] =	vst v16;
	v14 =	vsel vm0, v14, v9  }
0xed: {  	s19 =	sadd.s32 $0x5000, s30;
	[tilespmem:s30+$0x5030] =	vst v14  }
0xee: {  	[spmem:s2] =	stream.indirect.scatter.add.f32 [tilespmem:s23], [sflag:$0x1], $0x1, s19, s21, $0xb8;
	[tilespmem:$0x19D08] =	vst v63  }
0xef: {  	_ =	swait.ge [sflag:s18], $0x80  }
.Ltmp3:
0xf0: {  	[sflag:s18] =	ssyncset.done $0x0;
	(pc) =	sbr.rel @p1 .LBB2_8-.Ltmp3, $4  }
0xf1: {  	s30 =	sshra.s32 s29, $0x2;
	s29 =	smov.u32 s28;
	[sflag:s18] =	ssyncadd.s32 $0xFFFFFF80  }
0xf2: {  	s28 =	smov.u32 s0;
	v14 =	vld [tilespmem:s30+$0x7810]  }
0xf3: {  	v15 =	vld [tilespmem:s30+$0x2840]  }
0xf4: {  	v16 =	vld [tilespmem:s30+$0x2810]  }
0xf5: {  	v17 =	vld [tilespmem:s30+$0x2870]  }
0xf6: {  	v18 =	vld [tilespmem:s30+$0x7840]  }
0xf7: {  	v19 =	vld [tilespmem:s30+$0x2820]  }
0xf8: {  	v21 =	vld [tilespmem:s30+$0x2860];
	_ =	sdelay $0x1  }
0xf9: {  	v25 =	vld [tilespmem:s30+$0x2850];
	v15 =	vsub.s32 v15, v1  }
0xfa: {  	v20 =	vld [tilespmem:s30+$0x2800];
	v16 =	vsub.s32 v16, v1;
	v24 =	vmul.u32 $0x280, v15;
	vm0 =	vlt.u32 v15, $0x500  }
0xfb: {  	v22 =	vld [tilespmem:s30+$0x7870];
	v23 =	vmul.u32 $0x280, v16;
	vm1 =	vlt.u32 v16, $0x500;
	v16 =	vsub.s32 v17, v1  }
0xfc: {  	v41 =	vld [tilespmem:s30+$0x7850];
	v19 =	vsub.s32 v19, v1;
	v21 =	vsub.s32 v21, v1;
	v17 =	vadd.s32 v18, v24  }
0xfd: {  	v15 =	vld [tilespmem:s30+$0x7820];
	vm2 =	vlt.u32 v16, $0x500;
	v16 =	vmul.u32 $0x280, v16;
	v40 =	vmul.u32 $0x280, v19  }
0xfe: {  	v18 =	vld [tilespmem:s30+$0x2830];
	vm7 =	vlt.u32 v21, $0x500;
	vm8 =	vlt.u32 v19, $0x500;
	v19 =	vsub.s32 v25, v1  }
0xff: {  	v39 =	vld [tilespmem:s30+$0x7860];
	v21 =	vmul.u32 $0x280, v21;
	v14 =	vadd.s32 v14, v23;
	v17 =	vsel vm0, v17, v10  }
0x100: {  	v42 =	vld [tilespmem:s30+$0x7800];
	v25 =	vmul.u32 $0x280, v19;
	vm9 =	vlt.u32 v19, $0x500;
	v16 =	vadd.s32 v22, v16  }
0x101: {  	v43 =	vld [tilespmem:s30+$0x7830];
	v14 =	vsel vm1, v14, v7;
	[tilespmem:s30+$0x5040] =	vst v17;
	v17 =	vsub.s32 v20, v1;
	v16 =	vsel vm2, v16, v13  }
0x102: {  	v15 =	vadd.s32 v15, v40;
	[tilespmem:s30+$0x5010] =	vst v14;
	v19 =	vadd.s32 v41, v25;
	vm10 =	vlt.u32 v17, $0x500  }
0x103: {  	v15 =	vsel vm8, v15, v8;
	[tilespmem:s30+$0x5070] =	vst v16;
	v16 =	vmul.u32 $0x280, v17;
	v18 =	vsub.s32 v18, v1  }
0x104: {  	v17 =	vsel vm9, v19, v11;
	[tilespmem:s30+$0x5020] =	vst v15;
	v15 =	vadd.s32 v39, v21;
	v14 =	vmul.u32 $0x280, v18  }
0x105: {  	[tilespmem:s30+$0x5050] =	vst v17;
	v15 =	vsel vm7, v15, v12;
	v16 =	vadd.s32 v42, v16  }
0x106: {  	vm11 =	vlt.u32 v18, $0x500;
	[tilespmem:s30+$0x5060] =	vst v15;
	v15 =	vsel vm10, v16, v6;
	v14 =	vadd.s32 v43, v14  }
0x107: {  	[tilespmem:s30+$0x5000] =	vst v15;
	v14 =	vsel vm11, v14, v9  }
0x108: {  	s0 =	sadd.s32 $0x5000, s30;
	[tilespmem:s30+$0x5030] =	vst v14  }
0x109: {  	[spmem:s2] =	stream.indirect.scatter.add.f32 [tilespmem:s23], [sflag:$0x1], $0x1, s0, s21, $0xb8;
	[tilespmem:$0x19D08] =	vst v63  }
0x10a: {  	_ =	swait.ge [sflag:s18], $0x80  }
0x10b: {  	[sflag:s18] =	ssyncset.done $0x0  }
0x10c: {  	s0 =	sshra.s32 s29, $0x2;
	[sflag:s18] =	ssyncadd.s32 $0xFFFFFF80  }
0x10d: {  	v15 =	vld [tilespmem:s0+$0x2840]  }
0x10e: {  	v16 =	vld [tilespmem:s0+$0x2810]  }
0x10f: {  	v19 =	vld [tilespmem:s0+$0x2820]  }
0x110: {  	v44 =	vld [tilespmem:s0+$0x2800]  }
0x111: {  	v45 =	vld [tilespmem:s0+$0x2860]  }
0x112: {  	v49 =	vld [tilespmem:s0+$0x2830]  }
0x113: {  	v17 =	vld [tilespmem:s0+$0x2870];
	_ =	sdelay $0x1  }
0x114: {  	v14 =	vld [tilespmem:s0+$0x7810];
	v16 =	vsub.s32 v16, v1  }
0x115: {  	v18 =	vld [tilespmem:s0+$0x7840];
	v15 =	vsub.s32 v15, v1;
	v20 =	vsub.s32 v44, v1;
	v19 =	vsub.s32 v19, v1  }
0x116: {  	v48 =	vld [tilespmem:s0+$0x7870];
	v21 =	vsub.s32 v45, v1;
	v22 =	vsub.s32 v49, v1;
	v46 =	vmul.u32 $0x280, v16  }
0x117: {  	v47 =	vmul.u32 $0x280, v15;
	vm13 =	vlt.u32 v16, $0x500;
	v16 =	vsub.s32 v17, v1;
	v17 =	vld [tilespmem:s0+$0x7820]  }
0x118: {  	vm12 =	vlt.u32 v15, $0x500;
	v15 =	vld [tilespmem:s0+$0x2850];
	v51 =	vmul.u32 $0x280, v19;
	vm15 =	vlt.u32 v21, $0x500  }
0x119: {  	v50 =	vld [tilespmem:s0+$0x7860];
	vm4 =	vlt.u32 v19, $0x500;
	vm14 =	vlt.u32 v16, $0x500;
	v16 =	vmul.u32 $0x280, v16  }
0x11a: {  	v19 =	vld [tilespmem:s0+$0x7800];
	v21 =	vmul.u32 $0x280, v21;
	vm6 =	vlt.u32 v20, $0x500;
	v18 =	vadd.s32 v18, v47  }
0x11b: {  	v52 =	vld [tilespmem:s0+$0x7850];
	v14 =	vadd.s32 v14, v46;
	v18 =	vsel vm12, v18, v10;
	v16 =	vadd.s32 v48, v16  }
0x11c: {  	v14 =	vsel vm13, v14, v7;
	[tilespmem:s0+$0x5040] =	vst v18;
	v16 =	vsel vm14, v16, v13;
	v18 =	vld [tilespmem:s0+$0x7830];
	v17 =	vadd.s32 v17, v51  }
0x11d: {  	v15 =	vsub.s32 v15, v1;
	[tilespmem:s0+$0x5070] =	vst v16;
	v16 =	vmul.u32 $0x280, v20;
	v17 =	vsel vm4, v17, v8  }
0x11e: {  	[tilespmem:s0+$0x5010] =	vst v14;
	v53 =	vmul.u32 $0x280, v15;
	vm5 =	vlt.u32 v15, $0x500;
	v15 =	vadd.s32 v50, v21  }
0x11f: {  	v14 =	vmul.u32 $0x280, v22;
	[tilespmem:s0+$0x5020] =	vst v17;
	v15 =	vsel vm15, v15, v12;
	v16 =	vadd.s32 v19, v16  }
0x120: {  	v17 =	vadd.s32 v52, v53;
	[tilespmem:s0+$0x5060] =	vst v15;
	v15 =	vsel vm6, v16, v6  }
0x121: {  	vm7 =	vlt.u32 v22, $0x500;
	v17 =	vsel vm5, v17, v11;
	v14 =	vadd.s32 v18, v14;
	[tilespmem:s0+$0x5000] =	vst v15  }
0x122: {  	[tilespmem:s0+$0x5050] =	vst v17;
	v14 =	vsel vm7, v14, v9  }
0x123: {  	s19 =	sadd.s32 $0x5000, s0;
	[tilespmem:s0+$0x5030] =	vst v14  }
0x124: {  	[spmem:s2] =	stream.indirect.scatter.add.f32 [tilespmem:s23], [sflag:$0x1], $0x1, s19, s21, $0xb8;
	[tilespmem:$0x19D08] =	vst v63  }
0x125: {  	_ =	swait.ge [sflag:s18], $0x80  }
0x126: {  	[sflag:s18] =	ssyncset.done $0x0  }
0x127: {  	s0 =	sshra.s32 s28, $0x2;
	[sflag:s18] =	ssyncadd.s32 $0xFFFFFF80  }
0x128: {  	v15 =	vld [tilespmem:s0+$0x2840]  }
0x129: {  	v16 =	vld [tilespmem:s0+$0x2810]  }
0x12a: {  	v19 =	vld [tilespmem:s0+$0x2820]  }
0x12b: {  	v54 =	vld [tilespmem:s0+$0x2800]  }
0x12c: {  	v55 =	vld [tilespmem:s0+$0x2860]  }
0x12d: {  	v59 =	vld [tilespmem:s0+$0x2830]  }
0x12e: {  	v17 =	vld [tilespmem:s0+$0x2870];
	_ =	sdelay $0x1  }
0x12f: {  	v14 =	vld [tilespmem:s0+$0x7810];
	v16 =	vsub.s32 v16, v1  }
0x130: {  	v18 =	vld [tilespmem:s0+$0x7840];
	v15 =	vsub.s32 v15, v1;
	v20 =	vsub.s32 v54, v1;
	v19 =	vsub.s32 v19, v1  }
0x131: {  	v58 =	vld [tilespmem:s0+$0x7870];
	v21 =	vsub.s32 v55, v1;
	v22 =	vsub.s32 v59, v1;
	v56 =	vmul.u32 $0x280, v16  }
0x132: {  	v57 =	vmul.u32 $0x280, v15;
	vm9 =	vlt.u32 v16, $0x500;
	v16 =	vsub.s32 v17, v1;
	v17 =	vld [tilespmem:s0+$0x7820]  }
0x133: {  	vm8 =	vlt.u32 v15, $0x500;
	v15 =	vld [tilespmem:s0+$0x2850];
	v61 =	vmul.u32 $0x280, v19;
	vm11 =	vlt.u32 v21, $0x500  }
0x134: {  	v60 =	vld [tilespmem:s0+$0x7860];
	vm12 =	vlt.u32 v19, $0x500;
	vm10 =	vlt.u32 v16, $0x500;
	v16 =	vmul.u32 $0x280, v16  }
0x135: {  	v19 =	vld [tilespmem:s0+$0x7800];
	v21 =	vmul.u32 $0x280, v21;
	vm14 =	vlt.u32 v20, $0x500;
	v18 =	vadd.s32 v18, v57  }
0x136: {  	v62 =	vld [tilespmem:s0+$0x7850];
	v14 =	vadd.s32 v14, v56;
	v18 =	vsel vm8, v18, v10;
	v16 =	vadd.s32 v58, v16  }
0x137: {  	v14 =	vsel vm9, v14, v7;
	[tilespmem:s0+$0x5040] =	vst v18;
	v16 =	vsel vm10, v16, v13;
	v18 =	vld [tilespmem:s0+$0x7830];
	v17 =	vadd.s32 v17, v61  }
0x138: {  	v15 =	vsub.s32 v15, v1;
	[tilespmem:s0+$0x5070] =	vst v16;
	v16 =	vmul.u32 $0x280, v20;
	v17 =	vsel vm12, v17, v8  }
0x139: {  	[tilespmem:s0+$0x5010] =	vst v14;
	v63 =	vmul.u32 $0x280, v15;
	vm13 =	vlt.u32 v15, $0x500;
	v15 =	vadd.s32 v60, v21  }
0x13a: {  	v14 =	vmul.u32 $0x280, v22;
	[tilespmem:s0+$0x5020] =	vst v17;
	v15 =	vsel vm11, v15, v12;
	v16 =	vadd.s32 v19, v16  }
0x13b: {  	v17 =	vadd.s32 v62, v63;
	[tilespmem:s0+$0x5060] =	vst v15;
	v15 =	vsel vm14, v16, v6  }
0x13c: {  	vm15 =	vlt.u32 v22, $0x500;
	v17 =	vsel vm13, v17, v11;
	v14 =	vadd.s32 v18, v14;
	[tilespmem:s0+$0x5000] =	vst v15  }
0x13d: {  	[tilespmem:s0+$0x5050] =	vst v17;
	v14 =	vsel vm15, v14, v9  }
0x13e: {  	s19 =	sadd.s32 $0x5000, s0;
	[tilespmem:s0+$0x5030] =	vst v14  }
0x13f: {  	[spmem:s2] =	stream.indirect.scatter.add.f32 [tilespmem:s23], [sflag:$0x1], $0x1, s19, s21, $0xb8;
	[tilespmem:$0x19D08] =	vst v63  }
0x140: {  	_ =	swait.ge [sflag:s18], $0x80  }
0x141: {  	[sflag:s18] =	ssyncset.done $0x0  }
0x142: {  	[sflag:s18] =	ssyncadd.s32 $0xFFFFFF80  }
0x143: {  	[bflag:$0x0] =	sbarrier.arrive $0xFFFF  }
0x144: {  	[hbm:s14], [sflag:s25] =	dma.local [spmem:s26], $0x1900  }
0x145: {  	_ =	swait.ge [sflag:s18], $0x1900  }
0x146: {  	[sflag:s18] =	ssyncset.done $0x0  }
0x147: {  	[sflag:s18] =	ssyncadd.s32 $0xFFFFE700  }
0x148: {  	[bflag:$0x0] =	sbarrier.arrive $0xFFFF  }
0x149: {  	[spmem:s8] =	stream.linear.scatter [tilespmem:s22], [sflag:$0x1], $0x3200, $0x38;
	[tilespmem:$0x19D08] =	vst v63  }
0x14a: {  	_ =	swait.ge [sflag:s18], $0x3200  }
0x14b: {  	[sflag:s18] =	ssyncset.done $0x0  }
0x14c: {  	[sflag:s18] =	ssyncadd.s32 $0xFFFFCE00  }
0x14d: {  	[spmem:s9] =	stream.linear.scatter [tilespmem:s22], [sflag:$0x1], $0x3200, $0x38;
	[tilespmem:$0x19D08] =	vst v63  }
0x14e: {  	_ =	swait.ge [sflag:s18], $0x3200  }
0x14f: {  	[sflag:s18] =	ssyncset.done $0x0  }
0x150: {  	[sflag:s18] =	ssyncadd.s32 $0xFFFFCE00  }
0x151: {  	[spmem:s10] =	stream.linear.scatter [tilespmem:s22], [sflag:$0x1], $0x3200, $0x38;
	[tilespmem:$0x19D08] =	vst v63  }
0x152: {  	_ =	swait.ge [sflag:s18], $0x3200  }
0x153: {  	[sflag:s18] =	ssyncset.done $0x0  }
0x154: {  	[sflag:s18] =	ssyncadd.s32 $0xFFFFCE00  }
0x155: {  	[spmem:s11] =	stream.linear.scatter [tilespmem:s22], [sflag:$0x1], $0x3200, $0x38;
	[tilespmem:$0x19D08] =	vst v63  }
0x156: {  	_ =	swait.ge [sflag:s18], $0x3200  }
0x157: {  	[sflag:s18] =	ssyncset.done $0x0  }
0x158: {  	s0 =	simm.s32 @!p0 $0xA080;
	[sflag:s18] =	ssyncadd.s32 $0xFFFFCE00  }
0x159: {  	[spmem:s12] =	stream.linear.scatter @!p0 [tilespmem:s0], [sflag:$0x1], $0x80, $0x38;
	[tilespmem:$0x19D08] =	vst v63  }
0x15a: {  	s0 =	simm.s32 @!p0 $0x1  }
0x15b: {  	_ =	swait.ge @!p0 [sflag:s0], $0x80  }
0x15c: {  	[sflag:s0] =	ssyncset.done @!p0 $0x0  }
0x15d: {  	[sflag:s0] =	ssyncadd.s32 @!p0 $0xFFFFFF80  }
0x15e: {  	s30 =	simm.s32 $0x0;
	[bflag:$0x0] =	sbarrier.arrive $0xFFFF  }
0x15f: {  	v14 =	vld [tilespmem:s30+$0x7810]  }
0x160: {  	v15 =	vld [tilespmem:s30+$0x2840]  }
0x161: {  	s31 =	simm.s32 $0x600;
	s29 =	simm.s32 $0x200;
	s28 =	simm.s32 $0x400;
	v16 =	vld [tilespmem:s30+$0x2810]  }
.LBB2_10:
0x162: {  	p1 =	sne.s32 s31, $0x9E00;
	v17 =	vld [tilespmem:s30+$0x2870];
	s0 =	smov.u32 s31;
	s31 =	sadd.s32 $0x200, s31  }
0x163: {  	v18 =	vld [tilespmem:s30+$0x7840]  }
0x164: {  	v19 =	vld [tilespmem:s30+$0x2820]  }
0x165: {  	v20 =	vld [tilespmem:s30+$0x2800]  }
0x166: {  	v15 =	vsub.s32 v15, v2;
	v16 =	vsub.s32 v16, v2;
	v21 =	vld [tilespmem:s30+$0x2860]  }
0x167: {  	vm0 =	vlt.u32 v15, $0x500;
	v15 =	vmul.u32 $0x280, v15;
	v22 =	vmul.u32 $0x280, v16;
	v23 =	vld [tilespmem:s30+$0x7870]  }
0x168: {  	vm1 =	vlt.u32 v16, $0x500;
	v17 =	vsub.s32 v17, v2;
	v16 =	vld [tilespmem:s30+$0x2850]  }
0x169: {  	v15 =	vadd.s32 v18, v15;
	vm2 =	vlt.u32 v17, $0x500;
	v14 =	vadd.s32 v14, v22;
	v22 =	vld [tilespmem:s30+$0x7820]  }
0x16a: {  	v17 =	vmul.u32 $0x280, v17;
	v15 =	vsel vm0, v15, v10;
	v14 =	vsel vm1, v14, v7;
	v18 =	vld [tilespmem:s30+$0x2830]  }
0x16b: {  	v19 =	vsub.s32 v19, v2;
	v20 =	vsub.s32 v20, v2;
	v24 =	vld [tilespmem:s30+$0x7860];
	v21 =	vsub.s32 v21, v2  }
0x16c: {  	v25 =	vmul.u32 $0x280, v19;
	[tilespmem:s30+$0x5040] =	vst v15;
	v15 =	vld [tilespmem:s30+$0x7850];
	vm0 =	vlt.u32 v21, $0x500;
	v17 =	vadd.s32 v23, v17  }
0x16d: {  	vm1 =	vlt.u32 v19, $0x500;
	v23 =	vld [tilespmem:s30+$0x7800];
	v16 =	vsub.s32 v16, v2;
	v17 =	vsel vm2, v17, v13  }
0x16e: {  	v21 =	vmul.u32 $0x280, v21;
	vm2 =	vlt.u32 v20, $0x500;
	v19 =	vadd.s32 v22, v25;
	v22 =	vld [tilespmem:s30+$0x7830]  }
0x16f: {  	v25 =	vmul.u32 $0x280, v16;
	v19 =	vsel vm1, v19, v8;
	v18 =	vsub.s32 v18, v2;
	[tilespmem:s30+$0x5070] =	vst v17  }
0x170: {  	v17 =	vmul.u32 $0x280, v20;
	vm1 =	vlt.u32 v16, $0x500;
	[tilespmem:s30+$0x5020] =	vst v19;
	v16 =	vadd.s32 v24, v21  }
0x171: {  	[tilespmem:s30+$0x5010] =	vst v14;
	v14 =	vmul.u32 $0x280, v18;
	v15 =	vadd.s32 v15, v25;
	v16 =	vsel vm0, v16, v12  }
0x172: {  	v17 =	vadd.s32 v23, v17;
	v15 =	vsel vm1, v15, v11;
	[tilespmem:s30+$0x5060] =	vst v16  }
0x173: {  	vm0 =	vlt.u32 v18, $0x500;
	v16 =	vsel vm2, v17, v6;
	v14 =	vadd.s32 v22, v14;
	[tilespmem:s30+$0x5050] =	vst v15  }
0x174: {  	[tilespmem:s30+$0x5000] =	vst v16;
	v14 =	vsel vm0, v14, v9  }
0x175: {  	s19 =	sadd.s32 $0x5000, s30;
	[tilespmem:s30+$0x5030] =	vst v14  }
0x176: {  	[spmem:s2] =	stream.indirect.scatter.add.f32 [tilespmem:s23], [sflag:$0x1], $0x1, s19, s21, $0xb8;
	[tilespmem:$0x19D08] =	vst v63  }
0x177: {  	_ =	swait.ge [sflag:s18], $0x80  }
.Ltmp4:
0x178: {  	[sflag:s18] =	ssyncset.done $0x0;
	(pc) =	sbr.rel @p1 .LBB2_10-.Ltmp4, $4  }
0x179: {  	s30 =	sshra.s32 s29, $0x2;
	s29 =	smov.u32 s28;
	[sflag:s18] =	ssyncadd.s32 $0xFFFFFF80  }
0x17a: {  	s28 =	smov.u32 s0;
	v14 =	vld [tilespmem:s30+$0x7810]  }
0x17b: {  	v15 =	vld [tilespmem:s30+$0x2840]  }
0x17c: {  	v16 =	vld [tilespmem:s30+$0x2810]  }
0x17d: {  	v17 =	vld [tilespmem:s30+$0x2870]  }
0x17e: {  	v18 =	vld [tilespmem:s30+$0x7840]  }
0x17f: {  	v19 =	vld [tilespmem:s30+$0x2820]  }
0x180: {  	v21 =	vld [tilespmem:s30+$0x2860];
	_ =	sdelay $0x1  }
0x181: {  	v25 =	vld [tilespmem:s30+$0x2850];
	v15 =	vsub.s32 v15, v2  }
0x182: {  	v20 =	vld [tilespmem:s30+$0x2800];
	v16 =	vsub.s32 v16, v2;
	v24 =	vmul.u32 $0x280, v15;
	vm0 =	vlt.u32 v15, $0x500  }
0x183: {  	v22 =	vld [tilespmem:s30+$0x7870];
	v23 =	vmul.u32 $0x280, v16;
	vm1 =	vlt.u32 v16, $0x500;
	v16 =	vsub.s32 v17, v2  }
0x184: {  	v41 =	vld [tilespmem:s30+$0x7850];
	v19 =	vsub.s32 v19, v2;
	v21 =	vsub.s32 v21, v2;
	v17 =	vadd.s32 v18, v24  }
0x185: {  	v15 =	vld [tilespmem:s30+$0x7820];
	vm2 =	vlt.u32 v16, $0x500;
	v16 =	vmul.u32 $0x280, v16;
	v40 =	vmul.u32 $0x280, v19  }
0x186: {  	v18 =	vld [tilespmem:s30+$0x2830];
	vm7 =	vlt.u32 v21, $0x500;
	vm8 =	vlt.u32 v19, $0x500;
	v19 =	vsub.s32 v25, v2  }
0x187: {  	v39 =	vld [tilespmem:s30+$0x7860];
	v21 =	vmul.u32 $0x280, v21;
	v14 =	vadd.s32 v14, v23;
	v17 =	vsel vm0, v17, v10  }
0x188: {  	v42 =	vld [tilespmem:s30+$0x7800];
	v25 =	vmul.u32 $0x280, v19;
	vm9 =	vlt.u32 v19, $0x500;
	v16 =	vadd.s32 v22, v16  }
0x189: {  	v43 =	vld [tilespmem:s30+$0x7830];
	v14 =	vsel vm1, v14, v7;
	[tilespmem:s30+$0x5040] =	vst v17;
	v17 =	vsub.s32 v20, v2;
	v16 =	vsel vm2, v16, v13  }
0x18a: {  	v15 =	vadd.s32 v15, v40;
	[tilespmem:s30+$0x5010] =	vst v14;
	v19 =	vadd.s32 v41, v25;
	vm10 =	vlt.u32 v17, $0x500  }
0x18b: {  	v15 =	vsel vm8, v15, v8;
	[tilespmem:s30+$0x5070] =	vst v16;
	v16 =	vmul.u32 $0x280, v17;
	v18 =	vsub.s32 v18, v2  }
0x18c: {  	v17 =	vsel vm9, v19, v11;
	[tilespmem:s30+$0x5020] =	vst v15;
	v15 =	vadd.s32 v39, v21;
	v14 =	vmul.u32 $0x280, v18  }
0x18d: {  	[tilespmem:s30+$0x5050] =	vst v17;
	v15 =	vsel vm7, v15, v12;
	v16 =	vadd.s32 v42, v16  }
0x18e: {  	vm11 =	vlt.u32 v18, $0x500;
	[tilespmem:s30+$0x5060] =	vst v15;
	v15 =	vsel vm10, v16, v6;
	v14 =	vadd.s32 v43, v14  }
0x18f: {  	[tilespmem:s30+$0x5000] =	vst v15;
	v14 =	vsel vm11, v14, v9  }
0x190: {  	s0 =	sadd.s32 $0x5000, s30;
	[tilespmem:s30+$0x5030] =	vst v14  }
0x191: {  	[spmem:s2] =	stream.indirect.scatter.add.f32 [tilespmem:s23], [sflag:$0x1], $0x1, s0, s21, $0xb8;
	[tilespmem:$0x19D08] =	vst v63  }
0x192: {  	_ =	swait.ge [sflag:s18], $0x80  }
0x193: {  	[sflag:s18] =	ssyncset.done $0x0  }
0x194: {  	s0 =	sshra.s32 s29, $0x2;
	[sflag:s18] =	ssyncadd.s32 $0xFFFFFF80  }
0x195: {  	v15 =	vld [tilespmem:s0+$0x2840]  }
0x196: {  	v16 =	vld [tilespmem:s0+$0x2810]  }
0x197: {  	v19 =	vld [tilespmem:s0+$0x2820]  }
0x198: {  	v44 =	vld [tilespmem:s0+$0x2800]  }
0x199: {  	v45 =	vld [tilespmem:s0+$0x2860]  }
0x19a: {  	v49 =	vld [tilespmem:s0+$0x2830]  }
0x19b: {  	v17 =	vld [tilespmem:s0+$0x2870];
	_ =	sdelay $0x1  }
0x19c: {  	v14 =	vld [tilespmem:s0+$0x7810];
	v16 =	vsub.s32 v16, v2  }
0x19d: {  	v18 =	vld [tilespmem:s0+$0x7840];
	v15 =	vsub.s32 v15, v2;
	v20 =	vsub.s32 v44, v2;
	v19 =	vsub.s32 v19, v2  }
0x19e: {  	v48 =	vld [tilespmem:s0+$0x7870];
	v21 =	vsub.s32 v45, v2;
	v22 =	vsub.s32 v49, v2;
	v46 =	vmul.u32 $0x280, v16  }
0x19f: {  	v47 =	vmul.u32 $0x280, v15;
	vm13 =	vlt.u32 v16, $0x500;
	v16 =	vsub.s32 v17, v2;
	v17 =	vld [tilespmem:s0+$0x7820]  }
0x1a0: {  	vm12 =	vlt.u32 v15, $0x500;
	v15 =	vld [tilespmem:s0+$0x2850];
	v51 =	vmul.u32 $0x280, v19;
	vm15 =	vlt.u32 v21, $0x500  }
0x1a1: {  	v50 =	vld [tilespmem:s0+$0x7860];
	vm4 =	vlt.u32 v19, $0x500;
	vm14 =	vlt.u32 v16, $0x500;
	v16 =	vmul.u32 $0x280, v16  }
0x1a2: {  	v19 =	vld [tilespmem:s0+$0x7800];
	v21 =	vmul.u32 $0x280, v21;
	vm6 =	vlt.u32 v20, $0x500;
	v18 =	vadd.s32 v18, v47  }
0x1a3: {  	v52 =	vld [tilespmem:s0+$0x7850];
	v14 =	vadd.s32 v14, v46;
	v18 =	vsel vm12, v18, v10;
	v16 =	vadd.s32 v48, v16  }
0x1a4: {  	v14 =	vsel vm13, v14, v7;
	[tilespmem:s0+$0x5040] =	vst v18;
	v16 =	vsel vm14, v16, v13;
	v18 =	vld [tilespmem:s0+$0x7830];
	v17 =	vadd.s32 v17, v51  }
0x1a5: {  	v15 =	vsub.s32 v15, v2;
	[tilespmem:s0+$0x5070] =	vst v16;
	v16 =	vmul.u32 $0x280, v20;
	v17 =	vsel vm4, v17, v8  }
0x1a6: {  	[tilespmem:s0+$0x5010] =	vst v14;
	v53 =	vmul.u32 $0x280, v15;
	vm5 =	vlt.u32 v15, $0x500;
	v15 =	vadd.s32 v50, v21  }
0x1a7: {  	v14 =	vmul.u32 $0x280, v22;
	[tilespmem:s0+$0x5020] =	vst v17;
	v15 =	vsel vm15, v15, v12;
	v16 =	vadd.s32 v19, v16  }
0x1a8: {  	v17 =	vadd.s32 v52, v53;
	[tilespmem:s0+$0x5060] =	vst v15;
	v15 =	vsel vm6, v16, v6  }
0x1a9: {  	vm7 =	vlt.u32 v22, $0x500;
	v17 =	vsel vm5, v17, v11;
	v14 =	vadd.s32 v18, v14;
	[tilespmem:s0+$0x5000] =	vst v15  }
0x1aa: {  	[tilespmem:s0+$0x5050] =	vst v17;
	v14 =	vsel vm7, v14, v9  }
0x1ab: {  	s19 =	sadd.s32 $0x5000, s0;
	[tilespmem:s0+$0x5030] =	vst v14  }
0x1ac: {  	[spmem:s2] =	stream.indirect.scatter.add.f32 [tilespmem:s23], [sflag:$0x1], $0x1, s19, s21, $0xb8;
	[tilespmem:$0x19D08] =	vst v63  }
0x1ad: {  	_ =	swait.ge [sflag:s18], $0x80  }
0x1ae: {  	[sflag:s18] =	ssyncset.done $0x0  }
0x1af: {  	s0 =	sshra.s32 s28, $0x2;
	[sflag:s18] =	ssyncadd.s32 $0xFFFFFF80  }
0x1b0: {  	v15 =	vld [tilespmem:s0+$0x2840]  }
0x1b1: {  	v16 =	vld [tilespmem:s0+$0x2810]  }
0x1b2: {  	v19 =	vld [tilespmem:s0+$0x2820]  }
0x1b3: {  	v54 =	vld [tilespmem:s0+$0x2800]  }
0x1b4: {  	v55 =	vld [tilespmem:s0+$0x2860]  }
0x1b5: {  	v59 =	vld [tilespmem:s0+$0x2830]  }
0x1b6: {  	v17 =	vld [tilespmem:s0+$0x2870];
	_ =	sdelay $0x1  }
0x1b7: {  	v14 =	vld [tilespmem:s0+$0x7810];
	v16 =	vsub.s32 v16, v2  }
0x1b8: {  	v18 =	vld [tilespmem:s0+$0x7840];
	v15 =	vsub.s32 v15, v2;
	v20 =	vsub.s32 v54, v2;
	v19 =	vsub.s32 v19, v2  }
0x1b9: {  	v58 =	vld [tilespmem:s0+$0x7870];
	v21 =	vsub.s32 v55, v2;
	v22 =	vsub.s32 v59, v2;
	v56 =	vmul.u32 $0x280, v16  }
0x1ba: {  	v57 =	vmul.u32 $0x280, v15;
	vm9 =	vlt.u32 v16, $0x500;
	v16 =	vsub.s32 v17, v2;
	v17 =	vld [tilespmem:s0+$0x7820]  }
0x1bb: {  	vm8 =	vlt.u32 v15, $0x500;
	v15 =	vld [tilespmem:s0+$0x2850];
	v61 =	vmul.u32 $0x280, v19;
	vm11 =	vlt.u32 v21, $0x500  }
0x1bc: {  	v60 =	vld [tilespmem:s0+$0x7860];
	vm12 =	vlt.u32 v19, $0x500;
	vm10 =	vlt.u32 v16, $0x500;
	v16 =	vmul.u32 $0x280, v16  }
0x1bd: {  	v19 =	vld [tilespmem:s0+$0x7800];
	v21 =	vmul.u32 $0x280, v21;
	vm14 =	vlt.u32 v20, $0x500;
	v18 =	vadd.s32 v18, v57  }
0x1be: {  	v62 =	vld [tilespmem:s0+$0x7850];
	v14 =	vadd.s32 v14, v56;
	v18 =	vsel vm8, v18, v10;
	v16 =	vadd.s32 v58, v16  }
0x1bf: {  	v14 =	vsel vm9, v14, v7;
	[tilespmem:s0+$0x5040] =	vst v18;
	v16 =	vsel vm10, v16, v13;
	v18 =	vld [tilespmem:s0+$0x7830];
	v17 =	vadd.s32 v17, v61  }
0x1c0: {  	v15 =	vsub.s32 v15, v2;
	[tilespmem:s0+$0x5070] =	vst v16;
	v16 =	vmul.u32 $0x280, v20;
	v17 =	vsel vm12, v17, v8  }
0x1c1: {  	[tilespmem:s0+$0x5010] =	vst v14;
	v63 =	vmul.u32 $0x280, v15;
	vm13 =	vlt.u32 v15, $0x500;
	v15 =	vadd.s32 v60, v21  }
0x1c2: {  	v14 =	vmul.u32 $0x280, v22;
	[tilespmem:s0+$0x5020] =	vst v17;
	v15 =	vsel vm11, v15, v12;
	v16 =	vadd.s32 v19, v16  }
0x1c3: {  	v17 =	vadd.s32 v62, v63;
	[tilespmem:s0+$0x5060] =	vst v15;
	v15 =	vsel vm14, v16, v6  }
0x1c4: {  	vm15 =	vlt.u32 v22, $0x500;
	v17 =	vsel vm13, v17, v11;
	v14 =	vadd.s32 v18, v14;
	[tilespmem:s0+$0x5000] =	vst v15  }
0x1c5: {  	[tilespmem:s0+$0x5050] =	vst v17;
	v14 =	vsel vm15, v14, v9  }
0x1c6: {  	s19 =	sadd.s32 $0x5000, s0;
	[tilespmem:s0+$0x5030] =	vst v14  }
0x1c7: {  	[spmem:s2] =	stream.indirect.scatter.add.f32 [tilespmem:s23], [sflag:$0x1], $0x1, s19, s21, $0xb8;
	[tilespmem:$0x19D08] =	vst v63  }
0x1c8: {  	_ =	swait.ge [sflag:s18], $0x80  }
0x1c9: {  	[sflag:s18] =	ssyncset.done $0x0  }
0x1ca: {  	[sflag:s18] =	ssyncadd.s32 $0xFFFFFF80  }
0x1cb: {  	[bflag:$0x0] =	sbarrier.arrive $0xFFFF  }
0x1cc: {  	[hbm:s15], [sflag:s25] =	dma.local [spmem:s26], $0x1900  }
0x1cd: {  	_ =	swait.ge [sflag:s18], $0x1900  }
0x1ce: {  	[sflag:s18] =	ssyncset.done $0x0  }
0x1cf: {  	[sflag:s18] =	ssyncadd.s32 $0xFFFFE700  }
0x1d0: {  	[bflag:$0x0] =	sbarrier.arrive $0xFFFF  }
0x1d1: {  	[spmem:s8] =	stream.linear.scatter [tilespmem:s22], [sflag:$0x1], $0x3200, $0x38;
	[tilespmem:$0x19D08] =	vst v63  }
0x1d2: {  	_ =	swait.ge [sflag:s18], $0x3200  }
0x1d3: {  	[sflag:s18] =	ssyncset.done $0x0  }
0x1d4: {  	[sflag:s18] =	ssyncadd.s32 $0xFFFFCE00  }
0x1d5: {  	[spmem:s9] =	stream.linear.scatter [tilespmem:s22], [sflag:$0x1], $0x3200, $0x38;
	[tilespmem:$0x19D08] =	vst v63  }
0x1d6: {  	_ =	swait.ge [sflag:s18], $0x3200  }
0x1d7: {  	[sflag:s18] =	ssyncset.done $0x0  }
0x1d8: {  	[sflag:s18] =	ssyncadd.s32 $0xFFFFCE00  }
0x1d9: {  	[spmem:s10] =	stream.linear.scatter [tilespmem:s22], [sflag:$0x1], $0x3200, $0x38;
	[tilespmem:$0x19D08] =	vst v63  }
0x1da: {  	_ =	swait.ge [sflag:s18], $0x3200  }
0x1db: {  	[sflag:s18] =	ssyncset.done $0x0  }
0x1dc: {  	[sflag:s18] =	ssyncadd.s32 $0xFFFFCE00  }
0x1dd: {  	[spmem:s11] =	stream.linear.scatter [tilespmem:s22], [sflag:$0x1], $0x3200, $0x38;
	[tilespmem:$0x19D08] =	vst v63  }
0x1de: {  	_ =	swait.ge [sflag:s18], $0x3200  }
0x1df: {  	[sflag:s18] =	ssyncset.done $0x0  }
0x1e0: {  	s0 =	simm.s32 @!p0 $0xA080;
	[sflag:s18] =	ssyncadd.s32 $0xFFFFCE00  }
0x1e1: {  	[spmem:s12] =	stream.linear.scatter @!p0 [tilespmem:s0], [sflag:$0x1], $0x80, $0x38;
	[tilespmem:$0x19D08] =	vst v63  }
0x1e2: {  	s0 =	simm.s32 @!p0 $0x1  }
0x1e3: {  	_ =	swait.ge @!p0 [sflag:s0], $0x80  }
0x1e4: {  	[sflag:s0] =	ssyncset.done @!p0 $0x0  }
0x1e5: {  	[sflag:s0] =	ssyncadd.s32 @!p0 $0xFFFFFF80  }
0x1e6: {  	s30 =	simm.s32 $0x0;
	[bflag:$0x0] =	sbarrier.arrive $0xFFFF  }
0x1e7: {  	v14 =	vld [tilespmem:s30+$0x7810]  }
0x1e8: {  	v15 =	vld [tilespmem:s30+$0x2840]  }
0x1e9: {  	s31 =	simm.s32 $0x600;
	s29 =	simm.s32 $0x200;
	s28 =	simm.s32 $0x400;
	v16 =	vld [tilespmem:s30+$0x2810]  }
.LBB2_12:
0x1ea: {  	p1 =	sne.s32 s31, $0x9E00;
	v17 =	vld [tilespmem:s30+$0x2870];
	s0 =	smov.u32 s31;
	s31 =	sadd.s32 $0x200, s31  }
0x1eb: {  	v18 =	vld [tilespmem:s30+$0x7840]  }
0x1ec: {  	v19 =	vld [tilespmem:s30+$0x2820]  }
0x1ed: {  	v20 =	vld [tilespmem:s30+$0x2800]  }
0x1ee: {  	v15 =	vsub.s32 v15, v3;
	v16 =	vsub.s32 v16, v3;
	v21 =	vld [tilespmem:s30+$0x2860]  }
0x1ef: {  	vm0 =	vlt.u32 v15, $0x500;
	v15 =	vmul.u32 $0x280, v15;
	v22 =	vmul.u32 $0x280, v16;
	v23 =	vld [tilespmem:s30+$0x7870]  }
0x1f0: {  	vm1 =	vlt.u32 v16, $0x500;
	v17 =	vsub.s32 v17, v3;
	v16 =	vld [tilespmem:s30+$0x2850]  }
0x1f1: {  	v15 =	vadd.s32 v18, v15;
	vm2 =	vlt.u32 v17, $0x500;
	v14 =	vadd.s32 v14, v22;
	v22 =	vld [tilespmem:s30+$0x7820]  }
0x1f2: {  	v17 =	vmul.u32 $0x280, v17;
	v15 =	vsel vm0, v15, v10;
	v14 =	vsel vm1, v14, v7;
	v18 =	vld [tilespmem:s30+$0x2830]  }
0x1f3: {  	v19 =	vsub.s32 v19, v3;
	v20 =	vsub.s32 v20, v3;
	v24 =	vld [tilespmem:s30+$0x7860];
	v21 =	vsub.s32 v21, v3  }
0x1f4: {  	v25 =	vmul.u32 $0x280, v19;
	[tilespmem:s30+$0x5040] =	vst v15;
	v15 =	vld [tilespmem:s30+$0x7850];
	vm0 =	vlt.u32 v21, $0x500;
	v17 =	vadd.s32 v23, v17  }
0x1f5: {  	vm1 =	vlt.u32 v19, $0x500;
	v23 =	vld [tilespmem:s30+$0x7800];
	v16 =	vsub.s32 v16, v3;
	v17 =	vsel vm2, v17, v13  }
0x1f6: {  	v21 =	vmul.u32 $0x280, v21;
	vm2 =	vlt.u32 v20, $0x500;
	v19 =	vadd.s32 v22, v25;
	v22 =	vld [tilespmem:s30+$0x7830]  }
0x1f7: {  	v25 =	vmul.u32 $0x280, v16;
	v19 =	vsel vm1, v19, v8;
	v18 =	vsub.s32 v18, v3;
	[tilespmem:s30+$0x5070] =	vst v17  }
0x1f8: {  	v17 =	vmul.u32 $0x280, v20;
	vm1 =	vlt.u32 v16, $0x500;
	[tilespmem:s30+$0x5020] =	vst v19;
	v16 =	vadd.s32 v24, v21  }
0x1f9: {  	[tilespmem:s30+$0x5010] =	vst v14;
	v14 =	vmul.u32 $0x280, v18;
	v15 =	vadd.s32 v15, v25;
	v16 =	vsel vm0, v16, v12  }
0x1fa: {  	v17 =	vadd.s32 v23, v17;
	v15 =	vsel vm1, v15, v11;
	[tilespmem:s30+$0x5060] =	vst v16  }
0x1fb: {  	vm0 =	vlt.u32 v18, $0x500;
	v16 =	vsel vm2, v17, v6;
	v14 =	vadd.s32 v22, v14;
	[tilespmem:s30+$0x5050] =	vst v15  }
0x1fc: {  	[tilespmem:s30+$0x5000] =	vst v16;
	v14 =	vsel vm0, v14, v9  }
0x1fd: {  	s19 =	sadd.s32 $0x5000, s30;
	[tilespmem:s30+$0x5030] =	vst v14  }
0x1fe: {  	[spmem:s2] =	stream.indirect.scatter.add.f32 [tilespmem:s23], [sflag:$0x1], $0x1, s19, s21, $0xb8;
	[tilespmem:$0x19D08] =	vst v63  }
0x1ff: {  	_ =	swait.ge [sflag:s18], $0x80  }
.Ltmp5:
0x200: {  	[sflag:s18] =	ssyncset.done $0x0;
	(pc) =	sbr.rel @p1 .LBB2_12-.Ltmp5, $4  }
0x201: {  	s30 =	sshra.s32 s29, $0x2;
	s29 =	smov.u32 s28;
	[sflag:s18] =	ssyncadd.s32 $0xFFFFFF80  }
0x202: {  	s28 =	smov.u32 s0;
	v14 =	vld [tilespmem:s30+$0x7810]  }
0x203: {  	v15 =	vld [tilespmem:s30+$0x2840]  }
0x204: {  	v16 =	vld [tilespmem:s30+$0x2810]  }
0x205: {  	v17 =	vld [tilespmem:s30+$0x2870]  }
0x206: {  	v18 =	vld [tilespmem:s30+$0x7840]  }
0x207: {  	v19 =	vld [tilespmem:s30+$0x2820]  }
0x208: {  	v20 =	vld [tilespmem:s30+$0x2800]  }
0x209: {  	v21 =	vld [tilespmem:s30+$0x2860]  }
0x20a: {  	v25 =	vld [tilespmem:s30+$0x2850]  }
0x20b: {  	v15 =	vsub.s32 v15, v3  }
0x20c: {  	v16 =	vsub.s32 v16, v3;
	v24 =	vmul.u32 $0x280, v15  }
0x20d: {  	v49 =	vld [tilespmem:s30+$0x2830];
	vm0 =	vlt.u32 v15, $0x500;
	v23 =	vmul.u32 $0x280, v16;
	vm1 =	vlt.u32 v16, $0x500  }
0x20e: {  	v22 =	vld [tilespmem:s30+$0x7870];
	v47 =	vsub.s32 v17, v3;
	v19 =	vsub.s32 v19, v3;
	v21 =	vsub.s32 v21, v3  }
0x20f: {  	v15 =	vld [tilespmem:s30+$0x7820];
	v51 =	vsub.s32 v20, v3;
	v55 =	vsub.s32 v25, v3;
	v48 =	vadd.s32 v18, v24  }
0x210: {  	v53 =	vld [tilespmem:s30+$0x7850];
	vm2 =	vlt.u32 v47, $0x500;
	v16 =	vmul.u32 $0x280, v47;
	v52 =	vmul.u32 $0x280, v19  }
0x211: {  	v50 =	vld [tilespmem:s30+$0x7860];
	vm7 =	vlt.u32 v21, $0x500;
	vm8 =	vlt.u32 v19, $0x500;
	v21 =	vmul.u32 $0x280, v21  }
0x212: {  	v56 =	vld [tilespmem:s30+$0x7830];
	v18 =	vsub.s32 v49, v3;
	v14 =	vadd.s32 v14, v23;
	v17 =	vsel vm0, v48, v10  }
0x213: {  	v54 =	vld [tilespmem:s30+$0x7800];
	v25 =	vmul.u32 $0x280, v55;
	v14 =	vsel vm1, v14, v7;
	[tilespmem:s30+$0x5040] =	vst v17;
	v16 =	vadd.s32 v22, v16  }
0x214: {  	vm9 =	vlt.u32 v55, $0x500;
	v16 =	vsel vm2, v16, v13;
	v15 =	vadd.s32 v15, v52;
	[tilespmem:s30+$0x5010] =	vst v14  }
0x215: {  	v58 =	vadd.s32 v53, v25;
	v14 =	vmul.u32 $0x280, v18;
	v15 =	vsel vm8, v15, v8;
	[tilespmem:s30+$0x5070] =	vst v16  }
0x216: {  	v57 =	vmul.u32 $0x280, v51;
	v59 =	vsel vm9, v58, v11;
	[tilespmem:s30+$0x5020] =	vst v15;
	v15 =	vadd.s32 v50, v21  }
0x217: {  	vm11 =	vlt.u32 v18, $0x500;
	[tilespmem:s30+$0x5050] =	vst v59;
	v14 =	vadd.s32 v56, v14;
	v15 =	vsel vm7, v15, v12  }
0x218: {  	vm10 =	vlt.u32 v51, $0x500;
	v16 =	vadd.s32 v54, v57;
	v14 =	vsel vm11, v14, v9;
	[tilespmem:s30+$0x5060] =	vst v15  }
0x219: {  	v15 =	vsel vm10, v16, v6;
	[tilespmem:s30+$0x5030] =	vst v14  }
0x21a: {  	s0 =	sadd.s32 $0x5000, s30;
	[tilespmem:s30+$0x5000] =	vst v15  }
0x21b: {  	[spmem:s2] =	stream.indirect.scatter.add.f32 [tilespmem:s23], [sflag:$0x1], $0x1, s0, s21, $0xb8;
	[tilespmem:$0x19D08] =	vst v63  }
0x21c: {  	_ =	swait.ge [sflag:s18], $0x80  }
0x21d: {  	[sflag:s18] =	ssyncset.done $0x0  }
0x21e: {  	s29 =	sshra.s32 s29, $0x2;
	[sflag:s18] =	ssyncadd.s32 $0xFFFFFF80  }
0x21f: {  	v15 =	vld [tilespmem:s29+$0x2840]  }
0x220: {  	v60 =	vld [tilespmem:s29+$0x2810]  }
0x221: {  	v61 =	vld [tilespmem:s29+$0x2870]  }
0x222: {  	v63 =	vld [tilespmem:s29+$0x2820]  }
0x223: {  	v28 =	vld [tilespmem:s29+$0x2800]  }
0x224: {  	v29 =	vld [tilespmem:s29+$0x2860]  }
0x225: {  	v35 =	vld [tilespmem:s29+$0x2830];
	_ =	sdelay $0x2  }
0x226: {  	v14 =	vld [tilespmem:s29+$0x7810];
	v16 =	vsub.s32 v60, v3  }
0x227: {  	v62 =	vld [tilespmem:s29+$0x7840];
	v15 =	vsub.s32 v15, v3;
	v33 =	vsub.s32 v61, v3;
	v20 =	vsub.s32 v28, v3  }
0x228: {  	v32 =	vld [tilespmem:s29+$0x7870];
	v19 =	vsub.s32 v63, v3;
	v21 =	vsub.s32 v29, v3;
	v22 =	vsub.s32 v35, v3  }
0x229: {  	v34 =	vld [tilespmem:s29+$0x7820];
	v30 =	vmul.u32 $0x280, v16;
	v31 =	vmul.u32 $0x280, v15;
	vm12 =	vlt.u32 v15, $0x500  }
0x22a: {  	vm13 =	vlt.u32 v16, $0x500;
	v15 =	vld [tilespmem:s29+$0x2850];
	vm14 =	vlt.u32 v33, $0x500;
	v16 =	vmul.u32 $0x280, v33  }
0x22b: {  	v36 =	vld [tilespmem:s29+$0x7860];
	v37 =	vmul.u32 $0x280, v19;
	vm15 =	vlt.u32 v21, $0x500;
	vm4 =	vlt.u32 v19, $0x500  }
0x22c: {  	v40 =	vld [tilespmem:s29+$0x7830];
	v21 =	vmul.u32 $0x280, v21;
	v42 =	vmul.u32 $0x280, v20;
	v18 =	vadd.s32 v62, v31  }
0x22d: {  	v39 =	vld [tilespmem:s29+$0x7800];
	v14 =	vadd.s32 v14, v30;
	v16 =	vadd.s32 v32, v16;
	v18 =	vsel vm12, v18, v10  }
0x22e: {  	v38 =	vld [tilespmem:s29+$0x7850];
	v17 =	vadd.s32 v34, v37;
	v14 =	vsel vm13, v14, v7;
	v16 =	vsel vm14, v16, v13;
	[tilespmem:s29+$0x5040] =	vst v18  }
0x22f: {  	v17 =	vsel vm4, v17, v8;
	[tilespmem:s29+$0x5010] =	vst v14;
	v14 =	vmul.u32 $0x280, v22;
	v15 =	vsub.s32 v15, v3  }
0x230: {  	[tilespmem:s29+$0x5070] =	vst v16;
	v41 =	vmul.u32 $0x280, v15;
	vm5 =	vlt.u32 v15, $0x500;
	v15 =	vadd.s32 v36, v21  }
0x231: {  	vm7 =	vlt.u32 v22, $0x500;
	[tilespmem:s29+$0x5020] =	vst v17;
	v14 =	vadd.s32 v40, v14;
	v15 =	vsel vm15, v15, v12  }
0x232: {  	vm6 =	vlt.u32 v20, $0x500;
	v16 =	vadd.s32 v39, v42;
	v14 =	vsel vm7, v14, v9;
	[tilespmem:s29+$0x5060] =	vst v15  }
0x233: {  	v43 =	vadd.s32 v38, v41;
	v15 =	vsel vm6, v16, v6;
	[tilespmem:s29+$0x5030] =	vst v14  }
0x234: {  	v17 =	vsel vm5, v43, v11;
	[tilespmem:s29+$0x5000] =	vst v15  }
0x235: {  	s19 =	sadd.s32 $0x5000, s29;
	[tilespmem:s29+$0x5050] =	vst v17  }
0x236: {  	[spmem:s2] =	stream.indirect.scatter.add.f32 [tilespmem:s23], [sflag:$0x1], $0x1, s19, s21, $0xb8;
	[tilespmem:$0x19D08] =	vst v63  }
0x237: {  	_ =	swait.ge [sflag:s18], $0x80  }
0x238: {  	[sflag:s18] =	ssyncset.done $0x0  }
0x239: {  	s30 =	sshra.s32 s28, $0x2;
	[sflag:s18] =	ssyncadd.s32 $0xFFFFFF80  }
0x23a: {  	v15 =	vld [tilespmem:s30+$0x2840]  }
0x23b: {  	v44 =	vld [tilespmem:s30+$0x2810]  }
0x23c: {  	v45 =	vld [tilespmem:s30+$0x2870]  }
0x23d: {  	v47 =	vld [tilespmem:s30+$0x2820]  }
0x23e: {  	v48 =	vld [tilespmem:s30+$0x2800]  }
0x23f: {  	v49 =	vld [tilespmem:s30+$0x2860]  }
0x240: {  	v55 =	vld [tilespmem:s30+$0x2830];
	_ =	sdelay $0x2  }
0x241: {  	v14 =	vld [tilespmem:s30+$0x7810];
	v16 =	vsub.s32 v44, v3  }
0x242: {  	v46 =	vld [tilespmem:s30+$0x7840];
	v15 =	vsub.s32 v15, v3;
	v53 =	vsub.s32 v45, v3;
	v20 =	vsub.s32 v48, v3  }
0x243: {  	v52 =	vld [tilespmem:s30+$0x7870];
	v19 =	vsub.s32 v47, v3;
	v21 =	vsub.s32 v49, v3;
	v22 =	vsub.s32 v55, v3  }
0x244: {  	v54 =	vld [tilespmem:s30+$0x7820];
	v50 =	vmul.u32 $0x280, v16;
	v51 =	vmul.u32 $0x280, v15;
	vm8 =	vlt.u32 v15, $0x500  }
0x245: {  	vm9 =	vlt.u32 v16, $0x500;
	v15 =	vld [tilespmem:s30+$0x2850];
	vm10 =	vlt.u32 v53, $0x500;
	v16 =	vmul.u32 $0x280, v53  }
0x246: {  	v56 =	vld [tilespmem:s30+$0x7860];
	v57 =	vmul.u32 $0x280, v19;
	vm11 =	vlt.u32 v21, $0x500;
	vm12 =	vlt.u32 v19, $0x500  }
0x247: {  	v60 =	vld [tilespmem:s30+$0x7830];
	v21 =	vmul.u32 $0x280, v21;
	v62 =	vmul.u32 $0x280, v20;
	v18 =	vadd.s32 v46, v51  }
0x248: {  	v59 =	vld [tilespmem:s30+$0x7800];
	v14 =	vadd.s32 v14, v50;
	v16 =	vadd.s32 v52, v16;
	v18 =	vsel vm8, v18, v10  }
0x249: {  	v58 =	vld [tilespmem:s30+$0x7850];
	v17 =	vadd.s32 v54, v57;
	v14 =	vsel vm9, v14, v7;
	v16 =	vsel vm10, v16, v13;
	[tilespmem:s30+$0x5040] =	vst v18  }
0x24a: {  	v17 =	vsel vm12, v17, v8;
	[tilespmem:s30+$0x5010] =	vst v14;
	v14 =	vmul.u32 $0x280, v22;
	v15 =	vsub.s32 v15, v3  }
0x24b: {  	[tilespmem:s30+$0x5070] =	vst v16;
	v61 =	vmul.u32 $0x280, v15;
	vm13 =	vlt.u32 v15, $0x500;
	v15 =	vadd.s32 v56, v21  }
0x24c: {  	vm15 =	vlt.u32 v22, $0x500;
	[tilespmem:s30+$0x5020] =	vst v17;
	v14 =	vadd.s32 v60, v14;
	v15 =	vsel vm11, v15, v12  }
0x24d: {  	vm14 =	vlt.u32 v20, $0x500;
	v16 =	vadd.s32 v59, v62;
	v14 =	vsel vm15, v14, v9;
	[tilespmem:s30+$0x5060] =	vst v15  }
0x24e: {  	v63 =	vadd.s32 v58, v61;
	v15 =	vsel vm14, v16, v6;
	[tilespmem:s30+$0x5030] =	vst v14  }
0x24f: {  	v17 =	vsel vm13, v63, v11;
	[tilespmem:s30+$0x5000] =	vst v15  }
0x250: {  	s31 =	sadd.s32 $0x5000, s30;
	[tilespmem:s30+$0x5050] =	vst v17  }
0x251: {  	[spmem:s2] =	stream.indirect.scatter.add.f32 [tilespmem:s23], [sflag:$0x1], $0x1, s31, s21, $0xb8;
	[tilespmem:$0x19D08] =	vst v63  }
0x252: {  	_ =	swait.ge [sflag:s18], $0x80  }
0x253: {  	[sflag:s18] =	ssyncset.done $0x0  }
0x254: {  	s24 =	sadd.s32 $0x1, s24;
	[sflag:s18] =	ssyncadd.s32 $0xFFFFFF80  }
0x255: {  	p1 =	sne.s32 s24, s17;
	[bflag:$0x0] =	sbarrier.arrive $0xFFFF  }
0x256: {  	[hbm:s16], [sflag:s25] =	dma.local [spmem:s26], $0x1900  }
.Ltmp6:
0x257: {  	_ =	swait.ge [sflag:s18], $0x1900;
	(pc) =	sbr.rel @p1 .LBB2_1-.Ltmp6, $3  }
0x258: {  	[sflag:s18] =	ssyncset.done $0x0  }
0x259: {  	[sflag:s18] =	ssyncadd.s32 $0xFFFFE700  }
0x25a: {  	[bflag:$0x0] =	sbarrier.arrive $0xFFFF;
	_ =	sdelay $0x1  }
0x25b: {  	_ =	sfence.sel $0x180000  }
0x25c: {  	[bflag:$0x0] =	sbarrier.arrive $0xFFFF  }
0x25d: {  	_ =	strace $0x9000005F  }
0x25e: {  	[bflag:$0x2] =	sbarrier.arrive $0xFFFF  }
0x25f: {  	s0 =	rddreg [dreg:$0x3]  }
0x260: {  	s0 =	sadd.s32 @!p0 $0x100000, s0  }
0x261: {  	[sflag:s0] =	ssyncadd.tile.s32 @!p0 $0x1;
	_ =	shalt  }
.Lfunc_end2:
_tile_overlayer_lowered:
.L_overlay_start_2:
0x262: {  	(tag) =	ssettag $0x2  }
0x263: {  	s0 =	rddreg [dreg:$0x0];
	s2 =	stileid.u32  }
0x264: {  	s1 =	rddreg [dreg:$0x1];
	p0 =	sne.s32 s2, $0x0  }
0x265: {  	s3 =	rddreg [dreg:$0x2];
	[bflag:$0x3] =	sbarrier.arrive $0xFFFF;
	s2 =	simm.s32 @!p0 $0x1C01  }
0x266: {  	[timem:s3], [sflag:s2] =	dma.local @!p0 [hbm:s0], s1  }
0x267: {  	s0 =	simm.s32 @!p0 $0x1  }
0x268: {  	_ =	swait.ge @!p0 [sflag:s0], s1  }
0x269: {  	s1 =	ssub.s32 @!p0 $0x0, s1;
	[sflag:s0] =	ssyncset.done @!p0 $0x0  }
0x26a: {  	[sflag:s0] =	ssyncadd.s32 @!p0 s1  }
0x26b: {  	[bflag:$0x3] =	sbarrier.arrive $0xFFFF  }
0x26c: {  	_ =	shalt  }

// kernel: scatter_offload_async_start.1
scs
__scs_entry_jumppad:
0x0: {  	(pc) =	sbr.rel $0x88, $3  }
0x1: {  	(tag) =	ssettag $0x0;
	lr =	simm.s32 $0x1  }
0x2: {  	[smem:$0x3F97] =	sst lr;
	_ =	strace $0xD0000000  }
0x3: {  	_ = 	snop  }
0x4: {  	_ = 	snop  }
0x5: {  	_ = 	snop  }
0x6: {  	_ = 	snop  }
0x7: {  	_ = 	snop  }
__scs_overlays_trampoline_lowered:
0x8: {  	[smem:$0x3FA6] =	sst s0  }
0x9: {  	[smem:$0x3FA7] =	sst s1  }
0xa: {  	[smem:$0x3FA8] =	sst s2  }
0xb: {  	[smem:$0x3FA9] =	sst s3  }
0xc: {  	[smem:$0x3FAA] =	sst s4  }
0xd: {  	[smem:$0x3FAB] =	sst s5  }
0xe: {  	[smem:$0x3FAC] =	sst s6  }
0xf: {  	[smem:$0x3FAD] =	sst s7  }
0x10: {  	[smem:$0x3FAE] =	sst s8  }
0x11: {  	[smem:$0x3FAF] =	sst s9;
	s0 =	simm.s32 @!p0 $0x0  }
0x12: {  	s1 =	sld [smem:$0x3F95];
	s0 =	simm.s32 @p0 $0x1  }
0x13: {  	[smem:$0x3FB0] =	sst s0;
	s0 =	simm.s32 @!p1 $0x0  }
0x14: {  	s2 =	sld [smem:$0x3F94];
	s0 =	simm.s32 @p1 $0x1  }
0x15: {  	[smem:$0x3FB1] =	sst s0;
	s0 =	simm.s32 @!p2 $0x0  }
0x16: {  	s3 =	sld [smem:$0x3FDB];
	s0 =	simm.s32 @p2 $0x1  }
0x17: {  	s4 =	simm.s32 $0x1BF5;
	[smem:$0x3FB3] =	sst s0  }
0x18: {  	s0 =	sld [smem:$0x3F96];
	_ =	swait.ge [sflag:s4], $0x0  }
0x19: {  	s7 =	sld [smem:$0x3F97]  }
0x1a: {  	s8 =	sadd.s32 $0xFFFFE003, lr  }
0x1b: {  	s9 =	sadd.s32 $0xFFFFFEF7, lr;
	s5 =	simm.s32 $0xFFFFFFFF;
	p2 =	slt.u32 s8, $0xFFFFF086  }
0x1c: {  	p1 =	slt.u32 s9, $0xF7A;
	s5 =	simm.s32 @!p2 $0x0  }
0x1d: {  	s5 =	simm.s32 @p1 $0x1;
	p0 =	seq.s32 s7, s2  }
0x1e: {  	s7 =	smul.u32 @!p0 $0xF7A, s2;
	p2 =	seq.s32 @!p0 s5, $0x0  }
0x1f: {  	s9 =	smul.u32 $0xF7A, s1;
	s8 =	simm.s32 @!p0 $0x1BF5;
	p2 =	por !p2, p0  }
0x20: {  	[sflag:s8] =	ssyncset.s32 @!p0 $0xFFFFF086;
	s6 =	sadd.s32 @!p0 s3, s7;
	s7 =	simm.s32 @!p0 $0x108  }
0x21: {  	s3 =	sadd.s32 s3, s9;
	s6 =	sadd.s32 @!p0 $0x88, s6;
	s7 =	simm.s32 @p2 $0x1082  }
0x22: {  	[simem:s7], [sflag:s8] =	dma.local @!p0 [hbm:s6], $0xF7A  }
0x23: {  	s9 =	sor.u32 $0xD0000000, s2;
	s6 =	simm.s32 $0x108;
	_ =	swait.ge @!p0 [sflag:s8], $0x0  }
0x24: {  	s3 =	sadd.s32 $0x88, s3;
	s6 =	simm.s32 @!p1 $0x1082;
	[sflag:s4] =	ssyncset.s32 $0xFFFFF086  }
0x25: {  	[simem:s6], [sflag:s4] =	dma.local [hbm:s3], $0xF7A  }
0x26: {  	[smem:$0x3F97] =	sst s1;
	(tag) =	ssettag s2;
	_ =	strace s9  }
0x27: {  	s1 =	sld [smem:$0x3FA7]  }
0x28: {  	s2 =	sld [smem:$0x3FA8]  }
0x29: {  	s4 =	sld [smem:$0x3FAA]  }
0x2a: {  	p0 =	seq.s32 s5, $0x0;
	s5 =	sld [smem:$0x3FAB]  }
0x2b: {  	s6 =	sld [smem:$0x3FAC]  }
0x2c: {  	s7 =	sld [smem:$0x3FAD]  }
0x2d: {  	s3 =	simm.s32 $0x108;
	s8 =	sld [smem:$0x3FAE]  }
0x2e: {  	s3 =	simm.s32 @!p0 $0x1082;
	s9 =	sld [smem:$0x3FAF]  }
0x2f: {  	lr =	sadd.s32 s0, s3;
	s0 =	sld [smem:$0x3FA6]  }
0x30: {  	s3 =	sld [smem:$0x3FA9]  }
0x31: {  	[smem:$0x3FB2] =	sst s10  }
0x32: {  	s10 =	sld [smem:$0x3FB0];
	_ =	sdelay $0x3  }
0x33: {  	p0 =	seq.s32 s10, $0x1;
	s10 =	sld [smem:$0x3FB2];
	_ =	sdelay $0x3  }
0x34: {  	[smem:$0x3FB2] =	sst s10  }
0x35: {  	s10 =	sld [smem:$0x3FB1];
	_ =	sdelay $0x3  }
0x36: {  	p1 =	seq.s32 s10, $0x1;
	s10 =	sld [smem:$0x3FB2];
	_ =	sdelay $0x3  }
0x37: {  	[smem:$0x3FB2] =	sst s10  }
0x38: {  	s10 =	sld [smem:$0x3FB3]  }
0x39: {  	_ = 	snop;
	(pc) =	sbr.ind lr, $3  }
0x3a: {  	_ = 	snop  }
0x3b: {  	_ = 	snop  }
0x3c: {  	p2 =	seq.s32 s10, $0x1;
	s10 =	sld [smem:$0x3FB2]  }
0x3d: {  	_ =	shalt  }
0x3e: {  	_ =	shalt  }
0x3f: {  	_ =	shalt  }
0x40: {  	_ =	shalt  }
0x41: {  	_ =	shalt  }
0x42: {  	_ =	shalt  }
0x43: {  	_ =	shalt  }
0x44: {  	_ =	shalt  }
0x45: {  	_ =	shalt  }
0x46: {  	_ =	shalt  }
0x47: {  	_ =	shalt  }
0x48: {  	_ =	shalt  }
0x49: {  	_ =	shalt  }
0x4a: {  	_ =	shalt  }
0x4b: {  	_ =	shalt  }
0x4c: {  	_ =	shalt  }
0x4d: {  	_ =	shalt  }
0x4e: {  	_ =	shalt  }
0x4f: {  	_ =	shalt  }
0x50: {  	_ =	shalt  }
0x51: {  	_ =	shalt  }
0x52: {  	_ =	shalt  }
0x53: {  	_ =	shalt  }
0x54: {  	_ =	shalt  }
0x55: {  	_ =	shalt  }
0x56: {  	_ =	shalt  }
0x57: {  	_ =	shalt  }
0x58: {  	_ =	shalt  }
0x59: {  	_ =	shalt  }
0x5a: {  	_ =	shalt  }
0x5b: {  	_ =	shalt  }
0x5c: {  	_ =	shalt  }
0x5d: {  	_ =	shalt  }
0x5e: {  	_ =	shalt  }
0x5f: {  	_ =	shalt  }
0x60: {  	_ =	shalt  }
0x61: {  	_ =	shalt  }
0x62: {  	_ =	shalt  }
0x63: {  	_ =	shalt  }
0x64: {  	_ =	shalt  }
0x65: {  	_ =	shalt  }
0x66: {  	_ =	shalt  }
0x67: {  	_ =	shalt  }
0x68: {  	_ =	shalt  }
0x69: {  	_ =	shalt  }
0x6a: {  	_ =	shalt  }
0x6b: {  	_ =	shalt  }
0x6c: {  	_ =	shalt  }
0x6d: {  	_ =	shalt  }
0x6e: {  	_ =	shalt  }
0x6f: {  	_ =	shalt  }
0x70: {  	_ =	shalt  }
0x71: {  	_ =	shalt  }
0x72: {  	_ =	shalt  }
0x73: {  	_ =	shalt  }
0x74: {  	_ =	shalt  }
0x75: {  	_ =	shalt  }
0x76: {  	_ =	shalt  }
0x77: {  	_ =	shalt  }
0x78: {  	_ =	shalt  }
0x79: {  	_ =	shalt  }
0x7a: {  	_ =	shalt  }
0x7b: {  	_ =	shalt  }
0x7c: {  	_ =	shalt  }
0x7d: {  	_ =	shalt  }
0x7e: {  	_ =	shalt  }
0x7f: {  	_ =	shalt  }
0x80: {  	_ =	shalt  }
0x81: {  	_ =	shalt  }
0x82: {  	_ =	shalt  }
0x83: {  	_ =	shalt  }
0x84: {  	_ =	shalt  }
0x85: {  	_ =	shalt  }
0x86: {  	_ =	shalt  }
0x87: {  	_ =	shalt  }
.Lfunc_end0:
.L_simem_size_0:
called_computation.1_lowered:
.L_overlay_start_0:
0x88: {  	s0 =	sld [smem:$0x3FD9]  }
0x89: {  	s1 =	sld [smem:$0x3FFE];
	_ =	sdelay $0x3  }
0x8a: {  	s0 =	sadd.s32 s1, s0  }
0x8b: {  	[smem:$0x3FBE] =	sst s0  }
0x8c: {  	_ = 	snop  }
0x8d: {  	(tm) =	ssettm $0x1  }
0x8e: {  	s15 =	sld [smem:$0x3FFB];
	_ =	sdelay $0x3  }
0x8f: {  	_ =	strace s15  }
0x90: {  	s0 =	sld [smem:$0x3FFC];
	_ =	sdelay $0x3  }
0x91: {  	_ =	strace s0  }
0x92: {  	s0 =	sld [smem:$0x3FFD];
	_ =	sdelay $0x3  }
0x93: {  	_ =	strace s0  }
0x94: {  	_ =	strace $0x8FFFFFFF  }
0x95: {  	s16 =	sld [smem:$0x3FDB];
	_ =	sdelay $0x1  }
0x96: {  	s17 =	simm.s32 $_scs_section_size  }
0x97: {  	s2 =	simm.s32 $_size__tile_overlayer_lowered;
	s3 =	simm.s32 $_tile_overlayer_lowered  }
0x98: {  	s20 =	simm.s32 $0x1BFF;
	s19 =	sshll.u32 s3, $0x1;
	s0 =	sadd.s32 s17, s16  }
0x99: {  	s4 =	simm.s32 $0x0;
	s18 =	sshll.u32 s2, $0x1;
	s2 =	sadd.s32 s19, s0  }
0x9a: {  	[timem:s4], [sflag:s20] =	dma.local [hbm:s2], s18  }
0x9b: {  	_ =	swait.ge [sflag:s20], s18  }
0x9c: {  	s1 =	ssub.s32 $0x0, s18;
	[sflag:s20] =	ssyncset.done $0x0  }
0x9d: {  	[sflag:s20] =	ssyncadd.s32 s1;
	_ =	sdelay $0x1  }
0x9e: {  	s21 =	simm.s32 $0x1B8B  }
0x9f: {  	_ =	swait.ge [sflag:s21], $0x1  }
0xa0: {  	[sflag:s21] =	ssyncset.done $0x0  }
0xa1: {  	s23 =	simm.s32 $0x1B8E;
	s22 =	sld [smem:$0x3FFE];
	[sflag:s21] =	ssyncadd.s32 $0xFFFFFFFF  }
0xa2: {  	s24 =	simm.s32 $execute0_lowered;
	[smem:$0x3FD2] =	sst s23  }
0xa3: {  	s2 =	sshll.u32 s24, $0x1;
	_ =	strace $0x80000052;
	[dreg:$0x1] =	wrdreg $0xFFFFFFFF  }
0xa4: {  	s25 =	simm.s32 $_size_execute0_lowered;
	s0 =	sadd.s32 s0, s2;
	[dreg:$0x0] =	wrdreg $0x0  }
0xa5: {  	s2 =	sshll.u32 s25, $0x1;
	[dreg:$0x2] =	wrdreg s0  }
0xa6: {  	[dreg:$0x3] =	wrdreg s2  }
0xa7: {  	[dreg:$0x4] =	wrdreg $0xC0  }
0xa8: {  	_ =	task [dreg:s4], $0x5FFFF  }
0xa9: {  	[dreg:$0x1] =	wrdreg $0xFFFFFFFF  }
0xaa: {  	[dreg:$0x0] =	wrdreg $0x60  }
0xab: {  	[dreg:$0x2] =	wrdreg s22  }
0xac: {  	[dreg:$0x3] =	wrdreg $0x9  }
0xad: {  	_ =	task.clear_ibuf [dreg:s4], $0x4FFFF;
	_ =	strace $0x90000052  }
0xae: {  	s26 =	simm.s32 $0x9;
	_ =	strace $0x80000054  }
0xaf: {  	_ =	swait.ge [sflag:s26], $0x1  }
0xb0: {  	[sflag:s26] =	ssyncadd.s32 $0xFFFFFFFF  }
0xb1: {  	_ =	strace $0x90000054  }
0xb2: {  	_ =	sfence  }
0xb3: {  	s28 =	sld [smem:$0x0];
	_ =	sdelay $0x1  }
0xb4: {  	s29 =	srdreg.scid  }
0xb5: {  	s30 =	sshll.u32 s29, $0xD;
	s31 =	sshrl.u32 s29, $0x2  }
0xb6: {  	s1 =	sand.u32 $0x1, s29;
	s2 =	sand.u32 $0x4000, s30;
	s0 =	sadd.s32 s31, s28  }
0xb7: {  	s1 =	sor.u32 s2, s1;
	s0 =	sshll.u32 s0, $0x11  }
0xb8: {  	s0 =	sor.u32 s0, s1  }
0xb9: {  	s0 =	sadd.s32 $0x8F2B, s0  }
0xba: {  	[sflag:s0] =	ssyncadd.remote.s32 $0x1  }
0xbb: {  	_ =	sfence.sel $0xFFFF  }
0xbc: {  	[dreg:$0x0] =	wrdreg $0xFFFFFFFF;
	(pc) =	sbr.abs _section_cstart, $3  }
0xbd: {  	[dreg:$0x1] =	wrdreg $0xFFFFFFFF  }
0xbe: {  	_ =	task.clear_ibuf [dreg:s4], $0x2FFFF;
	_ =	strace $0x9FFFFFFF  }
0xbf: {  	(tm) =	ssettm $0x7FFFFFFF  }
tec
execute0_lowered:
.L_overlay_start_1:
0x0: {  	(tag) =	ssettag $0x1  }
0x1: {  	s2 =	rddreg [dreg:$0x0]  }
0x2: {  	s0 =	rddreg [dreg:$0x1];
	_ =	strace $0x80000053;
	s3 =	stileid.u32  }
0x3: {  	s4 =	simm.s32 $0x3E;
	s1 =	sadd.s32 $0x16C00, s2;
	p0 =	sne.s32 s3, $0x0  }
0x4: {  	[sflag:s4] =	ssyncpa.u1 $0x0;
	s5 =	simm.s32 @!p0 $0x1C3E;
	s6 =	simm.s32 @!p0 $0x0  }
0x5: {  	[spmem:s6], [sflag:s5] =	dma.local @!p0 [hbm:s1], $0x80  }
0x6: {  	s5 =	simm.s32 @!p0 $0x3E  }
0x7: {  	_ =	swait.ge @!p0 [sflag:s5], $0x80  }
0x8: {  	[sflag:s5] =	ssyncset.done @!p0 $0x0  }
0x9: {  	s26 =	simm.s32 $0x1;
	[sflag:s5] =	ssyncadd.s32 @!p0 $0xFFFFFF80  }
0xa: {  	s28 =	simm.s32 $0x2;
	s7 =	simm.s32 $0x2C0;
	[bflag:$0x0] =	sbarrier.arrive $0xFFFF  }
0xb: {  	s3 =	smul.u32 $0x50, s3;
	s29 =	sadd.s32 $0x1BC00, s2;
	[sflag:s4] =	ssyncpa.u1 $0x1  }
0xc: {  	s30 =	sadd.s32 $0x16600, s2;
	s2 =	simm.s32 $0x0;
	[sflag:s26] =	ssyncpa.u1 $0x0  }
0xd: {  	s5 =	sadd.s32 s29, s3;
	(ifvalue) =	ssetifvalue $0x400;
	[sflag:s28] =	ssyncpa.u1 $0x0  }
0xe: {  	[tilespmem:s7], [sflag:$0x2] =	stream.linear.gather [hbm4b:s5+s2], $0x280, $0x38;
	[tilespmem:$0xA40] =	vst v63  }
0xf: {  	s31 =	sadd.s32 s30, s3;
	s3 =	simm.s32 $0x7C0  }
0x10: {  	[tilespmem:s3], [sflag:$0x2] =	stream.linear.gather [hbm4b:s31+s2], $0x280, $0x38;
	[tilespmem:$0xA40] =	vst v63  }
0x11: {  	_ =	swait.ge [sflag:s28], $0x500  }
0x12: {  	[sflag:s28] =	ssyncset.done $0x0  }
0x13: {  	[sflag:s28] =	ssyncadd.s32 $0xFFFFFB00  }
0x14: {  	v0 =	vld.msk [tilespmem:s7+$0x0 ss:$0x1], $0xffff;
	_ =	sdelay $0x4  }
0x15: {  	v0 =	vmin.u32 v0, $0x400;
	_ =	sdelay $0x3  }
0x16: {  	vm0 =	vmmov $0xffff;
	s4 =	simm.s32 $0x0;
	s5 =	simm.s32 $0x2D0  }
0x17: {  	[spmem:s2] =	stream.indirect_vreg.scatter.add.s32 [tilespmem:s3], [sflag:$0x1], $0x1, v0, vm0, $0x4038;
	[tilespmem:$0xA40] =	vst v63  }
.LBB2_1:
0x18: {  	v0 =	vld.msk [tilespmem:s5+$0x0 ss:$0x1], $0xffff;
	s4 =	sadd.s32 $0x10, s4  }
0x19: {  	p1 =	slt.u32 s4, $0x270;
	_ =	sdelay $0x4  }
0x1a: {  	v0 =	vmin.u32 v0, $0x400  }
.Ltmp0:
0x1b: {  	(pc) =	sbr.rel @p1 .LBB2_1-.Ltmp0, $3  }
0x1c: {  	_ =	sdelay $0x1  }
0x1d: {  	s5 =	sadd.s32 $0x10, s5;
	s3 =	sadd.s32 $0x10, s3  }
0x1e: {  	[spmem:s2] =	stream.indirect_vreg.scatter.add.s32 [tilespmem:s3], [sflag:$0x1], $0x1, v0, vm0, $0x4038;
	[tilespmem:$0xA40] =	vst v63  }
0x1f: {  	s2 =	simm.s32 $0x1  }
0x20: {  	_ =	swait.ge [sflag:s2], $0x280  }
0x21: {  	[sflag:s2] =	ssyncset.done $0x0  }
0x22: {  	[sflag:s2] =	ssyncadd.s32 $0xFFFFFD80  }
0x23: {  	_ =	sfence.sel $0x180000  }
0x24: {  	s3 =	simm.s32 $0x2;
	[bflag:$0x0] =	sbarrier.arrive $0xFFFF  }
0x25: {  	[sflag:s3] =	ssyncpa.u1 $0x1  }
0x26: {  	[sflag:s2] =	ssyncpa.u1 $0x1  }
0x27: {  	_ =	sfence.stream.spmem  }
0x28: {  	s31 =	simm.s32 $0x3D;
	[bflag:$0x0] =	sbarrier.arrive $0xFFFF  }
0x29: {  	s2 =	simm.s32 @p0 $0x3D;
	[sflag:s31] =	ssyncpa.u1 $0x0  }
0x2a: {  	[sflag:s2] =	ssyncpa.u1 @p0 $0x1  }
0x2b: {  	[bflag:$0x0] =	sbarrier.arrive @p0 $0xFFFF  }
0x2c: {  	_ =	strace @p0 $0x90000053  }
0x2d: {  	s3 =	simm.s32 @!p0 $0x1C3D;
	s2 =	simm.s32 @!p0 $0x0;
	[bflag:$0x2] =	sbarrier.arrive @p0 $0xFFFF  }
0x2e: {  	[hbm:s1], [sflag:s3] =	dma.local @!p0 [spmem:s2], $0x80  }
0x2f: {  	s1 =	simm.s32 @!p0 $0x3D  }
0x30: {  	_ =	swait.ge @!p0 [sflag:s1], $0x80  }
0x31: {  	[sflag:s1] =	ssyncset.done @!p0 $0x0  }
0x32: {  	[sflag:s1] =	ssyncadd.s32 @!p0 $0xFFFFFF80  }
0x33: {  	[sflag:s1] =	ssyncpa.u1 @!p0 $0x1  }
0x34: {  	[bflag:$0x0] =	sbarrier.arrive @!p0 $0xFFFF  }
0x35: {  	_ =	strace @!p0 $0x90000053  }
0x36: {  	s0 =	sadd.s32 @!p0 $0x100000, s0;
	[bflag:$0x2] =	sbarrier.arrive @!p0 $0xFFFF  }
0x37: {  	[sflag:s0] =	ssyncadd.tile.s32 @!p0 $0x1;
	_ =	shalt  }
.Lfunc_end2:
_tile_overlayer_lowered:
.L_overlay_start_2:
0x38: {  	(tag) =	ssettag $0x2  }
0x39: {  	s0 =	rddreg [dreg:$0x0];
	s2 =	stileid.u32  }
0x3a: {  	s1 =	rddreg [dreg:$0x1];
	p0 =	sne.s32 s2, $0x0  }
0x3b: {  	s3 =	rddreg [dreg:$0x2];
	[bflag:$0x3] =	sbarrier.arrive $0xFFFF;
	s2 =	simm.s32 @!p0 $0x1C01  }
0x3c: {  	[timem:s3], [sflag:s2] =	dma.local @!p0 [hbm:s0], s1  }
0x3d: {  	s0 =	simm.s32 @!p0 $0x1  }
0x3e: {  	_ =	swait.ge @!p0 [sflag:s0], s1  }
0x3f: {  	s1 =	ssub.s32 @!p0 $0x0, s1;
	[sflag:s0] =	ssyncset.done @!p0 $0x0  }
0x40: {  	[sflag:s0] =	ssyncadd.s32 @!p0 s1  }
0x41: {  	[bflag:$0x3] =	sbarrier.arrive $0xFFFF  }
0x42: {  	_ =	shalt  }

// kernel: scatter_offload_async_start.2
scs
__scs_entry_jumppad:
0x0: {  	(pc) =	sbr.rel $0x88, $3  }
0x1: {  	(tag) =	ssettag $0x0;
	lr =	simm.s32 $0x1  }
0x2: {  	[smem:$0x3F97] =	sst lr;
	_ =	strace $0xD0000000  }
0x3: {  	_ = 	snop  }
0x4: {  	_ = 	snop  }
0x5: {  	_ = 	snop  }
0x6: {  	_ = 	snop  }
0x7: {  	_ = 	snop  }
__scs_overlays_trampoline_lowered:
0x8: {  	[smem:$0x3FA6] =	sst s0  }
0x9: {  	[smem:$0x3FA7] =	sst s1  }
0xa: {  	[smem:$0x3FA8] =	sst s2  }
0xb: {  	[smem:$0x3FA9] =	sst s3  }
0xc: {  	[smem:$0x3FAA] =	sst s4  }
0xd: {  	[smem:$0x3FAB] =	sst s5  }
0xe: {  	[smem:$0x3FAC] =	sst s6  }
0xf: {  	[smem:$0x3FAD] =	sst s7  }
0x10: {  	[smem:$0x3FAE] =	sst s8  }
0x11: {  	[smem:$0x3FAF] =	sst s9;
	s0 =	simm.s32 @!p0 $0x0  }
0x12: {  	s1 =	sld [smem:$0x3F95];
	s0 =	simm.s32 @p0 $0x1  }
0x13: {  	[smem:$0x3FB0] =	sst s0;
	s0 =	simm.s32 @!p1 $0x0  }
0x14: {  	s2 =	sld [smem:$0x3F94];
	s0 =	simm.s32 @p1 $0x1  }
0x15: {  	[smem:$0x3FB1] =	sst s0;
	s0 =	simm.s32 @!p2 $0x0  }
0x16: {  	s3 =	sld [smem:$0x3FDB];
	s0 =	simm.s32 @p2 $0x1  }
0x17: {  	s4 =	simm.s32 $0x1BF5;
	[smem:$0x3FB3] =	sst s0  }
0x18: {  	s0 =	sld [smem:$0x3F96];
	_ =	swait.ge [sflag:s4], $0x0  }
0x19: {  	s7 =	sld [smem:$0x3F97]  }
0x1a: {  	s8 =	sadd.s32 $0xFFFFE003, lr  }
0x1b: {  	s9 =	sadd.s32 $0xFFFFFEF7, lr;
	s5 =	simm.s32 $0xFFFFFFFF;
	p2 =	slt.u32 s8, $0xFFFFF086  }
0x1c: {  	p1 =	slt.u32 s9, $0xF7A;
	s5 =	simm.s32 @!p2 $0x0  }
0x1d: {  	s5 =	simm.s32 @p1 $0x1;
	p0 =	seq.s32 s7, s2  }
0x1e: {  	s7 =	smul.u32 @!p0 $0xF7A, s2;
	p2 =	seq.s32 @!p0 s5, $0x0  }
0x1f: {  	s9 =	smul.u32 $0xF7A, s1;
	s8 =	simm.s32 @!p0 $0x1BF5;
	p2 =	por !p2, p0  }
0x20: {  	[sflag:s8] =	ssyncset.s32 @!p0 $0xFFFFF086;
	s6 =	sadd.s32 @!p0 s3, s7;
	s7 =	simm.s32 @!p0 $0x108  }
0x21: {  	s3 =	sadd.s32 s3, s9;
	s6 =	sadd.s32 @!p0 $0x88, s6;
	s7 =	simm.s32 @p2 $0x1082  }
0x22: {  	[simem:s7], [sflag:s8] =	dma.local @!p0 [hbm:s6], $0xF7A  }
0x23: {  	s9 =	sor.u32 $0xD0000000, s2;
	s6 =	simm.s32 $0x108;
	_ =	swait.ge @!p0 [sflag:s8], $0x0  }
0x24: {  	s3 =	sadd.s32 $0x88, s3;
	s6 =	simm.s32 @!p1 $0x1082;
	[sflag:s4] =	ssyncset.s32 $0xFFFFF086  }
0x25: {  	[simem:s6], [sflag:s4] =	dma.local [hbm:s3], $0xF7A  }
0x26: {  	[smem:$0x3F97] =	sst s1;
	(tag) =	ssettag s2;
	_ =	strace s9  }
0x27: {  	s1 =	sld [smem:$0x3FA7]  }
0x28: {  	s2 =	sld [smem:$0x3FA8]  }
0x29: {  	s4 =	sld [smem:$0x3FAA]  }
0x2a: {  	p0 =	seq.s32 s5, $0x0;
	s5 =	sld [smem:$0x3FAB]  }
0x2b: {  	s6 =	sld [smem:$0x3FAC]  }
0x2c: {  	s7 =	sld [smem:$0x3FAD]  }
0x2d: {  	s3 =	simm.s32 $0x108;
	s8 =	sld [smem:$0x3FAE]  }
0x2e: {  	s3 =	simm.s32 @!p0 $0x1082;
	s9 =	sld [smem:$0x3FAF]  }
0x2f: {  	lr =	sadd.s32 s0, s3;
	s0 =	sld [smem:$0x3FA6]  }
0x30: {  	s3 =	sld [smem:$0x3FA9]  }
0x31: {  	[smem:$0x3FB2] =	sst s10  }
0x32: {  	s10 =	sld [smem:$0x3FB0];
	_ =	sdelay $0x3  }
0x33: {  	p0 =	seq.s32 s10, $0x1;
	s10 =	sld [smem:$0x3FB2];
	_ =	sdelay $0x3  }
0x34: {  	[smem:$0x3FB2] =	sst s10  }
0x35: {  	s10 =	sld [smem:$0x3FB1];
	_ =	sdelay $0x3  }
0x36: {  	p1 =	seq.s32 s10, $0x1;
	s10 =	sld [smem:$0x3FB2];
	_ =	sdelay $0x3  }
0x37: {  	[smem:$0x3FB2] =	sst s10  }
0x38: {  	s10 =	sld [smem:$0x3FB3]  }
0x39: {  	_ = 	snop;
	(pc) =	sbr.ind lr, $3  }
0x3a: {  	_ = 	snop  }
0x3b: {  	_ = 	snop  }
0x3c: {  	p2 =	seq.s32 s10, $0x1;
	s10 =	sld [smem:$0x3FB2]  }
0x3d: {  	_ =	shalt  }
0x3e: {  	_ =	shalt  }
0x3f: {  	_ =	shalt  }
0x40: {  	_ =	shalt  }
0x41: {  	_ =	shalt  }
0x42: {  	_ =	shalt  }
0x43: {  	_ =	shalt  }
0x44: {  	_ =	shalt  }
0x45: {  	_ =	shalt  }
0x46: {  	_ =	shalt  }
0x47: {  	_ =	shalt  }
0x48: {  	_ =	shalt  }
0x49: {  	_ =	shalt  }
0x4a: {  	_ =	shalt  }
0x4b: {  	_ =	shalt  }
0x4c: {  	_ =	shalt  }
0x4d: {  	_ =	shalt  }
0x4e: {  	_ =	shalt  }
0x4f: {  	_ =	shalt  }
0x50: {  	_ =	shalt  }
0x51: {  	_ =	shalt  }
0x52: {  	_ =	shalt  }
0x53: {  	_ =	shalt  }
0x54: {  	_ =	shalt  }
0x55: {  	_ =	shalt  }
0x56: {  	_ =	shalt  }
0x57: {  	_ =	shalt  }
0x58: {  	_ =	shalt  }
0x59: {  	_ =	shalt  }
0x5a: {  	_ =	shalt  }
0x5b: {  	_ =	shalt  }
0x5c: {  	_ =	shalt  }
0x5d: {  	_ =	shalt  }
0x5e: {  	_ =	shalt  }
0x5f: {  	_ =	shalt  }
0x60: {  	_ =	shalt  }
0x61: {  	_ =	shalt  }
0x62: {  	_ =	shalt  }
0x63: {  	_ =	shalt  }
0x64: {  	_ =	shalt  }
0x65: {  	_ =	shalt  }
0x66: {  	_ =	shalt  }
0x67: {  	_ =	shalt  }
0x68: {  	_ =	shalt  }
0x69: {  	_ =	shalt  }
0x6a: {  	_ =	shalt  }
0x6b: {  	_ =	shalt  }
0x6c: {  	_ =	shalt  }
0x6d: {  	_ =	shalt  }
0x6e: {  	_ =	shalt  }
0x6f: {  	_ =	shalt  }
0x70: {  	_ =	shalt  }
0x71: {  	_ =	shalt  }
0x72: {  	_ =	shalt  }
0x73: {  	_ =	shalt  }
0x74: {  	_ =	shalt  }
0x75: {  	_ =	shalt  }
0x76: {  	_ =	shalt  }
0x77: {  	_ =	shalt  }
0x78: {  	_ =	shalt  }
0x79: {  	_ =	shalt  }
0x7a: {  	_ =	shalt  }
0x7b: {  	_ =	shalt  }
0x7c: {  	_ =	shalt  }
0x7d: {  	_ =	shalt  }
0x7e: {  	_ =	shalt  }
0x7f: {  	_ =	shalt  }
0x80: {  	_ =	shalt  }
0x81: {  	_ =	shalt  }
0x82: {  	_ =	shalt  }
0x83: {  	_ =	shalt  }
0x84: {  	_ =	shalt  }
0x85: {  	_ =	shalt  }
0x86: {  	_ =	shalt  }
0x87: {  	_ =	shalt  }
.Lfunc_end0:
.L_simem_size_0:
called_computation.2_lowered:
.L_overlay_start_0:
0x88: {  	s0 =	sld [smem:$0x3FD9]  }
0x89: {  	s1 =	sld [smem:$0x3FFE];
	_ =	sdelay $0x3  }
0x8a: {  	s0 =	sadd.s32 s1, s0  }
0x8b: {  	[smem:$0x3FBE] =	sst s0  }
0x8c: {  	_ = 	snop  }
0x8d: {  	(tm) =	ssettm $0x1  }
0x8e: {  	s15 =	sld [smem:$0x3FFB];
	_ =	sdelay $0x3  }
0x8f: {  	_ =	strace s15  }
0x90: {  	s0 =	sld [smem:$0x3FFC];
	_ =	sdelay $0x3  }
0x91: {  	_ =	strace s0  }
0x92: {  	s0 =	sld [smem:$0x3FFD];
	_ =	sdelay $0x3  }
0x93: {  	_ =	strace s0  }
0x94: {  	_ =	strace $0x8FFFFFFF  }
0x95: {  	s16 =	sld [smem:$0x3FDB];
	_ =	sdelay $0x1  }
0x96: {  	s17 =	simm.s32 $_scs_section_size  }
0x97: {  	s2 =	simm.s32 $_size__tile_overlayer_lowered;
	s3 =	simm.s32 $_tile_overlayer_lowered  }
0x98: {  	s20 =	simm.s32 $0x1BFF;
	s19 =	sshll.u32 s3, $0x1;
	s0 =	sadd.s32 s17, s16  }
0x99: {  	s4 =	simm.s32 $0x0;
	s18 =	sshll.u32 s2, $0x1;
	s2 =	sadd.s32 s19, s0  }
0x9a: {  	[timem:s4], [sflag:s20] =	dma.local [hbm:s2], s18  }
0x9b: {  	_ =	swait.ge [sflag:s20], s18  }
0x9c: {  	s1 =	ssub.s32 $0x0, s18;
	[sflag:s20] =	ssyncset.done $0x0  }
0x9d: {  	[sflag:s20] =	ssyncadd.s32 s1;
	_ =	sdelay $0x1  }
0x9e: {  	s21 =	simm.s32 $0x1B8B  }
0x9f: {  	_ =	swait.ge [sflag:s21], $0x1  }
0xa0: {  	[sflag:s21] =	ssyncset.done $0x0  }
0xa1: {  	s23 =	simm.s32 $0x1B8E;
	s22 =	sld [smem:$0x3FFE];
	[sflag:s21] =	ssyncadd.s32 $0xFFFFFFFF  }
0xa2: {  	s24 =	simm.s32 $execute0_lowered;
	[smem:$0x3FD2] =	sst s23  }
0xa3: {  	s2 =	sshll.u32 s24, $0x1;
	_ =	strace $0x80000049;
	[dreg:$0x1] =	wrdreg $0xFFFFFFFF  }
0xa4: {  	s25 =	simm.s32 $_size_execute0_lowered;
	s0 =	sadd.s32 s0, s2;
	[dreg:$0x0] =	wrdreg $0x0  }
0xa5: {  	s2 =	sshll.u32 s25, $0x1;
	[dreg:$0x2] =	wrdreg s0  }
0xa6: {  	[dreg:$0x3] =	wrdreg s2  }
0xa7: {  	[dreg:$0x4] =	wrdreg $0xC0  }
0xa8: {  	_ =	task [dreg:s4], $0x5FFFF  }
0xa9: {  	[dreg:$0x1] =	wrdreg $0xFFFFFFFF  }
0xaa: {  	[dreg:$0x0] =	wrdreg $0x60  }
0xab: {  	[dreg:$0x2] =	wrdreg s22  }
0xac: {  	[dreg:$0x3] =	wrdreg $0x9  }
0xad: {  	_ =	task.clear_ibuf [dreg:s4], $0x4FFFF;
	_ =	strace $0x90000049  }
0xae: {  	s26 =	simm.s32 $0x9;
	_ =	strace $0x8000004B  }
0xaf: {  	_ =	swait.ge [sflag:s26], $0x1  }
0xb0: {  	[sflag:s26] =	ssyncadd.s32 $0xFFFFFFFF  }
0xb1: {  	_ =	strace $0x9000004B  }
0xb2: {  	_ =	sfence  }
0xb3: {  	s28 =	sld [smem:$0x0];
	_ =	sdelay $0x1  }
0xb4: {  	s29 =	srdreg.scid  }
0xb5: {  	s30 =	sshll.u32 s29, $0xD;
	s31 =	sshrl.u32 s29, $0x2  }
0xb6: {  	s1 =	sand.u32 $0x1, s29;
	s2 =	sand.u32 $0x4000, s30;
	s0 =	sadd.s32 s31, s28  }
0xb7: {  	s1 =	sor.u32 s2, s1;
	s0 =	sshll.u32 s0, $0x11  }
0xb8: {  	s0 =	sor.u32 s0, s1  }
0xb9: {  	s0 =	sadd.s32 $0x8F2B, s0  }
0xba: {  	[sflag:s0] =	ssyncadd.remote.s32 $0x1  }
0xbb: {  	_ =	sfence.sel $0xFFFF  }
0xbc: {  	[dreg:$0x0] =	wrdreg $0xFFFFFFFF;
	(pc) =	sbr.abs _section_cstart, $3  }
0xbd: {  	[dreg:$0x1] =	wrdreg $0xFFFFFFFF  }
0xbe: {  	_ =	task.clear_ibuf [dreg:s4], $0x2FFFF;
	_ =	strace $0x9FFFFFFF  }
0xbf: {  	(tm) =	ssettm $0x7FFFFFFF  }
tec
execute0_lowered:
.L_overlay_start_1:
0x0: {  	(tag) =	ssettag $0x1  }
0x1: {  	s7 =	rddreg [dreg:$0x0]  }
0x2: {  	s0 =	rddreg [dreg:$0x1]  }
0x3: {  	_ =	strace $0x8000004A;
	s3 =	stileid.u32;
	s4 =	simm.s32 $0x3E  }
0x4: {  	s1 =	sadd.s32 $0x21200, s7;
	p0 =	sne.s32 s3, $0x0;
	[sflag:s4] =	ssyncpa.u1 $0x0  }
0x5: {  	s30 =	smin.u32 s3, $0x4;
	s2 =	simm.s32 @!p0 $0x1C3E;
	s5 =	simm.s32 @!p0 $0x0  }
0x6: {  	[spmem:s5], [sflag:s2] =	dma.local @!p0 [hbm:s1], $0x200  }
0x7: {  	s2 =	sadd.s32 s3, s30  }
0x8: {  	p1 =	slt.u32 s3, $0x4;
	s3 =	simm.s32 $0x3E80;
	s2 =	smul.u32 $0x1F40, s2  }
0x9: {  	s3 =	simm.s32 @!p1 $0x1F40  }
0xa: {  	s3 =	sadd.s32 s3, s2  }
0xb: {  	s3 =	smin.u32 s3, $0x27100  }
0xc: {  	s8 =	ssub.s32 s3, s2  }
0xd: {  	p1 =	sgt.s32 s8, $0x0  }
0xe: {  	s8 =	simm.s32 @!p1 $0x0  }
0xf: {  	s5 =	simm.s32 @!p0 $0x3E;
	s31 =	smulhi.u32 $0x10624DD3, s8  }
0x10: {  	_ =	swait.ge @!p0 [sflag:s5], $0x200  }
0x11: {  	s6 =	simm.s32 $0x2;
	[sflag:s5] =	ssyncset.done @!p0 $0x0;
	s9 =	sshrl.u32 s31, $0x9  }
0x12: {  	s11 =	simm.s32 $0x0;
	[sflag:s5] =	ssyncadd.s32 @!p0 $0xFFFFFE00;
	s10 =	smul.u32 $0x1F40, s9  }
.Ltmp0:
0x13: {  	s5 =	sadd.s32 $0x16600, s7;
	[bflag:$0x0] =	sbarrier.arrive $0xFFFF;
	(pc) =	sbr.rel .LBB2_1-.Ltmp0, $4  }
0x14: {  	s7 =	sadd.s32 $0x1C200, s7;
	[sflag:s4] =	ssyncpa.u1 $0x1;
	s4 =	simm.s32 $0x1  }
0x15: {  	[sflag:s4] =	ssyncpa.u1 $0x0;
	p1 =	sne.s32 s8, s10;
	s8 =	simm.s32 $0x1  }
0x16: {  	(ifvalue) =	ssetifvalue $0x1000;
	[sflag:s6] =	ssyncpa.u1 $0x0;
	s8 =	simm.s32 @!p1 $0x0  }
0x17: {  	vm0 =	vmmov $0xffff;
	s10 =	smov.u32 s2;
	s8 =	sadd.s32 s8, s9;
	s9 =	simm.s32 $0x0  }
.LBB2_5:
0x18: {  	p2 =	sne.s32 s11, s8  }
.Ltmp1:
0x19: {  	_ = 	snop;
	(pc) =	sbr.rel @!p2 .LBB2_6-.Ltmp1, $4  }
0x1a: {  	_ = 	snop  }
0x1b: {  	s12 =	sadd.s32 $0x1F40, s10  }
0x1c: {  	s10 =	smov.u32 s2;
	s13 =	sadd.s32 $0x1, s11;
	p1 =	slt.s32 s12, s3  }
0x1d: {  	s11 =	smov.u32 s13;
	s10 =	smov.u32 @p1 s12  }
.LBB2_1:
0x1e: {  	p1 =	sge.u32 s11, s8  }
0x1f: {  	s12 =	sxor.u32 @!p1 $0xFFFFFFFF, s11  }
0x20: {  	s12 =	sand.u32 @!p1 $0x1, s12  }
0x21: {  	s12 =	smul.u32 @!p1 $0x1F40, s12  }
0x22: {  	s13 =	sshrl.u32 @!p1 s10, $0x3  }
0x23: {  	s16 =	sand.u32 @!p1 $0x7, s10;
	s14 =	sadd.s32 @!p1 s5, s13;
	s15 =	sadd.s32 @!p1 $0x100, s12  }
0x24: {  	[tilespmem:s15], [sflag:$0x2] =	stream.linear.gather @!p1 [hbm4b:s14+s16], $0x1F40, $0x38;
	[tilespmem:$0x7E00] =	vst v63  }
0x25: {  	s13 =	sadd.s32 @!p1 s7, s13;
	s12 =	sadd.s32 @!p1 $0x3F80, s12  }
0x26: {  	[tilespmem:s12], [sflag:$0x2] =	stream.linear.gather @!p1 [hbm4b:s13+s16], $0x1F40, $0x38;
	[tilespmem:$0x7E00] =	vst v63  }
0x27: {  	p1 =	seq.s32 s11, $0x0  }
.Ltmp2:
0x28: {  	_ = 	snop;
	(pc) =	sbr.rel @p1 .LBB2_5-.Ltmp2, $1  }
0x29: {  	_ =	sdelay $0x3  }
0x2a: {  	s12 =	sand.u32 $0x1, s11  }
0x2b: {  	_ =	swait.ge [sflag:s6], $0x3E80;
	p1 =	seq.s32 s12, $0x1;
	s12 =	simm.s32 $0x1F40  }
0x2c: {  	[sflag:s6] =	ssyncset.done $0x0;
	s12 =	simm.s32 @!p1 $0x0  }
0x2d: {  	[sflag:s6] =	ssyncadd.s32 $0xFFFFC180;
	s14 =	sadd.s32 $0x100, s12  }
0x2e: {  	v0 =	vld.msk [tilespmem:s14+$0x0 ss:$0x1], $0xffff;
	_ =	sdelay $0x4  }
0x2f: {  	v0 =	vmin.u32 v0, $0x1000;
	_ =	sdelay $0x3  }
0x30: {  	s13 =	simm.s32 $0x0;
	s12 =	sadd.s32 $0x3F80, s12;
	s14 =	sadd.s32 $0x10, s14  }
0x31: {  	[spmem:s9] =	stream.indirect_vreg.scatter.add.s32 [tilespmem:s12], [sflag:$0x1], $0x1, v0, vm0, $0x4038;
	[tilespmem:$0x7E00] =	vst v63  }
.LBB2_3:
0x32: {  	v0 =	vld.msk [tilespmem:s14+$0x0 ss:$0x1], $0xffff;
	s13 =	sadd.s32 $0x10, s13  }
0x33: {  	p1 =	slt.u32 s13, $0x1F30;
	_ =	sdelay $0x4  }
0x34: {  	v0 =	vmin.u32 v0, $0x1000  }
.Ltmp3:
0x35: {  	(pc) =	sbr.rel @p1 .LBB2_3-.Ltmp3, $3  }
0x36: {  	_ =	sdelay $0x1  }
0x37: {  	s14 =	sadd.s32 $0x10, s14;
	s12 =	sadd.s32 $0x10, s12  }
0x38: {  	[spmem:s9] =	stream.indirect_vreg.scatter.add.s32 [tilespmem:s12], [sflag:$0x1], $0x1, v0, vm0, $0x4038;
	[tilespmem:$0x7E00] =	vst v63  }
.Ltmp4:
0x39: {  	(pc) =	sbr.rel .LBB2_5-.Ltmp4, $4  }
0x3a: {  	_ = 	snop  }
0x3b: {  	_ =	swait.ge [sflag:s4], $0x1F40  }
0x3c: {  	[sflag:s4] =	ssyncset.done $0x0  }
0x3d: {  	[sflag:s4] =	ssyncadd.s32 $0xFFFFE0C0  }
.LBB2_6:
0x3e: {  	_ =	sfence.sel $0x180000  }
0x3f: {  	s2 =	simm.s32 $0x2;
	[bflag:$0x0] =	sbarrier.arrive $0xFFFF  }
0x40: {  	s30 =	simm.s32 $0x1;
	[sflag:s2] =	ssyncpa.u1 $0x1  }
0x41: {  	[sflag:s30] =	ssyncpa.u1 $0x1  }
0x42: {  	_ =	sfence.stream.spmem  }
0x43: {  	s31 =	simm.s32 $0x3D;
	[bflag:$0x0] =	sbarrier.arrive $0xFFFF  }
0x44: {  	s2 =	simm.s32 @p0 $0x3D;
	[sflag:s31] =	ssyncpa.u1 $0x0  }
0x45: {  	[sflag:s2] =	ssyncpa.u1 @p0 $0x1  }
0x46: {  	[bflag:$0x0] =	sbarrier.arrive @p0 $0xFFFF  }
0x47: {  	_ =	strace @p0 $0x9000004A  }
0x48: {  	s3 =	simm.s32 @!p0 $0x1C3D;
	s2 =	simm.s32 @!p0 $0x0;
	[bflag:$0x2] =	sbarrier.arrive @p0 $0xFFFF  }
0x49: {  	[hbm:s1], [sflag:s3] =	dma.local @!p0 [spmem:s2], $0x200  }
0x4a: {  	s1 =	simm.s32 @!p0 $0x3D  }
0x4b: {  	_ =	swait.ge @!p0 [sflag:s1], $0x200  }
0x4c: {  	[sflag:s1] =	ssyncset.done @!p0 $0x0  }
0x4d: {  	[sflag:s1] =	ssyncadd.s32 @!p0 $0xFFFFFE00  }
0x4e: {  	[sflag:s1] =	ssyncpa.u1 @!p0 $0x1  }
0x4f: {  	[bflag:$0x0] =	sbarrier.arrive @!p0 $0xFFFF  }
0x50: {  	_ =	strace @!p0 $0x9000004A  }
0x51: {  	s0 =	sadd.s32 @!p0 $0x100000, s0;
	[bflag:$0x2] =	sbarrier.arrive @!p0 $0xFFFF  }
0x52: {  	[sflag:s0] =	ssyncadd.tile.s32 @!p0 $0x1;
	_ =	shalt  }
.Lfunc_end2:
_tile_overlayer_lowered:
.L_overlay_start_2:
0x53: {  	(tag) =	ssettag $0x2  }
0x54: {  	s0 =	rddreg [dreg:$0x0];
	s2 =	stileid.u32  }
0x55: {  	s1 =	rddreg [dreg:$0x1];
	p0 =	sne.s32 s2, $0x0  }
0x56: {  	s3 =	rddreg [dreg:$0x2];
	[bflag:$0x3] =	sbarrier.arrive $0xFFFF;
	s2 =	simm.s32 @!p0 $0x1C01  }
0x57: {  	[timem:s3], [sflag:s2] =	dma.local @!p0 [hbm:s0], s1  }
0x58: {  	s0 =	simm.s32 @!p0 $0x1  }
0x59: {  	_ =	swait.ge @!p0 [sflag:s0], s1  }
0x5a: {  	s1 =	ssub.s32 @!p0 $0x0, s1;
	[sflag:s0] =	ssyncset.done @!p0 $0x0  }
0x5b: {  	[sflag:s0] =	ssyncadd.s32 @!p0 s1  }
0x5c: {  	[bflag:$0x3] =	sbarrier.arrive $0xFFFF  }
0x5d: {  	_ =	shalt  }

// kernel: scatter_offload_async_start
scs
__scs_entry_jumppad:
0x0: {  	(pc) =	sbr.rel $0x88, $3  }
0x1: {  	(tag) =	ssettag $0x0;
	lr =	simm.s32 $0x1  }
0x2: {  	[smem:$0x3F97] =	sst lr;
	_ =	strace $0xD0000000  }
0x3: {  	_ = 	snop  }
0x4: {  	_ = 	snop  }
0x5: {  	_ = 	snop  }
0x6: {  	_ = 	snop  }
0x7: {  	_ = 	snop  }
__scs_overlays_trampoline_lowered:
0x8: {  	[smem:$0x3FA6] =	sst s0  }
0x9: {  	[smem:$0x3FA7] =	sst s1  }
0xa: {  	[smem:$0x3FA8] =	sst s2  }
0xb: {  	[smem:$0x3FA9] =	sst s3  }
0xc: {  	[smem:$0x3FAA] =	sst s4  }
0xd: {  	[smem:$0x3FAB] =	sst s5  }
0xe: {  	[smem:$0x3FAC] =	sst s6  }
0xf: {  	[smem:$0x3FAD] =	sst s7  }
0x10: {  	[smem:$0x3FAE] =	sst s8  }
0x11: {  	[smem:$0x3FAF] =	sst s9;
	s0 =	simm.s32 @!p0 $0x0  }
0x12: {  	s1 =	sld [smem:$0x3F95];
	s0 =	simm.s32 @p0 $0x1  }
0x13: {  	[smem:$0x3FB0] =	sst s0;
	s0 =	simm.s32 @!p1 $0x0  }
0x14: {  	s2 =	sld [smem:$0x3F94];
	s0 =	simm.s32 @p1 $0x1  }
0x15: {  	[smem:$0x3FB1] =	sst s0;
	s0 =	simm.s32 @!p2 $0x0  }
0x16: {  	s3 =	sld [smem:$0x3FDB];
	s0 =	simm.s32 @p2 $0x1  }
0x17: {  	s4 =	simm.s32 $0x1BF5;
	[smem:$0x3FB3] =	sst s0  }
0x18: {  	s0 =	sld [smem:$0x3F96];
	_ =	swait.ge [sflag:s4], $0x0  }
0x19: {  	s7 =	sld [smem:$0x3F97]  }
0x1a: {  	s8 =	sadd.s32 $0xFFFFE003, lr  }
0x1b: {  	s9 =	sadd.s32 $0xFFFFFEF7, lr;
	s5 =	simm.s32 $0xFFFFFFFF;
	p2 =	slt.u32 s8, $0xFFFFF086  }
0x1c: {  	p1 =	slt.u32 s9, $0xF7A;
	s5 =	simm.s32 @!p2 $0x0  }
0x1d: {  	s5 =	simm.s32 @p1 $0x1;
	p0 =	seq.s32 s7, s2  }
0x1e: {  	s7 =	smul.u32 @!p0 $0xF7A, s2;
	p2 =	seq.s32 @!p0 s5, $0x0  }
0x1f: {  	s9 =	smul.u32 $0xF7A, s1;
	s8 =	simm.s32 @!p0 $0x1BF5;
	p2 =	por !p2, p0  }
0x20: {  	[sflag:s8] =	ssyncset.s32 @!p0 $0xFFFFF086;
	s6 =	sadd.s32 @!p0 s3, s7;
	s7 =	simm.s32 @!p0 $0x108  }
0x21: {  	s3 =	sadd.s32 s3, s9;
	s6 =	sadd.s32 @!p0 $0x88, s6;
	s7 =	simm.s32 @p2 $0x1082  }
0x22: {  	[simem:s7], [sflag:s8] =	dma.local @!p0 [hbm:s6], $0xF7A  }
0x23: {  	s9 =	sor.u32 $0xD0000000, s2;
	s6 =	simm.s32 $0x108;
	_ =	swait.ge @!p0 [sflag:s8], $0x0  }
0x24: {  	s3 =	sadd.s32 $0x88, s3;
	s6 =	simm.s32 @!p1 $0x1082;
	[sflag:s4] =	ssyncset.s32 $0xFFFFF086  }
0x25: {  	[simem:s6], [sflag:s4] =	dma.local [hbm:s3], $0xF7A  }
0x26: {  	[smem:$0x3F97] =	sst s1;
	(tag) =	ssettag s2;
	_ =	strace s9  }
0x27: {  	s1 =	sld [smem:$0x3FA7]  }
0x28: {  	s2 =	sld [smem:$0x3FA8]  }
0x29: {  	s4 =	sld [smem:$0x3FAA]  }
0x2a: {  	p0 =	seq.s32 s5, $0x0;
	s5 =	sld [smem:$0x3FAB]  }
0x2b: {  	s6 =	sld [smem:$0x3FAC]  }
0x2c: {  	s7 =	sld [smem:$0x3FAD]  }
0x2d: {  	s3 =	simm.s32 $0x108;
	s8 =	sld [smem:$0x3FAE]  }
0x2e: {  	s3 =	simm.s32 @!p0 $0x1082;
	s9 =	sld [smem:$0x3FAF]  }
0x2f: {  	lr =	sadd.s32 s0, s3;
	s0 =	sld [smem:$0x3FA6]  }
0x30: {  	s3 =	sld [smem:$0x3FA9]  }
0x31: {  	[smem:$0x3FB2] =	sst s10  }
0x32: {  	s10 =	sld [smem:$0x3FB0];
	_ =	sdelay $0x3  }
0x33: {  	p0 =	seq.s32 s10, $0x1;
	s10 =	sld [smem:$0x3FB2];
	_ =	sdelay $0x3  }
0x34: {  	[smem:$0x3FB2] =	sst s10  }
0x35: {  	s10 =	sld [smem:$0x3FB1];
	_ =	sdelay $0x3  }
0x36: {  	p1 =	seq.s32 s10, $0x1;
	s10 =	sld [smem:$0x3FB2];
	_ =	sdelay $0x3  }
0x37: {  	[smem:$0x3FB2] =	sst s10  }
0x38: {  	s10 =	sld [smem:$0x3FB3]  }
0x39: {  	_ = 	snop;
	(pc) =	sbr.ind lr, $3  }
0x3a: {  	_ = 	snop  }
0x3b: {  	_ = 	snop  }
0x3c: {  	p2 =	seq.s32 s10, $0x1;
	s10 =	sld [smem:$0x3FB2]  }
0x3d: {  	_ =	shalt  }
0x3e: {  	_ =	shalt  }
0x3f: {  	_ =	shalt  }
0x40: {  	_ =	shalt  }
0x41: {  	_ =	shalt  }
0x42: {  	_ =	shalt  }
0x43: {  	_ =	shalt  }
0x44: {  	_ =	shalt  }
0x45: {  	_ =	shalt  }
0x46: {  	_ =	shalt  }
0x47: {  	_ =	shalt  }
0x48: {  	_ =	shalt  }
0x49: {  	_ =	shalt  }
0x4a: {  	_ =	shalt  }
0x4b: {  	_ =	shalt  }
0x4c: {  	_ =	shalt  }
0x4d: {  	_ =	shalt  }
0x4e: {  	_ =	shalt  }
0x4f: {  	_ =	shalt  }
0x50: {  	_ =	shalt  }
0x51: {  	_ =	shalt  }
0x52: {  	_ =	shalt  }
0x53: {  	_ =	shalt  }
0x54: {  	_ =	shalt  }
0x55: {  	_ =	shalt  }
0x56: {  	_ =	shalt  }
0x57: {  	_ =	shalt  }
0x58: {  	_ =	shalt  }
0x59: {  	_ =	shalt  }
0x5a: {  	_ =	shalt  }
0x5b: {  	_ =	shalt  }
0x5c: {  	_ =	shalt  }
0x5d: {  	_ =	shalt  }
0x5e: {  	_ =	shalt  }
0x5f: {  	_ =	shalt  }
0x60: {  	_ =	shalt  }
0x61: {  	_ =	shalt  }
0x62: {  	_ =	shalt  }
0x63: {  	_ =	shalt  }
0x64: {  	_ =	shalt  }
0x65: {  	_ =	shalt  }
0x66: {  	_ =	shalt  }
0x67: {  	_ =	shalt  }
0x68: {  	_ =	shalt  }
0x69: {  	_ =	shalt  }
0x6a: {  	_ =	shalt  }
0x6b: {  	_ =	shalt  }
0x6c: {  	_ =	shalt  }
0x6d: {  	_ =	shalt  }
0x6e: {  	_ =	shalt  }
0x6f: {  	_ =	shalt  }
0x70: {  	_ =	shalt  }
0x71: {  	_ =	shalt  }
0x72: {  	_ =	shalt  }
0x73: {  	_ =	shalt  }
0x74: {  	_ =	shalt  }
0x75: {  	_ =	shalt  }
0x76: {  	_ =	shalt  }
0x77: {  	_ =	shalt  }
0x78: {  	_ =	shalt  }
0x79: {  	_ =	shalt  }
0x7a: {  	_ =	shalt  }
0x7b: {  	_ =	shalt  }
0x7c: {  	_ =	shalt  }
0x7d: {  	_ =	shalt  }
0x7e: {  	_ =	shalt  }
0x7f: {  	_ =	shalt  }
0x80: {  	_ =	shalt  }
0x81: {  	_ =	shalt  }
0x82: {  	_ =	shalt  }
0x83: {  	_ =	shalt  }
0x84: {  	_ =	shalt  }
0x85: {  	_ =	shalt  }
0x86: {  	_ =	shalt  }
0x87: {  	_ =	shalt  }
.Lfunc_end0:
.L_simem_size_0:
called_computation_lowered:
.L_overlay_start_0:
0x88: {  	s0 =	sld [smem:$0x3FD9]  }
0x89: {  	s1 =	sld [smem:$0x3FFE];
	_ =	sdelay $0x3  }
0x8a: {  	s0 =	sadd.s32 s1, s0  }
0x8b: {  	[smem:$0x3FBE] =	sst s0  }
0x8c: {  	_ = 	snop  }
0x8d: {  	(tm) =	ssettm $0x1  }
0x8e: {  	s15 =	sld [smem:$0x3FFB];
	_ =	sdelay $0x3  }
0x8f: {  	_ =	strace s15  }
0x90: {  	s0 =	sld [smem:$0x3FFC];
	_ =	sdelay $0x3  }
0x91: {  	_ =	strace s0  }
0x92: {  	s0 =	sld [smem:$0x3FFD];
	_ =	sdelay $0x3  }
0x93: {  	_ =	strace s0  }
0x94: {  	_ =	strace $0x8FFFFFFF  }
0x95: {  	s16 =	sld [smem:$0x3FDB];
	_ =	sdelay $0x1  }
0x96: {  	s17 =	simm.s32 $_scs_section_size  }
0x97: {  	s2 =	simm.s32 $_size__tile_overlayer_lowered;
	s3 =	simm.s32 $_tile_overlayer_lowered  }
0x98: {  	s20 =	simm.s32 $0x1BFF;
	s19 =	sshll.u32 s3, $0x1;
	s0 =	sadd.s32 s17, s16  }
0x99: {  	s4 =	simm.s32 $0x0;
	s18 =	sshll.u32 s2, $0x1;
	s2 =	sadd.s32 s19, s0  }
0x9a: {  	[timem:s4], [sflag:s20] =	dma.local [hbm:s2], s18  }
0x9b: {  	_ =	swait.ge [sflag:s20], s18  }
0x9c: {  	s1 =	ssub.s32 $0x0, s18;
	[sflag:s20] =	ssyncset.done $0x0  }
0x9d: {  	[sflag:s20] =	ssyncadd.s32 s1;
	_ =	sdelay $0x1  }
0x9e: {  	s21 =	simm.s32 $0x1B8B  }
0x9f: {  	_ =	swait.ge [sflag:s21], $0x1  }
0xa0: {  	[sflag:s21] =	ssyncset.done $0x0  }
0xa1: {  	s23 =	simm.s32 $0x1B8E;
	s22 =	sld [smem:$0x3FFE];
	[sflag:s21] =	ssyncadd.s32 $0xFFFFFFFF  }
0xa2: {  	s24 =	simm.s32 $execute0_lowered;
	[smem:$0x3FD2] =	sst s23  }
0xa3: {  	s2 =	sshll.u32 s24, $0x1;
	_ =	strace $0x8000004F;
	[dreg:$0x1] =	wrdreg $0xFFFFFFFF  }
0xa4: {  	s25 =	simm.s32 $_size_execute0_lowered;
	s0 =	sadd.s32 s0, s2;
	[dreg:$0x0] =	wrdreg $0x0  }
0xa5: {  	s2 =	sshll.u32 s25, $0x1;
	[dreg:$0x2] =	wrdreg s0  }
0xa6: {  	[dreg:$0x3] =	wrdreg s2  }
0xa7: {  	[dreg:$0x4] =	wrdreg $0xC0  }
0xa8: {  	_ =	task [dreg:s4], $0x5FFFF  }
0xa9: {  	[dreg:$0x1] =	wrdreg $0xFFFFFFFF  }
0xaa: {  	[dreg:$0x0] =	wrdreg $0x60  }
0xab: {  	[dreg:$0x2] =	wrdreg s22  }
0xac: {  	[dreg:$0x3] =	wrdreg $0x9  }
0xad: {  	_ =	task.clear_ibuf [dreg:s4], $0x4FFFF;
	_ =	strace $0x9000004F  }
0xae: {  	s26 =	simm.s32 $0x9;
	_ =	strace $0x80000051  }
0xaf: {  	_ =	swait.ge [sflag:s26], $0x1  }
0xb0: {  	[sflag:s26] =	ssyncadd.s32 $0xFFFFFFFF  }
0xb1: {  	_ =	strace $0x90000051  }
0xb2: {  	_ =	sfence  }
0xb3: {  	s28 =	sld [smem:$0x0];
	_ =	sdelay $0x1  }
0xb4: {  	s29 =	srdreg.scid  }
0xb5: {  	s30 =	sshll.u32 s29, $0xD;
	s31 =	sshrl.u32 s29, $0x2  }
0xb6: {  	s1 =	sand.u32 $0x1, s29;
	s2 =	sand.u32 $0x4000, s30;
	s0 =	sadd.s32 s31, s28  }
0xb7: {  	s1 =	sor.u32 s2, s1;
	s0 =	sshll.u32 s0, $0x11  }
0xb8: {  	s0 =	sor.u32 s0, s1  }
0xb9: {  	s0 =	sadd.s32 $0x8F2B, s0  }
0xba: {  	[sflag:s0] =	ssyncadd.remote.s32 $0x1  }
0xbb: {  	_ =	sfence.sel $0xFFFF  }
0xbc: {  	[dreg:$0x0] =	wrdreg $0xFFFFFFFF;
	(pc) =	sbr.abs _section_cstart, $3  }
0xbd: {  	[dreg:$0x1] =	wrdreg $0xFFFFFFFF  }
0xbe: {  	_ =	task.clear_ibuf [dreg:s4], $0x2FFFF;
	_ =	strace $0x9FFFFFFF  }
0xbf: {  	(tm) =	ssettm $0x7FFFFFFF  }
tec
execute0_lowered:
.L_overlay_start_1:
0x0: {  	(tag) =	ssettag $0x1  }
0x1: {  	s7 =	rddreg [dreg:$0x0]  }
0x2: {  	s0 =	rddreg [dreg:$0x1]  }
0x3: {  	_ =	strace $0x80000050;
	s3 =	stileid.u32;
	s4 =	simm.s32 $0x3E  }
0x4: {  	s1 =	sadd.s32 $0x16C00, s7;
	p0 =	sne.s32 s3, $0x0;
	[sflag:s4] =	ssyncpa.u1 $0x0  }
0x5: {  	s30 =	smin.u32 s3, $0x9;
	s2 =	simm.s32 @!p0 $0x1C3E;
	s5 =	simm.s32 @!p0 $0x0  }
0x6: {  	[spmem:s5], [sflag:s2] =	dma.local @!p0 [hbm:s1], $0x80  }
0x7: {  	s2 =	sadd.s32 s3, s30  }
0x8: {  	p1 =	slt.u32 s3, $0x9;
	s3 =	simm.s32 $0x320;
	s2 =	smul.u32 $0x190, s2  }
0x9: {  	s3 =	simm.s32 @!p1 $0x190  }
0xa: {  	s3 =	sadd.s32 s3, s2  }
0xb: {  	s3 =	smin.u32 s3, $0x2710  }
0xc: {  	s8 =	ssub.s32 s3, s2  }
0xd: {  	p1 =	sgt.s32 s8, $0x0  }
0xe: {  	s8 =	simm.s32 @!p1 $0x0  }
0xf: {  	s6 =	sand.u32 $0xFFF0, s8  }
0x10: {  	s5 =	simm.s32 @!p0 $0x3E;
	s6 =	sshrl.u32 s6, $0x4  }
0x11: {  	_ =	swait.ge @!p0 [sflag:s5], $0x80;
	s31 =	smul.u32 $0xA3E, s6  }
0x12: {  	[sflag:s5] =	ssyncset.done @!p0 $0x0  }
0x13: {  	[sflag:s5] =	ssyncadd.s32 @!p0 $0xFFFFFF80;
	s9 =	sshrl.u32 s31, $0x10  }
0x14: {  	s11 =	simm.s32 $0x0;
	[bflag:$0x0] =	sbarrier.arrive $0xFFFF;
	s10 =	smul.u32 $0x190, s9  }
.Ltmp0:
0x15: {  	[sflag:s4] =	ssyncpa.u1 $0x1;
	s4 =	simm.s32 $0x1;
	(pc) =	sbr.rel .LBB2_1-.Ltmp0, $4  }
0x16: {  	s5 =	sadd.s32 $0x16000, s7;
	s7 =	sadd.s32 $0x16600, s7;
	[sflag:s4] =	ssyncpa.u1 $0x0  }
0x17: {  	s6 =	simm.s32 $0x2;
	p1 =	sne.s32 s8, s10;
	s8 =	simm.s32 $0x1  }
0x18: {  	(ifvalue) =	ssetifvalue $0x400;
	[sflag:s6] =	ssyncpa.u1 $0x0;
	s8 =	simm.s32 @!p1 $0x0  }
0x19: {  	vm0 =	vmmov $0xffff;
	s10 =	smov.u32 s2;
	s8 =	sadd.s32 s9, s8;
	s9 =	simm.s32 $0x0  }
.LBB2_5:
0x1a: {  	p2 =	sne.s32 s11, s8  }
.Ltmp1:
0x1b: {  	_ = 	snop;
	(pc) =	sbr.rel @!p2 .LBB2_6-.Ltmp1, $4  }
0x1c: {  	_ = 	snop  }
0x1d: {  	s12 =	sadd.s32 $0x190, s10  }
0x1e: {  	s10 =	smov.u32 s2;
	s13 =	sadd.s32 $0x1, s11;
	p1 =	slt.s32 s12, s3  }
0x1f: {  	s11 =	smov.u32 s13;
	s10 =	smov.u32 @p1 s12  }
.LBB2_1:
0x20: {  	p1 =	sge.u32 s11, s8  }
0x21: {  	s12 =	sxor.u32 @!p1 $0xFFFFFFFF, s11  }
0x22: {  	s12 =	sand.u32 @!p1 $0x1, s12  }
0x23: {  	s12 =	smul.u32 @!p1 $0x190, s12  }
0x24: {  	s13 =	sshrl.u32 @!p1 s10, $0x3  }
0x25: {  	s16 =	sand.u32 @!p1 $0x7, s10;
	s14 =	sadd.s32 @!p1 s5, s13;
	s15 =	sadd.s32 @!p1 $0x40, s12  }
0x26: {  	[tilespmem:s15], [sflag:$0x2] =	stream.linear.gather @!p1 [hbm4b:s14+s16], $0x190, $0x38;
	[tilespmem:$0x680] =	vst v63  }
0x27: {  	s13 =	sadd.s32 @!p1 s7, s13;
	s12 =	sadd.s32 @!p1 $0x360, s12  }
0x28: {  	[tilespmem:s12], [sflag:$0x2] =	stream.linear.gather @!p1 [hbm4b:s13+s16], $0x190, $0x38;
	[tilespmem:$0x680] =	vst v63  }
0x29: {  	p1 =	seq.s32 s11, $0x0  }
.Ltmp2:
0x2a: {  	_ = 	snop;
	(pc) =	sbr.rel @p1 .LBB2_5-.Ltmp2, $1  }
0x2b: {  	_ =	sdelay $0x3  }
0x2c: {  	s12 =	sand.u32 $0x1, s11  }
0x2d: {  	_ =	swait.ge [sflag:s6], $0x320;
	p1 =	seq.s32 s12, $0x1;
	s12 =	simm.s32 $0x190  }
0x2e: {  	[sflag:s6] =	ssyncset.done $0x0;
	s12 =	simm.s32 @!p1 $0x0  }
0x2f: {  	[sflag:s6] =	ssyncadd.s32 $0xFFFFFCE0;
	s14 =	sor.u32 $0x40, s12  }
0x30: {  	v0 =	vld.msk [tilespmem:s14+$0x0 ss:$0x1], $0xffff;
	_ =	sdelay $0x4  }
0x31: {  	v0 =	vmin.u32 v0, $0x400;
	_ =	sdelay $0x3  }
0x32: {  	s13 =	simm.s32 $0x0;
	s12 =	sadd.s32 $0x360, s12;
	s14 =	sadd.s32 $0x10, s14  }
0x33: {  	[spmem:s9] =	stream.indirect_vreg.scatter.add.s32 [tilespmem:s12], [sflag:$0x1], $0x1, v0, vm0, $0x4038;
	[tilespmem:$0x680] =	vst v63  }
.LBB2_3:
0x34: {  	v0 =	vld.msk [tilespmem:s14+$0x0 ss:$0x1], $0xffff;
	s13 =	sadd.s32 $0x10, s13  }
0x35: {  	p1 =	slt.u32 s13, $0x180;
	_ =	sdelay $0x4  }
0x36: {  	v0 =	vmin.u32 v0, $0x400  }
.Ltmp3:
0x37: {  	(pc) =	sbr.rel @p1 .LBB2_3-.Ltmp3, $3  }
0x38: {  	_ =	sdelay $0x1  }
0x39: {  	s14 =	sadd.s32 $0x10, s14;
	s12 =	sadd.s32 $0x10, s12  }
0x3a: {  	[spmem:s9] =	stream.indirect_vreg.scatter.add.s32 [tilespmem:s12], [sflag:$0x1], $0x1, v0, vm0, $0x4038;
	[tilespmem:$0x680] =	vst v63  }
.Ltmp4:
0x3b: {  	(pc) =	sbr.rel .LBB2_5-.Ltmp4, $4  }
0x3c: {  	_ = 	snop  }
0x3d: {  	_ =	swait.ge [sflag:s4], $0x190  }
0x3e: {  	[sflag:s4] =	ssyncset.done $0x0  }
0x3f: {  	[sflag:s4] =	ssyncadd.s32 $0xFFFFFE70  }
.LBB2_6:
0x40: {  	_ =	sfence.sel $0x180000  }
0x41: {  	s2 =	simm.s32 $0x2;
	[bflag:$0x0] =	sbarrier.arrive $0xFFFF  }
0x42: {  	s30 =	simm.s32 $0x1;
	[sflag:s2] =	ssyncpa.u1 $0x1  }
0x43: {  	[sflag:s30] =	ssyncpa.u1 $0x1  }
0x44: {  	_ =	sfence.stream.spmem  }
0x45: {  	s31 =	simm.s32 $0x3D;
	[bflag:$0x0] =	sbarrier.arrive $0xFFFF  }
0x46: {  	s2 =	simm.s32 @p0 $0x3D;
	[sflag:s31] =	ssyncpa.u1 $0x0  }
0x47: {  	[sflag:s2] =	ssyncpa.u1 @p0 $0x1  }
0x48: {  	[bflag:$0x0] =	sbarrier.arrive @p0 $0xFFFF  }
0x49: {  	_ =	strace @p0 $0x90000050  }
0x4a: {  	s3 =	simm.s32 @!p0 $0x1C3D;
	s2 =	simm.s32 @!p0 $0x0;
	[bflag:$0x2] =	sbarrier.arrive @p0 $0xFFFF  }
0x4b: {  	[hbm:s1], [sflag:s3] =	dma.local @!p0 [spmem:s2], $0x80  }
0x4c: {  	s1 =	simm.s32 @!p0 $0x3D  }
0x4d: {  	_ =	swait.ge @!p0 [sflag:s1], $0x80  }
0x4e: {  	[sflag:s1] =	ssyncset.done @!p0 $0x0  }
0x4f: {  	[sflag:s1] =	ssyncadd.s32 @!p0 $0xFFFFFF80  }
0x50: {  	[sflag:s1] =	ssyncpa.u1 @!p0 $0x1  }
0x51: {  	[bflag:$0x0] =	sbarrier.arrive @!p0 $0xFFFF  }
0x52: {  	_ =	strace @!p0 $0x90000050  }
0x53: {  	s0 =	sadd.s32 @!p0 $0x100000, s0;
	[bflag:$0x2] =	sbarrier.arrive @!p0 $0xFFFF  }
0x54: {  	[sflag:s0] =	ssyncadd.tile.s32 @!p0 $0x1;
	_ =	shalt  }
.Lfunc_end2:
_tile_overlayer_lowered:
.L_overlay_start_2:
0x55: {  	(tag) =	ssettag $0x2  }
0x56: {  	s0 =	rddreg [dreg:$0x0];
	s2 =	stileid.u32  }
0x57: {  	s1 =	rddreg [dreg:$0x1];
	p0 =	sne.s32 s2, $0x0  }
0x58: {  	s3 =	rddreg [dreg:$0x2];
	[bflag:$0x3] =	sbarrier.arrive $0xFFFF;
	s2 =	simm.s32 @!p0 $0x1C01  }
0x59: {  	[timem:s3], [sflag:s2] =	dma.local @!p0 [hbm:s0], s1  }
0x5a: {  	s0 =	simm.s32 @!p0 $0x1  }
0x5b: {  	_ =	swait.ge @!p0 [sflag:s0], s1  }
0x5c: {  	s1 =	ssub.s32 @!p0 $0x0, s1;
	[sflag:s0] =	ssyncset.done @!p0 $0x0  }
0x5d: {  	[sflag:s0] =	ssyncadd.s32 @!p0 s1  }
0x5e: {  	[bflag:$0x3] =	sbarrier.arrive $0xFFFF  }
0x5f: {  	_ =	shalt  }

</sc_bundles>
